<compile_context>
chip_gen: v7x
topology: tpu7x:2x2x1
jax: 0.10.2.dev20260603
libtpu: 0.0.44.dev20260713+nightly
codegen_flags: <defaults>
</compile_context>

<pallas_src>
import functools

import jax
import jax.numpy as jnp
from jax import lax
from jax.experimental import pallas as pl
from jax.experimental.pallas import tpu as pltpu
from jax.experimental.pallas import tpu_sc as plsc

_N = 10000
_E = 320000
_D = 128
_H = 128
_NC = 2
_NS = 16
_NW = _NC * _NS
_CH = 128
_CPT = 80
_NCHUNK = _CPT * _NW
_EPAD = _NCHUNK * _CH
_FILL = 10080
_DR = 80
_DBASE = _N
_NA = 10240
_RPT = _NA // _NS
_NP = _DR * _D


def _sc_scatter(x, rows, cols, zrows):
    mesh = plsc.VectorSubcoreMesh(core_axis_name="c", subcore_axis_name="s")

    @functools.partial(
        pl.kernel,
        out_type=pltpu.HBM((_NC, _NA, _D), jnp.float32),
        mesh=mesh,
        compiler_params=pltpu.CompilerParams(needs_layout_passes=False),
        scratch_types=[
            pltpu.VMEM((_CH,), jnp.int32),
            pltpu.VMEM((_CH,), jnp.int32),
            pltpu.VMEM((_CH,), jnp.int32),
            pltpu.VMEM((_CH,), jnp.int32),
            pltpu.VMEM((_CH,), jnp.int32),
            pltpu.VMEM((_CH,), jnp.int32),
            pltpu.VMEM((_CH,), jnp.int32),
            pltpu.VMEM((_CH,), jnp.int32),
            pltpu.VMEM((_CH, _D), jnp.float32),
            pltpu.VMEM((_CH, _D), jnp.float32),
            pltpu.VMEM((_DR, _D), jnp.float32),
            pltpu.VMEM((_DR,), jnp.int32),
            pltpu.VMEM_SHARED((_NA, _D), jnp.float32),
            pltpu.SemaphoreType.DMA,
            pltpu.SemaphoreType.DMA,
            pltpu.SemaphoreType.DMA,
            pltpu.SemaphoreType.DMA,
            pltpu.SemaphoreType.DMA,
            pltpu.SemaphoreType.DMA,
            pltpu.SemaphoreType.DMA,
            pltpu.SemaphoreType.DMA,
        ],
    )
    def k(x_hbm, rows_hbm, cols_hbm, z_hbm, out_hbm,
          rv0, cv0, rv1, cv1, rv2, cv2, rv3, cv3, g0, g1, deg_v, didx,
          acc_sh, sg0, sg1, ss0, ss1, si0, si1, si2, si3):
        cid = lax.axis_index("c")
        sid = lax.axis_index("s")
        wid = cid * _NS + sid
        pltpu.sync_copy(z_hbm, acc_sh.at[pl.ds(sid * _RPT, _RPT)])
        pltpu.sync_copy(z_hbm.at[pl.ds(0, _DR)], deg_v)
        iota16 = lax.iota(jnp.int32, 16)
        for m in range(_DR // 16):
            didx[pl.ds(m * 16, 16)] = _DBASE + m * 16 + iota16
        plsc.subcore_barrier()

        cb = wid * _CPT
        masks = [iota16 == kk for kk in range(16)]
        ones16 = jnp.full((16,), 1.0, jnp.float32)

        def count_degrees(idx_ref):
            for kk in range(_CH // 16):
                r16 = idx_ref[pl.ds(kk * 16, 16)]
                hgh = lax.shift_right_logical(r16, 7)
                hgl = lax.bitwise_and(r16, 127)
                for mm in masks:
                    plsc.addupdate_scatter(deg_v, [hgh, hgl], ones16,
                                           mask=mm)

        def idx_start(j, rv, cv, si):
            off = pl.multiple_of((cb + j) * _CH, 8)
            pltpu.make_async_copy(rows_hbm.at[pl.ds(off, _CH)], rv, si).start()
            pltpu.make_async_copy(cols_hbm.at[pl.ds(off, _CH)], cv, si).start()

        def idx_wait(j, rv, cv, si):
            off = pl.multiple_of((cb + j) * _CH, 8)
            pltpu.make_async_copy(rows_hbm.at[pl.ds(off, _CH)], rv, si).wait()
            pltpu.make_async_copy(cols_hbm.at[pl.ds(off, _CH)], cv, si).wait()

        def gather_start(cv, g, sg):
            pltpu.make_async_copy(x_hbm.at[cv], g, sg).start()

        def gather_wait(cv, g, sg):
            pltpu.make_async_copy(x_hbm.at[cv], g, sg).wait()

        def scat_start(g, rv, ss):
            pltpu.make_async_copy(g, acc_sh.at[rv], ss).start(add=True)

        def scat_wait(g, rv, ss):
            pltpu.make_async_copy(g, acc_sh.at[rv], ss).wait()

        ib = [(rv0, cv0, si0), (rv1, cv1, si1), (rv2, cv2, si2),
              (rv3, cv3, si3)]
        gb = [(g0, sg0, ss0), (g1, sg1, ss1)]

        def chunk_unit(ph, b_sc, j_pre, j_gat, last=False):
            rv_s, cv_s, _ = ib[ph]
            g, sg, ss = gb[b_sc]
            gather_wait(cv_s, g, sg)
            scat_start(g, rv_s, ss)
            scat_wait(g, rv_s, ss)
            if last:
                return
            rv_p, cv_p, si_p = ib[ph]
            idx_start(j_pre, rv_p, cv_p, si_p)
            rv_g, cv_g, si_g = ib[(ph + 2) % 4]
            idx_wait(j_gat, rv_g, cv_g, si_g)
            gather_start(cv_g, g, sg)
            count_degrees(rv_g)

        for j in range(4):
            rv_p, cv_p, si_p = ib[j]
            idx_start(j, rv_p, cv_p, si_p)
        for j in range(2):
            rv_g, cv_g, si_g = ib[j]
            g, sg, _ = gb[j]
            idx_wait(j, rv_g, cv_g, si_g)
            gather_start(cv_g, g, sg)
            count_degrees(rv_g)

        def step(t, carry):
            j0 = 4 * t
            chunk_unit(0, 0, j0 + 4, j0 + 2)
            chunk_unit(1, 1, j0 + 5, j0 + 3)
            chunk_unit(2, 0, j0 + 6, j0 + 4)
            chunk_unit(3, 1, j0 + 7, j0 + 5)
            return carry

        lax.fori_loop(0, _CPT // 4 - 1, step, 0)
        jt = _CPT - 4

        def tail_unit(ph, b_sc, j_gat):
            rv_s, cv_s, _ = ib[ph]
            g, sg, ss = gb[b_sc]
            gather_wait(cv_s, g, sg)
            scat_start(g, rv_s, ss)
            scat_wait(g, rv_s, ss)
            rv_g, cv_g, si_g = ib[(ph + 2) % 4]
            idx_wait(j_gat, rv_g, cv_g, si_g)
            gather_start(cv_g, g, sg)
            count_degrees(rv_g)

        tail_unit(0, 0, jt + 2)
        tail_unit(1, 1, jt + 3)
        chunk_unit(2, 0, 0, 0, last=True)
        chunk_unit(3, 1, 0, 0, last=True)

        pltpu.sync_copy(deg_v, acc_sh.at[didx], add=True)
        plsc.subcore_barrier()
        pltpu.sync_copy(acc_sh.at[pl.ds(sid * _RPT, _RPT)],
                        out_hbm.at[cid, pl.ds(sid * _RPT, _RPT)])

    return k(x, rows, cols, zrows)


_BLK = 1024


def _tc_dense(acc, deg, x, W, b2):
    def body(acc_ref, deg_ref, x_ref, w_ref, b_ref, o_ref):
        d = jnp.maximum(deg_ref[...], 1.0)
        neigh = (acc_ref[0] + acc_ref[1]) / d
        h = (jnp.dot(x_ref[...], w_ref[:_D, :],
                     preferred_element_type=jnp.float32,
                     precision=lax.Precision.HIGHEST)
             + jnp.dot(neigh, w_ref[_D:, :],
                       preferred_element_type=jnp.float32,
                       precision=lax.Precision.HIGHEST)
             + b_ref[...])
        o_ref[...] = jnp.maximum(h, 0.0)

    return pl.pallas_call(
        body,
        grid=(_N // _BLK + 1,),
        in_specs=[
            pl.BlockSpec((_NC, _BLK, _D), lambda i: (0, i, 0)),
            pl.BlockSpec((_BLK, 1), lambda i: (i, 0)),
            pl.BlockSpec((_BLK, _D), lambda i: (i, 0)),
            pl.BlockSpec((2 * _D, _H), lambda i: (0, 0)),
            pl.BlockSpec((1, _H), lambda i: (0, 0)),
        ],
        out_specs=pl.BlockSpec((_BLK, _H), lambda i: (i, 0)),
        out_shape=jax.ShapeDtypeStruct((_N, _H), jnp.float32),
    )(acc, deg, x, W, b2)


def kernel(x, rows, cols, W, b):
    fill = _EPAD - _E
    frows = _FILL + jnp.arange(fill, dtype=jnp.int32) % 160
    rows_p = jnp.concatenate([rows, frows])
    cols_p = jnp.concatenate([cols, jnp.arange(fill, dtype=jnp.int32) % _N])
    zrows = jnp.zeros((_RPT, _D), jnp.float32)
    acc = _sc_scatter(x, rows_p, cols_p, zrows)
    dd = acc[0, _DBASE:_DBASE + _DR, :] + acc[1, _DBASE:_DBASE + _DR, :]
    deg = dd.reshape(_NP, 1)
    return _tc_dense(acc, deg, x, W, b.reshape(1, _H))

# --- scband reference (transcript-rebuilt; emitter-appended) ---
"""Pipeline reference for scband-graph-sage-kt-78726750536361 (READ-ONLY COPY).

The authoritative reference and input builder live on the scoring server;
editing this copy changes nothing except your own understanding.
"""

import jax, jax.numpy as jnp
import numpy as np

N = 10000
E = 320000
D = 128
H = 128

def setup_inputs(seed: int = 0) -> dict:
    key = jax.random.key(seed)
    k1, k2, k3, k4 = jax.random.split(key, 4)
    x = jax.random.normal(k1, (N, D), dtype=jnp.float32)
    rows = jax.random.randint(k2, (E,), 0, N, dtype=jnp.int32)
    cols = jax.random.randint(k3, (E,), 0, N, dtype=jnp.int32)
    # single GraphSAGE layer: Linear(in_dim*2 -> hidden_dims[0])
    W = jax.random.normal(k4, (2 * D, H), dtype=jnp.float32) * 0.05
    b = jnp.zeros((H,), dtype=jnp.float32)
    return {"x": x, "rows": rows, "cols": cols, "W": W, "b": b}

def reference(x, rows, cols, W, b):
    # Faithful GraphSAGEEncoder.forward: adj is row-normalized sparse COO built
    # from (rows, cols) with vals = 1/deg(row); neigh = sparse.mm(adj, x);
    # x = relu(Linear(cat([x, neigh])))
    ones = jnp.ones(rows.shape[0], dtype=jnp.float32)
    deg = jax.ops.segment_sum(ones, rows, num_segments=N)
    deg = jnp.where(deg == 0.0, 1.0, deg)
    vals = 1.0 / jnp.take(deg, rows)
    # sparse.mm(adj, x): neigh[r] = sum over edges (r,c) of vals * x[c]
    gathered = vals[:, None] * jnp.take(x, cols, axis=0)
    neigh = jax.ops.segment_sum(gathered, rows, num_segments=N)
    cat = jnp.concatenate([x, neigh], axis=1)
    out = jax.nn.relu(cat @ W + b)
    return out

if __name__ == "__main__":
    import jax
    _d = setup_inputs()
    print(jax.jit(kernel)(*tuple(_d.values())))

</pallas_src>

<mosaic_0001>
#map = affine_map<(d0, d1) -> (0, 0)>
#map1 = affine_map<(d0, d1) -> (0)>
#map2 = affine_map<(d0, d1) -> (0, 0, 0)>
module attributes {stable_mosaic.version = 14 : i64} {
  func.func @k(%arg0: i32, %arg1: i32, %arg2: memref<10000x128xf32, #tpu.memory_space<hbm>>, %arg3: memref<327680xi32, #tpu.memory_space<hbm>>, %arg4: memref<327680xi32, #tpu.memory_space<hbm>>, %arg5: memref<640x128xf32, #tpu.memory_space<hbm>>, %arg6: memref<2x10240x128xf32, #tpu.memory_space<hbm>>, %arg7: memref<128xi32, #tpu.memory_space<vmem>>, %arg8: memref<128xi32, #tpu.memory_space<vmem>>, %arg9: memref<128xi32, #tpu.memory_space<vmem>>, %arg10: memref<128xi32, #tpu.memory_space<vmem>>, %arg11: memref<128xi32, #tpu.memory_space<vmem>>, %arg12: memref<128xi32, #tpu.memory_space<vmem>>, %arg13: memref<128xi32, #tpu.memory_space<vmem>>, %arg14: memref<128xi32, #tpu.memory_space<vmem>>, %arg15: memref<128x128xf32, #tpu.memory_space<vmem>>, %arg16: memref<128x128xf32, #tpu.memory_space<vmem>>, %arg17: memref<80x128xf32, #tpu.memory_space<vmem>>, %arg18: memref<80xi32, #tpu.memory_space<vmem>>, %arg19: memref<10240x128xf32, #tpu.memory_space<vmem_shared>>, %arg20: memref<!tpu.dma_semaphore, #tpu.memory_space<semaphore_mem>>, %arg21: memref<!tpu.dma_semaphore, #tpu.memory_space<semaphore_mem>>, %arg22: memref<!tpu.dma_semaphore, #tpu.memory_space<semaphore_mem>>, %arg23: memref<!tpu.dma_semaphore, #tpu.memory_space<semaphore_mem>>, %arg24: memref<!tpu.dma_semaphore, #tpu.memory_space<semaphore_mem>>, %arg25: memref<!tpu.dma_semaphore, #tpu.memory_space<semaphore_mem>>, %arg26: memref<!tpu.dma_semaphore, #tpu.memory_space<semaphore_mem>>, %arg27: memref<!tpu.dma_semaphore, #tpu.memory_space<semaphore_mem>>) attributes {dimension_semantics = [#tpu.dimension_semantics<core_parallel>, #tpu.dimension_semantics<subcore_parallel>], iteration_bounds = array<i64: 2, 16>, scalar_prefetch = 0 : i64, scratch_operands = 21 : i64, tpu.core_type = #tpu.core_type<sc_vector_subcore>, window_params = [{transform_indices = #map}, {transform_indices = #map1}, {transform_indices = #map1}, {transform_indices = #map}, {transform_indices = #map2}]} {
    %mul3A = arith.constant 16 : i32
    %mul3A_0 = arith.muli %arg0, %mul3A : i32
    %add3A = arith.addi %mul3A_0, %arg1 : i32
    %mul3A_1 = arith.constant 640 : i32
    %mul3A_2 = arith.muli %arg1, %mul3A_1 : i32
    "tpu.region"() ({
      %run_scoped3A = tpu.sem_alloc : memref<!tpu.dma_semaphore, #tpu.memory_space<semaphore_mem>>
      %dma_start3A_457 = arith.constant 0 : i32
      %dma_start3A_458 = tpu.memref_slice %arg19[%mul3A_2, %dma_start3A_457] : memref<10240x128xf32, #tpu.memory_space<vmem_shared>> -> memref<640x128xf32, #tpu.memory_space<vmem_shared>>
      tpu.enqueue_dma source(%arg5 : memref<640x128xf32, #tpu.memory_space<hbm>>) target(%dma_start3A_458 : memref<640x128xf32, #tpu.memory_space<vmem_shared>>) target_semaphore(%run_scoped3A : memref<!tpu.dma_semaphore, #tpu.memory_space<semaphore_mem>>)
      %dma_wait3A_459 = arith.constant 0 : i32
      %dma_wait3A_460 = tpu.memref_slice %arg19[%mul3A_2, %dma_wait3A_459] : memref<10240x128xf32, #tpu.memory_space<vmem_shared>> -> memref<640x128xf32, #tpu.memory_space<vmem_shared>>
      tpu.wait_dma2 semaphore(%run_scoped3A : memref<!tpu.dma_semaphore, #tpu.memory_space<semaphore_mem>>) src(%arg5 : memref<640x128xf32, #tpu.memory_space<hbm>>) dst(%dma_wait3A_460 : memref<640x128xf32, #tpu.memory_space<vmem_shared>>)
      tpu.yield
    }) : () -> ()
    "tpu.region"() ({
      %run_scoped3A = tpu.sem_alloc : memref<!tpu.dma_semaphore, #tpu.memory_space<semaphore_mem>>
      %dma_start3A_457 = arith.constant 0 : i32
      %dma_start3A_458 = arith.constant 0 : i32
      %dma_start3A_459 = tpu.memref_slice %arg5[%dma_start3A_457, %dma_start3A_458] : memref<640x128xf32, #tpu.memory_space<hbm>> -> memref<80x128xf32, #tpu.memory_space<hbm>>
      %dma_start3A_460 = arith.constant 0 : i32
      %dma_start3A_461 = arith.constant 0 : i32
      %dma_start3A_462 = tpu.memref_slice %arg5[%dma_start3A_460, %dma_start3A_461] : memref<640x128xf32, #tpu.memory_space<hbm>> -> memref<80x128xf32, #tpu.memory_space<hbm>>
      tpu.enqueue_dma source(%dma_start3A_462 : memref<80x128xf32, #tpu.memory_space<hbm>>) target(%arg17 : memref<80x128xf32, #tpu.memory_space<vmem>>) target_semaphore(%run_scoped3A : memref<!tpu.dma_semaphore, #tpu.memory_space<semaphore_mem>>)
      %dma_wait3A_463 = arith.constant 0 : i32
      %dma_wait3A_464 = arith.constant 0 : i32
      %dma_wait3A_465 = tpu.memref_slice %arg5[%dma_wait3A_463, %dma_wait3A_464] : memref<640x128xf32, #tpu.memory_space<hbm>> -> memref<80x128xf32, #tpu.memory_space<hbm>>
      %dma_wait3A_466 = arith.constant 0 : i32
      %dma_wait3A_467 = arith.constant 0 : i32
      %dma_wait3A_468 = tpu.memref_slice %arg5[%dma_wait3A_466, %dma_wait3A_467] : memref<640x128xf32, #tpu.memory_space<hbm>> -> memref<80x128xf32, #tpu.memory_space<hbm>>
      tpu.wait_dma2 semaphore(%run_scoped3A : memref<!tpu.dma_semaphore, #tpu.memory_space<semaphore_mem>>) src(%dma_wait3A_468 : memref<80x128xf32, #tpu.memory_space<hbm>>) dst(%arg17 : memref<80x128xf32, #tpu.memory_space<vmem>>)
      tpu.yield
    }) : () -> ()
    %iota3A = tpu.iota {dimensions = array<i32: 0>} : vector<16xi32>
    %add3A_3 = arith.constant 10000 : i32
    %add3A_4 = vector.broadcast %add3A_3 : i32 to vector<16xi32>
    %add3A_5 = arith.addi %add3A_4, %iota3A : vector<16xi32>
    %swap3A = arith.constant 0 : index
    %swap3A_6 = tpu.vector_load %arg18[%swap3A] {strides = array<i32>} : memref<80xi32, #tpu.memory_space<vmem>>, vector<16xi32>,
    tpu.vector_store %arg18[%swap3A], %add3A_5 {strides = array<i32>} : memref<80xi32, #tpu.memory_space<vmem>>, vector<16xi32>,
    %add3A_7 = arith.constant 10016 : i32
    %add3A_8 = vector.broadcast %add3A_7 : i32 to vector<16xi32>
    %add3A_9 = arith.addi %add3A_8, %iota3A : vector<16xi32>
    %swap3A_10 = arith.constant 16 : index
    %swap3A_11 = tpu.vector_load %arg18[%swap3A_10] {strides = array<i32>} : memref<80xi32, #tpu.memory_space<vmem>>, vector<16xi32>,
    tpu.vector_store %arg18[%swap3A_10], %add3A_9 {strides = array<i32>} : memref<80xi32, #tpu.memory_space<vmem>>, vector<16xi32>,
    %add3A_12 = arith.constant 10032 : i32
    %add3A_13 = vector.broadcast %add3A_12 : i32 to vector<16xi32>
    %add3A_14 = arith.addi %add3A_13, %iota3A : vector<16xi32>
    %swap3A_15 = arith.constant 32 : index
    %swap3A_16 = tpu.vector_load %arg18[%swap3A_15] {strides = array<i32>} : memref<80xi32, #tpu.memory_space<vmem>>, vector<16xi32>,
    tpu.vector_store %arg18[%swap3A_15], %add3A_14 {strides = array<i32>} : memref<80xi32, #tpu.memory_space<vmem>>, vector<16xi32>,
    %add3A_17 = arith.constant 10048 : i32
    %add3A_18 = vector.broadcast %add3A_17 : i32 to vector<16xi32>
    %add3A_19 = arith.addi %add3A_18, %iota3A : vector<16xi32>
    %swap3A_20 = arith.constant 48 : index
    %swap3A_21 = tpu.vector_load %arg18[%swap3A_20] {strides = array<i32>} : memref<80xi32, #tpu.memory_space<vmem>>, vector<16xi32>,
    tpu.vector_store %arg18[%swap3A_20], %add3A_19 {strides = array<i32>} : memref<80xi32, #tpu.memory_space<vmem>>, vector<16xi32>,
    %add3A_22 = arith.constant 10064 : i32
    %add3A_23 = vector.broadcast %add3A_22 : i32 to vector<16xi32>
    %add3A_24 = arith.addi %add3A_23, %iota3A : vector<16xi32>
    %swap3A_25 = arith.constant 64 : index
    %swap3A_26 = tpu.vector_load %arg18[%swap3A_25] {strides = array<i32>} : memref<80xi32, #tpu.memory_space<vmem>>, vector<16xi32>,
    tpu.vector_store %arg18[%swap3A_25], %add3A_24 {strides = array<i32>} : memref<80xi32, #tpu.memory_space<vmem>>, vector<16xi32>,
    %barrier3A = arith.constant 0 : index
    tpu.barrier barrier_id(%barrier3A)
    %mul3A_27 = arith.constant 80 : i32
    %mul3A_28 = arith.muli %add3A, %mul3A_27 : i32
    %eq3A = arith.constant 0 : i32
    %eq3A_29 = vector.broadcast %eq3A : i32 to vector<16xi32>
    %eq3A_30 = arith.cmpi eq, %iota3A, %eq3A_29 : vector<16xi32>
    %eq3A_31 = arith.constant 1 : i32
    %eq3A_32 = vector.broadcast %eq3A_31 : i32 to vector<16xi32>
    %eq3A_33 = arith.cmpi eq, %iota3A, %eq3A_32 : vector<16xi32>
    %eq3A_34 = arith.constant 2 : i32
    %eq3A_35 = vector.broadcast %eq3A_34 : i32 to vector<16xi32>
    %eq3A_36 = arith.cmpi eq, %iota3A, %eq3A_35 : vector<16xi32>
    %eq3A_37 = arith.constant 3 : i32
    %eq3A_38 = vector.broadcast %eq3A_37 : i32 to vector<16xi32>
    %eq3A_39 = arith.cmpi eq, %iota3A, %eq3A_38 : vector<16xi32>
    %eq3A_40 = arith.constant 4 : i32
    %eq3A_41 = vector.broadcast %eq3A_40 : i32 to vector<16xi32>
    %eq3A_42 = arith.cmpi eq, %iota3A, %eq3A_41 : vector<16xi32>
    %eq3A_43 = arith.constant 5 : i32
    %eq3A_44 = vector.broadcast %eq3A_43 : i32 to vector<16xi32>
    %eq3A_45 = arith.cmpi eq, %iota3A, %eq3A_44 : vector<16xi32>
    %eq3A_46 = arith.constant 6 : i32
    %eq3A_47 = vector.broadcast %eq3A_46 : i32 to vector<16xi32>
    %eq3A_48 = arith.cmpi eq, %iota3A, %eq3A_47 : vector<16xi32>
    %eq3A_49 = arith.constant 7 : i32
    %eq3A_50 = vector.broadcast %eq3A_49 : i32 to vector<16xi32>
    %eq3A_51 = arith.cmpi eq, %iota3A, %eq3A_50 : vector<16xi32>
    %eq3A_52 = arith.constant 8 : i32
    %eq3A_53 = vector.broadcast %eq3A_52 : i32 to vector<16xi32>
    %eq3A_54 = arith.cmpi eq, %iota3A, %eq3A_53 : vector<16xi32>
    %eq3A_55 = arith.constant 9 : i32
    %eq3A_56 = vector.broadcast %eq3A_55 : i32 to vector<16xi32>
    %eq3A_57 = arith.cmpi eq, %iota3A, %eq3A_56 : vector<16xi32>
    %eq3A_58 = arith.constant 10 : i32
    %eq3A_59 = vector.broadcast %eq3A_58 : i32 to vector<16xi32>
    %eq3A_60 = arith.cmpi eq, %iota3A, %eq3A_59 : vector<16xi32>
    %eq3A_61 = arith.constant 11 : i32
    %eq3A_62 = vector.broadcast %eq3A_61 : i32 to vector<16xi32>
    %eq3A_63 = arith.cmpi eq, %iota3A, %eq3A_62 : vector<16xi32>
    %eq3A_64 = arith.constant 12 : i32
    %eq3A_65 = vector.broadcast %eq3A_64 : i32 to vector<16xi32>
    %eq3A_66 = arith.cmpi eq, %iota3A, %eq3A_65 : vector<16xi32>
    %eq3A_67 = arith.constant 13 : i32
    %eq3A_68 = vector.broadcast %eq3A_67 : i32 to vector<16xi32>
    %eq3A_69 = arith.cmpi eq, %iota3A, %eq3A_68 : vector<16xi32>
    %eq3A_70 = arith.constant 14 : i32
    %eq3A_71 = vector.broadcast %eq3A_70 : i32 to vector<16xi32>
    %eq3A_72 = arith.cmpi eq, %iota3A, %eq3A_71 : vector<16xi32>
    %eq3A_73 = arith.constant 15 : i32
    %eq3A_74 = vector.broadcast %eq3A_73 : i32 to vector<16xi32>
    %eq3A_75 = arith.cmpi eq, %iota3A, %eq3A_74 : vector<16xi32>
    %broadcast_in_dim3A = arith.constant 1.000000e+00 : f32
    %broadcast_in_dim3A_76 = vector.broadcast %broadcast_in_dim3A : f32 to vector<16xf32>
    %add3A_77 = arith.constant 0 : i32
    %add3A_78 = arith.addi %mul3A_28, %add3A_77 : i32
    %mul3A_79 = arith.constant 128 : i32
    %mul3A_80 = arith.muli %add3A_78, %mul3A_79 : i32
    %multiple_of3A = tpu.assume_multiple %mul3A_80, 8 : i32
    %dma_start3A = tpu.memref_slice %arg3[%multiple_of3A] : memref<327680xi32, #tpu.memory_space<hbm>> -> memref<128xi32, #tpu.memory_space<hbm>>
    %dma_start3A_81 = tpu.memref_slice %arg3[%multiple_of3A] : memref<327680xi32, #tpu.memory_space<hbm>> -> memref<128xi32, #tpu.memory_space<hbm>>
    tpu.enqueue_dma source(%dma_start3A_81 : memref<128xi32, #tpu.memory_space<hbm>>) target(%arg7 : memref<128xi32, #tpu.memory_space<vmem>>) target_semaphore(%arg24 : memref<!tpu.dma_semaphore, #tpu.memory_space<semaphore_mem>>)
    %dma_start3A_82 = tpu.memref_slice %arg4[%multiple_of3A] : memref<327680xi32, #tpu.memory_space<hbm>> -> memref<128xi32, #tpu.memory_space<hbm>>
    %dma_start3A_83 = tpu.memref_slice %arg4[%multiple_of3A] : memref<327680xi32, #tpu.memory_space<hbm>> -> memref<128xi32, #tpu.memory_space<hbm>>
    tpu.enqueue_dma source(%dma_start3A_83 : memref<128xi32, #tpu.memory_space<hbm>>) target(%arg8 : memref<128xi32, #tpu.memory_space<vmem>>) target_semaphore(%arg24 : memref<!tpu.dma_semaphore, #tpu.memory_space<semaphore_mem>>)
    %add3A_84 = arith.constant 1 : i32
    %add3A_85 = arith.addi %mul3A_28, %add3A_84 : i32
    %mul3A_86 = arith.constant 128 : i32
    %mul3A_87 = arith.muli %add3A_85, %mul3A_86 : i32
    %multiple_of3A_88 = tpu.assume_multiple %mul3A_87, 8 : i32
    %dma_start3A_89 = tpu.memref_slice %arg3[%multiple_of3A_88] : memref<327680xi32, #tpu.memory_space<hbm>> -> memref<128xi32, #tpu.memory_space<hbm>>
    %dma_start3A_90 = tpu.memref_slice %arg3[%multiple_of3A_88] : memref<327680xi32, #tpu.memory_space<hbm>> -> memref<128xi32, #tpu.memory_space<hbm>>
    tpu.enqueue_dma source(%dma_start3A_90 : memref<128xi32, #tpu.memory_space<hbm>>) target(%arg9 : memref<128xi32, #tpu.memory_space<vmem>>) target_semaphore(%arg25 : memref<!tpu.dma_semaphore, #tpu.memory_space<semaphore_mem>>)
    %dma_start3A_91 = tpu.memref_slice %arg4[%multiple_of3A_88] : memref<327680xi32, #tpu.memory_space<hbm>> -> memref<128xi32, #tpu.memory_space<hbm>>
    %dma_start3A_92 = tpu.memref_slice %arg4[%multiple_of3A_88] : memref<327680xi32, #tpu.memory_space<hbm>> -> memref<128xi32, #tpu.memory_space<hbm>>
    tpu.enqueue_dma source(%dma_start3A_92 : memref<128xi32, #tpu.memory_space<hbm>>) target(%arg10 : memref<128xi32, #tpu.memory_space<vmem>>) target_semaphore(%arg25 : memref<!tpu.dma_semaphore, #tpu.memory_space<semaphore_mem>>)
    %add3A_93 = arith.constant 2 : i32
    %add3A_94 = arith.addi %mul3A_28, %add3A_93 : i32
    %mul3A_95 = arith.constant 128 : i32
    %mul3A_96 = arith.muli %add3A_94, %mul3A_95 : i32
    %multiple_of3A_97 = tpu.assume_multiple %mul3A_96, 8 : i32
    %dma_start3A_98 = tpu.memref_slice %arg3[%multiple_of3A_97] : memref<327680xi32, #tpu.memory_space<hbm>> -> memref<128xi32, #tpu.memory_space<hbm>>
    %dma_start3A_99 = tpu.memref_slice %arg3[%multiple_of3A_97] : memref<327680xi32, #tpu.memory_space<hbm>> -> memref<128xi32, #tpu.memory_space<hbm>>
    tpu.enqueue_dma source(%dma_start3A_99 : memref<128xi32, #tpu.memory_space<hbm>>) target(%arg11 : memref<128xi32, #tpu.memory_space<vmem>>) target_semaphore(%arg26 : memref<!tpu.dma_semaphore, #tpu.memory_space<semaphore_mem>>)
    %dma_start3A_100 = tpu.memref_slice %arg4[%multiple_of3A_97] : memref<327680xi32, #tpu.memory_space<hbm>> -> memref<128xi32, #tpu.memory_space<hbm>>
    %dma_start3A_101 = tpu.memref_slice %arg4[%multiple_of3A_97] : memref<327680xi32, #tpu.memory_space<hbm>> -> memref<128xi32, #tpu.memory_space<hbm>>
    tpu.enqueue_dma source(%dma_start3A_101 : memref<128xi32, #tpu.memory_space<hbm>>) target(%arg12 : memref<128xi32, #tpu.memory_space<vmem>>) target_semaphore(%arg26 : memref<!tpu.dma_semaphore, #tpu.memory_space<semaphore_mem>>)
    %add3A_102 = arith.constant 3 : i32
    %add3A_103 = arith.addi %mul3A_28, %add3A_102 : i32
    %mul3A_104 = arith.constant 128 : i32
    %mul3A_105 = arith.muli %add3A_103, %mul3A_104 : i32
    %multiple_of3A_106 = tpu.assume_multiple %mul3A_105, 8 : i32
    %dma_start3A_107 = tpu.memref_slice %arg3[%multiple_of3A_106] : memref<327680xi32, #tpu.memory_space<hbm>> -> memref<128xi32, #tpu.memory_space<hbm>>
    %dma_start3A_108 = tpu.memref_slice %arg3[%multiple_of3A_106] : memref<327680xi32, #tpu.memory_space<hbm>> -> memref<128xi32, #tpu.memory_space<hbm>>
    tpu.enqueue_dma source(%dma_start3A_108 : memref<128xi32, #tpu.memory_space<hbm>>) target(%arg13 : memref<128xi32, #tpu.memory_space<vmem>>) target_semaphore(%arg27 : memref<!tpu.dma_semaphore, #tpu.memory_space<semaphore_mem>>)
    %dma_start3A_109 = tpu.memref_slice %arg4[%multiple_of3A_106] : memref<327680xi32, #tpu.memory_space<hbm>> -> memref<128xi32, #tpu.memory_space<hbm>>
    %dma_start3A_110 = tpu.memref_slice %arg4[%multiple_of3A_106] : memref<327680xi32, #tpu.memory_space<hbm>> -> memref<128xi32, #tpu.memory_space<hbm>>
    tpu.enqueue_dma source(%dma_start3A_110 : memref<128xi32, #tpu.memory_space<hbm>>) target(%arg14 : memref<128xi32, #tpu.memory_space<vmem>>) target_semaphore(%arg27 : memref<!tpu.dma_semaphore, #tpu.memory_space<semaphore_mem>>)
    %add3A_111 = arith.constant 0 : i32
    %add3A_112 = arith.addi %mul3A_28, %add3A_111 : i32
    %mul3A_113 = arith.constant 128 : i32
    %mul3A_114 = arith.muli %add3A_112, %mul3A_113 : i32
    %multiple_of3A_115 = tpu.assume_multiple %mul3A_114, 8 : i32
    %dma_wait3A = tpu.memref_slice %arg3[%multiple_of3A_115] : memref<327680xi32, #tpu.memory_space<hbm>> -> memref<128xi32, #tpu.memory_space<hbm>>
    %dma_wait3A_116 = tpu.memref_slice %arg3[%multiple_of3A_115] : memref<327680xi32, #tpu.memory_space<hbm>> -> memref<128xi32, #tpu.memory_space<hbm>>
    tpu.wait_dma2 semaphore(%arg24 : memref<!tpu.dma_semaphore, #tpu.memory_space<semaphore_mem>>) src(%dma_wait3A_116 : memref<128xi32, #tpu.memory_space<hbm>>) dst(%arg7 : memref<128xi32, #tpu.memory_space<vmem>>)
    %dma_wait3A_117 = tpu.memref_slice %arg4[%multiple_of3A_115] : memref<327680xi32, #tpu.memory_space<hbm>> -> memref<128xi32, #tpu.memory_space<hbm>>
    %dma_wait3A_118 = tpu.memref_slice %arg4[%multiple_of3A_115] : memref<327680xi32, #tpu.memory_space<hbm>> -> memref<128xi32, #tpu.memory_space<hbm>>
    tpu.wait_dma2 semaphore(%arg24 : memref<!tpu.dma_semaphore, #tpu.memory_space<semaphore_mem>>) src(%dma_wait3A_118 : memref<128xi32, #tpu.memory_space<hbm>>) dst(%arg8 : memref<128xi32, #tpu.memory_space<vmem>>)
    %dma_start3A_119 = arith.constant 0 : i32
    %dma_start3A_120 = arith.constant 0 : i32
    %dma_start3A_121 = tpu.memref_slice %arg2[%dma_start3A_119, %dma_start3A_120] : memref<10000x128xf32, #tpu.memory_space<hbm>> -> memref<10000x128xf32, #tpu.memory_space<hbm>>
    tpu.enqueue_indirect_dma source(%dma_start3A_121 : memref<10000x128xf32, #tpu.memory_space<hbm>>) target(%arg15 : memref<128x128xf32, #tpu.memory_space<vmem>>) offsets(%arg8 : memref<128xi32, #tpu.memory_space<vmem>>) semaphore(%arg20 : memref<!tpu.dma_semaphore, #tpu.memory_space<semaphore_mem>>)
    %get3A = arith.constant 0 : index
    %get3A_122 = tpu.vector_load %arg7[%get3A] {strides = array<i32>} : memref<128xi32, #tpu.memory_space<vmem>>, vector<16xi32>,
    %shift_right_logical3A = arith.constant 7 : i32
    %shift_right_logical3A_123 = vector.broadcast %shift_right_logical3A : i32 to vector<16xi32>
    %shift_right_logical3A_124 = arith.shrui %get3A_122, %shift_right_logical3A_123 : vector<16xi32>
    %and3A = arith.constant 127 : i32
    %and3A_125 = vector.broadcast %and3A : i32 to vector<16xi32>
    %and3A_126 = arith.andi %get3A_122, %and3A_125 : vector<16xi32>
    tpu.vector_store_idx %arg17[%shift_right_logical3A_124, %and3A_126], %broadcast_in_dim3A_76 masked %eq3A_30 {add = true} : memref<80x128xf32, #tpu.memory_space<vmem>>[vector<16xi32>, vector<16xi32>], vector<16xf32>, vector<16xi1>
    tpu.vector_store_idx %arg17[%shift_right_logical3A_124, %and3A_126], %broadcast_in_dim3A_76 masked %eq3A_33 {add = true} : memref<80x128xf32, #tpu.memory_space<vmem>>[vector<16xi32>, vector<16xi32>], vector<16xf32>, vector<16xi1>
    tpu.vector_store_idx %arg17[%shift_right_logical3A_124, %and3A_126], %broadcast_in_dim3A_76 masked %eq3A_36 {add = true} : memref<80x128xf32, #tpu.memory_space<vmem>>[vector<16xi32>, vector<16xi32>], vector<16xf32>, vector<16xi1>
    tpu.vector_store_idx %arg17[%shift_right_logical3A_124, %and3A_126], %broadcast_in_dim3A_76 masked %eq3A_39 {add = true} : memref<80x128xf32, #tpu.memory_space<vmem>>[vector<16xi32>, vector<16xi32>], vector<16xf32>, vector<16xi1>
    tpu.vector_store_idx %arg17[%shift_right_logical3A_124, %and3A_126], %broadcast_in_dim3A_76 masked %eq3A_42 {add = true} : memref<80x128xf32, #tpu.memory_space<vmem>>[vector<16xi32>, vector<16xi32>], vector<16xf32>, vector<16xi1>
    tpu.vector_store_idx %arg17[%shift_right_logical3A_124, %and3A_126], %broadcast_in_dim3A_76 masked %eq3A_45 {add = true} : memref<80x128xf32, #tpu.memory_space<vmem>>[vector<16xi32>, vector<16xi32>], vector<16xf32>, vector<16xi1>
    tpu.vector_store_idx %arg17[%shift_right_logical3A_124, %and3A_126], %broadcast_in_dim3A_76 masked %eq3A_48 {add = true} : memref<80x128xf32, #tpu.memory_space<vmem>>[vector<16xi32>, vector<16xi32>], vector<16xf32>, vector<16xi1>
    tpu.vector_store_idx %arg17[%shift_right_logical3A_124, %and3A_126], %broadcast_in_dim3A_76 masked %eq3A_51 {add = true} : memref<80x128xf32, #tpu.memory_space<vmem>>[vector<16xi32>, vector<16xi32>], vector<16xf32>, vector<16xi1>
    tpu.vector_store_idx %arg17[%shift_right_logical3A_124, %and3A_126], %broadcast_in_dim3A_76 masked %eq3A_54 {add = true} : memref<80x128xf32, #tpu.memory_space<vmem>>[vector<16xi32>, vector<16xi32>], vector<16xf32>, vector<16xi1>
    tpu.vector_store_idx %arg17[%shift_right_logical3A_124, %and3A_126], %broadcast_in_dim3A_76 masked %eq3A_57 {add = true} : memref<80x128xf32, #tpu.memory_space<vmem>>[vector<16xi32>, vector<16xi32>], vector<16xf32>, vector<16xi1>
    tpu.vector_store_idx %arg17[%shift_right_logical3A_124, %and3A_126], %broadcast_in_dim3A_76 masked %eq3A_60 {add = true} : memref<80x128xf32, #tpu.memory_space<vmem>>[vector<16xi32>, vector<16xi32>], vector<16xf32>, vector<16xi1>
    tpu.vector_store_idx %arg17[%shift_right_logical3A_124, %and3A_126], %broadcast_in_dim3A_76 masked %eq3A_63 {add = true} : memref<80x128xf32, #tpu.memory_space<vmem>>[vector<16xi32>, vector<16xi32>], vector<16xf32>, vector<16xi1>
    tpu.vector_store_idx %arg17[%shift_right_logical3A_124, %and3A_126], %broadcast_in_dim3A_76 masked %eq3A_66 {add = true} : memref<80x128xf32, #tpu.memory_space<vmem>>[vector<16xi32>, vector<16xi32>], vector<16xf32>, vector<16xi1>
    tpu.vector_store_idx %arg17[%shift_right_logical3A_124, %and3A_126], %broadcast_in_dim3A_76 masked %eq3A_69 {add = true} : memref<80x128xf32, #tpu.memory_space<vmem>>[vector<16xi32>, vector<16xi32>], vector<16xf32>, vector<16xi1>
    tpu.vector_store_idx %arg17[%shift_right_logical3A_124, %and3A_126], %broadcast_in_dim3A_76 masked %eq3A_72 {add = true} : memref<80x128xf32, #tpu.memory_space<vmem>>[vector<16xi32>, vector<16xi32>], vector<16xf32>, vector<16xi1>
    tpu.vector_store_idx %arg17[%shift_right_logical3A_124, %and3A_126], %broadcast_in_dim3A_76 masked %eq3A_75 {add = true} : memref<80x128xf32, #tpu.memory_space<vmem>>[vector<16xi32>, vector<16xi32>], vector<16xf32>, vector<16xi1>
    %get3A_127 = arith.constant 16 : index
    %get3A_128 = tpu.vector_load %arg7[%get3A_127] {strides = array<i32>} : memref<128xi32, #tpu.memory_space<vmem>>, vector<16xi32>,
    %shift_right_logical3A_129 = arith.constant 7 : i32
    %shift_right_logical3A_130 = vector.broadcast %shift_right_logical3A_129 : i32 to vector<16xi32>
    %shift_right_logical3A_131 = arith.shrui %get3A_128, %shift_right_logical3A_130 : vector<16xi32>
    %and3A_132 = arith.constant 127 : i32
    %and3A_133 = vector.broadcast %and3A_132 : i32 to vector<16xi32>
    %and3A_134 = arith.andi %get3A_128, %and3A_133 : vector<16xi32>
    tpu.vector_store_idx %arg17[%shift_right_logical3A_131, %and3A_134], %broadcast_in_dim3A_76 masked %eq3A_30 {add = true} : memref<80x128xf32, #tpu.memory_space<vmem>>[vector<16xi32>, vector<16xi32>], vector<16xf32>, vector<16xi1>
    tpu.vector_store_idx %arg17[%shift_right_logical3A_131, %and3A_134], %broadcast_in_dim3A_76 masked %eq3A_33 {add = true} : memref<80x128xf32, #tpu.memory_space<vmem>>[vector<16xi32>, vector<16xi32>], vector<16xf32>, vector<16xi1>
    tpu.vector_store_idx %arg17[%shift_right_logical3A_131, %and3A_134], %broadcast_in_dim3A_76 masked %eq3A_36 {add = true} : memref<80x128xf32, #tpu.memory_space<vmem>>[vector<16xi32>, vector<16xi32>], vector<16xf32>, vector<16xi1>
    tpu.vector_store_idx %arg17[%shift_right_logical3A_131, %and3A_134], %broadcast_in_dim3A_76 masked %eq3A_39 {add = true} : memref<80x128xf32, #tpu.memory_space<vmem>>[vector<16xi32>, vector<16xi32>], vector<16xf32>, vector<16xi1>
    tpu.vector_store_idx %arg17[%shift_right_logical3A_131, %and3A_134], %broadcast_in_dim3A_76 masked %eq3A_42 {add = true} : memref<80x128xf32, #tpu.memory_space<vmem>>[vector<16xi32>, vector<16xi32>], vector<16xf32>, vector<16xi1>
    tpu.vector_store_idx %arg17[%shift_right_logical3A_131, %and3A_134], %broadcast_in_dim3A_76 masked %eq3A_45 {add = true} : memref<80x128xf32, #tpu.memory_space<vmem>>[vector<16xi32>, vector<16xi32>], vector<16xf32>, vector<16xi1>
    tpu.vector_store_idx %arg17[%shift_right_logical3A_131, %and3A_134], %broadcast_in_dim3A_76 masked %eq3A_48 {add = true} : memref<80x128xf32, #tpu.memory_space<vmem>>[vector<16xi32>, vector<16xi32>], vector<16xf32>, vector<16xi1>
    tpu.vector_store_idx %arg17[%shift_right_logical3A_131, %and3A_134], %broadcast_in_dim3A_76 masked %eq3A_51 {add = true} : memref<80x128xf32, #tpu.memory_space<vmem>>[vector<16xi32>, vector<16xi32>], vector<16xf32>, vector<16xi1>
    tpu.vector_store_idx %arg17[%shift_right_logical3A_131, %and3A_134], %broadcast_in_dim3A_76 masked %eq3A_54 {add = true} : memref<80x128xf32, #tpu.memory_space<vmem>>[vector<16xi32>, vector<16xi32>], vector<16xf32>, vector<16xi1>
    tpu.vector_store_idx %arg17[%shift_right_logical3A_131, %and3A_134], %broadcast_in_dim3A_76 masked %eq3A_57 {add = true} : memref<80x128xf32, #tpu.memory_space<vmem>>[vector<16xi32>, vector<16xi32>], vector<16xf32>, vector<16xi1>
    tpu.vector_store_idx %arg17[%shift_right_logical3A_131, %and3A_134], %broadcast_in_dim3A_76 masked %eq3A_60 {add = true} : memref<80x128xf32, #tpu.memory_space<vmem>>[vector<16xi32>, vector<16xi32>], vector<16xf32>, vector<16xi1>
    tpu.vector_store_idx %arg17[%shift_right_logical3A_131, %and3A_134], %broadcast_in_dim3A_76 masked %eq3A_63 {add = true} : memref<80x128xf32, #tpu.memory_space<vmem>>[vector<16xi32>, vector<16xi32>], vector<16xf32>, vector<16xi1>
    tpu.vector_store_idx %arg17[%shift_right_logical3A_131, %and3A_134], %broadcast_in_dim3A_76 masked %eq3A_66 {add = true} : memref<80x128xf32, #tpu.memory_space<vmem>>[vector<16xi32>, vector<16xi32>], vector<16xf32>, vector<16xi1>
    tpu.vector_store_idx %arg17[%shift_right_logical3A_131, %and3A_134], %broadcast_in_dim3A_76 masked %eq3A_69 {add = true} : memref<80x128xf32, #tpu.memory_space<vmem>>[vector<16xi32>, vector<16xi32>], vector<16xf32>, vector<16xi1>
    tpu.vector_store_idx %arg17[%shift_right_logical3A_131, %and3A_134], %broadcast_in_dim3A_76 masked %eq3A_72 {add = true} : memref<80x128xf32, #tpu.memory_space<vmem>>[vector<16xi32>, vector<16xi32>], vector<16xf32>, vector<16xi1>
    tpu.vector_store_idx %arg17[%shift_right_logical3A_131, %and3A_134], %broadcast_in_dim3A_76 masked %eq3A_75 {add = true} : memref<80x128xf32, #tpu.memory_space<vmem>>[vector<16xi32>, vector<16xi32>], vector<16xf32>, vector<16xi1>
    %get3A_135 = arith.constant 32 : index
    %get3A_136 = tpu.vector_load %arg7[%get3A_135] {strides = array<i32>} : memref<128xi32, #tpu.memory_space<vmem>>, vector<16xi32>,
    %shift_right_logical3A_137 = arith.constant 7 : i32
    %shift_right_logical3A_138 = vector.broadcast %shift_right_logical3A_137 : i32 to vector<16xi32>
    %shift_right_logical3A_139 = arith.shrui %get3A_136, %shift_right_logical3A_138 : vector<16xi32>
    %and3A_140 = arith.constant 127 : i32
    %and3A_141 = vector.broadcast %and3A_140 : i32 to vector<16xi32>
    %and3A_142 = arith.andi %get3A_136, %and3A_141 : vector<16xi32>
    tpu.vector_store_idx %arg17[%shift_right_logical3A_139, %and3A_142], %broadcast_in_dim3A_76 masked %eq3A_30 {add = true} : memref<80x128xf32, #tpu.memory_space<vmem>>[vector<16xi32>, vector<16xi32>], vector<16xf32>, vector<16xi1>
    tpu.vector_store_idx %arg17[%shift_right_logical3A_139, %and3A_142], %broadcast_in_dim3A_76 masked %eq3A_33 {add = true} : memref<80x128xf32, #tpu.memory_space<vmem>>[vector<16xi32>, vector<16xi32>], vector<16xf32>, vector<16xi1>
    tpu.vector_store_idx %arg17[%shift_right_logical3A_139, %and3A_142], %broadcast_in_dim3A_76 masked %eq3A_36 {add = true} : memref<80x128xf32, #tpu.memory_space<vmem>>[vector<16xi32>, vector<16xi32>], vector<16xf32>, vector<16xi1>
    tpu.vector_store_idx %arg17[%shift_right_logical3A_139, %and3A_142], %broadcast_in_dim3A_76 masked %eq3A_39 {add = true} : memref<80x128xf32, #tpu.memory_space<vmem>>[vector<16xi32>, vector<16xi32>], vector<16xf32>, vector<16xi1>
    tpu.vector_store_idx %arg17[%shift_right_logical3A_139, %and3A_142], %broadcast_in_dim3A_76 masked %eq3A_42 {add = true} : memref<80x128xf32, #tpu.memory_space<vmem>>[vector<16xi32>, vector<16xi32>], vector<16xf32>, vector<16xi1>
    tpu.vector_store_idx %arg17[%shift_right_logical3A_139, %and3A_142], %broadcast_in_dim3A_76 masked %eq3A_45 {add = true} : memref<80x128xf32, #tpu.memory_space<vmem>>[vector<16xi32>, vector<16xi32>], vector<16xf32>, vector<16xi1>
    tpu.vector_store_idx %arg17[%shift_right_logical3A_139, %and3A_142], %broadcast_in_dim3A_76 masked %eq3A_48 {add = true} : memref<80x128xf32, #tpu.memory_space<vmem>>[vector<16xi32>, vector<16xi32>], vector<16xf32>, vector<16xi1>
    tpu.vector_store_idx %arg17[%shift_right_logical3A_139, %and3A_142], %broadcast_in_dim3A_76 masked %eq3A_51 {add = true} : memref<80x128xf32, #tpu.memory_space<vmem>>[vector<16xi32>, vector<16xi32>], vector<16xf32>, vector<16xi1>
    tpu.vector_store_idx %arg17[%shift_right_logical3A_139, %and3A_142], %broadcast_in_dim3A_76 masked %eq3A_54 {add = true} : memref<80x128xf32, #tpu.memory_space<vmem>>[vector<16xi32>, vector<16xi32>], vector<16xf32>, vector<16xi1>
    tpu.vector_store_idx %arg17[%shift_right_logical3A_139, %and3A_142], %broadcast_in_dim3A_76 masked %eq3A_57 {add = true} : memref<80x128xf32, #tpu.memory_space<vmem>>[vector<16xi32>, vector<16xi32>], vector<16xf32>, vector<16xi1>
    tpu.vector_store_idx %arg17[%shift_right_logical3A_139, %and3A_142], %broadcast_in_dim3A_76 masked %eq3A_60 {add = true} : memref<80x128xf32, #tpu.memory_space<vmem>>[vector<16xi32>, vector<16xi32>], vector<16xf32>, vector<16xi1>
    tpu.vector_store_idx %arg17[%shift_right_logical3A_139, %and3A_142], %broadcast_in_dim3A_76 masked %eq3A_63 {add = true} : memref<80x128xf32, #tpu.memory_space<vmem>>[vector<16xi32>, vector<16xi32>], vector<16xf32>, vector<16xi1>
    tpu.vector_store_idx %arg17[%shift_right_logical3A_139, %and3A_142], %broadcast_in_dim3A_76 masked %eq3A_66 {add = true} : memref<80x128xf32, #tpu.memory_space<vmem>>[vector<16xi32>, vector<16xi32>], vector<16xf32>, vector<16xi1>
    tpu.vector_store_idx %arg17[%shift_right_logical3A_139, %and3A_142], %broadcast_in_dim3A_76 masked %eq3A_69 {add = true} : memref<80x128xf32, #tpu.memory_space<vmem>>[vector<16xi32>, vector<16xi32>], vector<16xf32>, vector<16xi1>
    tpu.vector_store_idx %arg17[%shift_right_logical3A_139, %and3A_142], %broadcast_in_dim3A_76 masked %eq3A_72 {add = true} : memref<80x128xf32, #tpu.memory_space<vmem>>[vector<16xi32>, vector<16xi32>], vector<16xf32>, vector<16xi1>
    tpu.vector_store_idx %arg17[%shift_right_logical3A_139, %and3A_142], %broadcast_in_dim3A_76 masked %eq3A_75 {add = true} : memref<80x128xf32, #tpu.memory_space<vmem>>[vector<16xi32>, vector<16xi32>], vector<16xf32>, vector<16xi1>
    %get3A_143 = arith.constant 48 : index
    %get3A_144 = tpu.vector_load %arg7[%get3A_143] {strides = array<i32>} : memref<128xi32, #tpu.memory_space<vmem>>, vector<16xi32>,
    %shift_right_logical3A_145 = arith.constant 7 : i32
    %shift_right_logical3A_146 = vector.broadcast %shift_right_logical3A_145 : i32 to vector<16xi32>
    %shift_right_logical3A_147 = arith.shrui %get3A_144, %shift_right_logical3A_146 : vector<16xi32>
    %and3A_148 = arith.constant 127 : i32
    %and3A_149 = vector.broadcast %and3A_148 : i32 to vector<16xi32>
    %and3A_150 = arith.andi %get3A_144, %and3A_149 : vector<16xi32>
    tpu.vector_store_idx %arg17[%shift_right_logical3A_147, %and3A_150], %broadcast_in_dim3A_76 masked %eq3A_30 {add = true} : memref<80x128xf32, #tpu.memory_space<vmem>>[vector<16xi32>, vector<16xi32>], vector<16xf32>, vector<16xi1>
    tpu.vector_store_idx %arg17[%shift_right_logical3A_147, %and3A_150], %broadcast_in_dim3A_76 masked %eq3A_33 {add = true} : memref<80x128xf32, #tpu.memory_space<vmem>>[vector<16xi32>, vector<16xi32>], vector<16xf32>, vector<16xi1>
    tpu.vector_store_idx %arg17[%shift_right_logical3A_147, %and3A_150], %broadcast_in_dim3A_76 masked %eq3A_36 {add = true} : memref<80x128xf32, #tpu.memory_space<vmem>>[vector<16xi32>, vector<16xi32>], vector<16xf32>, vector<16xi1>
    tpu.vector_store_idx %arg17[%shift_right_logical3A_147, %and3A_150], %broadcast_in_dim3A_76 masked %eq3A_39 {add = true} : memref<80x128xf32, #tpu.memory_space<vmem>>[vector<16xi32>, vector<16xi32>], vector<16xf32>, vector<16xi1>
    tpu.vector_store_idx %arg17[%shift_right_logical3A_147, %and3A_150], %broadcast_in_dim3A_76 masked %eq3A_42 {add = true} : memref<80x128xf32, #tpu.memory_space<vmem>>[vector<16xi32>, vector<16xi32>], vector<16xf32>, vector<16xi1>
    tpu.vector_store_idx %arg17[%shift_right_logical3A_147, %and3A_150], %broadcast_in_dim3A_76 masked %eq3A_45 {add = true} : memref<80x128xf32, #tpu.memory_space<vmem>>[vector<16xi32>, vector<16xi32>], vector<16xf32>, vector<16xi1>
    tpu.vector_store_idx %arg17[%shift_right_logical3A_147, %and3A_150], %broadcast_in_dim3A_76 masked %eq3A_48 {add = true} : memref<80x128xf32, #tpu.memory_space<vmem>>[vector<16xi32>, vector<16xi32>], vector<16xf32>, vector<16xi1>
    tpu.vector_store_idx %arg17[%shift_right_logical3A_147, %and3A_150], %broadcast_in_dim3A_76 masked %eq3A_51 {add = true} : memref<80x128xf32, #tpu.memory_space<vmem>>[vector<16xi32>, vector<16xi32>], vector<16xf32>, vector<16xi1>
    tpu.vector_store_idx %arg17[%shift_right_logical3A_147, %and3A_150], %broadcast_in_dim3A_76 masked %eq3A_54 {add = true} : memref<80x128xf32, #tpu.memory_space<vmem>>[vector<16xi32>, vector<16xi32>], vector<16xf32>, vector<16xi1>
    tpu.vector_store_idx %arg17[%shift_right_logical3A_147, %and3A_150], %broadcast_in_dim3A_76 masked %eq3A_57 {add = true} : memref<80x128xf32, #tpu.memory_space<vmem>>[vector<16xi32>, vector<16xi32>], vector<16xf32>, vector<16xi1>
    tpu.vector_store_idx %arg17[%shift_right_logical3A_147, %and3A_150], %broadcast_in_dim3A_76 masked %eq3A_60 {add = true} : memref<80x128xf32, #tpu.memory_space<vmem>>[vector<16xi32>, vector<16xi32>], vector<16xf32>, vector<16xi1>
    tpu.vector_store_idx %arg17[%shift_right_logical3A_147, %and3A_150], %broadcast_in_dim3A_76 masked %eq3A_63 {add = true} : memref<80x128xf32, #tpu.memory_space<vmem>>[vector<16xi32>, vector<16xi32>], vector<16xf32>, vector<16xi1>
    tpu.vector_store_idx %arg17[%shift_right_logical3A_147, %and3A_150], %broadcast_in_dim3A_76 masked %eq3A_66 {add = true} : memref<80x128xf32, #tpu.memory_space<vmem>>[vector<16xi32>, vector<16xi32>], vector<16xf32>, vector<16xi1>
    tpu.vector_store_idx %arg17[%shift_right_logical3A_147, %and3A_150], %broadcast_in_dim3A_76 masked %eq3A_69 {add = true} : memref<80x128xf32, #tpu.memory_space<vmem>>[vector<16xi32>, vector<16xi32>], vector<16xf32>, vector<16xi1>
    tpu.vector_store_idx %arg17[%shift_right_logical3A_147, %and3A_150], %broadcast_in_dim3A_76 masked %eq3A_72 {add = true} : memref<80x128xf32, #tpu.memory_space<vmem>>[vector<16xi32>, vector<16xi32>], vector<16xf32>, vector<16xi1>
    tpu.vector_store_idx %arg17[%shift_right_logical3A_147, %and3A_150], %broadcast_in_dim3A_76 masked %eq3A_75 {add = true} : memref<80x128xf32, #tpu.memory_space<vmem>>[vector<16xi32>, vector<16xi32>], vector<16xf32>, vector<16xi1>
    %get3A_151 = arith.constant 64 : index
    %get3A_152 = tpu.vector_load %arg7[%get3A_151] {strides = array<i32>} : memref<128xi32, #tpu.memory_space<vmem>>, vector<16xi32>,
    %shift_right_logical3A_153 = arith.constant 7 : i32
    %shift_right_logical3A_154 = vector.broadcast %shift_right_logical3A_153 : i32 to vector<16xi32>
    %shift_right_logical3A_155 = arith.shrui %get3A_152, %shift_right_logical3A_154 : vector<16xi32>
    %and3A_156 = arith.constant 127 : i32
    %and3A_157 = vector.broadcast %and3A_156 : i32 to vector<16xi32>
    %and3A_158 = arith.andi %get3A_152, %and3A_157 : vector<16xi32>
    tpu.vector_store_idx %arg17[%shift_right_logical3A_155, %and3A_158], %broadcast_in_dim3A_76 masked %eq3A_30 {add = true} : memref<80x128xf32, #tpu.memory_space<vmem>>[vector<16xi32>, vector<16xi32>], vector<16xf32>, vector<16xi1>
    tpu.vector_store_idx %arg17[%shift_right_logical3A_155, %and3A_158], %broadcast_in_dim3A_76 masked %eq3A_33 {add = true} : memref<80x128xf32, #tpu.memory_space<vmem>>[vector<16xi32>, vector<16xi32>], vector<16xf32>, vector<16xi1>
    tpu.vector_store_idx %arg17[%shift_right_logical3A_155, %and3A_158], %broadcast_in_dim3A_76 masked %eq3A_36 {add = true} : memref<80x128xf32, #tpu.memory_space<vmem>>[vector<16xi32>, vector<16xi32>], vector<16xf32>, vector<16xi1>
    tpu.vector_store_idx %arg17[%shift_right_logical3A_155, %and3A_158], %broadcast_in_dim3A_76 masked %eq3A_39 {add = true} : memref<80x128xf32, #tpu.memory_space<vmem>>[vector<16xi32>, vector<16xi32>], vector<16xf32>, vector<16xi1>
    tpu.vector_store_idx %arg17[%shift_right_logical3A_155, %and3A_158], %broadcast_in_dim3A_76 masked %eq3A_42 {add = true} : memref<80x128xf32, #tpu.memory_space<vmem>>[vector<16xi32>, vector<16xi32>], vector<16xf32>, vector<16xi1>
    tpu.vector_store_idx %arg17[%shift_right_logical3A_155, %and3A_158], %broadcast_in_dim3A_76 masked %eq3A_45 {add = true} : memref<80x128xf32, #tpu.memory_space<vmem>>[vector<16xi32>, vector<16xi32>], vector<16xf32>, vector<16xi1>
    tpu.vector_store_idx %arg17[%shift_right_logical3A_155, %and3A_158], %broadcast_in_dim3A_76 masked %eq3A_48 {add = true} : memref<80x128xf32, #tpu.memory_space<vmem>>[vector<16xi32>, vector<16xi32>], vector<16xf32>, vector<16xi1>
    tpu.vector_store_idx %arg17[%shift_right_logical3A_155, %and3A_158], %broadcast_in_dim3A_76 masked %eq3A_51 {add = true} : memref<80x128xf32, #tpu.memory_space<vmem>>[vector<16xi32>, vector<16xi32>], vector<16xf32>, vector<16xi1>
    tpu.vector_store_idx %arg17[%shift_right_logical3A_155, %and3A_158], %broadcast_in_dim3A_76 masked %eq3A_54 {add = true} : memref<80x128xf32, #tpu.memory_space<vmem>>[vector<16xi32>, vector<16xi32>], vector<16xf32>, vector<16xi1>
    tpu.vector_store_idx %arg17[%shift_right_logical3A_155, %and3A_158], %broadcast_in_dim3A_76 masked %eq3A_57 {add = true} : memref<80x128xf32, #tpu.memory_space<vmem>>[vector<16xi32>, vector<16xi32>], vector<16xf32>, vector<16xi1>
    tpu.vector_store_idx %arg17[%shift_right_logical3A_155, %and3A_158], %broadcast_in_dim3A_76 masked %eq3A_60 {add = true} : memref<80x128xf32, #tpu.memory_space<vmem>>[vector<16xi32>, vector<16xi32>], vector<16xf32>, vector<16xi1>
    tpu.vector_store_idx %arg17[%shift_right_logical3A_155, %and3A_158], %broadcast_in_dim3A_76 masked %eq3A_63 {add = true} : memref<80x128xf32, #tpu.memory_space<vmem>>[vector<16xi32>, vector<16xi32>], vector<16xf32>, vector<16xi1>
    tpu.vector_store_idx %arg17[%shift_right_logical3A_155, %and3A_158], %broadcast_in_dim3A_76 masked %eq3A_66 {add = true} : memref<80x128xf32, #tpu.memory_space<vmem>>[vector<16xi32>, vector<16xi32>], vector<16xf32>, vector<16xi1>
    tpu.vector_store_idx %arg17[%shift_right_logical3A_155, %and3A_158], %broadcast_in_dim3A_76 masked %eq3A_69 {add = true} : memref<80x128xf32, #tpu.memory_space<vmem>>[vector<16xi32>, vector<16xi32>], vector<16xf32>, vector<16xi1>
    tpu.vector_store_idx %arg17[%shift_right_logical3A_155, %and3A_158], %broadcast_in_dim3A_76 masked %eq3A_72 {add = true} : memref<80x128xf32, #tpu.memory_space<vmem>>[vector<16xi32>, vector<16xi32>], vector<16xf32>, vector<16xi1>
    tpu.vector_store_idx %arg17[%shift_right_logical3A_155, %and3A_158], %broadcast_in_dim3A_76 masked %eq3A_75 {add = true} : memref<80x128xf32, #tpu.memory_space<vmem>>[vector<16xi32>, vector<16xi32>], vector<16xf32>, vector<16xi1>
    %get3A_159 = arith.constant 80 : index
    %get3A_160 = tpu.vector_load %arg7[%get3A_159] {strides = array<i32>} : memref<128xi32, #tpu.memory_space<vmem>>, vector<16xi32>,
    %shift_right_logical3A_161 = arith.constant 7 : i32
    %shift_right_logical3A_162 = vector.broadcast %shift_right_logical3A_161 : i32 to vector<16xi32>
    %shift_right_logical3A_163 = arith.shrui %get3A_160, %shift_right_logical3A_162 : vector<16xi32>
    %and3A_164 = arith.constant 127 : i32
    %and3A_165 = vector.broadcast %and3A_164 : i32 to vector<16xi32>
    %and3A_166 = arith.andi %get3A_160, %and3A_165 : vector<16xi32>
    tpu.vector_store_idx %arg17[%shift_right_logical3A_163, %and3A_166], %broadcast_in_dim3A_76 masked %eq3A_30 {add = true} : memref<80x128xf32, #tpu.memory_space<vmem>>[vector<16xi32>, vector<16xi32>], vector<16xf32>, vector<16xi1>
    tpu.vector_store_idx %arg17[%shift_right_logical3A_163, %and3A_166], %broadcast_in_dim3A_76 masked %eq3A_33 {add = true} : memref<80x128xf32, #tpu.memory_space<vmem>>[vector<16xi32>, vector<16xi32>], vector<16xf32>, vector<16xi1>
    tpu.vector_store_idx %arg17[%shift_right_logical3A_163, %and3A_166], %broadcast_in_dim3A_76 masked %eq3A_36 {add = true} : memref<80x128xf32, #tpu.memory_space<vmem>>[vector<16xi32>, vector<16xi32>], vector<16xf32>, vector<16xi1>
    tpu.vector_store_idx %arg17[%shift_right_logical3A_163, %and3A_166], %broadcast_in_dim3A_76 masked %eq3A_39 {add = true} : memref<80x128xf32, #tpu.memory_space<vmem>>[vector<16xi32>, vector<16xi32>], vector<16xf32>, vector<16xi1>
    tpu.vector_store_idx %arg17[%shift_right_logical3A_163, %and3A_166], %broadcast_in_dim3A_76 masked %eq3A_42 {add = true} : memref<80x128xf32, #tpu.memory_space<vmem>>[vector<16xi32>, vector<16xi32>], vector<16xf32>, vector<16xi1>
    tpu.vector_store_idx %arg17[%shift_right_logical3A_163, %and3A_166], %broadcast_in_dim3A_76 masked %eq3A_45 {add = true} : memref<80x128xf32, #tpu.memory_space<vmem>>[vector<16xi32>, vector<16xi32>], vector<16xf32>, vector<16xi1>
    tpu.vector_store_idx %arg17[%shift_right_logical3A_163, %and3A_166], %broadcast_in_dim3A_76 masked %eq3A_48 {add = true} : memref<80x128xf32, #tpu.memory_space<vmem>>[vector<16xi32>, vector<16xi32>], vector<16xf32>, vector<16xi1>
    tpu.vector_store_idx %arg17[%shift_right_logical3A_163, %and3A_166], %broadcast_in_dim3A_76 masked %eq3A_51 {add = true} : memref<80x128xf32, #tpu.memory_space<vmem>>[vector<16xi32>, vector<16xi32>], vector<16xf32>, vector<16xi1>
    tpu.vector_store_idx %arg17[%shift_right_logical3A_163, %and3A_166], %broadcast_in_dim3A_76 masked %eq3A_54 {add = true} : memref<80x128xf32, #tpu.memory_space<vmem>>[vector<16xi32>, vector<16xi32>], vector<16xf32>, vector<16xi1>
    tpu.vector_store_idx %arg17[%shift_right_logical3A_163, %and3A_166], %broadcast_in_dim3A_76 masked %eq3A_57 {add = true} : memref<80x128xf32, #tpu.memory_space<vmem>>[vector<16xi32>, vector<16xi32>], vector<16xf32>, vector<16xi1>
    tpu.vector_store_idx %arg17[%shift_right_logical3A_163, %and3A_166], %broadcast_in_dim3A_76 masked %eq3A_60 {add = true} : memref<80x128xf32, #tpu.memory_space<vmem>>[vector<16xi32>, vector<16xi32>], vector<16xf32>, vector<16xi1>
    tpu.vector_store_idx %arg17[%shift_right_logical3A_163, %and3A_166], %broadcast_in_dim3A_76 masked %eq3A_63 {add = true} : memref<80x128xf32, #tpu.memory_space<vmem>>[vector<16xi32>, vector<16xi32>], vector<16xf32>, vector<16xi1>
    tpu.vector_store_idx %arg17[%shift_right_logical3A_163, %and3A_166], %broadcast_in_dim3A_76 masked %eq3A_66 {add = true} : memref<80x128xf32, #tpu.memory_space<vmem>>[vector<16xi32>, vector<16xi32>], vector<16xf32>, vector<16xi1>
    tpu.vector_store_idx %arg17[%shift_right_logical3A_163, %and3A_166], %broadcast_in_dim3A_76 masked %eq3A_69 {add = true} : memref<80x128xf32, #tpu.memory_space<vmem>>[vector<16xi32>, vector<16xi32>], vector<16xf32>, vector<16xi1>
    tpu.vector_store_idx %arg17[%shift_right_logical3A_163, %and3A_166], %broadcast_in_dim3A_76 masked %eq3A_72 {add = true} : memref<80x128xf32, #tpu.memory_space<vmem>>[vector<16xi32>, vector<16xi32>], vector<16xf32>, vector<16xi1>
    tpu.vector_store_idx %arg17[%shift_right_logical3A_163, %and3A_166], %broadcast_in_dim3A_76 masked %eq3A_75 {add = true} : memref<80x128xf32, #tpu.memory_space<vmem>>[vector<16xi32>, vector<16xi32>], vector<16xf32>, vector<16xi1>
    %get3A_167 = arith.constant 96 : index
    %get3A_168 = tpu.vector_load %arg7[%get3A_167] {strides = array<i32>} : memref<128xi32, #tpu.memory_space<vmem>>, vector<16xi32>,
    %shift_right_logical3A_169 = arith.constant 7 : i32
    %shift_right_logical3A_170 = vector.broadcast %shift_right_logical3A_169 : i32 to vector<16xi32>
    %shift_right_logical3A_171 = arith.shrui %get3A_168, %shift_right_logical3A_170 : vector<16xi32>
    %and3A_172 = arith.constant 127 : i32
    %and3A_173 = vector.broadcast %and3A_172 : i32 to vector<16xi32>
    %and3A_174 = arith.andi %get3A_168, %and3A_173 : vector<16xi32>
    tpu.vector_store_idx %arg17[%shift_right_logical3A_171, %and3A_174], %broadcast_in_dim3A_76 masked %eq3A_30 {add = true} : memref<80x128xf32, #tpu.memory_space<vmem>>[vector<16xi32>, vector<16xi32>], vector<16xf32>, vector<16xi1>
    tpu.vector_store_idx %arg17[%shift_right_logical3A_171, %and3A_174], %broadcast_in_dim3A_76 masked %eq3A_33 {add = true} : memref<80x128xf32, #tpu.memory_space<vmem>>[vector<16xi32>, vector<16xi32>], vector<16xf32>, vector<16xi1>
    tpu.vector_store_idx %arg17[%shift_right_logical3A_171, %and3A_174], %broadcast_in_dim3A_76 masked %eq3A_36 {add = true} : memref<80x128xf32, #tpu.memory_space<vmem>>[vector<16xi32>, vector<16xi32>], vector<16xf32>, vector<16xi1>
    tpu.vector_store_idx %arg17[%shift_right_logical3A_171, %and3A_174], %broadcast_in_dim3A_76 masked %eq3A_39 {add = true} : memref<80x128xf32, #tpu.memory_space<vmem>>[vector<16xi32>, vector<16xi32>], vector<16xf32>, vector<16xi1>
    tpu.vector_store_idx %arg17[%shift_right_logical3A_171, %and3A_174], %broadcast_in_dim3A_76 masked %eq3A_42 {add = true} : memref<80x128xf32, #tpu.memory_space<vmem>>[vector<16xi32>, vector<16xi32>], vector<16xf32>, vector<16xi1>
    tpu.vector_store_idx %arg17[%shift_right_logical3A_171, %and3A_174], %broadcast_in_dim3A_76 masked %eq3A_45 {add = true} : memref<80x128xf32, #tpu.memory_space<vmem>>[vector<16xi32>, vector<16xi32>], vector<16xf32>, vector<16xi1>
    tpu.vector_store_idx %arg17[%shift_right_logical3A_171, %and3A_174], %broadcast_in_dim3A_76 masked %eq3A_48 {add = true} : memref<80x128xf32, #tpu.memory_space<vmem>>[vector<16xi32>, vector<16xi32>], vector<16xf32>, vector<16xi1>
    tpu.vector_store_idx %arg17[%shift_right_logical3A_171, %and3A_174], %broadcast_in_dim3A_76 masked %eq3A_51 {add = true} : memref<80x128xf32, #tpu.memory_space<vmem>>[vector<16xi32>, vector<16xi32>], vector<16xf32>, vector<16xi1>
    tpu.vector_store_idx %arg17[%shift_right_logical3A_171, %and3A_174], %broadcast_in_dim3A_76 masked %eq3A_54 {add = true} : memref<80x128xf32, #tpu.memory_space<vmem>>[vector<16xi32>, vector<16xi32>], vector<16xf32>, vector<16xi1>
    tpu.vector_store_idx %arg17[%shift_right_logical3A_171, %and3A_174], %broadcast_in_dim3A_76 masked %eq3A_57 {add = true} : memref<80x128xf32, #tpu.memory_space<vmem>>[vector<16xi32>, vector<16xi32>], vector<16xf32>, vector<16xi1>
    tpu.vector_store_idx %arg17[%shift_right_logical3A_171, %and3A_174], %broadcast_in_dim3A_76 masked %eq3A_60 {add = true} : memref<80x128xf32, #tpu.memory_space<vmem>>[vector<16xi32>, vector<16xi32>], vector<16xf32>, vector<16xi1>
    tpu.vector_store_idx %arg17[%shift_right_logical3A_171, %and3A_174], %broadcast_in_dim3A_76 masked %eq3A_63 {add = true} : memref<80x128xf32, #tpu.memory_space<vmem>>[vector<16xi32>, vector<16xi32>], vector<16xf32>, vector<16xi1>
    tpu.vector_store_idx %arg17[%shift_right_logical3A_171, %and3A_174], %broadcast_in_dim3A_76 masked %eq3A_66 {add = true} : memref<80x128xf32, #tpu.memory_space<vmem>>[vector<16xi32>, vector<16xi32>], vector<16xf32>, vector<16xi1>
    tpu.vector_store_idx %arg17[%shift_right_logical3A_171, %and3A_174], %broadcast_in_dim3A_76 masked %eq3A_69 {add = true} : memref<80x128xf32, #tpu.memory_space<vmem>>[vector<16xi32>, vector<16xi32>], vector<16xf32>, vector<16xi1>
    tpu.vector_store_idx %arg17[%shift_right_logical3A_171, %and3A_174], %broadcast_in_dim3A_76 masked %eq3A_72 {add = true} : memref<80x128xf32, #tpu.memory_space<vmem>>[vector<16xi32>, vector<16xi32>], vector<16xf32>, vector<16xi1>
    tpu.vector_store_idx %arg17[%shift_right_logical3A_171, %and3A_174], %broadcast_in_dim3A_76 masked %eq3A_75 {add = true} : memref<80x128xf32, #tpu.memory_space<vmem>>[vector<16xi32>, vector<16xi32>], vector<16xf32>, vector<16xi1>
    %get3A_175 = arith.constant 112 : index
    %get3A_176 = tpu.vector_load %arg7[%get3A_175] {strides = array<i32>} : memref<128xi32, #tpu.memory_space<vmem>>, vector<16xi32>,
    %shift_right_logical3A_177 = arith.constant 7 : i32
    %shift_right_logical3A_178 = vector.broadcast %shift_right_logical3A_177 : i32 to vector<16xi32>
    %shift_right_logical3A_179 = arith.shrui %get3A_176, %shift_right_logical3A_178 : vector<16xi32>
    %and3A_180 = arith.constant 127 : i32
    %and3A_181 = vector.broadcast %and3A_180 : i32 to vector<16xi32>
    %and3A_182 = arith.andi %get3A_176, %and3A_181 : vector<16xi32>
    tpu.vector_store_idx %arg17[%shift_right_logical3A_179, %and3A_182], %broadcast_in_dim3A_76 masked %eq3A_30 {add = true} : memref<80x128xf32, #tpu.memory_space<vmem>>[vector<16xi32>, vector<16xi32>], vector<16xf32>, vector<16xi1>
    tpu.vector_store_idx %arg17[%shift_right_logical3A_179, %and3A_182], %broadcast_in_dim3A_76 masked %eq3A_33 {add = true} : memref<80x128xf32, #tpu.memory_space<vmem>>[vector<16xi32>, vector<16xi32>], vector<16xf32>, vector<16xi1>
    tpu.vector_store_idx %arg17[%shift_right_logical3A_179, %and3A_182], %broadcast_in_dim3A_76 masked %eq3A_36 {add = true} : memref<80x128xf32, #tpu.memory_space<vmem>>[vector<16xi32>, vector<16xi32>], vector<16xf32>, vector<16xi1>
    tpu.vector_store_idx %arg17[%shift_right_logical3A_179, %and3A_182], %broadcast_in_dim3A_76 masked %eq3A_39 {add = true} : memref<80x128xf32, #tpu.memory_space<vmem>>[vector<16xi32>, vector<16xi32>], vector<16xf32>, vector<16xi1>
    tpu.vector_store_idx %arg17[%shift_right_logical3A_179, %and3A_182], %broadcast_in_dim3A_76 masked %eq3A_42 {add = true} : memref<80x128xf32, #tpu.memory_space<vmem>>[vector<16xi32>, vector<16xi32>], vector<16xf32>, vector<16xi1>
    tpu.vector_store_idx %arg17[%shift_right_logical3A_179, %and3A_182], %broadcast_in_dim3A_76 masked %eq3A_45 {add = true} : memref<80x128xf32, #tpu.memory_space<vmem>>[vector<16xi32>, vector<16xi32>], vector<16xf32>, vector<16xi1>
    tpu.vector_store_idx %arg17[%shift_right_logical3A_179, %and3A_182], %broadcast_in_dim3A_76 masked %eq3A_48 {add = true} : memref<80x128xf32, #tpu.memory_space<vmem>>[vector<16xi32>, vector<16xi32>], vector<16xf32>, vector<16xi1>
    tpu.vector_store_idx %arg17[%shift_right_logical3A_179, %and3A_182], %broadcast_in_dim3A_76 masked %eq3A_51 {add = true} : memref<80x128xf32, #tpu.memory_space<vmem>>[vector<16xi32>, vector<16xi32>], vector<16xf32>, vector<16xi1>
    tpu.vector_store_idx %arg17[%shift_right_logical3A_179, %and3A_182], %broadcast_in_dim3A_76 masked %eq3A_54 {add = true} : memref<80x128xf32, #tpu.memory_space<vmem>>[vector<16xi32>, vector<16xi32>], vector<16xf32>, vector<16xi1>
    tpu.vector_store_idx %arg17[%shift_right_logical3A_179, %and3A_182], %broadcast_in_dim3A_76 masked %eq3A_57 {add = true} : memref<80x128xf32, #tpu.memory_space<vmem>>[vector<16xi32>, vector<16xi32>], vector<16xf32>, vector<16xi1>
    tpu.vector_store_idx %arg17[%shift_right_logical3A_179, %and3A_182], %broadcast_in_dim3A_76 masked %eq3A_60 {add = true} : memref<80x128xf32, #tpu.memory_space<vmem>>[vector<16xi32>, vector<16xi32>], vector<16xf32>, vector<16xi1>
    tpu.vector_store_idx %arg17[%shift_right_logical3A_179, %and3A_182], %broadcast_in_dim3A_76 masked %eq3A_63 {add = true} : memref<80x128xf32, #tpu.memory_space<vmem>>[vector<16xi32>, vector<16xi32>], vector<16xf32>, vector<16xi1>
    tpu.vector_store_idx %arg17[%shift_right_logical3A_179, %and3A_182], %broadcast_in_dim3A_76 masked %eq3A_66 {add = true} : memref<80x128xf32, #tpu.memory_space<vmem>>[vector<16xi32>, vector<16xi32>], vector<16xf32>, vector<16xi1>
    tpu.vector_store_idx %arg17[%shift_right_logical3A_179, %and3A_182], %broadcast_in_dim3A_76 masked %eq3A_69 {add = true} : memref<80x128xf32, #tpu.memory_space<vmem>>[vector<16xi32>, vector<16xi32>], vector<16xf32>, vector<16xi1>
    tpu.vector_store_idx %arg17[%shift_right_logical3A_179, %and3A_182], %broadcast_in_dim3A_76 masked %eq3A_72 {add = true} : memref<80x128xf32, #tpu.memory_space<vmem>>[vector<16xi32>, vector<16xi32>], vector<16xf32>, vector<16xi1>
    tpu.vector_store_idx %arg17[%shift_right_logical3A_179, %and3A_182], %broadcast_in_dim3A_76 masked %eq3A_75 {add = true} : memref<80x128xf32, #tpu.memory_space<vmem>>[vector<16xi32>, vector<16xi32>], vector<16xf32>, vector<16xi1>
    %add3A_183 = arith.constant 1 : i32
    %add3A_184 = arith.addi %mul3A_28, %add3A_183 : i32
    %mul3A_185 = arith.constant 128 : i32
    %mul3A_186 = arith.muli %add3A_184, %mul3A_185 : i32
    %multiple_of3A_187 = tpu.assume_multiple %mul3A_186, 8 : i32
    %dma_wait3A_188 = tpu.memref_slice %arg3[%multiple_of3A_187] : memref<327680xi32, #tpu.memory_space<hbm>> -> memref<128xi32, #tpu.memory_space<hbm>>
    %dma_wait3A_189 = tpu.memref_slice %arg3[%multiple_of3A_187] : memref<327680xi32, #tpu.memory_space<hbm>> -> memref<128xi32, #tpu.memory_space<hbm>>
    tpu.wait_dma2 semaphore(%arg25 : memref<!tpu.dma_semaphore, #tpu.memory_space<semaphore_mem>>) src(%dma_wait3A_189 : memref<128xi32, #tpu.memory_space<hbm>>) dst(%arg9 : memref<128xi32, #tpu.memory_space<vmem>>)
    %dma_wait3A_190 = tpu.memref_slice %arg4[%multiple_of3A_187] : memref<327680xi32, #tpu.memory_space<hbm>> -> memref<128xi32, #tpu.memory_space<hbm>>
    %dma_wait3A_191 = tpu.memref_slice %arg4[%multiple_of3A_187] : memref<327680xi32, #tpu.memory_space<hbm>> -> memref<128xi32, #tpu.memory_space<hbm>>
    tpu.wait_dma2 semaphore(%arg25 : memref<!tpu.dma_semaphore, #tpu.memory_space<semaphore_mem>>) src(%dma_wait3A_191 : memref<128xi32, #tpu.memory_space<hbm>>) dst(%arg10 : memref<128xi32, #tpu.memory_space<vmem>>)
    %dma_start3A_192 = arith.constant 0 : i32
    %dma_start3A_193 = arith.constant 0 : i32
    %dma_start3A_194 = tpu.memref_slice %arg2[%dma_start3A_192, %dma_start3A_193] : memref<10000x128xf32, #tpu.memory_space<hbm>> -> memref<10000x128xf32, #tpu.memory_space<hbm>>
    tpu.enqueue_indirect_dma source(%dma_start3A_194 : memref<10000x128xf32, #tpu.memory_space<hbm>>) target(%arg16 : memref<128x128xf32, #tpu.memory_space<vmem>>) offsets(%arg10 : memref<128xi32, #tpu.memory_space<vmem>>) semaphore(%arg21 : memref<!tpu.dma_semaphore, #tpu.memory_space<semaphore_mem>>)
    %get3A_195 = arith.constant 0 : index
    %get3A_196 = tpu.vector_load %arg9[%get3A_195] {strides = array<i32>} : memref<128xi32, #tpu.memory_space<vmem>>, vector<16xi32>,
    %shift_right_logical3A_197 = arith.constant 7 : i32
    %shift_right_logical3A_198 = vector.broadcast %shift_right_logical3A_197 : i32 to vector<16xi32>
    %shift_right_logical3A_199 = arith.shrui %get3A_196, %shift_right_logical3A_198 : vector<16xi32>
    %and3A_200 = arith.constant 127 : i32
    %and3A_201 = vector.broadcast %and3A_200 : i32 to vector<16xi32>
    %and3A_202 = arith.andi %get3A_196, %and3A_201 : vector<16xi32>
    tpu.vector_store_idx %arg17[%shift_right_logical3A_199, %and3A_202], %broadcast_in_dim3A_76 masked %eq3A_30 {add = true} : memref<80x128xf32, #tpu.memory_space<vmem>>[vector<16xi32>, vector<16xi32>], vector<16xf32>, vector<16xi1>
    tpu.vector_store_idx %arg17[%shift_right_logical3A_199, %and3A_202], %broadcast_in_dim3A_76 masked %eq3A_33 {add = true} : memref<80x128xf32, #tpu.memory_space<vmem>>[vector<16xi32>, vector<16xi32>], vector<16xf32>, vector<16xi1>
    tpu.vector_store_idx %arg17[%shift_right_logical3A_199, %and3A_202], %broadcast_in_dim3A_76 masked %eq3A_36 {add = true} : memref<80x128xf32, #tpu.memory_space<vmem>>[vector<16xi32>, vector<16xi32>], vector<16xf32>, vector<16xi1>
    tpu.vector_store_idx %arg17[%shift_right_logical3A_199, %and3A_202], %broadcast_in_dim3A_76 masked %eq3A_39 {add = true} : memref<80x128xf32, #tpu.memory_space<vmem>>[vector<16xi32>, vector<16xi32>], vector<16xf32>, vector<16xi1>
    tpu.vector_store_idx %arg17[%shift_right_logical3A_199, %and3A_202], %broadcast_in_dim3A_76 masked %eq3A_42 {add = true} : memref<80x128xf32, #tpu.memory_space<vmem>>[vector<16xi32>, vector<16xi32>], vector<16xf32>, vector<16xi1>
    tpu.vector_store_idx %arg17[%shift_right_logical3A_199, %and3A_202], %broadcast_in_dim3A_76 masked %eq3A_45 {add = true} : memref<80x128xf32, #tpu.memory_space<vmem>>[vector<16xi32>, vector<16xi32>], vector<16xf32>, vector<16xi1>
    tpu.vector_store_idx %arg17[%shift_right_logical3A_199, %and3A_202], %broadcast_in_dim3A_76 masked %eq3A_48 {add = true} : memref<80x128xf32, #tpu.memory_space<vmem>>[vector<16xi32>, vector<16xi32>], vector<16xf32>, vector<16xi1>
    tpu.vector_store_idx %arg17[%shift_right_logical3A_199, %and3A_202], %broadcast_in_dim3A_76 masked %eq3A_51 {add = true} : memref<80x128xf32, #tpu.memory_space<vmem>>[vector<16xi32>, vector<16xi32>], vector<16xf32>, vector<16xi1>
    tpu.vector_store_idx %arg17[%shift_right_logical3A_199, %and3A_202], %broadcast_in_dim3A_76 masked %eq3A_54 {add = true} : memref<80x128xf32, #tpu.memory_space<vmem>>[vector<16xi32>, vector<16xi32>], vector<16xf32>, vector<16xi1>
    tpu.vector_store_idx %arg17[%shift_right_logical3A_199, %and3A_202], %broadcast_in_dim3A_76 masked %eq3A_57 {add = true} : memref<80x128xf32, #tpu.memory_space<vmem>>[vector<16xi32>, vector<16xi32>], vector<16xf32>, vector<16xi1>
    tpu.vector_store_idx %arg17[%shift_right_logical3A_199, %and3A_202], %broadcast_in_dim3A_76 masked %eq3A_60 {add = true} : memref<80x128xf32, #tpu.memory_space<vmem>>[vector<16xi32>, vector<16xi32>], vector<16xf32>, vector<16xi1>
    tpu.vector_store_idx %arg17[%shift_right_logical3A_199, %and3A_202], %broadcast_in_dim3A_76 masked %eq3A_63 {add = true} : memref<80x128xf32, #tpu.memory_space<vmem>>[vector<16xi32>, vector<16xi32>], vector<16xf32>, vector<16xi1>
    tpu.vector_store_idx %arg17[%shift_right_logical3A_199, %and3A_202], %broadcast_in_dim3A_76 masked %eq3A_66 {add = true} : memref<80x128xf32, #tpu.memory_space<vmem>>[vector<16xi32>, vector<16xi32>], vector<16xf32>, vector<16xi1>
    tpu.vector_store_idx %arg17[%shift_right_logical3A_199, %and3A_202], %broadcast_in_dim3A_76 masked %eq3A_69 {add = true} : memref<80x128xf32, #tpu.memory_space<vmem>>[vector<16xi32>, vector<16xi32>], vector<16xf32>, vector<16xi1>
    tpu.vector_store_idx %arg17[%shift_right_logical3A_199, %and3A_202], %broadcast_in_dim3A_76 masked %eq3A_72 {add = true} : memref<80x128xf32, #tpu.memory_space<vmem>>[vector<16xi32>, vector<16xi32>], vector<16xf32>, vector<16xi1>
    tpu.vector_store_idx %arg17[%shift_right_logical3A_199, %and3A_202], %broadcast_in_dim3A_76 masked %eq3A_75 {add = true} : memref<80x128xf32, #tpu.memory_space<vmem>>[vector<16xi32>, vector<16xi32>], vector<16xf32>, vector<16xi1>
    %get3A_203 = arith.constant 16 : index
    %get3A_204 = tpu.vector_load %arg9[%get3A_203] {strides = array<i32>} : memref<128xi32, #tpu.memory_space<vmem>>, vector<16xi32>,
    %shift_right_logical3A_205 = arith.constant 7 : i32
    %shift_right_logical3A_206 = vector.broadcast %shift_right_logical3A_205 : i32 to vector<16xi32>
    %shift_right_logical3A_207 = arith.shrui %get3A_204, %shift_right_logical3A_206 : vector<16xi32>
    %and3A_208 = arith.constant 127 : i32
    %and3A_209 = vector.broadcast %and3A_208 : i32 to vector<16xi32>
    %and3A_210 = arith.andi %get3A_204, %and3A_209 : vector<16xi32>
    tpu.vector_store_idx %arg17[%shift_right_logical3A_207, %and3A_210], %broadcast_in_dim3A_76 masked %eq3A_30 {add = true} : memref<80x128xf32, #tpu.memory_space<vmem>>[vector<16xi32>, vector<16xi32>], vector<16xf32>, vector<16xi1>
    tpu.vector_store_idx %arg17[%shift_right_logical3A_207, %and3A_210], %broadcast_in_dim3A_76 masked %eq3A_33 {add = true} : memref<80x128xf32, #tpu.memory_space<vmem>>[vector<16xi32>, vector<16xi32>], vector<16xf32>, vector<16xi1>
    tpu.vector_store_idx %arg17[%shift_right_logical3A_207, %and3A_210], %broadcast_in_dim3A_76 masked %eq3A_36 {add = true} : memref<80x128xf32, #tpu.memory_space<vmem>>[vector<16xi32>, vector<16xi32>], vector<16xf32>, vector<16xi1>
    tpu.vector_store_idx %arg17[%shift_right_logical3A_207, %and3A_210], %broadcast_in_dim3A_76 masked %eq3A_39 {add = true} : memref<80x128xf32, #tpu.memory_space<vmem>>[vector<16xi32>, vector<16xi32>], vector<16xf32>, vector<16xi1>
    tpu.vector_store_idx %arg17[%shift_right_logical3A_207, %and3A_210], %broadcast_in_dim3A_76 masked %eq3A_42 {add = true} : memref<80x128xf32, #tpu.memory_space<vmem>>[vector<16xi32>, vector<16xi32>], vector<16xf32>, vector<16xi1>
    tpu.vector_store_idx %arg17[%shift_right_logical3A_207, %and3A_210], %broadcast_in_dim3A_76 masked %eq3A_45 {add = true} : memref<80x128xf32, #tpu.memory_space<vmem>>[vector<16xi32>, vector<16xi32>], vector<16xf32>, vector<16xi1>
    tpu.vector_store_idx %arg17[%shift_right_logical3A_207, %and3A_210], %broadcast_in_dim3A_76 masked %eq3A_48 {add = true} : memref<80x128xf32, #tpu.memory_space<vmem>>[vector<16xi32>, vector<16xi32>], vector<16xf32>, vector<16xi1>
    tpu.vector_store_idx %arg17[%shift_right_logical3A_207, %and3A_210], %broadcast_in_dim3A_76 masked %eq3A_51 {add = true} : memref<80x128xf32, #tpu.memory_space<vmem>>[vector<16xi32>, vector<16xi32>], vector<16xf32>, vector<16xi1>
    tpu.vector_store_idx %arg17[%shift_right_logical3A_207, %and3A_210], %broadcast_in_dim3A_76 masked %eq3A_54 {add = true} : memref<80x128xf32, #tpu.memory_space<vmem>>[vector<16xi32>, vector<16xi32>], vector<16xf32>, vector<16xi1>
    tpu.vector_store_idx %arg17[%shift_right_logical3A_207, %and3A_210], %broadcast_in_dim3A_76 masked %eq3A_57 {add = true} : memref<80x128xf32, #tpu.memory_space<vmem>>[vector<16xi32>, vector<16xi32>], vector<16xf32>, vector<16xi1>
    tpu.vector_store_idx %arg17[%shift_right_logical3A_207, %and3A_210], %broadcast_in_dim3A_76 masked %eq3A_60 {add = true} : memref<80x128xf32, #tpu.memory_space<vmem>>[vector<16xi32>, vector<16xi32>], vector<16xf32>, vector<16xi1>
    tpu.vector_store_idx %arg17[%shift_right_logical3A_207, %and3A_210], %broadcast_in_dim3A_76 masked %eq3A_63 {add = true} : memref<80x128xf32, #tpu.memory_space<vmem>>[vector<16xi32>, vector<16xi32>], vector<16xf32>, vector<16xi1>
    tpu.vector_store_idx %arg17[%shift_right_logical3A_207, %and3A_210], %broadcast_in_dim3A_76 masked %eq3A_66 {add = true} : memref<80x128xf32, #tpu.memory_space<vmem>>[vector<16xi32>, vector<16xi32>], vector<16xf32>, vector<16xi1>
    tpu.vector_store_idx %arg17[%shift_right_logical3A_207, %and3A_210], %broadcast_in_dim3A_76 masked %eq3A_69 {add = true} : memref<80x128xf32, #tpu.memory_space<vmem>>[vector<16xi32>, vector<16xi32>], vector<16xf32>, vector<16xi1>
    tpu.vector_store_idx %arg17[%shift_right_logical3A_207, %and3A_210], %broadcast_in_dim3A_76 masked %eq3A_72 {add = true} : memref<80x128xf32, #tpu.memory_space<vmem>>[vector<16xi32>, vector<16xi32>], vector<16xf32>, vector<16xi1>
    tpu.vector_store_idx %arg17[%shift_right_logical3A_207, %and3A_210], %broadcast_in_dim3A_76 masked %eq3A_75 {add = true} : memref<80x128xf32, #tpu.memory_space<vmem>>[vector<16xi32>, vector<16xi32>], vector<16xf32>, vector<16xi1>
    %get3A_211 = arith.constant 32 : index
    %get3A_212 = tpu.vector_load %arg9[%get3A_211] {strides = array<i32>} : memref<128xi32, #tpu.memory_space<vmem>>, vector<16xi32>,
    %shift_right_logical3A_213 = arith.constant 7 : i32
    %shift_right_logical3A_214 = vector.broadcast %shift_right_logical3A_213 : i32 to vector<16xi32>
    %shift_right_logical3A_215 = arith.shrui %get3A_212, %shift_right_logical3A_214 : vector<16xi32>
    %and3A_216 = arith.constant 127 : i32
    %and3A_217 = vector.broadcast %and3A_216 : i32 to vector<16xi32>
    %and3A_218 = arith.andi %get3A_212, %and3A_217 : vector<16xi32>
    tpu.vector_store_idx %arg17[%shift_right_logical3A_215, %and3A_218], %broadcast_in_dim3A_76 masked %eq3A_30 {add = true} : memref<80x128xf32, #tpu.memory_space<vmem>>[vector<16xi32>, vector<16xi32>], vector<16xf32>, vector<16xi1>
    tpu.vector_store_idx %arg17[%shift_right_logical3A_215, %and3A_218], %broadcast_in_dim3A_76 masked %eq3A_33 {add = true} : memref<80x128xf32, #tpu.memory_space<vmem>>[vector<16xi32>, vector<16xi32>], vector<16xf32>, vector<16xi1>
    tpu.vector_store_idx %arg17[%shift_right_logical3A_215, %and3A_218], %broadcast_in_dim3A_76 masked %eq3A_36 {add = true} : memref<80x128xf32, #tpu.memory_space<vmem>>[vector<16xi32>, vector<16xi32>], vector<16xf32>, vector<16xi1>
    tpu.vector_store_idx %arg17[%shift_right_logical3A_215, %and3A_218], %broadcast_in_dim3A_76 masked %eq3A_39 {add = true} : memref<80x128xf32, #tpu.memory_space<vmem>>[vector<16xi32>, vector<16xi32>], vector<16xf32>, vector<16xi1>
    tpu.vector_store_idx %arg17[%shift_right_logical3A_215, %and3A_218], %broadcast_in_dim3A_76 masked %eq3A_42 {add = true} : memref<80x128xf32, #tpu.memory_space<vmem>>[vector<16xi32>, vector<16xi32>], vector<16xf32>, vector<16xi1>
    tpu.vector_store_idx %arg17[%shift_right_logical3A_215, %and3A_218], %broadcast_in_dim3A_76 masked %eq3A_45 {add = true} : memref<80x128xf32, #tpu.memory_space<vmem>>[vector<16xi32>, vector<16xi32>], vector<16xf32>, vector<16xi1>
    tpu.vector_store_idx %arg17[%shift_right_logical3A_215, %and3A_218], %broadcast_in_dim3A_76 masked %eq3A_48 {add = true} : memref<80x128xf32, #tpu.memory_space<vmem>>[vector<16xi32>, vector<16xi32>], vector<16xf32>, vector<16xi1>
    tpu.vector_store_idx %arg17[%shift_right_logical3A_215, %and3A_218], %broadcast_in_dim3A_76 masked %eq3A_51 {add = true} : memref<80x128xf32, #tpu.memory_space<vmem>>[vector<16xi32>, vector<16xi32>], vector<16xf32>, vector<16xi1>
    tpu.vector_store_idx %arg17[%shift_right_logical3A_215, %and3A_218], %broadcast_in_dim3A_76 masked %eq3A_54 {add = true} : memref<80x128xf32, #tpu.memory_space<vmem>>[vector<16xi32>, vector<16xi32>], vector<16xf32>, vector<16xi1>
    tpu.vector_store_idx %arg17[%shift_right_logical3A_215, %and3A_218], %broadcast_in_dim3A_76 masked %eq3A_57 {add = true} : memref<80x128xf32, #tpu.memory_space<vmem>>[vector<16xi32>, vector<16xi32>], vector<16xf32>, vector<16xi1>
    tpu.vector_store_idx %arg17[%shift_right_logical3A_215, %and3A_218], %broadcast_in_dim3A_76 masked %eq3A_60 {add = true} : memref<80x128xf32, #tpu.memory_space<vmem>>[vector<16xi32>, vector<16xi32>], vector<16xf32>, vector<16xi1>
    tpu.vector_store_idx %arg17[%shift_right_logical3A_215, %and3A_218], %broadcast_in_dim3A_76 masked %eq3A_63 {add = true} : memref<80x128xf32, #tpu.memory_space<vmem>>[vector<16xi32>, vector<16xi32>], vector<16xf32>, vector<16xi1>
    tpu.vector_store_idx %arg17[%shift_right_logical3A_215, %and3A_218], %broadcast_in_dim3A_76 masked %eq3A_66 {add = true} : memref<80x128xf32, #tpu.memory_space<vmem>>[vector<16xi32>, vector<16xi32>], vector<16xf32>, vector<16xi1>
    tpu.vector_store_idx %arg17[%shift_right_logical3A_215, %and3A_218], %broadcast_in_dim3A_76 masked %eq3A_69 {add = true} : memref<80x128xf32, #tpu.memory_space<vmem>>[vector<16xi32>, vector<16xi32>], vector<16xf32>, vector<16xi1>
    tpu.vector_store_idx %arg17[%shift_right_logical3A_215, %and3A_218], %broadcast_in_dim3A_76 masked %eq3A_72 {add = true} : memref<80x128xf32, #tpu.memory_space<vmem>>[vector<16xi32>, vector<16xi32>], vector<16xf32>, vector<16xi1>
    tpu.vector_store_idx %arg17[%shift_right_logical3A_215, %and3A_218], %broadcast_in_dim3A_76 masked %eq3A_75 {add = true} : memref<80x128xf32, #tpu.memory_space<vmem>>[vector<16xi32>, vector<16xi32>], vector<16xf32>, vector<16xi1>
    %get3A_219 = arith.constant 48 : index
    %get3A_220 = tpu.vector_load %arg9[%get3A_219] {strides = array<i32>} : memref<128xi32, #tpu.memory_space<vmem>>, vector<16xi32>,
    %shift_right_logical3A_221 = arith.constant 7 : i32
    %shift_right_logical3A_222 = vector.broadcast %shift_right_logical3A_221 : i32 to vector<16xi32>
    %shift_right_logical3A_223 = arith.shrui %get3A_220, %shift_right_logical3A_222 : vector<16xi32>
    %and3A_224 = arith.constant 127 : i32
    %and3A_225 = vector.broadcast %and3A_224 : i32 to vector<16xi32>
    %and3A_226 = arith.andi %get3A_220, %and3A_225 : vector<16xi32>
    tpu.vector_store_idx %arg17[%shift_right_logical3A_223, %and3A_226], %broadcast_in_dim3A_76 masked %eq3A_30 {add = true} : memref<80x128xf32, #tpu.memory_space<vmem>>[vector<16xi32>, vector<16xi32>], vector<16xf32>, vector<16xi1>
    tpu.vector_store_idx %arg17[%shift_right_logical3A_223, %and3A_226], %broadcast_in_dim3A_76 masked %eq3A_33 {add = true} : memref<80x128xf32, #tpu.memory_space<vmem>>[vector<16xi32>, vector<16xi32>], vector<16xf32>, vector<16xi1>
    tpu.vector_store_idx %arg17[%shift_right_logical3A_223, %and3A_226], %broadcast_in_dim3A_76 masked %eq3A_36 {add = true} : memref<80x128xf32, #tpu.memory_space<vmem>>[vector<16xi32>, vector<16xi32>], vector<16xf32>, vector<16xi1>
    tpu.vector_store_idx %arg17[%shift_right_logical3A_223, %and3A_226], %broadcast_in_dim3A_76 masked %eq3A_39 {add = true} : memref<80x128xf32, #tpu.memory_space<vmem>>[vector<16xi32>, vector<16xi32>], vector<16xf32>, vector<16xi1>
    tpu.vector_store_idx %arg17[%shift_right_logical3A_223, %and3A_226], %broadcast_in_dim3A_76 masked %eq3A_42 {add = true} : memref<80x128xf32, #tpu.memory_space<vmem>>[vector<16xi32>, vector<16xi32>], vector<16xf32>, vector<16xi1>
    tpu.vector_store_idx %arg17[%shift_right_logical3A_223, %and3A_226], %broadcast_in_dim3A_76 masked %eq3A_45 {add = true} : memref<80x128xf32, #tpu.memory_space<vmem>>[vector<16xi32>, vector<16xi32>], vector<16xf32>, vector<16xi1>
    tpu.vector_store_idx %arg17[%shift_right_logical3A_223, %and3A_226], %broadcast_in_dim3A_76 masked %eq3A_48 {add = true} : memref<80x128xf32, #tpu.memory_space<vmem>>[vector<16xi32>, vector<16xi32>], vector<16xf32>, vector<16xi1>
    tpu.vector_store_idx %arg17[%shift_right_logical3A_223, %and3A_226], %broadcast_in_dim3A_76 masked %eq3A_51 {add = true} : memref<80x128xf32, #tpu.memory_space<vmem>>[vector<16xi32>, vector<16xi32>], vector<16xf32>, vector<16xi1>
    tpu.vector_store_idx %arg17[%shift_right_logical3A_223, %and3A_226], %broadcast_in_dim3A_76 masked %eq3A_54 {add = true} : memref<80x128xf32, #tpu.memory_space<vmem>>[vector<16xi32>, vector<16xi32>], vector<16xf32>, vector<16xi1>
    tpu.vector_store_idx %arg17[%shift_right_logical3A_223, %and3A_226], %broadcast_in_dim3A_76 masked %eq3A_57 {add = true} : memref<80x128xf32, #tpu.memory_space<vmem>>[vector<16xi32>, vector<16xi32>], vector<16xf32>, vector<16xi1>
    tpu.vector_store_idx %arg17[%shift_right_logical3A_223, %and3A_226], %broadcast_in_dim3A_76 masked %eq3A_60 {add = true} : memref<80x128xf32, #tpu.memory_space<vmem>>[vector<16xi32>, vector<16xi32>], vector<16xf32>, vector<16xi1>
    tpu.vector_store_idx %arg17[%shift_right_logical3A_223, %and3A_226], %broadcast_in_dim3A_76 masked %eq3A_63 {add = true} : memref<80x128xf32, #tpu.memory_space<vmem>>[vector<16xi32>, vector<16xi32>], vector<16xf32>, vector<16xi1>
    tpu.vector_store_idx %arg17[%shift_right_logical3A_223, %and3A_226], %broadcast_in_dim3A_76 masked %eq3A_66 {add = true} : memref<80x128xf32, #tpu.memory_space<vmem>>[vector<16xi32>, vector<16xi32>], vector<16xf32>, vector<16xi1>
    tpu.vector_store_idx %arg17[%shift_right_logical3A_223, %and3A_226], %broadcast_in_dim3A_76 masked %eq3A_69 {add = true} : memref<80x128xf32, #tpu.memory_space<vmem>>[vector<16xi32>, vector<16xi32>], vector<16xf32>, vector<16xi1>
    tpu.vector_store_idx %arg17[%shift_right_logical3A_223, %and3A_226], %broadcast_in_dim3A_76 masked %eq3A_72 {add = true} : memref<80x128xf32, #tpu.memory_space<vmem>>[vector<16xi32>, vector<16xi32>], vector<16xf32>, vector<16xi1>
    tpu.vector_store_idx %arg17[%shift_right_logical3A_223, %and3A_226], %broadcast_in_dim3A_76 masked %eq3A_75 {add = true} : memref<80x128xf32, #tpu.memory_space<vmem>>[vector<16xi32>, vector<16xi32>], vector<16xf32>, vector<16xi1>
    %get3A_227 = arith.constant 64 : index
    %get3A_228 = tpu.vector_load %arg9[%get3A_227] {strides = array<i32>} : memref<128xi32, #tpu.memory_space<vmem>>, vector<16xi32>,
    %shift_right_logical3A_229 = arith.constant 7 : i32
    %shift_right_logical3A_230 = vector.broadcast %shift_right_logical3A_229 : i32 to vector<16xi32>
    %shift_right_logical3A_231 = arith.shrui %get3A_228, %shift_right_logical3A_230 : vector<16xi32>
    %and3A_232 = arith.constant 127 : i32
    %and3A_233 = vector.broadcast %and3A_232 : i32 to vector<16xi32>
    %and3A_234 = arith.andi %get3A_228, %and3A_233 : vector<16xi32>
    tpu.vector_store_idx %arg17[%shift_right_logical3A_231, %and3A_234], %broadcast_in_dim3A_76 masked %eq3A_30 {add = true} : memref<80x128xf32, #tpu.memory_space<vmem>>[vector<16xi32>, vector<16xi32>], vector<16xf32>, vector<16xi1>
    tpu.vector_store_idx %arg17[%shift_right_logical3A_231, %and3A_234], %broadcast_in_dim3A_76 masked %eq3A_33 {add = true} : memref<80x128xf32, #tpu.memory_space<vmem>>[vector<16xi32>, vector<16xi32>], vector<16xf32>, vector<16xi1>
    tpu.vector_store_idx %arg17[%shift_right_logical3A_231, %and3A_234], %broadcast_in_dim3A_76 masked %eq3A_36 {add = true} : memref<80x128xf32, #tpu.memory_space<vmem>>[vector<16xi32>, vector<16xi32>], vector<16xf32>, vector<16xi1>
    tpu.vector_store_idx %arg17[%shift_right_logical3A_231, %and3A_234], %broadcast_in_dim3A_76 masked %eq3A_39 {add = true} : memref<80x128xf32, #tpu.memory_space<vmem>>[vector<16xi32>, vector<16xi32>], vector<16xf32>, vector<16xi1>
    tpu.vector_store_idx %arg17[%shift_right_logical3A_231, %and3A_234], %broadcast_in_dim3A_76 masked %eq3A_42 {add = true} : memref<80x128xf32, #tpu.memory_space<vmem>>[vector<16xi32>, vector<16xi32>], vector<16xf32>, vector<16xi1>
    tpu.vector_store_idx %arg17[%shift_right_logical3A_231, %and3A_234], %broadcast_in_dim3A_76 masked %eq3A_45 {add = true} : memref<80x128xf32, #tpu.memory_space<vmem>>[vector<16xi32>, vector<16xi32>], vector<16xf32>, vector<16xi1>
    tpu.vector_store_idx %arg17[%shift_right_logical3A_231, %and3A_234], %broadcast_in_dim3A_76 masked %eq3A_48 {add = true} : memref<80x128xf32, #tpu.memory_space<vmem>>[vector<16xi32>, vector<16xi32>], vector<16xf32>, vector<16xi1>
    tpu.vector_store_idx %arg17[%shift_right_logical3A_231, %and3A_234], %broadcast_in_dim3A_76 masked %eq3A_51 {add = true} : memref<80x128xf32, #tpu.memory_space<vmem>>[vector<16xi32>, vector<16xi32>], vector<16xf32>, vector<16xi1>
    tpu.vector_store_idx %arg17[%shift_right_logical3A_231, %and3A_234], %broadcast_in_dim3A_76 masked %eq3A_54 {add = true} : memref<80x128xf32, #tpu.memory_space<vmem>>[vector<16xi32>, vector<16xi32>], vector<16xf32>, vector<16xi1>
    tpu.vector_store_idx %arg17[%shift_right_logical3A_231, %and3A_234], %broadcast_in_dim3A_76 masked %eq3A_57 {add = true} : memref<80x128xf32, #tpu.memory_space<vmem>>[vector<16xi32>, vector<16xi32>], vector<16xf32>, vector<16xi1>
    tpu.vector_store_idx %arg17[%shift_right_logical3A_231, %and3A_234], %broadcast_in_dim3A_76 masked %eq3A_60 {add = true} : memref<80x128xf32, #tpu.memory_space<vmem>>[vector<16xi32>, vector<16xi32>], vector<16xf32>, vector<16xi1>
    tpu.vector_store_idx %arg17[%shift_right_logical3A_231, %and3A_234], %broadcast_in_dim3A_76 masked %eq3A_63 {add = true} : memref<80x128xf32, #tpu.memory_space<vmem>>[vector<16xi32>, vector<16xi32>], vector<16xf32>, vector<16xi1>
    tpu.vector_store_idx %arg17[%shift_right_logical3A_231, %and3A_234], %broadcast_in_dim3A_76 masked %eq3A_66 {add = true} : memref<80x128xf32, #tpu.memory_space<vmem>>[vector<16xi32>, vector<16xi32>], vector<16xf32>, vector<16xi1>
    tpu.vector_store_idx %arg17[%shift_right_logical3A_231, %and3A_234], %broadcast_in_dim3A_76 masked %eq3A_69 {add = true} : memref<80x128xf32, #tpu.memory_space<vmem>>[vector<16xi32>, vector<16xi32>], vector<16xf32>, vector<16xi1>
    tpu.vector_store_idx %arg17[%shift_right_logical3A_231, %and3A_234], %broadcast_in_dim3A_76 masked %eq3A_72 {add = true} : memref<80x128xf32, #tpu.memory_space<vmem>>[vector<16xi32>, vector<16xi32>], vector<16xf32>, vector<16xi1>
    tpu.vector_store_idx %arg17[%shift_right_logical3A_231, %and3A_234], %broadcast_in_dim3A_76 masked %eq3A_75 {add = true} : memref<80x128xf32, #tpu.memory_space<vmem>>[vector<16xi32>, vector<16xi32>], vector<16xf32>, vector<16xi1>
    %get3A_235 = arith.constant 80 : index
    %get3A_236 = tpu.vector_load %arg9[%get3A_235] {strides = array<i32>} : memref<128xi32, #tpu.memory_space<vmem>>, vector<16xi32>,
    %shift_right_logical3A_237 = arith.constant 7 : i32
    %shift_right_logical3A_238 = vector.broadcast %shift_right_logical3A_237 : i32 to vector<16xi32>
    %shift_right_logical3A_239 = arith.shrui %get3A_236, %shift_right_logical3A_238 : vector<16xi32>
    %and3A_240 = arith.constant 127 : i32
    %and3A_241 = vector.broadcast %and3A_240 : i32 to vector<16xi32>
    %and3A_242 = arith.andi %get3A_236, %and3A_241 : vector<16xi32>
    tpu.vector_store_idx %arg17[%shift_right_logical3A_239, %and3A_242], %broadcast_in_dim3A_76 masked %eq3A_30 {add = true} : memref<80x128xf32, #tpu.memory_space<vmem>>[vector<16xi32>, vector<16xi32>], vector<16xf32>, vector<16xi1>
    tpu.vector_store_idx %arg17[%shift_right_logical3A_239, %and3A_242], %broadcast_in_dim3A_76 masked %eq3A_33 {add = true} : memref<80x128xf32, #tpu.memory_space<vmem>>[vector<16xi32>, vector<16xi32>], vector<16xf32>, vector<16xi1>
    tpu.vector_store_idx %arg17[%shift_right_logical3A_239, %and3A_242], %broadcast_in_dim3A_76 masked %eq3A_36 {add = true} : memref<80x128xf32, #tpu.memory_space<vmem>>[vector<16xi32>, vector<16xi32>], vector<16xf32>, vector<16xi1>
    tpu.vector_store_idx %arg17[%shift_right_logical3A_239, %and3A_242], %broadcast_in_dim3A_76 masked %eq3A_39 {add = true} : memref<80x128xf32, #tpu.memory_space<vmem>>[vector<16xi32>, vector<16xi32>], vector<16xf32>, vector<16xi1>
    tpu.vector_store_idx %arg17[%shift_right_logical3A_239, %and3A_242], %broadcast_in_dim3A_76 masked %eq3A_42 {add = true} : memref<80x128xf32, #tpu.memory_space<vmem>>[vector<16xi32>, vector<16xi32>], vector<16xf32>, vector<16xi1>
    tpu.vector_store_idx %arg17[%shift_right_logical3A_239, %and3A_242], %broadcast_in_dim3A_76 masked %eq3A_45 {add = true} : memref<80x128xf32, #tpu.memory_space<vmem>>[vector<16xi32>, vector<16xi32>], vector<16xf32>, vector<16xi1>
    tpu.vector_store_idx %arg17[%shift_right_logical3A_239, %and3A_242], %broadcast_in_dim3A_76 masked %eq3A_48 {add = true} : memref<80x128xf32, #tpu.memory_space<vmem>>[vector<16xi32>, vector<16xi32>], vector<16xf32>, vector<16xi1>
    tpu.vector_store_idx %arg17[%shift_right_logical3A_239, %and3A_242], %broadcast_in_dim3A_76 masked %eq3A_51 {add = true} : memref<80x128xf32, #tpu.memory_space<vmem>>[vector<16xi32>, vector<16xi32>], vector<16xf32>, vector<16xi1>
    tpu.vector_store_idx %arg17[%shift_right_logical3A_239, %and3A_242], %broadcast_in_dim3A_76 masked %eq3A_54 {add = true} : memref<80x128xf32, #tpu.memory_space<vmem>>[vector<16xi32>, vector<16xi32>], vector<16xf32>, vector<16xi1>
    tpu.vector_store_idx %arg17[%shift_right_logical3A_239, %and3A_242], %broadcast_in_dim3A_76 masked %eq3A_57 {add = true} : memref<80x128xf32, #tpu.memory_space<vmem>>[vector<16xi32>, vector<16xi32>], vector<16xf32>, vector<16xi1>
    tpu.vector_store_idx %arg17[%shift_right_logical3A_239, %and3A_242], %broadcast_in_dim3A_76 masked %eq3A_60 {add = true} : memref<80x128xf32, #tpu.memory_space<vmem>>[vector<16xi32>, vector<16xi32>], vector<16xf32>, vector<16xi1>
    tpu.vector_store_idx %arg17[%shift_right_logical3A_239, %and3A_242], %broadcast_in_dim3A_76 masked %eq3A_63 {add = true} : memref<80x128xf32, #tpu.memory_space<vmem>>[vector<16xi32>, vector<16xi32>], vector<16xf32>, vector<16xi1>
    tpu.vector_store_idx %arg17[%shift_right_logical3A_239, %and3A_242], %broadcast_in_dim3A_76 masked %eq3A_66 {add = true} : memref<80x128xf32, #tpu.memory_space<vmem>>[vector<16xi32>, vector<16xi32>], vector<16xf32>, vector<16xi1>
    tpu.vector_store_idx %arg17[%shift_right_logical3A_239, %and3A_242], %broadcast_in_dim3A_76 masked %eq3A_69 {add = true} : memref<80x128xf32, #tpu.memory_space<vmem>>[vector<16xi32>, vector<16xi32>], vector<16xf32>, vector<16xi1>
    tpu.vector_store_idx %arg17[%shift_right_logical3A_239, %and3A_242], %broadcast_in_dim3A_76 masked %eq3A_72 {add = true} : memref<80x128xf32, #tpu.memory_space<vmem>>[vector<16xi32>, vector<16xi32>], vector<16xf32>, vector<16xi1>
    tpu.vector_store_idx %arg17[%shift_right_logical3A_239, %and3A_242], %broadcast_in_dim3A_76 masked %eq3A_75 {add = true} : memref<80x128xf32, #tpu.memory_space<vmem>>[vector<16xi32>, vector<16xi32>], vector<16xf32>, vector<16xi1>
    %get3A_243 = arith.constant 96 : index
    %get3A_244 = tpu.vector_load %arg9[%get3A_243] {strides = array<i32>} : memref<128xi32, #tpu.memory_space<vmem>>, vector<16xi32>,
    %shift_right_logical3A_245 = arith.constant 7 : i32
    %shift_right_logical3A_246 = vector.broadcast %shift_right_logical3A_245 : i32 to vector<16xi32>
    %shift_right_logical3A_247 = arith.shrui %get3A_244, %shift_right_logical3A_246 : vector<16xi32>
    %and3A_248 = arith.constant 127 : i32
    %and3A_249 = vector.broadcast %and3A_248 : i32 to vector<16xi32>
    %and3A_250 = arith.andi %get3A_244, %and3A_249 : vector<16xi32>
    tpu.vector_store_idx %arg17[%shift_right_logical3A_247, %and3A_250], %broadcast_in_dim3A_76 masked %eq3A_30 {add = true} : memref<80x128xf32, #tpu.memory_space<vmem>>[vector<16xi32>, vector<16xi32>], vector<16xf32>, vector<16xi1>
    tpu.vector_store_idx %arg17[%shift_right_logical3A_247, %and3A_250], %broadcast_in_dim3A_76 masked %eq3A_33 {add = true} : memref<80x128xf32, #tpu.memory_space<vmem>>[vector<16xi32>, vector<16xi32>], vector<16xf32>, vector<16xi1>
    tpu.vector_store_idx %arg17[%shift_right_logical3A_247, %and3A_250], %broadcast_in_dim3A_76 masked %eq3A_36 {add = true} : memref<80x128xf32, #tpu.memory_space<vmem>>[vector<16xi32>, vector<16xi32>], vector<16xf32>, vector<16xi1>
    tpu.vector_store_idx %arg17[%shift_right_logical3A_247, %and3A_250], %broadcast_in_dim3A_76 masked %eq3A_39 {add = true} : memref<80x128xf32, #tpu.memory_space<vmem>>[vector<16xi32>, vector<16xi32>], vector<16xf32>, vector<16xi1>
    tpu.vector_store_idx %arg17[%shift_right_logical3A_247, %and3A_250], %broadcast_in_dim3A_76 masked %eq3A_42 {add = true} : memref<80x128xf32, #tpu.memory_space<vmem>>[vector<16xi32>, vector<16xi32>], vector<16xf32>, vector<16xi1>
    tpu.vector_store_idx %arg17[%shift_right_logical3A_247, %and3A_250], %broadcast_in_dim3A_76 masked %eq3A_45 {add = true} : memref<80x128xf32, #tpu.memory_space<vmem>>[vector<16xi32>, vector<16xi32>], vector<16xf32>, vector<16xi1>
    tpu.vector_store_idx %arg17[%shift_right_logical3A_247, %and3A_250], %broadcast_in_dim3A_76 masked %eq3A_48 {add = true} : memref<80x128xf32, #tpu.memory_space<vmem>>[vector<16xi32>, vector<16xi32>], vector<16xf32>, vector<16xi1>
    tpu.vector_store_idx %arg17[%shift_right_logical3A_247, %and3A_250], %broadcast_in_dim3A_76 masked %eq3A_51 {add = true} : memref<80x128xf32, #tpu.memory_space<vmem>>[vector<16xi32>, vector<16xi32>], vector<16xf32>, vector<16xi1>
    tpu.vector_store_idx %arg17[%shift_right_logical3A_247, %and3A_250], %broadcast_in_dim3A_76 masked %eq3A_54 {add = true} : memref<80x128xf32, #tpu.memory_space<vmem>>[vector<16xi32>, vector<16xi32>], vector<16xf32>, vector<16xi1>
    tpu.vector_store_idx %arg17[%shift_right_logical3A_247, %and3A_250], %broadcast_in_dim3A_76 masked %eq3A_57 {add = true} : memref<80x128xf32, #tpu.memory_space<vmem>>[vector<16xi32>, vector<16xi32>], vector<16xf32>, vector<16xi1>
    tpu.vector_store_idx %arg17[%shift_right_logical3A_247, %and3A_250], %broadcast_in_dim3A_76 masked %eq3A_60 {add = true} : memref<80x128xf32, #tpu.memory_space<vmem>>[vector<16xi32>, vector<16xi32>], vector<16xf32>, vector<16xi1>
    tpu.vector_store_idx %arg17[%shift_right_logical3A_247, %and3A_250], %broadcast_in_dim3A_76 masked %eq3A_63 {add = true} : memref<80x128xf32, #tpu.memory_space<vmem>>[vector<16xi32>, vector<16xi32>], vector<16xf32>, vector<16xi1>
    tpu.vector_store_idx %arg17[%shift_right_logical3A_247, %and3A_250], %broadcast_in_dim3A_76 masked %eq3A_66 {add = true} : memref<80x128xf32, #tpu.memory_space<vmem>>[vector<16xi32>, vector<16xi32>], vector<16xf32>, vector<16xi1>
    tpu.vector_store_idx %arg17[%shift_right_logical3A_247, %and3A_250], %broadcast_in_dim3A_76 masked %eq3A_69 {add = true} : memref<80x128xf32, #tpu.memory_space<vmem>>[vector<16xi32>, vector<16xi32>], vector<16xf32>, vector<16xi1>
    tpu.vector_store_idx %arg17[%shift_right_logical3A_247, %and3A_250], %broadcast_in_dim3A_76 masked %eq3A_72 {add = true} : memref<80x128xf32, #tpu.memory_space<vmem>>[vector<16xi32>, vector<16xi32>], vector<16xf32>, vector<16xi1>
    tpu.vector_store_idx %arg17[%shift_right_logical3A_247, %and3A_250], %broadcast_in_dim3A_76 masked %eq3A_75 {add = true} : memref<80x128xf32, #tpu.memory_space<vmem>>[vector<16xi32>, vector<16xi32>], vector<16xf32>, vector<16xi1>
    %get3A_251 = arith.constant 112 : index
    %get3A_252 = tpu.vector_load %arg9[%get3A_251] {strides = array<i32>} : memref<128xi32, #tpu.memory_space<vmem>>, vector<16xi32>,
    %shift_right_logical3A_253 = arith.constant 7 : i32
    %shift_right_logical3A_254 = vector.broadcast %shift_right_logical3A_253 : i32 to vector<16xi32>
    %shift_right_logical3A_255 = arith.shrui %get3A_252, %shift_right_logical3A_254 : vector<16xi32>
    %and3A_256 = arith.constant 127 : i32
    %and3A_257 = vector.broadcast %and3A_256 : i32 to vector<16xi32>
    %and3A_258 = arith.andi %get3A_252, %and3A_257 : vector<16xi32>
    tpu.vector_store_idx %arg17[%shift_right_logical3A_255, %and3A_258], %broadcast_in_dim3A_76 masked %eq3A_30 {add = true} : memref<80x128xf32, #tpu.memory_space<vmem>>[vector<16xi32>, vector<16xi32>], vector<16xf32>, vector<16xi1>
    tpu.vector_store_idx %arg17[%shift_right_logical3A_255, %and3A_258], %broadcast_in_dim3A_76 masked %eq3A_33 {add = true} : memref<80x128xf32, #tpu.memory_space<vmem>>[vector<16xi32>, vector<16xi32>], vector<16xf32>, vector<16xi1>
    tpu.vector_store_idx %arg17[%shift_right_logical3A_255, %and3A_258], %broadcast_in_dim3A_76 masked %eq3A_36 {add = true} : memref<80x128xf32, #tpu.memory_space<vmem>>[vector<16xi32>, vector<16xi32>], vector<16xf32>, vector<16xi1>
    tpu.vector_store_idx %arg17[%shift_right_logical3A_255, %and3A_258], %broadcast_in_dim3A_76 masked %eq3A_39 {add = true} : memref<80x128xf32, #tpu.memory_space<vmem>>[vector<16xi32>, vector<16xi32>], vector<16xf32>, vector<16xi1>
    tpu.vector_store_idx %arg17[%shift_right_logical3A_255, %and3A_258], %broadcast_in_dim3A_76 masked %eq3A_42 {add = true} : memref<80x128xf32, #tpu.memory_space<vmem>>[vector<16xi32>, vector<16xi32>], vector<16xf32>, vector<16xi1>
    tpu.vector_store_idx %arg17[%shift_right_logical3A_255, %and3A_258], %broadcast_in_dim3A_76 masked %eq3A_45 {add = true} : memref<80x128xf32, #tpu.memory_space<vmem>>[vector<16xi32>, vector<16xi32>], vector<16xf32>, vector<16xi1>
    tpu.vector_store_idx %arg17[%shift_right_logical3A_255, %and3A_258], %broadcast_in_dim3A_76 masked %eq3A_48 {add = true} : memref<80x128xf32, #tpu.memory_space<vmem>>[vector<16xi32>, vector<16xi32>], vector<16xf32>, vector<16xi1>
    tpu.vector_store_idx %arg17[%shift_right_logical3A_255, %and3A_258], %broadcast_in_dim3A_76 masked %eq3A_51 {add = true} : memref<80x128xf32, #tpu.memory_space<vmem>>[vector<16xi32>, vector<16xi32>], vector<16xf32>, vector<16xi1>
    tpu.vector_store_idx %arg17[%shift_right_logical3A_255, %and3A_258], %broadcast_in_dim3A_76 masked %eq3A_54 {add = true} : memref<80x128xf32, #tpu.memory_space<vmem>>[vector<16xi32>, vector<16xi32>], vector<16xf32>, vector<16xi1>
    tpu.vector_store_idx %arg17[%shift_right_logical3A_255, %and3A_258], %broadcast_in_dim3A_76 masked %eq3A_57 {add = true} : memref<80x128xf32, #tpu.memory_space<vmem>>[vector<16xi32>, vector<16xi32>], vector<16xf32>, vector<16xi1>
    tpu.vector_store_idx %arg17[%shift_right_logical3A_255, %and3A_258], %broadcast_in_dim3A_76 masked %eq3A_60 {add = true} : memref<80x128xf32, #tpu.memory_space<vmem>>[vector<16xi32>, vector<16xi32>], vector<16xf32>, vector<16xi1>
    tpu.vector_store_idx %arg17[%shift_right_logical3A_255, %and3A_258], %broadcast_in_dim3A_76 masked %eq3A_63 {add = true} : memref<80x128xf32, #tpu.memory_space<vmem>>[vector<16xi32>, vector<16xi32>], vector<16xf32>, vector<16xi1>
    tpu.vector_store_idx %arg17[%shift_right_logical3A_255, %and3A_258], %broadcast_in_dim3A_76 masked %eq3A_66 {add = true} : memref<80x128xf32, #tpu.memory_space<vmem>>[vector<16xi32>, vector<16xi32>], vector<16xf32>, vector<16xi1>
    tpu.vector_store_idx %arg17[%shift_right_logical3A_255, %and3A_258], %broadcast_in_dim3A_76 masked %eq3A_69 {add = true} : memref<80x128xf32, #tpu.memory_space<vmem>>[vector<16xi32>, vector<16xi32>], vector<16xf32>, vector<16xi1>
    tpu.vector_store_idx %arg17[%shift_right_logical3A_255, %and3A_258], %broadcast_in_dim3A_76 masked %eq3A_72 {add = true} : memref<80x128xf32, #tpu.memory_space<vmem>>[vector<16xi32>, vector<16xi32>], vector<16xf32>, vector<16xi1>
    tpu.vector_store_idx %arg17[%shift_right_logical3A_255, %and3A_258], %broadcast_in_dim3A_76 masked %eq3A_75 {add = true} : memref<80x128xf32, #tpu.memory_space<vmem>>[vector<16xi32>, vector<16xi32>], vector<16xf32>, vector<16xi1>
    %scan3A = arith.constant 0 : i32
    %scan3A_259 = arith.constant 0 : i32
    %scan3A_260 = arith.constant 19 : i32
    %scan3A_261 = arith.addi %scan3A_259, %scan3A_260 : i32
    %scan3A_262 = arith.constant 1 : i32
    scf.for %scan3A_457 = %scan3A_259 to %scan3A_261 step %scan3A_262  : i32 {
      %mul3A_458 = arith.constant 4 : i32
      %mul3A_459 = arith.muli %mul3A_458, %scan3A_457 : i32
      %add3A_460 = arith.constant 4 : i32
      %add3A_461 = arith.addi %mul3A_459, %add3A_460 : i32
      %add3A_462 = arith.constant 2 : i32
      %add3A_463 = arith.addi %mul3A_459, %add3A_462 : i32
      %dma_wait3A_464 = arith.constant 0 : i32
      %dma_wait3A_465 = arith.constant 0 : i32
      %dma_wait3A_466 = tpu.memref_slice %arg2[%dma_wait3A_464, %dma_wait3A_465] : memref<10000x128xf32, #tpu.memory_space<hbm>> -> memref<10000x128xf32, #tpu.memory_space<hbm>>
      tpu.wait_indirect_dma semaphore(%arg20 : memref<!tpu.dma_semaphore, #tpu.memory_space<semaphore_mem>>) src(%dma_wait3A_466 : memref<10000x128xf32, #tpu.memory_space<hbm>>) dst(%arg15 : memref<128x128xf32, #tpu.memory_space<vmem>>)
      %dma_start3A_467 = arith.constant 0 : i32
      %dma_start3A_468 = arith.constant 0 : i32
      %dma_start3A_469 = tpu.memref_slice %arg19[%dma_start3A_467, %dma_start3A_468] : memref<10240x128xf32, #tpu.memory_space<vmem_shared>> -> memref<10240x128xf32, #tpu.memory_space<vmem_shared>>
      tpu.enqueue_indirect_dma source(%arg15 : memref<128x128xf32, #tpu.memory_space<vmem>>) target(%dma_start3A_469 : memref<10240x128xf32, #tpu.memory_space<vmem_shared>>) offsets(%arg7 : memref<128xi32, #tpu.memory_space<vmem>>) semaphore(%arg22 : memref<!tpu.dma_semaphore, #tpu.memory_space<semaphore_mem>>) {add = true}
      %dma_wait3A_470 = arith.constant 0 : i32
      %dma_wait3A_471 = arith.constant 0 : i32
      %dma_wait3A_472 = tpu.memref_slice %arg19[%dma_wait3A_470, %dma_wait3A_471] : memref<10240x128xf32, #tpu.memory_space<vmem_shared>> -> memref<10240x128xf32, #tpu.memory_space<vmem_shared>>
      tpu.wait_indirect_dma semaphore(%arg22 : memref<!tpu.dma_semaphore, #tpu.memory_space<semaphore_mem>>) src(%arg15 : memref<128x128xf32, #tpu.memory_space<vmem>>) dst(%dma_wait3A_472 : memref<10240x128xf32, #tpu.memory_space<vmem_shared>>)
      %add3A_473 = arith.addi %mul3A_28, %add3A_461 : i32
      %mul3A_474 = arith.constant 128 : i32
      %mul3A_475 = arith.muli %add3A_473, %mul3A_474 : i32
      %multiple_of3A_476 = tpu.assume_multiple %mul3A_475, 8 : i32
      %dma_start3A_477 = tpu.memref_slice %arg3[%multiple_of3A_476] : memref<327680xi32, #tpu.memory_space<hbm>> -> memref<128xi32, #tpu.memory_space<hbm>>
      %dma_start3A_478 = tpu.memref_slice %arg3[%multiple_of3A_476] : memref<327680xi32, #tpu.memory_space<hbm>> -> memref<128xi32, #tpu.memory_space<hbm>>
      tpu.enqueue_dma source(%dma_start3A_478 : memref<128xi32, #tpu.memory_space<hbm>>) target(%arg7 : memref<128xi32, #tpu.memory_space<vmem>>) target_semaphore(%arg24 : memref<!tpu.dma_semaphore, #tpu.memory_space<semaphore_mem>>)
      %dma_start3A_479 = tpu.memref_slice %arg4[%multiple_of3A_476] : memref<327680xi32, #tpu.memory_space<hbm>> -> memref<128xi32, #tpu.memory_space<hbm>>
      %dma_start3A_480 = tpu.memref_slice %arg4[%multiple_of3A_476] : memref<327680xi32, #tpu.memory_space<hbm>> -> memref<128xi32, #tpu.memory_space<hbm>>
      tpu.enqueue_dma source(%dma_start3A_480 : memref<128xi32, #tpu.memory_space<hbm>>) target(%arg8 : memref<128xi32, #tpu.memory_space<vmem>>) target_semaphore(%arg24 : memref<!tpu.dma_semaphore, #tpu.memory_space<semaphore_mem>>)
      %add3A_481 = arith.addi %mul3A_28, %add3A_463 : i32
      %mul3A_482 = arith.constant 128 : i32
      %mul3A_483 = arith.muli %add3A_481, %mul3A_482 : i32
      %multiple_of3A_484 = tpu.assume_multiple %mul3A_483, 8 : i32
      %dma_wait3A_485 = tpu.memref_slice %arg3[%multiple_of3A_484] : memref<327680xi32, #tpu.memory_space<hbm>> -> memref<128xi32, #tpu.memory_space<hbm>>
      %dma_wait3A_486 = tpu.memref_slice %arg3[%multiple_of3A_484] : memref<327680xi32, #tpu.memory_space<hbm>> -> memref<128xi32, #tpu.memory_space<hbm>>
      tpu.wait_dma2 semaphore(%arg26 : memref<!tpu.dma_semaphore, #tpu.memory_space<semaphore_mem>>) src(%dma_wait3A_486 : memref<128xi32, #tpu.memory_space<hbm>>) dst(%arg11 : memref<128xi32, #tpu.memory_space<vmem>>)
      %dma_wait3A_487 = tpu.memref_slice %arg4[%multiple_of3A_484] : memref<327680xi32, #tpu.memory_space<hbm>> -> memref<128xi32, #tpu.memory_space<hbm>>
      %dma_wait3A_488 = tpu.memref_slice %arg4[%multiple_of3A_484] : memref<327680xi32, #tpu.memory_space<hbm>> -> memref<128xi32, #tpu.memory_space<hbm>>
      tpu.wait_dma2 semaphore(%arg26 : memref<!tpu.dma_semaphore, #tpu.memory_space<semaphore_mem>>) src(%dma_wait3A_488 : memref<128xi32, #tpu.memory_space<hbm>>) dst(%arg12 : memref<128xi32, #tpu.memory_space<vmem>>)
      %dma_start3A_489 = arith.constant 0 : i32
      %dma_start3A_490 = arith.constant 0 : i32
      %dma_start3A_491 = tpu.memref_slice %arg2[%dma_start3A_489, %dma_start3A_490] : memref<10000x128xf32, #tpu.memory_space<hbm>> -> memref<10000x128xf32, #tpu.memory_space<hbm>>
      tpu.enqueue_indirect_dma source(%dma_start3A_491 : memref<10000x128xf32, #tpu.memory_space<hbm>>) target(%arg15 : memref<128x128xf32, #tpu.memory_space<vmem>>) offsets(%arg12 : memref<128xi32, #tpu.memory_space<vmem>>) semaphore(%arg20 : memref<!tpu.dma_semaphore, #tpu.memory_space<semaphore_mem>>)
      %get3A_492 = arith.constant 0 : index
      %get3A_493 = tpu.vector_load %arg11[%get3A_492] {strides = array<i32>} : memref<128xi32, #tpu.memory_space<vmem>>, vector<16xi32>,
      %shift_right_logical3A_494 = arith.constant 7 : i32
      %shift_right_logical3A_495 = vector.broadcast %shift_right_logical3A_494 : i32 to vector<16xi32>
      %shift_right_logical3A_496 = arith.shrui %get3A_493, %shift_right_logical3A_495 : vector<16xi32>
      %and3A_497 = arith.constant 127 : i32
      %and3A_498 = vector.broadcast %and3A_497 : i32 to vector<16xi32>
      %and3A_499 = arith.andi %get3A_493, %and3A_498 : vector<16xi32>
      tpu.vector_store_idx %arg17[%shift_right_logical3A_496, %and3A_499], %broadcast_in_dim3A_76 masked %eq3A_30 {add = true} : memref<80x128xf32, #tpu.memory_space<vmem>>[vector<16xi32>, vector<16xi32>], vector<16xf32>, vector<16xi1>
      tpu.vector_store_idx %arg17[%shift_right_logical3A_496, %and3A_499], %broadcast_in_dim3A_76 masked %eq3A_33 {add = true} : memref<80x128xf32, #tpu.memory_space<vmem>>[vector<16xi32>, vector<16xi32>], vector<16xf32>, vector<16xi1>
      tpu.vector_store_idx %arg17[%shift_right_logical3A_496, %and3A_499], %broadcast_in_dim3A_76 masked %eq3A_36 {add = true} : memref<80x128xf32, #tpu.memory_space<vmem>>[vector<16xi32>, vector<16xi32>], vector<16xf32>, vector<16xi1>
      tpu.vector_store_idx %arg17[%shift_right_logical3A_496, %and3A_499], %broadcast_in_dim3A_76 masked %eq3A_39 {add = true} : memref<80x128xf32, #tpu.memory_space<vmem>>[vector<16xi32>, vector<16xi32>], vector<16xf32>, vector<16xi1>
      tpu.vector_store_idx %arg17[%shift_right_logical3A_496, %and3A_499], %broadcast_in_dim3A_76 masked %eq3A_42 {add = true} : memref<80x128xf32, #tpu.memory_space<vmem>>[vector<16xi32>, vector<16xi32>], vector<16xf32>, vector<16xi1>
      tpu.vector_store_idx %arg17[%shift_right_logical3A_496, %and3A_499], %broadcast_in_dim3A_76 masked %eq3A_45 {add = true} : memref<80x128xf32, #tpu.memory_space<vmem>>[vector<16xi32>, vector<16xi32>], vector<16xf32>, vector<16xi1>
      tpu.vector_store_idx %arg17[%shift_right_logical3A_496, %and3A_499], %broadcast_in_dim3A_76 masked %eq3A_48 {add = true} : memref<80x128xf32, #tpu.memory_space<vmem>>[vector<16xi32>, vector<16xi32>], vector<16xf32>, vector<16xi1>
      tpu.vector_store_idx %arg17[%shift_right_logical3A_496, %and3A_499], %broadcast_in_dim3A_76 masked %eq3A_51 {add = true} : memref<80x128xf32, #tpu.memory_space<vmem>>[vector<16xi32>, vector<16xi32>], vector<16xf32>, vector<16xi1>
      tpu.vector_store_idx %arg17[%shift_right_logical3A_496, %and3A_499], %broadcast_in_dim3A_76 masked %eq3A_54 {add = true} : memref<80x128xf32, #tpu.memory_space<vmem>>[vector<16xi32>, vector<16xi32>], vector<16xf32>, vector<16xi1>
      tpu.vector_store_idx %arg17[%shift_right_logical3A_496, %and3A_499], %broadcast_in_dim3A_76 masked %eq3A_57 {add = true} : memref<80x128xf32, #tpu.memory_space<vmem>>[vector<16xi32>, vector<16xi32>], vector<16xf32>, vector<16xi1>
      tpu.vector_store_idx %arg17[%shift_right_logical3A_496, %and3A_499], %broadcast_in_dim3A_76 masked %eq3A_60 {add = true} : memref<80x128xf32, #tpu.memory_space<vmem>>[vector<16xi32>, vector<16xi32>], vector<16xf32>, vector<16xi1>
      tpu.vector_store_idx %arg17[%shift_right_logical3A_496, %and3A_499], %broadcast_in_dim3A_76 masked %eq3A_63 {add = true} : memref<80x128xf32, #tpu.memory_space<vmem>>[vector<16xi32>, vector<16xi32>], vector<16xf32>, vector<16xi1>
      tpu.vector_store_idx %arg17[%shift_right_logical3A_496, %and3A_499], %broadcast_in_dim3A_76 masked %eq3A_66 {add = true} : memref<80x128xf32, #tpu.memory_space<vmem>>[vector<16xi32>, vector<16xi32>], vector<16xf32>, vector<16xi1>
      tpu.vector_store_idx %arg17[%shift_right_logical3A_496, %and3A_499], %broadcast_in_dim3A_76 masked %eq3A_69 {add = true} : memref<80x128xf32, #tpu.memory_space<vmem>>[vector<16xi32>, vector<16xi32>], vector<16xf32>, vector<16xi1>
      tpu.vector_store_idx %arg17[%shift_right_logical3A_496, %and3A_499], %broadcast_in_dim3A_76 masked %eq3A_72 {add = true} : memref<80x128xf32, #tpu.memory_space<vmem>>[vector<16xi32>, vector<16xi32>], vector<16xf32>, vector<16xi1>
      tpu.vector_store_idx %arg17[%shift_right_logical3A_496, %and3A_499], %broadcast_in_dim3A_76 masked %eq3A_75 {add = true} : memref<80x128xf32, #tpu.memory_space<vmem>>[vector<16xi32>, vector<16xi32>], vector<16xf32>, vector<16xi1>
      %get3A_500 = arith.constant 16 : index
      %get3A_501 = tpu.vector_load %arg11[%get3A_500] {strides = array<i32>} : memref<128xi32, #tpu.memory_space<vmem>>, vector<16xi32>,
      %shift_right_logical3A_502 = arith.constant 7 : i32
      %shift_right_logical3A_503 = vector.broadcast %shift_right_logical3A_502 : i32 to vector<16xi32>
      %shift_right_logical3A_504 = arith.shrui %get3A_501, %shift_right_logical3A_503 : vector<16xi32>
      %and3A_505 = arith.constant 127 : i32
      %and3A_506 = vector.broadcast %and3A_505 : i32 to vector<16xi32>
      %and3A_507 = arith.andi %get3A_501, %and3A_506 : vector<16xi32>
      tpu.vector_store_idx %arg17[%shift_right_logical3A_504, %and3A_507], %broadcast_in_dim3A_76 masked %eq3A_30 {add = true} : memref<80x128xf32, #tpu.memory_space<vmem>>[vector<16xi32>, vector<16xi32>], vector<16xf32>, vector<16xi1>
      tpu.vector_store_idx %arg17[%shift_right_logical3A_504, %and3A_507], %broadcast_in_dim3A_76 masked %eq3A_33 {add = true} : memref<80x128xf32, #tpu.memory_space<vmem>>[vector<16xi32>, vector<16xi32>], vector<16xf32>, vector<16xi1>
      tpu.vector_store_idx %arg17[%shift_right_logical3A_504, %and3A_507], %broadcast_in_dim3A_76 masked %eq3A_36 {add = true} : memref<80x128xf32, #tpu.memory_space<vmem>>[vector<16xi32>, vector<16xi32>], vector<16xf32>, vector<16xi1>
      tpu.vector_store_idx %arg17[%shift_right_logical3A_504, %and3A_507], %broadcast_in_dim3A_76 masked %eq3A_39 {add = true} : memref<80x128xf32, #tpu.memory_space<vmem>>[vector<16xi32>, vector<16xi32>], vector<16xf32>, vector<16xi1>
      tpu.vector_store_idx %arg17[%shift_right_logical3A_504, %and3A_507], %broadcast_in_dim3A_76 masked %eq3A_42 {add = true} : memref<80x128xf32, #tpu.memory_space<vmem>>[vector<16xi32>, vector<16xi32>], vector<16xf32>, vector<16xi1>
      tpu.vector_store_idx %arg17[%shift_right_logical3A_504, %and3A_507], %broadcast_in_dim3A_76 masked %eq3A_45 {add = true} : memref<80x128xf32, #tpu.memory_space<vmem>>[vector<16xi32>, vector<16xi32>], vector<16xf32>, vector<16xi1>
      tpu.vector_store_idx %arg17[%shift_right_logical3A_504, %and3A_507], %broadcast_in_dim3A_76 masked %eq3A_48 {add = true} : memref<80x128xf32, #tpu.memory_space<vmem>>[vector<16xi32>, vector<16xi32>], vector<16xf32>, vector<16xi1>
      tpu.vector_store_idx %arg17[%shift_right_logical3A_504, %and3A_507], %broadcast_in_dim3A_76 masked %eq3A_51 {add = true} : memref<80x128xf32, #tpu.memory_space<vmem>>[vector<16xi32>, vector<16xi32>], vector<16xf32>, vector<16xi1>
      tpu.vector_store_idx %arg17[%shift_right_logical3A_504, %and3A_507], %broadcast_in_dim3A_76 masked %eq3A_54 {add = true} : memref<80x128xf32, #tpu.memory_space<vmem>>[vector<16xi32>, vector<16xi32>], vector<16xf32>, vector<16xi1>
      tpu.vector_store_idx %arg17[%shift_right_logical3A_504, %and3A_507], %broadcast_in_dim3A_76 masked %eq3A_57 {add = true} : memref<80x128xf32, #tpu.memory_space<vmem>>[vector<16xi32>, vector<16xi32>], vector<16xf32>, vector<16xi1>
      tpu.vector_store_idx %arg17[%shift_right_logical3A_504, %and3A_507], %broadcast_in_dim3A_76 masked %eq3A_60 {add = true} : memref<80x128xf32, #tpu.memory_space<vmem>>[vector<16xi32>, vector<16xi32>], vector<16xf32>, vector<16xi1>
      tpu.vector_store_idx %arg17[%shift_right_logical3A_504, %and3A_507], %broadcast_in_dim3A_76 masked %eq3A_63 {add = true} : memref<80x128xf32, #tpu.memory_space<vmem>>[vector<16xi32>, vector<16xi32>], vector<16xf32>, vector<16xi1>
      tpu.vector_store_idx %arg17[%shift_right_logical3A_504, %and3A_507], %broadcast_in_dim3A_76 masked %eq3A_66 {add = true} : memref<80x128xf32, #tpu.memory_space<vmem>>[vector<16xi32>, vector<16xi32>], vector<16xf32>, vector<16xi1>
      tpu.vector_store_idx %arg17[%shift_right_logical3A_504, %and3A_507], %broadcast_in_dim3A_76 masked %eq3A_69 {add = true} : memref<80x128xf32, #tpu.memory_space<vmem>>[vector<16xi32>, vector<16xi32>], vector<16xf32>, vector<16xi1>
      tpu.vector_store_idx %arg17[%shift_right_logical3A_504, %and3A_507], %broadcast_in_dim3A_76 masked %eq3A_72 {add = true} : memref<80x128xf32, #tpu.memory_space<vmem>>[vector<16xi32>, vector<16xi32>], vector<16xf32>, vector<16xi1>
      tpu.vector_store_idx %arg17[%shift_right_logical3A_504, %and3A_507], %broadcast_in_dim3A_76 masked %eq3A_75 {add = true} : memref<80x128xf32, #tpu.memory_space<vmem>>[vector<16xi32>, vector<16xi32>], vector<16xf32>, vector<16xi1>
      %get3A_508 = arith.constant 32 : index
      %get3A_509 = tpu.vector_load %arg11[%get3A_508] {strides = array<i32>} : memref<128xi32, #tpu.memory_space<vmem>>, vector<16xi32>,
      %shift_right_logical3A_510 = arith.constant 7 : i32
      %shift_right_logical3A_511 = vector.broadcast %shift_right_logical3A_510 : i32 to vector<16xi32>
      %shift_right_logical3A_512 = arith.shrui %get3A_509, %shift_right_logical3A_511 : vector<16xi32>
      %and3A_513 = arith.constant 127 : i32
      %and3A_514 = vector.broadcast %and3A_513 : i32 to vector<16xi32>
      %and3A_515 = arith.andi %get3A_509, %and3A_514 : vector<16xi32>
      tpu.vector_store_idx %arg17[%shift_right_logical3A_512, %and3A_515], %broadcast_in_dim3A_76 masked %eq3A_30 {add = true} : memref<80x128xf32, #tpu.memory_space<vmem>>[vector<16xi32>, vector<16xi32>], vector<16xf32>, vector<16xi1>
      tpu.vector_store_idx %arg17[%shift_right_logical3A_512, %and3A_515], %broadcast_in_dim3A_76 masked %eq3A_33 {add = true} : memref<80x128xf32, #tpu.memory_space<vmem>>[vector<16xi32>, vector<16xi32>], vector<16xf32>, vector<16xi1>
      tpu.vector_store_idx %arg17[%shift_right_logical3A_512, %and3A_515], %broadcast_in_dim3A_76 masked %eq3A_36 {add = true} : memref<80x128xf32, #tpu.memory_space<vmem>>[vector<16xi32>, vector<16xi32>], vector<16xf32>, vector<16xi1>
      tpu.vector_store_idx %arg17[%shift_right_logical3A_512, %and3A_515], %broadcast_in_dim3A_76 masked %eq3A_39 {add = true} : memref<80x128xf32, #tpu.memory_space<vmem>>[vector<16xi32>, vector<16xi32>], vector<16xf32>, vector<16xi1>
      tpu.vector_store_idx %arg17[%shift_right_logical3A_512, %and3A_515], %broadcast_in_dim3A_76 masked %eq3A_42 {add = true} : memref<80x128xf32, #tpu.memory_space<vmem>>[vector<16xi32>, vector<16xi32>], vector<16xf32>, vector<16xi1>
      tpu.vector_store_idx %arg17[%shift_right_logical3A_512, %and3A_515], %broadcast_in_dim3A_76 masked %eq3A_45 {add = true} : memref<80x128xf32, #tpu.memory_space<vmem>>[vector<16xi32>, vector<16xi32>], vector<16xf32>, vector<16xi1>
      tpu.vector_store_idx %arg17[%shift_right_logical3A_512, %and3A_515], %broadcast_in_dim3A_76 masked %eq3A_48 {add = true} : memref<80x128xf32, #tpu.memory_space<vmem>>[vector<16xi32>, vector<16xi32>], vector<16xf32>, vector<16xi1>
      tpu.vector_store_idx %arg17[%shift_right_logical3A_512, %and3A_515], %broadcast_in_dim3A_76 masked %eq3A_51 {add = true} : memref<80x128xf32, #tpu.memory_space<vmem>>[vector<16xi32>, vector<16xi32>], vector<16xf32>, vector<16xi1>
      tpu.vector_store_idx %arg17[%shift_right_logical3A_512, %and3A_515], %broadcast_in_dim3A_76 masked %eq3A_54 {add = true} : memref<80x128xf32, #tpu.memory_space<vmem>>[vector<16xi32>, vector<16xi32>], vector<16xf32>, vector<16xi1>
      tpu.vector_store_idx %arg17[%shift_right_logical3A_512, %and3A_515], %broadcast_in_dim3A_76 masked %eq3A_57 {add = true} : memref<80x128xf32, #tpu.memory_space<vmem>>[vector<16xi32>, vector<16xi32>], vector<16xf32>, vector<16xi1>
      tpu.vector_store_idx %arg17[%shift_right_logical3A_512, %and3A_515], %broadcast_in_dim3A_76 masked %eq3A_60 {add = true} : memref<80x128xf32, #tpu.memory_space<vmem>>[vector<16xi32>, vector<16xi32>], vector<16xf32>, vector<16xi1>
      tpu.vector_store_idx %arg17[%shift_right_logical3A_512, %and3A_515], %broadcast_in_dim3A_76 masked %eq3A_63 {add = true} : memref<80x128xf32, #tpu.memory_space<vmem>>[vector<16xi32>, vector<16xi32>], vector<16xf32>, vector<16xi1>
      tpu.vector_store_idx %arg17[%shift_right_logical3A_512, %and3A_515], %broadcast_in_dim3A_76 masked %eq3A_66 {add = true} : memref<80x128xf32, #tpu.memory_space<vmem>>[vector<16xi32>, vector<16xi32>], vector<16xf32>, vector<16xi1>
      tpu.vector_store_idx %arg17[%shift_right_logical3A_512, %and3A_515], %broadcast_in_dim3A_76 masked %eq3A_69 {add = true} : memref<80x128xf32, #tpu.memory_space<vmem>>[vector<16xi32>, vector<16xi32>], vector<16xf32>, vector<16xi1>
      tpu.vector_store_idx %arg17[%shift_right_logical3A_512, %and3A_515], %broadcast_in_dim3A_76 masked %eq3A_72 {add = true} : memref<80x128xf32, #tpu.memory_space<vmem>>[vector<16xi32>, vector<16xi32>], vector<16xf32>, vector<16xi1>
      tpu.vector_store_idx %arg17[%shift_right_logical3A_512, %and3A_515], %broadcast_in_dim3A_76 masked %eq3A_75 {add = true} : memref<80x128xf32, #tpu.memory_space<vmem>>[vector<16xi32>, vector<16xi32>], vector<16xf32>, vector<16xi1>
      %get3A_516 = arith.constant 48 : index
      %get3A_517 = tpu.vector_load %arg11[%get3A_516] {strides = array<i32>} : memref<128xi32, #tpu.memory_space<vmem>>, vector<16xi32>,
      %shift_right_logical3A_518 = arith.constant 7 : i32
      %shift_right_logical3A_519 = vector.broadcast %shift_right_logical3A_518 : i32 to vector<16xi32>
      %shift_right_logical3A_520 = arith.shrui %get3A_517, %shift_right_logical3A_519 : vector<16xi32>
      %and3A_521 = arith.constant 127 : i32
      %and3A_522 = vector.broadcast %and3A_521 : i32 to vector<16xi32>
      %and3A_523 = arith.andi %get3A_517, %and3A_522 : vector<16xi32>
      tpu.vector_store_idx %arg17[%shift_right_logical3A_520, %and3A_523], %broadcast_in_dim3A_76 masked %eq3A_30 {add = true} : memref<80x128xf32, #tpu.memory_space<vmem>>[vector<16xi32>, vector<16xi32>], vector<16xf32>, vector<16xi1>
      tpu.vector_store_idx %arg17[%shift_right_logical3A_520, %and3A_523], %broadcast_in_dim3A_76 masked %eq3A_33 {add = true} : memref<80x128xf32, #tpu.memory_space<vmem>>[vector<16xi32>, vector<16xi32>], vector<16xf32>, vector<16xi1>
      tpu.vector_store_idx %arg17[%shift_right_logical3A_520, %and3A_523], %broadcast_in_dim3A_76 masked %eq3A_36 {add = true} : memref<80x128xf32, #tpu.memory_space<vmem>>[vector<16xi32>, vector<16xi32>], vector<16xf32>, vector<16xi1>
      tpu.vector_store_idx %arg17[%shift_right_logical3A_520, %and3A_523], %broadcast_in_dim3A_76 masked %eq3A_39 {add = true} : memref<80x128xf32, #tpu.memory_space<vmem>>[vector<16xi32>, vector<16xi32>], vector<16xf32>, vector<16xi1>
      tpu.vector_store_idx %arg17[%shift_right_logical3A_520, %and3A_523], %broadcast_in_dim3A_76 masked %eq3A_42 {add = true} : memref<80x128xf32, #tpu.memory_space<vmem>>[vector<16xi32>, vector<16xi32>], vector<16xf32>, vector<16xi1>
      tpu.vector_store_idx %arg17[%shift_right_logical3A_520, %and3A_523], %broadcast_in_dim3A_76 masked %eq3A_45 {add = true} : memref<80x128xf32, #tpu.memory_space<vmem>>[vector<16xi32>, vector<16xi32>], vector<16xf32>, vector<16xi1>
      tpu.vector_store_idx %arg17[%shift_right_logical3A_520, %and3A_523], %broadcast_in_dim3A_76 masked %eq3A_48 {add = true} : memref<80x128xf32, #tpu.memory_space<vmem>>[vector<16xi32>, vector<16xi32>], vector<16xf32>, vector<16xi1>
      tpu.vector_store_idx %arg17[%shift_right_logical3A_520, %and3A_523], %broadcast_in_dim3A_76 masked %eq3A_51 {add = true} : memref<80x128xf32, #tpu.memory_space<vmem>>[vector<16xi32>, vector<16xi32>], vector<16xf32>, vector<16xi1>
      tpu.vector_store_idx %arg17[%shift_right_logical3A_520, %and3A_523], %broadcast_in_dim3A_76 masked %eq3A_54 {add = true} : memref<80x128xf32, #tpu.memory_space<vmem>>[vector<16xi32>, vector<16xi32>], vector<16xf32>, vector<16xi1>
      tpu.vector_store_idx %arg17[%shift_right_logical3A_520, %and3A_523], %broadcast_in_dim3A_76 masked %eq3A_57 {add = true} : memref<80x128xf32, #tpu.memory_space<vmem>>[vector<16xi32>, vector<16xi32>], vector<16xf32>, vector<16xi1>
      tpu.vector_store_idx %arg17[%shift_right_logical3A_520, %and3A_523], %broadcast_in_dim3A_76 masked %eq3A_60 {add = true} : memref<80x128xf32, #tpu.memory_space<vmem>>[vector<16xi32>, vector<16xi32>], vector<16xf32>, vector<16xi1>
      tpu.vector_store_idx %arg17[%shift_right_logical3A_520, %and3A_523], %broadcast_in_dim3A_76 masked %eq3A_63 {add = true} : memref<80x128xf32, #tpu.memory_space<vmem>>[vector<16xi32>, vector<16xi32>], vector<16xf32>, vector<16xi1>
      tpu.vector_store_idx %arg17[%shift_right_logical3A_520, %and3A_523], %broadcast_in_dim3A_76 masked %eq3A_66 {add = true} : memref<80x128xf32, #tpu.memory_space<vmem>>[vector<16xi32>, vector<16xi32>], vector<16xf32>, vector<16xi1>
      tpu.vector_store_idx %arg17[%shift_right_logical3A_520, %and3A_523], %broadcast_in_dim3A_76 masked %eq3A_69 {add = true} : memref<80x128xf32, #tpu.memory_space<vmem>>[vector<16xi32>, vector<16xi32>], vector<16xf32>, vector<16xi1>
      tpu.vector_store_idx %arg17[%shift_right_logical3A_520, %and3A_523], %broadcast_in_dim3A_76 masked %eq3A_72 {add = true} : memref<80x128xf32, #tpu.memory_space<vmem>>[vector<16xi32>, vector<16xi32>], vector<16xf32>, vector<16xi1>
      tpu.vector_store_idx %arg17[%shift_right_logical3A_520, %and3A_523], %broadcast_in_dim3A_76 masked %eq3A_75 {add = true} : memref<80x128xf32, #tpu.memory_space<vmem>>[vector<16xi32>, vector<16xi32>], vector<16xf32>, vector<16xi1>
      %get3A_524 = arith.constant 64 : index
      %get3A_525 = tpu.vector_load %arg11[%get3A_524] {strides = array<i32>} : memref<128xi32, #tpu.memory_space<vmem>>, vector<16xi32>,
      %shift_right_logical3A_526 = arith.constant 7 : i32
      %shift_right_logical3A_527 = vector.broadcast %shift_right_logical3A_526 : i32 to vector<16xi32>
      %shift_right_logical3A_528 = arith.shrui %get3A_525, %shift_right_logical3A_527 : vector<16xi32>
      %and3A_529 = arith.constant 127 : i32
      %and3A_530 = vector.broadcast %and3A_529 : i32 to vector<16xi32>
      %and3A_531 = arith.andi %get3A_525, %and3A_530 : vector<16xi32>
      tpu.vector_store_idx %arg17[%shift_right_logical3A_528, %and3A_531], %broadcast_in_dim3A_76 masked %eq3A_30 {add = true} : memref<80x128xf32, #tpu.memory_space<vmem>>[vector<16xi32>, vector<16xi32>], vector<16xf32>, vector<16xi1>
      tpu.vector_store_idx %arg17[%shift_right_logical3A_528, %and3A_531], %broadcast_in_dim3A_76 masked %eq3A_33 {add = true} : memref<80x128xf32, #tpu.memory_space<vmem>>[vector<16xi32>, vector<16xi32>], vector<16xf32>, vector<16xi1>
      tpu.vector_store_idx %arg17[%shift_right_logical3A_528, %and3A_531], %broadcast_in_dim3A_76 masked %eq3A_36 {add = true} : memref<80x128xf32, #tpu.memory_space<vmem>>[vector<16xi32>, vector<16xi32>], vector<16xf32>, vector<16xi1>
      tpu.vector_store_idx %arg17[%shift_right_logical3A_528, %and3A_531], %broadcast_in_dim3A_76 masked %eq3A_39 {add = true} : memref<80x128xf32, #tpu.memory_space<vmem>>[vector<16xi32>, vector<16xi32>], vector<16xf32>, vector<16xi1>
      tpu.vector_store_idx %arg17[%shift_right_logical3A_528, %and3A_531], %broadcast_in_dim3A_76 masked %eq3A_42 {add = true} : memref<80x128xf32, #tpu.memory_space<vmem>>[vector<16xi32>, vector<16xi32>], vector<16xf32>, vector<16xi1>
      tpu.vector_store_idx %arg17[%shift_right_logical3A_528, %and3A_531], %broadcast_in_dim3A_76 masked %eq3A_45 {add = true} : memref<80x128xf32, #tpu.memory_space<vmem>>[vector<16xi32>, vector<16xi32>], vector<16xf32>, vector<16xi1>
      tpu.vector_store_idx %arg17[%shift_right_logical3A_528, %and3A_531], %broadcast_in_dim3A_76 masked %eq3A_48 {add = true} : memref<80x128xf32, #tpu.memory_space<vmem>>[vector<16xi32>, vector<16xi32>], vector<16xf32>, vector<16xi1>
      tpu.vector_store_idx %arg17[%shift_right_logical3A_528, %and3A_531], %broadcast_in_dim3A_76 masked %eq3A_51 {add = true} : memref<80x128xf32, #tpu.memory_space<vmem>>[vector<16xi32>, vector<16xi32>], vector<16xf32>, vector<16xi1>
      tpu.vector_store_idx %arg17[%shift_right_logical3A_528, %and3A_531], %broadcast_in_dim3A_76 masked %eq3A_54 {add = true} : memref<80x128xf32, #tpu.memory_space<vmem>>[vector<16xi32>, vector<16xi32>], vector<16xf32>, vector<16xi1>
      tpu.vector_store_idx %arg17[%shift_right_logical3A_528, %and3A_531], %broadcast_in_dim3A_76 masked %eq3A_57 {add = true} : memref<80x128xf32, #tpu.memory_space<vmem>>[vector<16xi32>, vector<16xi32>], vector<16xf32>, vector<16xi1>
      tpu.vector_store_idx %arg17[%shift_right_logical3A_528, %and3A_531], %broadcast_in_dim3A_76 masked %eq3A_60 {add = true} : memref<80x128xf32, #tpu.memory_space<vmem>>[vector<16xi32>, vector<16xi32>], vector<16xf32>, vector<16xi1>
      tpu.vector_store_idx %arg17[%shift_right_logical3A_528, %and3A_531], %broadcast_in_dim3A_76 masked %eq3A_63 {add = true} : memref<80x128xf32, #tpu.memory_space<vmem>>[vector<16xi32>, vector<16xi32>], vector<16xf32>, vector<16xi1>
      tpu.vector_store_idx %arg17[%shift_right_logical3A_528, %and3A_531], %broadcast_in_dim3A_76 masked %eq3A_66 {add = true} : memref<80x128xf32, #tpu.memory_space<vmem>>[vector<16xi32>, vector<16xi32>], vector<16xf32>, vector<16xi1>
      tpu.vector_store_idx %arg17[%shift_right_logical3A_528, %and3A_531], %broadcast_in_dim3A_76 masked %eq3A_69 {add = true} : memref<80x128xf32, #tpu.memory_space<vmem>>[vector<16xi32>, vector<16xi32>], vector<16xf32>, vector<16xi1>
      tpu.vector_store_idx %arg17[%shift_right_logical3A_528, %and3A_531], %broadcast_in_dim3A_76 masked %eq3A_72 {add = true} : memref<80x128xf32, #tpu.memory_space<vmem>>[vector<16xi32>, vector<16xi32>], vector<16xf32>, vector<16xi1>
      tpu.vector_store_idx %arg17[%shift_right_logical3A_528, %and3A_531], %broadcast_in_dim3A_76 masked %eq3A_75 {add = true} : memref<80x128xf32, #tpu.memory_space<vmem>>[vector<16xi32>, vector<16xi32>], vector<16xf32>, vector<16xi1>
      %get3A_532 = arith.constant 80 : index
      %get3A_533 = tpu.vector_load %arg11[%get3A_532] {strides = array<i32>} : memref<128xi32, #tpu.memory_space<vmem>>, vector<16xi32>,
      %shift_right_logical3A_534 = arith.constant 7 : i32
      %shift_right_logical3A_535 = vector.broadcast %shift_right_logical3A_534 : i32 to vector<16xi32>
      %shift_right_logical3A_536 = arith.shrui %get3A_533, %shift_right_logical3A_535 : vector<16xi32>
      %and3A_537 = arith.constant 127 : i32
      %and3A_538 = vector.broadcast %and3A_537 : i32 to vector<16xi32>
      %and3A_539 = arith.andi %get3A_533, %and3A_538 : vector<16xi32>
      tpu.vector_store_idx %arg17[%shift_right_logical3A_536, %and3A_539], %broadcast_in_dim3A_76 masked %eq3A_30 {add = true} : memref<80x128xf32, #tpu.memory_space<vmem>>[vector<16xi32>, vector<16xi32>], vector<16xf32>, vector<16xi1>
      tpu.vector_store_idx %arg17[%shift_right_logical3A_536, %and3A_539], %broadcast_in_dim3A_76 masked %eq3A_33 {add = true} : memref<80x128xf32, #tpu.memory_space<vmem>>[vector<16xi32>, vector<16xi32>], vector<16xf32>, vector<16xi1>
      tpu.vector_store_idx %arg17[%shift_right_logical3A_536, %and3A_539], %broadcast_in_dim3A_76 masked %eq3A_36 {add = true} : memref<80x128xf32, #tpu.memory_space<vmem>>[vector<16xi32>, vector<16xi32>], vector<16xf32>, vector<16xi1>
      tpu.vector_store_idx %arg17[%shift_right_logical3A_536, %and3A_539], %broadcast_in_dim3A_76 masked %eq3A_39 {add = true} : memref<80x128xf32, #tpu.memory_space<vmem>>[vector<16xi32>, vector<16xi32>], vector<16xf32>, vector<16xi1>
      tpu.vector_store_idx %arg17[%shift_right_logical3A_536, %and3A_539], %broadcast_in_dim3A_76 masked %eq3A_42 {add = true} : memref<80x128xf32, #tpu.memory_space<vmem>>[vector<16xi32>, vector<16xi32>], vector<16xf32>, vector<16xi1>
      tpu.vector_store_idx %arg17[%shift_right_logical3A_536, %and3A_539], %broadcast_in_dim3A_76 masked %eq3A_45 {add = true} : memref<80x128xf32, #tpu.memory_space<vmem>>[vector<16xi32>, vector<16xi32>], vector<16xf32>, vector<16xi1>
      tpu.vector_store_idx %arg17[%shift_right_logical3A_536, %and3A_539], %broadcast_in_dim3A_76 masked %eq3A_48 {add = true} : memref<80x128xf32, #tpu.memory_space<vmem>>[vector<16xi32>, vector<16xi32>], vector<16xf32>, vector<16xi1>
      tpu.vector_store_idx %arg17[%shift_right_logical3A_536, %and3A_539], %broadcast_in_dim3A_76 masked %eq3A_51 {add = true} : memref<80x128xf32, #tpu.memory_space<vmem>>[vector<16xi32>, vector<16xi32>], vector<16xf32>, vector<16xi1>
      tpu.vector_store_idx %arg17[%shift_right_logical3A_536, %and3A_539], %broadcast_in_dim3A_76 masked %eq3A_54 {add = true} : memref<80x128xf32, #tpu.memory_space<vmem>>[vector<16xi32>, vector<16xi32>], vector<16xf32>, vector<16xi1>
      tpu.vector_store_idx %arg17[%shift_right_logical3A_536, %and3A_539], %broadcast_in_dim3A_76 masked %eq3A_57 {add = true} : memref<80x128xf32, #tpu.memory_space<vmem>>[vector<16xi32>, vector<16xi32>], vector<16xf32>, vector<16xi1>
      tpu.vector_store_idx %arg17[%shift_right_logical3A_536, %and3A_539], %broadcast_in_dim3A_76 masked %eq3A_60 {add = true} : memref<80x128xf32, #tpu.memory_space<vmem>>[vector<16xi32>, vector<16xi32>], vector<16xf32>, vector<16xi1>
      tpu.vector_store_idx %arg17[%shift_right_logical3A_536, %and3A_539], %broadcast_in_dim3A_76 masked %eq3A_63 {add = true} : memref<80x128xf32, #tpu.memory_space<vmem>>[vector<16xi32>, vector<16xi32>], vector<16xf32>, vector<16xi1>
      tpu.vector_store_idx %arg17[%shift_right_logical3A_536, %and3A_539], %broadcast_in_dim3A_76 masked %eq3A_66 {add = true} : memref<80x128xf32, #tpu.memory_space<vmem>>[vector<16xi32>, vector<16xi32>], vector<16xf32>, vector<16xi1>
      tpu.vector_store_idx %arg17[%shift_right_logical3A_536, %and3A_539], %broadcast_in_dim3A_76 masked %eq3A_69 {add = true} : memref<80x128xf32, #tpu.memory_space<vmem>>[vector<16xi32>, vector<16xi32>], vector<16xf32>, vector<16xi1>
      tpu.vector_store_idx %arg17[%shift_right_logical3A_536, %and3A_539], %broadcast_in_dim3A_76 masked %eq3A_72 {add = true} : memref<80x128xf32, #tpu.memory_space<vmem>>[vector<16xi32>, vector<16xi32>], vector<16xf32>, vector<16xi1>
      tpu.vector_store_idx %arg17[%shift_right_logical3A_536, %and3A_539], %broadcast_in_dim3A_76 masked %eq3A_75 {add = true} : memref<80x128xf32, #tpu.memory_space<vmem>>[vector<16xi32>, vector<16xi32>], vector<16xf32>, vector<16xi1>
      %get3A_540 = arith.constant 96 : index
      %get3A_541 = tpu.vector_load %arg11[%get3A_540] {strides = array<i32>} : memref<128xi32, #tpu.memory_space<vmem>>, vector<16xi32>,
      %shift_right_logical3A_542 = arith.constant 7 : i32
      %shift_right_logical3A_543 = vector.broadcast %shift_right_logical3A_542 : i32 to vector<16xi32>
      %shift_right_logical3A_544 = arith.shrui %get3A_541, %shift_right_logical3A_543 : vector<16xi32>
      %and3A_545 = arith.constant 127 : i32
      %and3A_546 = vector.broadcast %and3A_545 : i32 to vector<16xi32>
      %and3A_547 = arith.andi %get3A_541, %and3A_546 : vector<16xi32>
      tpu.vector_store_idx %arg17[%shift_right_logical3A_544, %and3A_547], %broadcast_in_dim3A_76 masked %eq3A_30 {add = true} : memref<80x128xf32, #tpu.memory_space<vmem>>[vector<16xi32>, vector<16xi32>], vector<16xf32>, vector<16xi1>
      tpu.vector_store_idx %arg17[%shift_right_logical3A_544, %and3A_547], %broadcast_in_dim3A_76 masked %eq3A_33 {add = true} : memref<80x128xf32, #tpu.memory_space<vmem>>[vector<16xi32>, vector<16xi32>], vector<16xf32>, vector<16xi1>
      tpu.vector_store_idx %arg17[%shift_right_logical3A_544, %and3A_547], %broadcast_in_dim3A_76 masked %eq3A_36 {add = true} : memref<80x128xf32, #tpu.memory_space<vmem>>[vector<16xi32>, vector<16xi32>], vector<16xf32>, vector<16xi1>
      tpu.vector_store_idx %arg17[%shift_right_logical3A_544, %and3A_547], %broadcast_in_dim3A_76 masked %eq3A_39 {add = true} : memref<80x128xf32, #tpu.memory_space<vmem>>[vector<16xi32>, vector<16xi32>], vector<16xf32>, vector<16xi1>
      tpu.vector_store_idx %arg17[%shift_right_logical3A_544, %and3A_547], %broadcast_in_dim3A_76 masked %eq3A_42 {add = true} : memref<80x128xf32, #tpu.memory_space<vmem>>[vector<16xi32>, vector<16xi32>], vector<16xf32>, vector<16xi1>
      tpu.vector_store_idx %arg17[%shift_right_logical3A_544, %and3A_547], %broadcast_in_dim3A_76 masked %eq3A_45 {add = true} : memref<80x128xf32, #tpu.memory_space<vmem>>[vector<16xi32>, vector<16xi32>], vector<16xf32>, vector<16xi1>
      tpu.vector_store_idx %arg17[%shift_right_logical3A_544, %and3A_547], %broadcast_in_dim3A_76 masked %eq3A_48 {add = true} : memref<80x128xf32, #tpu.memory_space<vmem>>[vector<16xi32>, vector<16xi32>], vector<16xf32>, vector<16xi1>
      tpu.vector_store_idx %arg17[%shift_right_logical3A_544, %and3A_547], %broadcast_in_dim3A_76 masked %eq3A_51 {add = true} : memref<80x128xf32, #tpu.memory_space<vmem>>[vector<16xi32>, vector<16xi32>], vector<16xf32>, vector<16xi1>
      tpu.vector_store_idx %arg17[%shift_right_logical3A_544, %and3A_547], %broadcast_in_dim3A_76 masked %eq3A_54 {add = true} : memref<80x128xf32, #tpu.memory_space<vmem>>[vector<16xi32>, vector<16xi32>], vector<16xf32>, vector<16xi1>
      tpu.vector_store_idx %arg17[%shift_right_logical3A_544, %and3A_547], %broadcast_in_dim3A_76 masked %eq3A_57 {add = true} : memref<80x128xf32, #tpu.memory_space<vmem>>[vector<16xi32>, vector<16xi32>], vector<16xf32>, vector<16xi1>
      tpu.vector_store_idx %arg17[%shift_right_logical3A_544, %and3A_547], %broadcast_in_dim3A_76 masked %eq3A_60 {add = true} : memref<80x128xf32, #tpu.memory_space<vmem>>[vector<16xi32>, vector<16xi32>], vector<16xf32>, vector<16xi1>
      tpu.vector_store_idx %arg17[%shift_right_logical3A_544, %and3A_547], %broadcast_in_dim3A_76 masked %eq3A_63 {add = true} : memref<80x128xf32, #tpu.memory_space<vmem>>[vector<16xi32>, vector<16xi32>], vector<16xf32>, vector<16xi1>
      tpu.vector_store_idx %arg17[%shift_right_logical3A_544, %and3A_547], %broadcast_in_dim3A_76 masked %eq3A_66 {add = true} : memref<80x128xf32, #tpu.memory_space<vmem>>[vector<16xi32>, vector<16xi32>], vector<16xf32>, vector<16xi1>
      tpu.vector_store_idx %arg17[%shift_right_logical3A_544, %and3A_547], %broadcast_in_dim3A_76 masked %eq3A_69 {add = true} : memref<80x128xf32, #tpu.memory_space<vmem>>[vector<16xi32>, vector<16xi32>], vector<16xf32>, vector<16xi1>
      tpu.vector_store_idx %arg17[%shift_right_logical3A_544, %and3A_547], %broadcast_in_dim3A_76 masked %eq3A_72 {add = true} : memref<80x128xf32, #tpu.memory_space<vmem>>[vector<16xi32>, vector<16xi32>], vector<16xf32>, vector<16xi1>
      tpu.vector_store_idx %arg17[%shift_right_logical3A_544, %and3A_547], %broadcast_in_dim3A_76 masked %eq3A_75 {add = true} : memref<80x128xf32, #tpu.memory_space<vmem>>[vector<16xi32>, vector<16xi32>], vector<16xf32>, vector<16xi1>
      %get3A_548 = arith.constant 112 : index
      %get3A_549 = tpu.vector_load %arg11[%get3A_548] {strides = array<i32>} : memref<128xi32, #tpu.memory_space<vmem>>, vector<16xi32>,
      %shift_right_logical3A_550 = arith.constant 7 : i32
      %shift_right_logical3A_551 = vector.broadcast %shift_right_logical3A_550 : i32 to vector<16xi32>
      %shift_right_logical3A_552 = arith.shrui %get3A_549, %shift_right_logical3A_551 : vector<16xi32>
      %and3A_553 = arith.constant 127 : i32
      %and3A_554 = vector.broadcast %and3A_553 : i32 to vector<16xi32>
      %and3A_555 = arith.andi %get3A_549, %and3A_554 : vector<16xi32>
      tpu.vector_store_idx %arg17[%shift_right_logical3A_552, %and3A_555], %broadcast_in_dim3A_76 masked %eq3A_30 {add = true} : memref<80x128xf32, #tpu.memory_space<vmem>>[vector<16xi32>, vector<16xi32>], vector<16xf32>, vector<16xi1>
      tpu.vector_store_idx %arg17[%shift_right_logical3A_552, %and3A_555], %broadcast_in_dim3A_76 masked %eq3A_33 {add = true} : memref<80x128xf32, #tpu.memory_space<vmem>>[vector<16xi32>, vector<16xi32>], vector<16xf32>, vector<16xi1>
      tpu.vector_store_idx %arg17[%shift_right_logical3A_552, %and3A_555], %broadcast_in_dim3A_76 masked %eq3A_36 {add = true} : memref<80x128xf32, #tpu.memory_space<vmem>>[vector<16xi32>, vector<16xi32>], vector<16xf32>, vector<16xi1>
      tpu.vector_store_idx %arg17[%shift_right_logical3A_552, %and3A_555], %broadcast_in_dim3A_76 masked %eq3A_39 {add = true} : memref<80x128xf32, #tpu.memory_space<vmem>>[vector<16xi32>, vector<16xi32>], vector<16xf32>, vector<16xi1>
      tpu.vector_store_idx %arg17[%shift_right_logical3A_552, %and3A_555], %broadcast_in_dim3A_76 masked %eq3A_42 {add = true} : memref<80x128xf32, #tpu.memory_space<vmem>>[vector<16xi32>, vector<16xi32>], vector<16xf32>, vector<16xi1>
      tpu.vector_store_idx %arg17[%shift_right_logical3A_552, %and3A_555], %broadcast_in_dim3A_76 masked %eq3A_45 {add = true} : memref<80x128xf32, #tpu.memory_space<vmem>>[vector<16xi32>, vector<16xi32>], vector<16xf32>, vector<16xi1>
      tpu.vector_store_idx %arg17[%shift_right_logical3A_552, %and3A_555], %broadcast_in_dim3A_76 masked %eq3A_48 {add = true} : memref<80x128xf32, #tpu.memory_space<vmem>>[vector<16xi32>, vector<16xi32>], vector<16xf32>, vector<16xi1>
      tpu.vector_store_idx %arg17[%shift_right_logical3A_552, %and3A_555], %broadcast_in_dim3A_76 masked %eq3A_51 {add = true} : memref<80x128xf32, #tpu.memory_space<vmem>>[vector<16xi32>, vector<16xi32>], vector<16xf32>, vector<16xi1>
      tpu.vector_store_idx %arg17[%shift_right_logical3A_552, %and3A_555], %broadcast_in_dim3A_76 masked %eq3A_54 {add = true} : memref<80x128xf32, #tpu.memory_space<vmem>>[vector<16xi32>, vector<16xi32>], vector<16xf32>, vector<16xi1>
      tpu.vector_store_idx %arg17[%shift_right_logical3A_552, %and3A_555], %broadcast_in_dim3A_76 masked %eq3A_57 {add = true} : memref<80x128xf32, #tpu.memory_space<vmem>>[vector<16xi32>, vector<16xi32>], vector<16xf32>, vector<16xi1>
      tpu.vector_store_idx %arg17[%shift_right_logical3A_552, %and3A_555], %broadcast_in_dim3A_76 masked %eq3A_60 {add = true} : memref<80x128xf32, #tpu.memory_space<vmem>>[vector<16xi32>, vector<16xi32>], vector<16xf32>, vector<16xi1>
      tpu.vector_store_idx %arg17[%shift_right_logical3A_552, %and3A_555], %broadcast_in_dim3A_76 masked %eq3A_63 {add = true} : memref<80x128xf32, #tpu.memory_space<vmem>>[vector<16xi32>, vector<16xi32>], vector<16xf32>, vector<16xi1>
      tpu.vector_store_idx %arg17[%shift_right_logical3A_552, %and3A_555], %broadcast_in_dim3A_76 masked %eq3A_66 {add = true} : memref<80x128xf32, #tpu.memory_space<vmem>>[vector<16xi32>, vector<16xi32>], vector<16xf32>, vector<16xi1>
      tpu.vector_store_idx %arg17[%shift_right_logical3A_552, %and3A_555], %broadcast_in_dim3A_76 masked %eq3A_69 {add = true} : memref<80x128xf32, #tpu.memory_space<vmem>>[vector<16xi32>, vector<16xi32>], vector<16xf32>, vector<16xi1>
      tpu.vector_store_idx %arg17[%shift_right_logical3A_552, %and3A_555], %broadcast_in_dim3A_76 masked %eq3A_72 {add = true} : memref<80x128xf32, #tpu.memory_space<vmem>>[vector<16xi32>, vector<16xi32>], vector<16xf32>, vector<16xi1>
      tpu.vector_store_idx %arg17[%shift_right_logical3A_552, %and3A_555], %broadcast_in_dim3A_76 masked %eq3A_75 {add = true} : memref<80x128xf32, #tpu.memory_space<vmem>>[vector<16xi32>, vector<16xi32>], vector<16xf32>, vector<16xi1>
      %add3A_556 = arith.constant 5 : i32
      %add3A_557 = arith.addi %mul3A_459, %add3A_556 : i32
      %add3A_558 = arith.constant 3 : i32
      %add3A_559 = arith.addi %mul3A_459, %add3A_558 : i32
      %dma_wait3A_560 = arith.constant 0 : i32
      %dma_wait3A_561 = arith.constant 0 : i32
      %dma_wait3A_562 = tpu.memref_slice %arg2[%dma_wait3A_560, %dma_wait3A_561] : memref<10000x128xf32, #tpu.memory_space<hbm>> -> memref<10000x128xf32, #tpu.memory_space<hbm>>
      tpu.wait_indirect_dma semaphore(%arg21 : memref<!tpu.dma_semaphore, #tpu.memory_space<semaphore_mem>>) src(%dma_wait3A_562 : memref<10000x128xf32, #tpu.memory_space<hbm>>) dst(%arg16 : memref<128x128xf32, #tpu.memory_space<vmem>>)
      %dma_start3A_563 = arith.constant 0 : i32
      %dma_start3A_564 = arith.constant 0 : i32
      %dma_start3A_565 = tpu.memref_slice %arg19[%dma_start3A_563, %dma_start3A_564] : memref<10240x128xf32, #tpu.memory_space<vmem_shared>> -> memref<10240x128xf32, #tpu.memory_space<vmem_shared>>
      tpu.enqueue_indirect_dma source(%arg16 : memref<128x128xf32, #tpu.memory_space<vmem>>) target(%dma_start3A_565 : memref<10240x128xf32, #tpu.memory_space<vmem_shared>>) offsets(%arg9 : memref<128xi32, #tpu.memory_space<vmem>>) semaphore(%arg23 : memref<!tpu.dma_semaphore, #tpu.memory_space<semaphore_mem>>) {add = true}
      %dma_wait3A_566 = arith.constant 0 : i32
      %dma_wait3A_567 = arith.constant 0 : i32
      %dma_wait3A_568 = tpu.memref_slice %arg19[%dma_wait3A_566, %dma_wait3A_567] : memref<10240x128xf32, #tpu.memory_space<vmem_shared>> -> memref<10240x128xf32, #tpu.memory_space<vmem_shared>>
      tpu.wait_indirect_dma semaphore(%arg23 : memref<!tpu.dma_semaphore, #tpu.memory_space<semaphore_mem>>) src(%arg16 : memref<128x128xf32, #tpu.memory_space<vmem>>) dst(%dma_wait3A_568 : memref<10240x128xf32, #tpu.memory_space<vmem_shared>>)
      %add3A_569 = arith.addi %mul3A_28, %add3A_557 : i32
      %mul3A_570 = arith.constant 128 : i32
      %mul3A_571 = arith.muli %add3A_569, %mul3A_570 : i32
      %multiple_of3A_572 = tpu.assume_multiple %mul3A_571, 8 : i32
      %dma_start3A_573 = tpu.memref_slice %arg3[%multiple_of3A_572] : memref<327680xi32, #tpu.memory_space<hbm>> -> memref<128xi32, #tpu.memory_space<hbm>>
      %dma_start3A_574 = tpu.memref_slice %arg3[%multiple_of3A_572] : memref<327680xi32, #tpu.memory_space<hbm>> -> memref<128xi32, #tpu.memory_space<hbm>>
      tpu.enqueue_dma source(%dma_start3A_574 : memref<128xi32, #tpu.memory_space<hbm>>) target(%arg9 : memref<128xi32, #tpu.memory_space<vmem>>) target_semaphore(%arg25 : memref<!tpu.dma_semaphore, #tpu.memory_space<semaphore_mem>>)
      %dma_start3A_575 = tpu.memref_slice %arg4[%multiple_of3A_572] : memref<327680xi32, #tpu.memory_space<hbm>> -> memref<128xi32, #tpu.memory_space<hbm>>
      %dma_start3A_576 = tpu.memref_slice %arg4[%multiple_of3A_572] : memref<327680xi32, #tpu.memory_space<hbm>> -> memref<128xi32, #tpu.memory_space<hbm>>
      tpu.enqueue_dma source(%dma_start3A_576 : memref<128xi32, #tpu.memory_space<hbm>>) target(%arg10 : memref<128xi32, #tpu.memory_space<vmem>>) target_semaphore(%arg25 : memref<!tpu.dma_semaphore, #tpu.memory_space<semaphore_mem>>)
      %add3A_577 = arith.addi %mul3A_28, %add3A_559 : i32
      %mul3A_578 = arith.constant 128 : i32
      %mul3A_579 = arith.muli %add3A_577, %mul3A_578 : i32
      %multiple_of3A_580 = tpu.assume_multiple %mul3A_579, 8 : i32
      %dma_wait3A_581 = tpu.memref_slice %arg3[%multiple_of3A_580] : memref<327680xi32, #tpu.memory_space<hbm>> -> memref<128xi32, #tpu.memory_space<hbm>>
      %dma_wait3A_582 = tpu.memref_slice %arg3[%multiple_of3A_580] : memref<327680xi32, #tpu.memory_space<hbm>> -> memref<128xi32, #tpu.memory_space<hbm>>
      tpu.wait_dma2 semaphore(%arg27 : memref<!tpu.dma_semaphore, #tpu.memory_space<semaphore_mem>>) src(%dma_wait3A_582 : memref<128xi32, #tpu.memory_space<hbm>>) dst(%arg13 : memref<128xi32, #tpu.memory_space<vmem>>)
      %dma_wait3A_583 = tpu.memref_slice %arg4[%multiple_of3A_580] : memref<327680xi32, #tpu.memory_space<hbm>> -> memref<128xi32, #tpu.memory_space<hbm>>
      %dma_wait3A_584 = tpu.memref_slice %arg4[%multiple_of3A_580] : memref<327680xi32, #tpu.memory_space<hbm>> -> memref<128xi32, #tpu.memory_space<hbm>>
      tpu.wait_dma2 semaphore(%arg27 : memref<!tpu.dma_semaphore, #tpu.memory_space<semaphore_mem>>) src(%dma_wait3A_584 : memref<128xi32, #tpu.memory_space<hbm>>) dst(%arg14 : memref<128xi32, #tpu.memory_space<vmem>>)
      %dma_start3A_585 = arith.constant 0 : i32
      %dma_start3A_586 = arith.constant 0 : i32
      %dma_start3A_587 = tpu.memref_slice %arg2[%dma_start3A_585, %dma_start3A_586] : memref<10000x128xf32, #tpu.memory_space<hbm>> -> memref<10000x128xf32, #tpu.memory_space<hbm>>
      tpu.enqueue_indirect_dma source(%dma_start3A_587 : memref<10000x128xf32, #tpu.memory_space<hbm>>) target(%arg16 : memref<128x128xf32, #tpu.memory_space<vmem>>) offsets(%arg14 : memref<128xi32, #tpu.memory_space<vmem>>) semaphore(%arg21 : memref<!tpu.dma_semaphore, #tpu.memory_space<semaphore_mem>>)
      %get3A_588 = arith.constant 0 : index
      %get3A_589 = tpu.vector_load %arg13[%get3A_588] {strides = array<i32>} : memref<128xi32, #tpu.memory_space<vmem>>, vector<16xi32>,
      %shift_right_logical3A_590 = arith.constant 7 : i32
      %shift_right_logical3A_591 = vector.broadcast %shift_right_logical3A_590 : i32 to vector<16xi32>
      %shift_right_logical3A_592 = arith.shrui %get3A_589, %shift_right_logical3A_591 : vector<16xi32>
      %and3A_593 = arith.constant 127 : i32
      %and3A_594 = vector.broadcast %and3A_593 : i32 to vector<16xi32>
      %and3A_595 = arith.andi %get3A_589, %and3A_594 : vector<16xi32>
      tpu.vector_store_idx %arg17[%shift_right_logical3A_592, %and3A_595], %broadcast_in_dim3A_76 masked %eq3A_30 {add = true} : memref<80x128xf32, #tpu.memory_space<vmem>>[vector<16xi32>, vector<16xi32>], vector<16xf32>, vector<16xi1>
      tpu.vector_store_idx %arg17[%shift_right_logical3A_592, %and3A_595], %broadcast_in_dim3A_76 masked %eq3A_33 {add = true} : memref<80x128xf32, #tpu.memory_space<vmem>>[vector<16xi32>, vector<16xi32>], vector<16xf32>, vector<16xi1>
      tpu.vector_store_idx %arg17[%shift_right_logical3A_592, %and3A_595], %broadcast_in_dim3A_76 masked %eq3A_36 {add = true} : memref<80x128xf32, #tpu.memory_space<vmem>>[vector<16xi32>, vector<16xi32>], vector<16xf32>, vector<16xi1>
      tpu.vector_store_idx %arg17[%shift_right_logical3A_592, %and3A_595], %broadcast_in_dim3A_76 masked %eq3A_39 {add = true} : memref<80x128xf32, #tpu.memory_space<vmem>>[vector<16xi32>, vector<16xi32>], vector<16xf32>, vector<16xi1>
      tpu.vector_store_idx %arg17[%shift_right_logical3A_592, %and3A_595], %broadcast_in_dim3A_76 masked %eq3A_42 {add = true} : memref<80x128xf32, #tpu.memory_space<vmem>>[vector<16xi32>, vector<16xi32>], vector<16xf32>, vector<16xi1>
      tpu.vector_store_idx %arg17[%shift_right_logical3A_592, %and3A_595], %broadcast_in_dim3A_76 masked %eq3A_45 {add = true} : memref<80x128xf32, #tpu.memory_space<vmem>>[vector<16xi32>, vector<16xi32>], vector<16xf32>, vector<16xi1>
      tpu.vector_store_idx %arg17[%shift_right_logical3A_592, %and3A_595], %broadcast_in_dim3A_76 masked %eq3A_48 {add = true} : memref<80x128xf32, #tpu.memory_space<vmem>>[vector<16xi32>, vector<16xi32>], vector<16xf32>, vector<16xi1>
      tpu.vector_store_idx %arg17[%shift_right_logical3A_592, %and3A_595], %broadcast_in_dim3A_76 masked %eq3A_51 {add = true} : memref<80x128xf32, #tpu.memory_space<vmem>>[vector<16xi32>, vector<16xi32>], vector<16xf32>, vector<16xi1>
      tpu.vector_store_idx %arg17[%shift_right_logical3A_592, %and3A_595], %broadcast_in_dim3A_76 masked %eq3A_54 {add = true} : memref<80x128xf32, #tpu.memory_space<vmem>>[vector<16xi32>, vector<16xi32>], vector<16xf32>, vector<16xi1>
      tpu.vector_store_idx %arg17[%shift_right_logical3A_592, %and3A_595], %broadcast_in_dim3A_76 masked %eq3A_57 {add = true} : memref<80x128xf32, #tpu.memory_space<vmem>>[vector<16xi32>, vector<16xi32>], vector<16xf32>, vector<16xi1>
      tpu.vector_store_idx %arg17[%shift_right_logical3A_592, %and3A_595], %broadcast_in_dim3A_76 masked %eq3A_60 {add = true} : memref<80x128xf32, #tpu.memory_space<vmem>>[vector<16xi32>, vector<16xi32>], vector<16xf32>, vector<16xi1>
      tpu.vector_store_idx %arg17[%shift_right_logical3A_592, %and3A_595], %broadcast_in_dim3A_76 masked %eq3A_63 {add = true} : memref<80x128xf32, #tpu.memory_space<vmem>>[vector<16xi32>, vector<16xi32>], vector<16xf32>, vector<16xi1>
      tpu.vector_store_idx %arg17[%shift_right_logical3A_592, %and3A_595], %broadcast_in_dim3A_76 masked %eq3A_66 {add = true} : memref<80x128xf32, #tpu.memory_space<vmem>>[vector<16xi32>, vector<16xi32>], vector<16xf32>, vector<16xi1>
      tpu.vector_store_idx %arg17[%shift_right_logical3A_592, %and3A_595], %broadcast_in_dim3A_76 masked %eq3A_69 {add = true} : memref<80x128xf32, #tpu.memory_space<vmem>>[vector<16xi32>, vector<16xi32>], vector<16xf32>, vector<16xi1>
      tpu.vector_store_idx %arg17[%shift_right_logical3A_592, %and3A_595], %broadcast_in_dim3A_76 masked %eq3A_72 {add = true} : memref<80x128xf32, #tpu.memory_space<vmem>>[vector<16xi32>, vector<16xi32>], vector<16xf32>, vector<16xi1>
      tpu.vector_store_idx %arg17[%shift_right_logical3A_592, %and3A_595], %broadcast_in_dim3A_76 masked %eq3A_75 {add = true} : memref<80x128xf32, #tpu.memory_space<vmem>>[vector<16xi32>, vector<16xi32>], vector<16xf32>, vector<16xi1>
      %get3A_596 = arith.constant 16 : index
      %get3A_597 = tpu.vector_load %arg13[%get3A_596] {strides = array<i32>} : memref<128xi32, #tpu.memory_space<vmem>>, vector<16xi32>,
      %shift_right_logical3A_598 = arith.constant 7 : i32
      %shift_right_logical3A_599 = vector.broadcast %shift_right_logical3A_598 : i32 to vector<16xi32>
      %shift_right_logical3A_600 = arith.shrui %get3A_597, %shift_right_logical3A_599 : vector<16xi32>
      %and3A_601 = arith.constant 127 : i32
      %and3A_602 = vector.broadcast %and3A_601 : i32 to vector<16xi32>
      %and3A_603 = arith.andi %get3A_597, %and3A_602 : vector<16xi32>
      tpu.vector_store_idx %arg17[%shift_right_logical3A_600, %and3A_603], %broadcast_in_dim3A_76 masked %eq3A_30 {add = true} : memref<80x128xf32, #tpu.memory_space<vmem>>[vector<16xi32>, vector<16xi32>], vector<16xf32>, vector<16xi1>
      tpu.vector_store_idx %arg17[%shift_right_logical3A_600, %and3A_603], %broadcast_in_dim3A_76 masked %eq3A_33 {add = true} : memref<80x128xf32, #tpu.memory_space<vmem>>[vector<16xi32>, vector<16xi32>], vector<16xf32>, vector<16xi1>
      tpu.vector_store_idx %arg17[%shift_right_logical3A_600, %and3A_603], %broadcast_in_dim3A_76 masked %eq3A_36 {add = true} : memref<80x128xf32, #tpu.memory_space<vmem>>[vector<16xi32>, vector<16xi32>], vector<16xf32>, vector<16xi1>
      tpu.vector_store_idx %arg17[%shift_right_logical3A_600, %and3A_603], %broadcast_in_dim3A_76 masked %eq3A_39 {add = true} : memref<80x128xf32, #tpu.memory_space<vmem>>[vector<16xi32>, vector<16xi32>], vector<16xf32>, vector<16xi1>
      tpu.vector_store_idx %arg17[%shift_right_logical3A_600, %and3A_603], %broadcast_in_dim3A_76 masked %eq3A_42 {add = true} : memref<80x128xf32, #tpu.memory_space<vmem>>[vector<16xi32>, vector<16xi32>], vector<16xf32>, vector<16xi1>
      tpu.vector_store_idx %arg17[%shift_right_logical3A_600, %and3A_603], %broadcast_in_dim3A_76 masked %eq3A_45 {add = true} : memref<80x128xf32, #tpu.memory_space<vmem>>[vector<16xi32>, vector<16xi32>], vector<16xf32>, vector<16xi1>
      tpu.vector_store_idx %arg17[%shift_right_logical3A_600, %and3A_603], %broadcast_in_dim3A_76 masked %eq3A_48 {add = true} : memref<80x128xf32, #tpu.memory_space<vmem>>[vector<16xi32>, vector<16xi32>], vector<16xf32>, vector<16xi1>
      tpu.vector_store_idx %arg17[%shift_right_logical3A_600, %and3A_603], %broadcast_in_dim3A_76 masked %eq3A_51 {add = true} : memref<80x128xf32, #tpu.memory_space<vmem>>[vector<16xi32>, vector<16xi32>], vector<16xf32>, vector<16xi1>
      tpu.vector_store_idx %arg17[%shift_right_logical3A_600, %and3A_603], %broadcast_in_dim3A_76 masked %eq3A_54 {add = true} : memref<80x128xf32, #tpu.memory_space<vmem>>[vector<16xi32>, vector<16xi32>], vector<16xf32>, vector<16xi1>
      tpu.vector_store_idx %arg17[%shift_right_logical3A_600, %and3A_603], %broadcast_in_dim3A_76 masked %eq3A_57 {add = true} : memref<80x128xf32, #tpu.memory_space<vmem>>[vector<16xi32>, vector<16xi32>], vector<16xf32>, vector<16xi1>
      tpu.vector_store_idx %arg17[%shift_right_logical3A_600, %and3A_603], %broadcast_in_dim3A_76 masked %eq3A_60 {add = true} : memref<80x128xf32, #tpu.memory_space<vmem>>[vector<16xi32>, vector<16xi32>], vector<16xf32>, vector<16xi1>
      tpu.vector_store_idx %arg17[%shift_right_logical3A_600, %and3A_603], %broadcast_in_dim3A_76 masked %eq3A_63 {add = true} : memref<80x128xf32, #tpu.memory_space<vmem>>[vector<16xi32>, vector<16xi32>], vector<16xf32>, vector<16xi1>
      tpu.vector_store_idx %arg17[%shift_right_logical3A_600, %and3A_603], %broadcast_in_dim3A_76 masked %eq3A_66 {add = true} : memref<80x128xf32, #tpu.memory_space<vmem>>[vector<16xi32>, vector<16xi32>], vector<16xf32>, vector<16xi1>
      tpu.vector_store_idx %arg17[%shift_right_logical3A_600, %and3A_603], %broadcast_in_dim3A_76 masked %eq3A_69 {add = true} : memref<80x128xf32, #tpu.memory_space<vmem>>[vector<16xi32>, vector<16xi32>], vector<16xf32>, vector<16xi1>
      tpu.vector_store_idx %arg17[%shift_right_logical3A_600, %and3A_603], %broadcast_in_dim3A_76 masked %eq3A_72 {add = true} : memref<80x128xf32, #tpu.memory_space<vmem>>[vector<16xi32>, vector<16xi32>], vector<16xf32>, vector<16xi1>
      tpu.vector_store_idx %arg17[%shift_right_logical3A_600, %and3A_603], %broadcast_in_dim3A_76 masked %eq3A_75 {add = true} : memref<80x128xf32, #tpu.memory_space<vmem>>[vector<16xi32>, vector<16xi32>], vector<16xf32>, vector<16xi1>
      %get3A_604 = arith.constant 32 : index
      %get3A_605 = tpu.vector_load %arg13[%get3A_604] {strides = array<i32>} : memref<128xi32, #tpu.memory_space<vmem>>, vector<16xi32>,
      %shift_right_logical3A_606 = arith.constant 7 : i32
      %shift_right_logical3A_607 = vector.broadcast %shift_right_logical3A_606 : i32 to vector<16xi32>
      %shift_right_logical3A_608 = arith.shrui %get3A_605, %shift_right_logical3A_607 : vector<16xi32>
      %and3A_609 = arith.constant 127 : i32
      %and3A_610 = vector.broadcast %and3A_609 : i32 to vector<16xi32>
      %and3A_611 = arith.andi %get3A_605, %and3A_610 : vector<16xi32>
      tpu.vector_store_idx %arg17[%shift_right_logical3A_608, %and3A_611], %broadcast_in_dim3A_76 masked %eq3A_30 {add = true} : memref<80x128xf32, #tpu.memory_space<vmem>>[vector<16xi32>, vector<16xi32>], vector<16xf32>, vector<16xi1>
      tpu.vector_store_idx %arg17[%shift_right_logical3A_608, %and3A_611], %broadcast_in_dim3A_76 masked %eq3A_33 {add = true} : memref<80x128xf32, #tpu.memory_space<vmem>>[vector<16xi32>, vector<16xi32>], vector<16xf32>, vector<16xi1>
      tpu.vector_store_idx %arg17[%shift_right_logical3A_608, %and3A_611], %broadcast_in_dim3A_76 masked %eq3A_36 {add = true} : memref<80x128xf32, #tpu.memory_space<vmem>>[vector<16xi32>, vector<16xi32>], vector<16xf32>, vector<16xi1>
      tpu.vector_store_idx %arg17[%shift_right_logical3A_608, %and3A_611], %broadcast_in_dim3A_76 masked %eq3A_39 {add = true} : memref<80x128xf32, #tpu.memory_space<vmem>>[vector<16xi32>, vector<16xi32>], vector<16xf32>, vector<16xi1>
      tpu.vector_store_idx %arg17[%shift_right_logical3A_608, %and3A_611], %broadcast_in_dim3A_76 masked %eq3A_42 {add = true} : memref<80x128xf32, #tpu.memory_space<vmem>>[vector<16xi32>, vector<16xi32>], vector<16xf32>, vector<16xi1>
      tpu.vector_store_idx %arg17[%shift_right_logical3A_608, %and3A_611], %broadcast_in_dim3A_76 masked %eq3A_45 {add = true} : memref<80x128xf32, #tpu.memory_space<vmem>>[vector<16xi32>, vector<16xi32>], vector<16xf32>, vector<16xi1>
      tpu.vector_store_idx %arg17[%shift_right_logical3A_608, %and3A_611], %broadcast_in_dim3A_76 masked %eq3A_48 {add = true} : memref<80x128xf32, #tpu.memory_space<vmem>>[vector<16xi32>, vector<16xi32>], vector<16xf32>, vector<16xi1>
      tpu.vector_store_idx %arg17[%shift_right_logical3A_608, %and3A_611], %broadcast_in_dim3A_76 masked %eq3A_51 {add = true} : memref<80x128xf32, #tpu.memory_space<vmem>>[vector<16xi32>, vector<16xi32>], vector<16xf32>, vector<16xi1>
      tpu.vector_store_idx %arg17[%shift_right_logical3A_608, %and3A_611], %broadcast_in_dim3A_76 masked %eq3A_54 {add = true} : memref<80x128xf32, #tpu.memory_space<vmem>>[vector<16xi32>, vector<16xi32>], vector<16xf32>, vector<16xi1>
      tpu.vector_store_idx %arg17[%shift_right_logical3A_608, %and3A_611], %broadcast_in_dim3A_76 masked %eq3A_57 {add = true} : memref<80x128xf32, #tpu.memory_space<vmem>>[vector<16xi32>, vector<16xi32>], vector<16xf32>, vector<16xi1>
      tpu.vector_store_idx %arg17[%shift_right_logical3A_608, %and3A_611], %broadcast_in_dim3A_76 masked %eq3A_60 {add = true} : memref<80x128xf32, #tpu.memory_space<vmem>>[vector<16xi32>, vector<16xi32>], vector<16xf32>, vector<16xi1>
      tpu.vector_store_idx %arg17[%shift_right_logical3A_608, %and3A_611], %broadcast_in_dim3A_76 masked %eq3A_63 {add = true} : memref<80x128xf32, #tpu.memory_space<vmem>>[vector<16xi32>, vector<16xi32>], vector<16xf32>, vector<16xi1>
      tpu.vector_store_idx %arg17[%shift_right_logical3A_608, %and3A_611], %broadcast_in_dim3A_76 masked %eq3A_66 {add = true} : memref<80x128xf32, #tpu.memory_space<vmem>>[vector<16xi32>, vector<16xi32>], vector<16xf32>, vector<16xi1>
      tpu.vector_store_idx %arg17[%shift_right_logical3A_608, %and3A_611], %broadcast_in_dim3A_76 masked %eq3A_69 {add = true} : memref<80x128xf32, #tpu.memory_space<vmem>>[vector<16xi32>, vector<16xi32>], vector<16xf32>, vector<16xi1>
      tpu.vector_store_idx %arg17[%shift_right_logical3A_608, %and3A_611], %broadcast_in_dim3A_76 masked %eq3A_72 {add = true} : memref<80x128xf32, #tpu.memory_space<vmem>>[vector<16xi32>, vector<16xi32>], vector<16xf32>, vector<16xi1>
      tpu.vector_store_idx %arg17[%shift_right_logical3A_608, %and3A_611], %broadcast_in_dim3A_76 masked %eq3A_75 {add = true} : memref<80x128xf32, #tpu.memory_space<vmem>>[vector<16xi32>, vector<16xi32>], vector<16xf32>, vector<16xi1>
      %get3A_612 = arith.constant 48 : index
      %get3A_613 = tpu.vector_load %arg13[%get3A_612] {strides = array<i32>} : memref<128xi32, #tpu.memory_space<vmem>>, vector<16xi32>,
      %shift_right_logical3A_614 = arith.constant 7 : i32
      %shift_right_logical3A_615 = vector.broadcast %shift_right_logical3A_614 : i32 to vector<16xi32>
      %shift_right_logical3A_616 = arith.shrui %get3A_613, %shift_right_logical3A_615 : vector<16xi32>
      %and3A_617 = arith.constant 127 : i32
      %and3A_618 = vector.broadcast %and3A_617 : i32 to vector<16xi32>
      %and3A_619 = arith.andi %get3A_613, %and3A_618 : vector<16xi32>
      tpu.vector_store_idx %arg17[%shift_right_logical3A_616, %and3A_619], %broadcast_in_dim3A_76 masked %eq3A_30 {add = true} : memref<80x128xf32, #tpu.memory_space<vmem>>[vector<16xi32>, vector<16xi32>], vector<16xf32>, vector<16xi1>
      tpu.vector_store_idx %arg17[%shift_right_logical3A_616, %and3A_619], %broadcast_in_dim3A_76 masked %eq3A_33 {add = true} : memref<80x128xf32, #tpu.memory_space<vmem>>[vector<16xi32>, vector<16xi32>], vector<16xf32>, vector<16xi1>
      tpu.vector_store_idx %arg17[%shift_right_logical3A_616, %and3A_619], %broadcast_in_dim3A_76 masked %eq3A_36 {add = true} : memref<80x128xf32, #tpu.memory_space<vmem>>[vector<16xi32>, vector<16xi32>], vector<16xf32>, vector<16xi1>
      tpu.vector_store_idx %arg17[%shift_right_logical3A_616, %and3A_619], %broadcast_in_dim3A_76 masked %eq3A_39 {add = true} : memref<80x128xf32, #tpu.memory_space<vmem>>[vector<16xi32>, vector<16xi32>], vector<16xf32>, vector<16xi1>
      tpu.vector_store_idx %arg17[%shift_right_logical3A_616, %and3A_619], %broadcast_in_dim3A_76 masked %eq3A_42 {add = true} : memref<80x128xf32, #tpu.memory_space<vmem>>[vector<16xi32>, vector<16xi32>], vector<16xf32>, vector<16xi1>
      tpu.vector_store_idx %arg17[%shift_right_logical3A_616, %and3A_619], %broadcast_in_dim3A_76 masked %eq3A_45 {add = true} : memref<80x128xf32, #tpu.memory_space<vmem>>[vector<16xi32>, vector<16xi32>], vector<16xf32>, vector<16xi1>
      tpu.vector_store_idx %arg17[%shift_right_logical3A_616, %and3A_619], %broadcast_in_dim3A_76 masked %eq3A_48 {add = true} : memref<80x128xf32, #tpu.memory_space<vmem>>[vector<16xi32>, vector<16xi32>], vector<16xf32>, vector<16xi1>
      tpu.vector_store_idx %arg17[%shift_right_logical3A_616, %and3A_619], %broadcast_in_dim3A_76 masked %eq3A_51 {add = true} : memref<80x128xf32, #tpu.memory_space<vmem>>[vector<16xi32>, vector<16xi32>], vector<16xf32>, vector<16xi1>
      tpu.vector_store_idx %arg17[%shift_right_logical3A_616, %and3A_619], %broadcast_in_dim3A_76 masked %eq3A_54 {add = true} : memref<80x128xf32, #tpu.memory_space<vmem>>[vector<16xi32>, vector<16xi32>], vector<16xf32>, vector<16xi1>
      tpu.vector_store_idx %arg17[%shift_right_logical3A_616, %and3A_619], %broadcast_in_dim3A_76 masked %eq3A_57 {add = true} : memref<80x128xf32, #tpu.memory_space<vmem>>[vector<16xi32>, vector<16xi32>], vector<16xf32>, vector<16xi1>
      tpu.vector_store_idx %arg17[%shift_right_logical3A_616, %and3A_619], %broadcast_in_dim3A_76 masked %eq3A_60 {add = true} : memref<80x128xf32, #tpu.memory_space<vmem>>[vector<16xi32>, vector<16xi32>], vector<16xf32>, vector<16xi1>
      tpu.vector_store_idx %arg17[%shift_right_logical3A_616, %and3A_619], %broadcast_in_dim3A_76 masked %eq3A_63 {add = true} : memref<80x128xf32, #tpu.memory_space<vmem>>[vector<16xi32>, vector<16xi32>], vector<16xf32>, vector<16xi1>
      tpu.vector_store_idx %arg17[%shift_right_logical3A_616, %and3A_619], %broadcast_in_dim3A_76 masked %eq3A_66 {add = true} : memref<80x128xf32, #tpu.memory_space<vmem>>[vector<16xi32>, vector<16xi32>], vector<16xf32>, vector<16xi1>
      tpu.vector_store_idx %arg17[%shift_right_logical3A_616, %and3A_619], %broadcast_in_dim3A_76 masked %eq3A_69 {add = true} : memref<80x128xf32, #tpu.memory_space<vmem>>[vector<16xi32>, vector<16xi32>], vector<16xf32>, vector<16xi1>
      tpu.vector_store_idx %arg17[%shift_right_logical3A_616, %and3A_619], %broadcast_in_dim3A_76 masked %eq3A_72 {add = true} : memref<80x128xf32, #tpu.memory_space<vmem>>[vector<16xi32>, vector<16xi32>], vector<16xf32>, vector<16xi1>
      tpu.vector_store_idx %arg17[%shift_right_logical3A_616, %and3A_619], %broadcast_in_dim3A_76 masked %eq3A_75 {add = true} : memref<80x128xf32, #tpu.memory_space<vmem>>[vector<16xi32>, vector<16xi32>], vector<16xf32>, vector<16xi1>
      %get3A_620 = arith.constant 64 : index
      %get3A_621 = tpu.vector_load %arg13[%get3A_620] {strides = array<i32>} : memref<128xi32, #tpu.memory_space<vmem>>, vector<16xi32>,
      %shift_right_logical3A_622 = arith.constant 7 : i32
      %shift_right_logical3A_623 = vector.broadcast %shift_right_logical3A_622 : i32 to vector<16xi32>
      %shift_right_logical3A_624 = arith.shrui %get3A_621, %shift_right_logical3A_623 : vector<16xi32>
      %and3A_625 = arith.constant 127 : i32
      %and3A_626 = vector.broadcast %and3A_625 : i32 to vector<16xi32>
      %and3A_627 = arith.andi %get3A_621, %and3A_626 : vector<16xi32>
      tpu.vector_store_idx %arg17[%shift_right_logical3A_624, %and3A_627], %broadcast_in_dim3A_76 masked %eq3A_30 {add = true} : memref<80x128xf32, #tpu.memory_space<vmem>>[vector<16xi32>, vector<16xi32>], vector<16xf32>, vector<16xi1>
      tpu.vector_store_idx %arg17[%shift_right_logical3A_624, %and3A_627], %broadcast_in_dim3A_76 masked %eq3A_33 {add = true} : memref<80x128xf32, #tpu.memory_space<vmem>>[vector<16xi32>, vector<16xi32>], vector<16xf32>, vector<16xi1>
      tpu.vector_store_idx %arg17[%shift_right_logical3A_624, %and3A_627], %broadcast_in_dim3A_76 masked %eq3A_36 {add = true} : memref<80x128xf32, #tpu.memory_space<vmem>>[vector<16xi32>, vector<16xi32>], vector<16xf32>, vector<16xi1>
      tpu.vector_store_idx %arg17[%shift_right_logical3A_624, %and3A_627], %broadcast_in_dim3A_76 masked %eq3A_39 {add = true} : memref<80x128xf32, #tpu.memory_space<vmem>>[vector<16xi32>, vector<16xi32>], vector<16xf32>, vector<16xi1>
      tpu.vector_store_idx %arg17[%shift_right_logical3A_624, %and3A_627], %broadcast_in_dim3A_76 masked %eq3A_42 {add = true} : memref<80x128xf32, #tpu.memory_space<vmem>>[vector<16xi32>, vector<16xi32>], vector<16xf32>, vector<16xi1>
      tpu.vector_store_idx %arg17[%shift_right_logical3A_624, %and3A_627], %broadcast_in_dim3A_76 masked %eq3A_45 {add = true} : memref<80x128xf32, #tpu.memory_space<vmem>>[vector<16xi32>, vector<16xi32>], vector<16xf32>, vector<16xi1>
      tpu.vector_store_idx %arg17[%shift_right_logical3A_624, %and3A_627], %broadcast_in_dim3A_76 masked %eq3A_48 {add = true} : memref<80x128xf32, #tpu.memory_space<vmem>>[vector<16xi32>, vector<16xi32>], vector<16xf32>, vector<16xi1>
      tpu.vector_store_idx %arg17[%shift_right_logical3A_624, %and3A_627], %broadcast_in_dim3A_76 masked %eq3A_51 {add = true} : memref<80x128xf32, #tpu.memory_space<vmem>>[vector<16xi32>, vector<16xi32>], vector<16xf32>, vector<16xi1>
      tpu.vector_store_idx %arg17[%shift_right_logical3A_624, %and3A_627], %broadcast_in_dim3A_76 masked %eq3A_54 {add = true} : memref<80x128xf32, #tpu.memory_space<vmem>>[vector<16xi32>, vector<16xi32>], vector<16xf32>, vector<16xi1>
      tpu.vector_store_idx %arg17[%shift_right_logical3A_624, %and3A_627], %broadcast_in_dim3A_76 masked %eq3A_57 {add = true} : memref<80x128xf32, #tpu.memory_space<vmem>>[vector<16xi32>, vector<16xi32>], vector<16xf32>, vector<16xi1>
      tpu.vector_store_idx %arg17[%shift_right_logical3A_624, %and3A_627], %broadcast_in_dim3A_76 masked %eq3A_60 {add = true} : memref<80x128xf32, #tpu.memory_space<vmem>>[vector<16xi32>, vector<16xi32>], vector<16xf32>, vector<16xi1>
      tpu.vector_store_idx %arg17[%shift_right_logical3A_624, %and3A_627], %broadcast_in_dim3A_76 masked %eq3A_63 {add = true} : memref<80x128xf32, #tpu.memory_space<vmem>>[vector<16xi32>, vector<16xi32>], vector<16xf32>, vector<16xi1>
      tpu.vector_store_idx %arg17[%shift_right_logical3A_624, %and3A_627], %broadcast_in_dim3A_76 masked %eq3A_66 {add = true} : memref<80x128xf32, #tpu.memory_space<vmem>>[vector<16xi32>, vector<16xi32>], vector<16xf32>, vector<16xi1>
      tpu.vector_store_idx %arg17[%shift_right_logical3A_624, %and3A_627], %broadcast_in_dim3A_76 masked %eq3A_69 {add = true} : memref<80x128xf32, #tpu.memory_space<vmem>>[vector<16xi32>, vector<16xi32>], vector<16xf32>, vector<16xi1>
      tpu.vector_store_idx %arg17[%shift_right_logical3A_624, %and3A_627], %broadcast_in_dim3A_76 masked %eq3A_72 {add = true} : memref<80x128xf32, #tpu.memory_space<vmem>>[vector<16xi32>, vector<16xi32>], vector<16xf32>, vector<16xi1>
      tpu.vector_store_idx %arg17[%shift_right_logical3A_624, %and3A_627], %broadcast_in_dim3A_76 masked %eq3A_75 {add = true} : memref<80x128xf32, #tpu.memory_space<vmem>>[vector<16xi32>, vector<16xi32>], vector<16xf32>, vector<16xi1>
      %get3A_628 = arith.constant 80 : index
      %get3A_629 = tpu.vector_load %arg13[%get3A_628] {strides = array<i32>} : memref<128xi32, #tpu.memory_space<vmem>>, vector<16xi32>,
      %shift_right_logical3A_630 = arith.constant 7 : i32
      %shift_right_logical3A_631 = vector.broadcast %shift_right_logical3A_630 : i32 to vector<16xi32>
      %shift_right_logical3A_632 = arith.shrui %get3A_629, %shift_right_logical3A_631 : vector<16xi32>
      %and3A_633 = arith.constant 127 : i32
      %and3A_634 = vector.broadcast %and3A_633 : i32 to vector<16xi32>
      %and3A_635 = arith.andi %get3A_629, %and3A_634 : vector<16xi32>
      tpu.vector_store_idx %arg17[%shift_right_logical3A_632, %and3A_635], %broadcast_in_dim3A_76 masked %eq3A_30 {add = true} : memref<80x128xf32, #tpu.memory_space<vmem>>[vector<16xi32>, vector<16xi32>], vector<16xf32>, vector<16xi1>
      tpu.vector_store_idx %arg17[%shift_right_logical3A_632, %and3A_635], %broadcast_in_dim3A_76 masked %eq3A_33 {add = true} : memref<80x128xf32, #tpu.memory_space<vmem>>[vector<16xi32>, vector<16xi32>], vector<16xf32>, vector<16xi1>
      tpu.vector_store_idx %arg17[%shift_right_logical3A_632, %and3A_635], %broadcast_in_dim3A_76 masked %eq3A_36 {add = true} : memref<80x128xf32, #tpu.memory_space<vmem>>[vector<16xi32>, vector<16xi32>], vector<16xf32>, vector<16xi1>
      tpu.vector_store_idx %arg17[%shift_right_logical3A_632, %and3A_635], %broadcast_in_dim3A_76 masked %eq3A_39 {add = true} : memref<80x128xf32, #tpu.memory_space<vmem>>[vector<16xi32>, vector<16xi32>], vector<16xf32>, vector<16xi1>
      tpu.vector_store_idx %arg17[%shift_right_logical3A_632, %and3A_635], %broadcast_in_dim3A_76 masked %eq3A_42 {add = true} : memref<80x128xf32, #tpu.memory_space<vmem>>[vector<16xi32>, vector<16xi32>], vector<16xf32>, vector<16xi1>
      tpu.vector_store_idx %arg17[%shift_right_logical3A_632, %and3A_635], %broadcast_in_dim3A_76 masked %eq3A_45 {add = true} : memref<80x128xf32, #tpu.memory_space<vmem>>[vector<16xi32>, vector<16xi32>], vector<16xf32>, vector<16xi1>
      tpu.vector_store_idx %arg17[%shift_right_logical3A_632, %and3A_635], %broadcast_in_dim3A_76 masked %eq3A_48 {add = true} : memref<80x128xf32, #tpu.memory_space<vmem>>[vector<16xi32>, vector<16xi32>], vector<16xf32>, vector<16xi1>
      tpu.vector_store_idx %arg17[%shift_right_logical3A_632, %and3A_635], %broadcast_in_dim3A_76 masked %eq3A_51 {add = true} : memref<80x128xf32, #tpu.memory_space<vmem>>[vector<16xi32>, vector<16xi32>], vector<16xf32>, vector<16xi1>
      tpu.vector_store_idx %arg17[%shift_right_logical3A_632, %and3A_635], %broadcast_in_dim3A_76 masked %eq3A_54 {add = true} : memref<80x128xf32, #tpu.memory_space<vmem>>[vector<16xi32>, vector<16xi32>], vector<16xf32>, vector<16xi1>
      tpu.vector_store_idx %arg17[%shift_right_logical3A_632, %and3A_635], %broadcast_in_dim3A_76 masked %eq3A_57 {add = true} : memref<80x128xf32, #tpu.memory_space<vmem>>[vector<16xi32>, vector<16xi32>], vector<16xf32>, vector<16xi1>
      tpu.vector_store_idx %arg17[%shift_right_logical3A_632, %and3A_635], %broadcast_in_dim3A_76 masked %eq3A_60 {add = true} : memref<80x128xf32, #tpu.memory_space<vmem>>[vector<16xi32>, vector<16xi32>], vector<16xf32>, vector<16xi1>
      tpu.vector_store_idx %arg17[%shift_right_logical3A_632, %and3A_635], %broadcast_in_dim3A_76 masked %eq3A_63 {add = true} : memref<80x128xf32, #tpu.memory_space<vmem>>[vector<16xi32>, vector<16xi32>], vector<16xf32>, vector<16xi1>
      tpu.vector_store_idx %arg17[%shift_right_logical3A_632, %and3A_635], %broadcast_in_dim3A_76 masked %eq3A_66 {add = true} : memref<80x128xf32, #tpu.memory_space<vmem>>[vector<16xi32>, vector<16xi32>], vector<16xf32>, vector<16xi1>
      tpu.vector_store_idx %arg17[%shift_right_logical3A_632, %and3A_635], %broadcast_in_dim3A_76 masked %eq3A_69 {add = true} : memref<80x128xf32, #tpu.memory_space<vmem>>[vector<16xi32>, vector<16xi32>], vector<16xf32>, vector<16xi1>
      tpu.vector_store_idx %arg17[%shift_right_logical3A_632, %and3A_635], %broadcast_in_dim3A_76 masked %eq3A_72 {add = true} : memref<80x128xf32, #tpu.memory_space<vmem>>[vector<16xi32>, vector<16xi32>], vector<16xf32>, vector<16xi1>
      tpu.vector_store_idx %arg17[%shift_right_logical3A_632, %and3A_635], %broadcast_in_dim3A_76 masked %eq3A_75 {add = true} : memref<80x128xf32, #tpu.memory_space<vmem>>[vector<16xi32>, vector<16xi32>], vector<16xf32>, vector<16xi1>
      %get3A_636 = arith.constant 96 : index
      %get3A_637 = tpu.vector_load %arg13[%get3A_636] {strides = array<i32>} : memref<128xi32, #tpu.memory_space<vmem>>, vector<16xi32>,
      %shift_right_logical3A_638 = arith.constant 7 : i32
      %shift_right_logical3A_639 = vector.broadcast %shift_right_logical3A_638 : i32 to vector<16xi32>
      %shift_right_logical3A_640 = arith.shrui %get3A_637, %shift_right_logical3A_639 : vector<16xi32>
      %and3A_641 = arith.constant 127 : i32
      %and3A_642 = vector.broadcast %and3A_641 : i32 to vector<16xi32>
      %and3A_643 = arith.andi %get3A_637, %and3A_642 : vector<16xi32>
      tpu.vector_store_idx %arg17[%shift_right_logical3A_640, %and3A_643], %broadcast_in_dim3A_76 masked %eq3A_30 {add = true} : memref<80x128xf32, #tpu.memory_space<vmem>>[vector<16xi32>, vector<16xi32>], vector<16xf32>, vector<16xi1>
      tpu.vector_store_idx %arg17[%shift_right_logical3A_640, %and3A_643], %broadcast_in_dim3A_76 masked %eq3A_33 {add = true} : memref<80x128xf32, #tpu.memory_space<vmem>>[vector<16xi32>, vector<16xi32>], vector<16xf32>, vector<16xi1>
      tpu.vector_store_idx %arg17[%shift_right_logical3A_640, %and3A_643], %broadcast_in_dim3A_76 masked %eq3A_36 {add = true} : memref<80x128xf32, #tpu.memory_space<vmem>>[vector<16xi32>, vector<16xi32>], vector<16xf32>, vector<16xi1>
      tpu.vector_store_idx %arg17[%shift_right_logical3A_640, %and3A_643], %broadcast_in_dim3A_76 masked %eq3A_39 {add = true} : memref<80x128xf32, #tpu.memory_space<vmem>>[vector<16xi32>, vector<16xi32>], vector<16xf32>, vector<16xi1>
      tpu.vector_store_idx %arg17[%shift_right_logical3A_640, %and3A_643], %broadcast_in_dim3A_76 masked %eq3A_42 {add = true} : memref<80x128xf32, #tpu.memory_space<vmem>>[vector<16xi32>, vector<16xi32>], vector<16xf32>, vector<16xi1>
      tpu.vector_store_idx %arg17[%shift_right_logical3A_640, %and3A_643], %broadcast_in_dim3A_76 masked %eq3A_45 {add = true} : memref<80x128xf32, #tpu.memory_space<vmem>>[vector<16xi32>, vector<16xi32>], vector<16xf32>, vector<16xi1>
      tpu.vector_store_idx %arg17[%shift_right_logical3A_640, %and3A_643], %broadcast_in_dim3A_76 masked %eq3A_48 {add = true} : memref<80x128xf32, #tpu.memory_space<vmem>>[vector<16xi32>, vector<16xi32>], vector<16xf32>, vector<16xi1>
      tpu.vector_store_idx %arg17[%shift_right_logical3A_640, %and3A_643], %broadcast_in_dim3A_76 masked %eq3A_51 {add = true} : memref<80x128xf32, #tpu.memory_space<vmem>>[vector<16xi32>, vector<16xi32>], vector<16xf32>, vector<16xi1>
      tpu.vector_store_idx %arg17[%shift_right_logical3A_640, %and3A_643], %broadcast_in_dim3A_76 masked %eq3A_54 {add = true} : memref<80x128xf32, #tpu.memory_space<vmem>>[vector<16xi32>, vector<16xi32>], vector<16xf32>, vector<16xi1>
      tpu.vector_store_idx %arg17[%shift_right_logical3A_640, %and3A_643], %broadcast_in_dim3A_76 masked %eq3A_57 {add = true} : memref<80x128xf32, #tpu.memory_space<vmem>>[vector<16xi32>, vector<16xi32>], vector<16xf32>, vector<16xi1>
      tpu.vector_store_idx %arg17[%shift_right_logical3A_640, %and3A_643], %broadcast_in_dim3A_76 masked %eq3A_60 {add = true} : memref<80x128xf32, #tpu.memory_space<vmem>>[vector<16xi32>, vector<16xi32>], vector<16xf32>, vector<16xi1>
      tpu.vector_store_idx %arg17[%shift_right_logical3A_640, %and3A_643], %broadcast_in_dim3A_76 masked %eq3A_63 {add = true} : memref<80x128xf32, #tpu.memory_space<vmem>>[vector<16xi32>, vector<16xi32>], vector<16xf32>, vector<16xi1>
      tpu.vector_store_idx %arg17[%shift_right_logical3A_640, %and3A_643], %broadcast_in_dim3A_76 masked %eq3A_66 {add = true} : memref<80x128xf32, #tpu.memory_space<vmem>>[vector<16xi32>, vector<16xi32>], vector<16xf32>, vector<16xi1>
      tpu.vector_store_idx %arg17[%shift_right_logical3A_640, %and3A_643], %broadcast_in_dim3A_76 masked %eq3A_69 {add = true} : memref<80x128xf32, #tpu.memory_space<vmem>>[vector<16xi32>, vector<16xi32>], vector<16xf32>, vector<16xi1>
      tpu.vector_store_idx %arg17[%shift_right_logical3A_640, %and3A_643], %broadcast_in_dim3A_76 masked %eq3A_72 {add = true} : memref<80x128xf32, #tpu.memory_space<vmem>>[vector<16xi32>, vector<16xi32>], vector<16xf32>, vector<16xi1>
      tpu.vector_store_idx %arg17[%shift_right_logical3A_640, %and3A_643], %broadcast_in_dim3A_76 masked %eq3A_75 {add = true} : memref<80x128xf32, #tpu.memory_space<vmem>>[vector<16xi32>, vector<16xi32>], vector<16xf32>, vector<16xi1>
      %get3A_644 = arith.constant 112 : index
      %get3A_645 = tpu.vector_load %arg13[%get3A_644] {strides = array<i32>} : memref<128xi32, #tpu.memory_space<vmem>>, vector<16xi32>,
      %shift_right_logical3A_646 = arith.constant 7 : i32
      %shift_right_logical3A_647 = vector.broadcast %shift_right_logical3A_646 : i32 to vector<16xi32>
      %shift_right_logical3A_648 = arith.shrui %get3A_645, %shift_right_logical3A_647 : vector<16xi32>
      %and3A_649 = arith.constant 127 : i32
      %and3A_650 = vector.broadcast %and3A_649 : i32 to vector<16xi32>
      %and3A_651 = arith.andi %get3A_645, %and3A_650 : vector<16xi32>
      tpu.vector_store_idx %arg17[%shift_right_logical3A_648, %and3A_651], %broadcast_in_dim3A_76 masked %eq3A_30 {add = true} : memref<80x128xf32, #tpu.memory_space<vmem>>[vector<16xi32>, vector<16xi32>], vector<16xf32>, vector<16xi1>
      tpu.vector_store_idx %arg17[%shift_right_logical3A_648, %and3A_651], %broadcast_in_dim3A_76 masked %eq3A_33 {add = true} : memref<80x128xf32, #tpu.memory_space<vmem>>[vector<16xi32>, vector<16xi32>], vector<16xf32>, vector<16xi1>
      tpu.vector_store_idx %arg17[%shift_right_logical3A_648, %and3A_651], %broadcast_in_dim3A_76 masked %eq3A_36 {add = true} : memref<80x128xf32, #tpu.memory_space<vmem>>[vector<16xi32>, vector<16xi32>], vector<16xf32>, vector<16xi1>
      tpu.vector_store_idx %arg17[%shift_right_logical3A_648, %and3A_651], %broadcast_in_dim3A_76 masked %eq3A_39 {add = true} : memref<80x128xf32, #tpu.memory_space<vmem>>[vector<16xi32>, vector<16xi32>], vector<16xf32>, vector<16xi1>
      tpu.vector_store_idx %arg17[%shift_right_logical3A_648, %and3A_651], %broadcast_in_dim3A_76 masked %eq3A_42 {add = true} : memref<80x128xf32, #tpu.memory_space<vmem>>[vector<16xi32>, vector<16xi32>], vector<16xf32>, vector<16xi1>
      tpu.vector_store_idx %arg17[%shift_right_logical3A_648, %and3A_651], %broadcast_in_dim3A_76 masked %eq3A_45 {add = true} : memref<80x128xf32, #tpu.memory_space<vmem>>[vector<16xi32>, vector<16xi32>], vector<16xf32>, vector<16xi1>
      tpu.vector_store_idx %arg17[%shift_right_logical3A_648, %and3A_651], %broadcast_in_dim3A_76 masked %eq3A_48 {add = true} : memref<80x128xf32, #tpu.memory_space<vmem>>[vector<16xi32>, vector<16xi32>], vector<16xf32>, vector<16xi1>
      tpu.vector_store_idx %arg17[%shift_right_logical3A_648, %and3A_651], %broadcast_in_dim3A_76 masked %eq3A_51 {add = true} : memref<80x128xf32, #tpu.memory_space<vmem>>[vector<16xi32>, vector<16xi32>], vector<16xf32>, vector<16xi1>
      tpu.vector_store_idx %arg17[%shift_right_logical3A_648, %and3A_651], %broadcast_in_dim3A_76 masked %eq3A_54 {add = true} : memref<80x128xf32, #tpu.memory_space<vmem>>[vector<16xi32>, vector<16xi32>], vector<16xf32>, vector<16xi1>
      tpu.vector_store_idx %arg17[%shift_right_logical3A_648, %and3A_651], %broadcast_in_dim3A_76 masked %eq3A_57 {add = true} : memref<80x128xf32, #tpu.memory_space<vmem>>[vector<16xi32>, vector<16xi32>], vector<16xf32>, vector<16xi1>
      tpu.vector_store_idx %arg17[%shift_right_logical3A_648, %and3A_651], %broadcast_in_dim3A_76 masked %eq3A_60 {add = true} : memref<80x128xf32, #tpu.memory_space<vmem>>[vector<16xi32>, vector<16xi32>], vector<16xf32>, vector<16xi1>
      tpu.vector_store_idx %arg17[%shift_right_logical3A_648, %and3A_651], %broadcast_in_dim3A_76 masked %eq3A_63 {add = true} : memref<80x128xf32, #tpu.memory_space<vmem>>[vector<16xi32>, vector<16xi32>], vector<16xf32>, vector<16xi1>
      tpu.vector_store_idx %arg17[%shift_right_logical3A_648, %and3A_651], %broadcast_in_dim3A_76 masked %eq3A_66 {add = true} : memref<80x128xf32, #tpu.memory_space<vmem>>[vector<16xi32>, vector<16xi32>], vector<16xf32>, vector<16xi1>
      tpu.vector_store_idx %arg17[%shift_right_logical3A_648, %and3A_651], %broadcast_in_dim3A_76 masked %eq3A_69 {add = true} : memref<80x128xf32, #tpu.memory_space<vmem>>[vector<16xi32>, vector<16xi32>], vector<16xf32>, vector<16xi1>
      tpu.vector_store_idx %arg17[%shift_right_logical3A_648, %and3A_651], %broadcast_in_dim3A_76 masked %eq3A_72 {add = true} : memref<80x128xf32, #tpu.memory_space<vmem>>[vector<16xi32>, vector<16xi32>], vector<16xf32>, vector<16xi1>
      tpu.vector_store_idx %arg17[%shift_right_logical3A_648, %and3A_651], %broadcast_in_dim3A_76 masked %eq3A_75 {add = true} : memref<80x128xf32, #tpu.memory_space<vmem>>[vector<16xi32>, vector<16xi32>], vector<16xf32>, vector<16xi1>
      %add3A_652 = arith.constant 6 : i32
      %add3A_653 = arith.addi %mul3A_459, %add3A_652 : i32
      %add3A_654 = arith.constant 4 : i32
      %add3A_655 = arith.addi %mul3A_459, %add3A_654 : i32
      %dma_wait3A_656 = arith.constant 0 : i32
      %dma_wait3A_657 = arith.constant 0 : i32
      %dma_wait3A_658 = tpu.memref_slice %arg2[%dma_wait3A_656, %dma_wait3A_657] : memref<10000x128xf32, #tpu.memory_space<hbm>> -> memref<10000x128xf32, #tpu.memory_space<hbm>>
      tpu.wait_indirect_dma semaphore(%arg20 : memref<!tpu.dma_semaphore, #tpu.memory_space<semaphore_mem>>) src(%dma_wait3A_658 : memref<10000x128xf32, #tpu.memory_space<hbm>>) dst(%arg15 : memref<128x128xf32, #tpu.memory_space<vmem>>)
      %dma_start3A_659 = arith.constant 0 : i32
      %dma_start3A_660 = arith.constant 0 : i32
      %dma_start3A_661 = tpu.memref_slice %arg19[%dma_start3A_659, %dma_start3A_660] : memref<10240x128xf32, #tpu.memory_space<vmem_shared>> -> memref<10240x128xf32, #tpu.memory_space<vmem_shared>>
      tpu.enqueue_indirect_dma source(%arg15 : memref<128x128xf32, #tpu.memory_space<vmem>>) target(%dma_start3A_661 : memref<10240x128xf32, #tpu.memory_space<vmem_shared>>) offsets(%arg11 : memref<128xi32, #tpu.memory_space<vmem>>) semaphore(%arg22 : memref<!tpu.dma_semaphore, #tpu.memory_space<semaphore_mem>>) {add = true}
      %dma_wait3A_662 = arith.constant 0 : i32
      %dma_wait3A_663 = arith.constant 0 : i32
      %dma_wait3A_664 = tpu.memref_slice %arg19[%dma_wait3A_662, %dma_wait3A_663] : memref<10240x128xf32, #tpu.memory_space<vmem_shared>> -> memref<10240x128xf32, #tpu.memory_space<vmem_shared>>
      tpu.wait_indirect_dma semaphore(%arg22 : memref<!tpu.dma_semaphore, #tpu.memory_space<semaphore_mem>>) src(%arg15 : memref<128x128xf32, #tpu.memory_space<vmem>>) dst(%dma_wait3A_664 : memref<10240x128xf32, #tpu.memory_space<vmem_shared>>)
      %add3A_665 = arith.addi %mul3A_28, %add3A_653 : i32
      %mul3A_666 = arith.constant 128 : i32
      %mul3A_667 = arith.muli %add3A_665, %mul3A_666 : i32
      %multiple_of3A_668 = tpu.assume_multiple %mul3A_667, 8 : i32
      %dma_start3A_669 = tpu.memref_slice %arg3[%multiple_of3A_668] : memref<327680xi32, #tpu.memory_space<hbm>> -> memref<128xi32, #tpu.memory_space<hbm>>
      %dma_start3A_670 = tpu.memref_slice %arg3[%multiple_of3A_668] : memref<327680xi32, #tpu.memory_space<hbm>> -> memref<128xi32, #tpu.memory_space<hbm>>
      tpu.enqueue_dma source(%dma_start3A_670 : memref<128xi32, #tpu.memory_space<hbm>>) target(%arg11 : memref<128xi32, #tpu.memory_space<vmem>>) target_semaphore(%arg26 : memref<!tpu.dma_semaphore, #tpu.memory_space<semaphore_mem>>)
      %dma_start3A_671 = tpu.memref_slice %arg4[%multiple_of3A_668] : memref<327680xi32, #tpu.memory_space<hbm>> -> memref<128xi32, #tpu.memory_space<hbm>>
      %dma_start3A_672 = tpu.memref_slice %arg4[%multiple_of3A_668] : memref<327680xi32, #tpu.memory_space<hbm>> -> memref<128xi32, #tpu.memory_space<hbm>>
      tpu.enqueue_dma source(%dma_start3A_672 : memref<128xi32, #tpu.memory_space<hbm>>) target(%arg12 : memref<128xi32, #tpu.memory_space<vmem>>) target_semaphore(%arg26 : memref<!tpu.dma_semaphore, #tpu.memory_space<semaphore_mem>>)
      %add3A_673 = arith.addi %mul3A_28, %add3A_655 : i32
      %mul3A_674 = arith.constant 128 : i32
      %mul3A_675 = arith.muli %add3A_673, %mul3A_674 : i32
      %multiple_of3A_676 = tpu.assume_multiple %mul3A_675, 8 : i32
      %dma_wait3A_677 = tpu.memref_slice %arg3[%multiple_of3A_676] : memref<327680xi32, #tpu.memory_space<hbm>> -> memref<128xi32, #tpu.memory_space<hbm>>
      %dma_wait3A_678 = tpu.memref_slice %arg3[%multiple_of3A_676] : memref<327680xi32, #tpu.memory_space<hbm>> -> memref<128xi32, #tpu.memory_space<hbm>>
      tpu.wait_dma2 semaphore(%arg24 : memref<!tpu.dma_semaphore, #tpu.memory_space<semaphore_mem>>) src(%dma_wait3A_678 : memref<128xi32, #tpu.memory_space<hbm>>) dst(%arg7 : memref<128xi32, #tpu.memory_space<vmem>>)
      %dma_wait3A_679 = tpu.memref_slice %arg4[%multiple_of3A_676] : memref<327680xi32, #tpu.memory_space<hbm>> -> memref<128xi32, #tpu.memory_space<hbm>>
      %dma_wait3A_680 = tpu.memref_slice %arg4[%multiple_of3A_676] : memref<327680xi32, #tpu.memory_space<hbm>> -> memref<128xi32, #tpu.memory_space<hbm>>
      tpu.wait_dma2 semaphore(%arg24 : memref<!tpu.dma_semaphore, #tpu.memory_space<semaphore_mem>>) src(%dma_wait3A_680 : memref<128xi32, #tpu.memory_space<hbm>>) dst(%arg8 : memref<128xi32, #tpu.memory_space<vmem>>)
      %dma_start3A_681 = arith.constant 0 : i32
      %dma_start3A_682 = arith.constant 0 : i32
      %dma_start3A_683 = tpu.memref_slice %arg2[%dma_start3A_681, %dma_start3A_682] : memref<10000x128xf32, #tpu.memory_space<hbm>> -> memref<10000x128xf32, #tpu.memory_space<hbm>>
      tpu.enqueue_indirect_dma source(%dma_start3A_683 : memref<10000x128xf32, #tpu.memory_space<hbm>>) target(%arg15 : memref<128x128xf32, #tpu.memory_space<vmem>>) offsets(%arg8 : memref<128xi32, #tpu.memory_space<vmem>>) semaphore(%arg20 : memref<!tpu.dma_semaphore, #tpu.memory_space<semaphore_mem>>)
      %get3A_684 = arith.constant 0 : index
      %get3A_685 = tpu.vector_load %arg7[%get3A_684] {strides = array<i32>} : memref<128xi32, #tpu.memory_space<vmem>>, vector<16xi32>,
      %shift_right_logical3A_686 = arith.constant 7 : i32
      %shift_right_logical3A_687 = vector.broadcast %shift_right_logical3A_686 : i32 to vector<16xi32>
      %shift_right_logical3A_688 = arith.shrui %get3A_685, %shift_right_logical3A_687 : vector<16xi32>
      %and3A_689 = arith.constant 127 : i32
      %and3A_690 = vector.broadcast %and3A_689 : i32 to vector<16xi32>
      %and3A_691 = arith.andi %get3A_685, %and3A_690 : vector<16xi32>
      tpu.vector_store_idx %arg17[%shift_right_logical3A_688, %and3A_691], %broadcast_in_dim3A_76 masked %eq3A_30 {add = true} : memref<80x128xf32, #tpu.memory_space<vmem>>[vector<16xi32>, vector<16xi32>], vector<16xf32>, vector<16xi1>
      tpu.vector_store_idx %arg17[%shift_right_logical3A_688, %and3A_691], %broadcast_in_dim3A_76 masked %eq3A_33 {add = true} : memref<80x128xf32, #tpu.memory_space<vmem>>[vector<16xi32>, vector<16xi32>], vector<16xf32>, vector<16xi1>
      tpu.vector_store_idx %arg17[%shift_right_logical3A_688, %and3A_691], %broadcast_in_dim3A_76 masked %eq3A_36 {add = true} : memref<80x128xf32, #tpu.memory_space<vmem>>[vector<16xi32>, vector<16xi32>], vector<16xf32>, vector<16xi1>
      tpu.vector_store_idx %arg17[%shift_right_logical3A_688, %and3A_691], %broadcast_in_dim3A_76 masked %eq3A_39 {add = true} : memref<80x128xf32, #tpu.memory_space<vmem>>[vector<16xi32>, vector<16xi32>], vector<16xf32>, vector<16xi1>
      tpu.vector_store_idx %arg17[%shift_right_logical3A_688, %and3A_691], %broadcast_in_dim3A_76 masked %eq3A_42 {add = true} : memref<80x128xf32, #tpu.memory_space<vmem>>[vector<16xi32>, vector<16xi32>], vector<16xf32>, vector<16xi1>
      tpu.vector_store_idx %arg17[%shift_right_logical3A_688, %and3A_691], %broadcast_in_dim3A_76 masked %eq3A_45 {add = true} : memref<80x128xf32, #tpu.memory_space<vmem>>[vector<16xi32>, vector<16xi32>], vector<16xf32>, vector<16xi1>
      tpu.vector_store_idx %arg17[%shift_right_logical3A_688, %and3A_691], %broadcast_in_dim3A_76 masked %eq3A_48 {add = true} : memref<80x128xf32, #tpu.memory_space<vmem>>[vector<16xi32>, vector<16xi32>], vector<16xf32>, vector<16xi1>
      tpu.vector_store_idx %arg17[%shift_right_logical3A_688, %and3A_691], %broadcast_in_dim3A_76 masked %eq3A_51 {add = true} : memref<80x128xf32, #tpu.memory_space<vmem>>[vector<16xi32>, vector<16xi32>], vector<16xf32>, vector<16xi1>
      tpu.vector_store_idx %arg17[%shift_right_logical3A_688, %and3A_691], %broadcast_in_dim3A_76 masked %eq3A_54 {add = true} : memref<80x128xf32, #tpu.memory_space<vmem>>[vector<16xi32>, vector<16xi32>], vector<16xf32>, vector<16xi1>
      tpu.vector_store_idx %arg17[%shift_right_logical3A_688, %and3A_691], %broadcast_in_dim3A_76 masked %eq3A_57 {add = true} : memref<80x128xf32, #tpu.memory_space<vmem>>[vector<16xi32>, vector<16xi32>], vector<16xf32>, vector<16xi1>
      tpu.vector_store_idx %arg17[%shift_right_logical3A_688, %and3A_691], %broadcast_in_dim3A_76 masked %eq3A_60 {add = true} : memref<80x128xf32, #tpu.memory_space<vmem>>[vector<16xi32>, vector<16xi32>], vector<16xf32>, vector<16xi1>
      tpu.vector_store_idx %arg17[%shift_right_logical3A_688, %and3A_691], %broadcast_in_dim3A_76 masked %eq3A_63 {add = true} : memref<80x128xf32, #tpu.memory_space<vmem>>[vector<16xi32>, vector<16xi32>], vector<16xf32>, vector<16xi1>
      tpu.vector_store_idx %arg17[%shift_right_logical3A_688, %and3A_691], %broadcast_in_dim3A_76 masked %eq3A_66 {add = true} : memref<80x128xf32, #tpu.memory_space<vmem>>[vector<16xi32>, vector<16xi32>], vector<16xf32>, vector<16xi1>
      tpu.vector_store_idx %arg17[%shift_right_logical3A_688, %and3A_691], %broadcast_in_dim3A_76 masked %eq3A_69 {add = true} : memref<80x128xf32, #tpu.memory_space<vmem>>[vector<16xi32>, vector<16xi32>], vector<16xf32>, vector<16xi1>
      tpu.vector_store_idx %arg17[%shift_right_logical3A_688, %and3A_691], %broadcast_in_dim3A_76 masked %eq3A_72 {add = true} : memref<80x128xf32, #tpu.memory_space<vmem>>[vector<16xi32>, vector<16xi32>], vector<16xf32>, vector<16xi1>
      tpu.vector_store_idx %arg17[%shift_right_logical3A_688, %and3A_691], %broadcast_in_dim3A_76 masked %eq3A_75 {add = true} : memref<80x128xf32, #tpu.memory_space<vmem>>[vector<16xi32>, vector<16xi32>], vector<16xf32>, vector<16xi1>
      %get3A_692 = arith.constant 16 : index
      %get3A_693 = tpu.vector_load %arg7[%get3A_692] {strides = array<i32>} : memref<128xi32, #tpu.memory_space<vmem>>, vector<16xi32>,
      %shift_right_logical3A_694 = arith.constant 7 : i32
      %shift_right_logical3A_695 = vector.broadcast %shift_right_logical3A_694 : i32 to vector<16xi32>
      %shift_right_logical3A_696 = arith.shrui %get3A_693, %shift_right_logical3A_695 : vector<16xi32>
      %and3A_697 = arith.constant 127 : i32
      %and3A_698 = vector.broadcast %and3A_697 : i32 to vector<16xi32>
      %and3A_699 = arith.andi %get3A_693, %and3A_698 : vector<16xi32>
      tpu.vector_store_idx %arg17[%shift_right_logical3A_696, %and3A_699], %broadcast_in_dim3A_76 masked %eq3A_30 {add = true} : memref<80x128xf32, #tpu.memory_space<vmem>>[vector<16xi32>, vector<16xi32>], vector<16xf32>, vector<16xi1>
      tpu.vector_store_idx %arg17[%shift_right_logical3A_696, %and3A_699], %broadcast_in_dim3A_76 masked %eq3A_33 {add = true} : memref<80x128xf32, #tpu.memory_space<vmem>>[vector<16xi32>, vector<16xi32>], vector<16xf32>, vector<16xi1>
      tpu.vector_store_idx %arg17[%shift_right_logical3A_696, %and3A_699], %broadcast_in_dim3A_76 masked %eq3A_36 {add = true} : memref<80x128xf32, #tpu.memory_space<vmem>>[vector<16xi32>, vector<16xi32>], vector<16xf32>, vector<16xi1>
      tpu.vector_store_idx %arg17[%shift_right_logical3A_696, %and3A_699], %broadcast_in_dim3A_76 masked %eq3A_39 {add = true} : memref<80x128xf32, #tpu.memory_space<vmem>>[vector<16xi32>, vector<16xi32>], vector<16xf32>, vector<16xi1>
      tpu.vector_store_idx %arg17[%shift_right_logical3A_696, %and3A_699], %broadcast_in_dim3A_76 masked %eq3A_42 {add = true} : memref<80x128xf32, #tpu.memory_space<vmem>>[vector<16xi32>, vector<16xi32>], vector<16xf32>, vector<16xi1>
      tpu.vector_store_idx %arg17[%shift_right_logical3A_696, %and3A_699], %broadcast_in_dim3A_76 masked %eq3A_45 {add = true} : memref<80x128xf32, #tpu.memory_space<vmem>>[vector<16xi32>, vector<16xi32>], vector<16xf32>, vector<16xi1>
      tpu.vector_store_idx %arg17[%shift_right_logical3A_696, %and3A_699], %broadcast_in_dim3A_76 masked %eq3A_48 {add = true} : memref<80x128xf32, #tpu.memory_space<vmem>>[vector<16xi32>, vector<16xi32>], vector<16xf32>, vector<16xi1>
      tpu.vector_store_idx %arg17[%shift_right_logical3A_696, %and3A_699], %broadcast_in_dim3A_76 masked %eq3A_51 {add = true} : memref<80x128xf32, #tpu.memory_space<vmem>>[vector<16xi32>, vector<16xi32>], vector<16xf32>, vector<16xi1>
      tpu.vector_store_idx %arg17[%shift_right_logical3A_696, %and3A_699], %broadcast_in_dim3A_76 masked %eq3A_54 {add = true} : memref<80x128xf32, #tpu.memory_space<vmem>>[vector<16xi32>, vector<16xi32>], vector<16xf32>, vector<16xi1>
      tpu.vector_store_idx %arg17[%shift_right_logical3A_696, %and3A_699], %broadcast_in_dim3A_76 masked %eq3A_57 {add = true} : memref<80x128xf32, #tpu.memory_space<vmem>>[vector<16xi32>, vector<16xi32>], vector<16xf32>, vector<16xi1>
      tpu.vector_store_idx %arg17[%shift_right_logical3A_696, %and3A_699], %broadcast_in_dim3A_76 masked %eq3A_60 {add = true} : memref<80x128xf32, #tpu.memory_space<vmem>>[vector<16xi32>, vector<16xi32>], vector<16xf32>, vector<16xi1>
      tpu.vector_store_idx %arg17[%shift_right_logical3A_696, %and3A_699], %broadcast_in_dim3A_76 masked %eq3A_63 {add = true} : memref<80x128xf32, #tpu.memory_space<vmem>>[vector<16xi32>, vector<16xi32>], vector<16xf32>, vector<16xi1>
      tpu.vector_store_idx %arg17[%shift_right_logical3A_696, %and3A_699], %broadcast_in_dim3A_76 masked %eq3A_66 {add = true} : memref<80x128xf32, #tpu.memory_space<vmem>>[vector<16xi32>, vector<16xi32>], vector<16xf32>, vector<16xi1>
      tpu.vector_store_idx %arg17[%shift_right_logical3A_696, %and3A_699], %broadcast_in_dim3A_76 masked %eq3A_69 {add = true} : memref<80x128xf32, #tpu.memory_space<vmem>>[vector<16xi32>, vector<16xi32>], vector<16xf32>, vector<16xi1>
      tpu.vector_store_idx %arg17[%shift_right_logical3A_696, %and3A_699], %broadcast_in_dim3A_76 masked %eq3A_72 {add = true} : memref<80x128xf32, #tpu.memory_space<vmem>>[vector<16xi32>, vector<16xi32>], vector<16xf32>, vector<16xi1>
      tpu.vector_store_idx %arg17[%shift_right_logical3A_696, %and3A_699], %broadcast_in_dim3A_76 masked %eq3A_75 {add = true} : memref<80x128xf32, #tpu.memory_space<vmem>>[vector<16xi32>, vector<16xi32>], vector<16xf32>, vector<16xi1>
      %get3A_700 = arith.constant 32 : index
      %get3A_701 = tpu.vector_load %arg7[%get3A_700] {strides = array<i32>} : memref<128xi32, #tpu.memory_space<vmem>>, vector<16xi32>,
      %shift_right_logical3A_702 = arith.constant 7 : i32
      %shift_right_logical3A_703 = vector.broadcast %shift_right_logical3A_702 : i32 to vector<16xi32>
      %shift_right_logical3A_704 = arith.shrui %get3A_701, %shift_right_logical3A_703 : vector<16xi32>
      %and3A_705 = arith.constant 127 : i32
      %and3A_706 = vector.broadcast %and3A_705 : i32 to vector<16xi32>
      %and3A_707 = arith.andi %get3A_701, %and3A_706 : vector<16xi32>
      tpu.vector_store_idx %arg17[%shift_right_logical3A_704, %and3A_707], %broadcast_in_dim3A_76 masked %eq3A_30 {add = true} : memref<80x128xf32, #tpu.memory_space<vmem>>[vector<16xi32>, vector<16xi32>], vector<16xf32>, vector<16xi1>
      tpu.vector_store_idx %arg17[%shift_right_logical3A_704, %and3A_707], %broadcast_in_dim3A_76 masked %eq3A_33 {add = true} : memref<80x128xf32, #tpu.memory_space<vmem>>[vector<16xi32>, vector<16xi32>], vector<16xf32>, vector<16xi1>
      tpu.vector_store_idx %arg17[%shift_right_logical3A_704, %and3A_707], %broadcast_in_dim3A_76 masked %eq3A_36 {add = true} : memref<80x128xf32, #tpu.memory_space<vmem>>[vector<16xi32>, vector<16xi32>], vector<16xf32>, vector<16xi1>
      tpu.vector_store_idx %arg17[%shift_right_logical3A_704, %and3A_707], %broadcast_in_dim3A_76 masked %eq3A_39 {add = true} : memref<80x128xf32, #tpu.memory_space<vmem>>[vector<16xi32>, vector<16xi32>], vector<16xf32>, vector<16xi1>
      tpu.vector_store_idx %arg17[%shift_right_logical3A_704, %and3A_707], %broadcast_in_dim3A_76 masked %eq3A_42 {add = true} : memref<80x128xf32, #tpu.memory_space<vmem>>[vector<16xi32>, vector<16xi32>], vector<16xf32>, vector<16xi1>
      tpu.vector_store_idx %arg17[%shift_right_logical3A_704, %and3A_707], %broadcast_in_dim3A_76 masked %eq3A_45 {add = true} : memref<80x128xf32, #tpu.memory_space<vmem>>[vector<16xi32>, vector<16xi32>], vector<16xf32>, vector<16xi1>
      tpu.vector_store_idx %arg17[%shift_right_logical3A_704, %and3A_707], %broadcast_in_dim3A_76 masked %eq3A_48 {add = true} : memref<80x128xf32, #tpu.memory_space<vmem>>[vector<16xi32>, vector<16xi32>], vector<16xf32>, vector<16xi1>
      tpu.vector_store_idx %arg17[%shift_right_logical3A_704, %and3A_707], %broadcast_in_dim3A_76 masked %eq3A_51 {add = true} : memref<80x128xf32, #tpu.memory_space<vmem>>[vector<16xi32>, vector<16xi32>], vector<16xf32>, vector<16xi1>
      tpu.vector_store_idx %arg17[%shift_right_logical3A_704, %and3A_707], %broadcast_in_dim3A_76 masked %eq3A_54 {add = true} : memref<80x128xf32, #tpu.memory_space<vmem>>[vector<16xi32>, vector<16xi32>], vector<16xf32>, vector<16xi1>
      tpu.vector_store_idx %arg17[%shift_right_logical3A_704, %and3A_707], %broadcast_in_dim3A_76 masked %eq3A_57 {add = true} : memref<80x128xf32, #tpu.memory_space<vmem>>[vector<16xi32>, vector<16xi32>], vector<16xf32>, vector<16xi1>
      tpu.vector_store_idx %arg17[%shift_right_logical3A_704, %and3A_707], %broadcast_in_dim3A_76 masked %eq3A_60 {add = true} : memref<80x128xf32, #tpu.memory_space<vmem>>[vector<16xi32>, vector<16xi32>], vector<16xf32>, vector<16xi1>
      tpu.vector_store_idx %arg17[%shift_right_logical3A_704, %and3A_707], %broadcast_in_dim3A_76 masked %eq3A_63 {add = true} : memref<80x128xf32, #tpu.memory_space<vmem>>[vector<16xi32>, vector<16xi32>], vector<16xf32>, vector<16xi1>
      tpu.vector_store_idx %arg17[%shift_right_logical3A_704, %and3A_707], %broadcast_in_dim3A_76 masked %eq3A_66 {add = true} : memref<80x128xf32, #tpu.memory_space<vmem>>[vector<16xi32>, vector<16xi32>], vector<16xf32>, vector<16xi1>
      tpu.vector_store_idx %arg17[%shift_right_logical3A_704, %and3A_707], %broadcast_in_dim3A_76 masked %eq3A_69 {add = true} : memref<80x128xf32, #tpu.memory_space<vmem>>[vector<16xi32>, vector<16xi32>], vector<16xf32>, vector<16xi1>
      tpu.vector_store_idx %arg17[%shift_right_logical3A_704, %and3A_707], %broadcast_in_dim3A_76 masked %eq3A_72 {add = true} : memref<80x128xf32, #tpu.memory_space<vmem>>[vector<16xi32>, vector<16xi32>], vector<16xf32>, vector<16xi1>
      tpu.vector_store_idx %arg17[%shift_right_logical3A_704, %and3A_707], %broadcast_in_dim3A_76 masked %eq3A_75 {add = true} : memref<80x128xf32, #tpu.memory_space<vmem>>[vector<16xi32>, vector<16xi32>], vector<16xf32>, vector<16xi1>
      %get3A_708 = arith.constant 48 : index
      %get3A_709 = tpu.vector_load %arg7[%get3A_708] {strides = array<i32>} : memref<128xi32, #tpu.memory_space<vmem>>, vector<16xi32>,
      %shift_right_logical3A_710 = arith.constant 7 : i32
      %shift_right_logical3A_711 = vector.broadcast %shift_right_logical3A_710 : i32 to vector<16xi32>
      %shift_right_logical3A_712 = arith.shrui %get3A_709, %shift_right_logical3A_711 : vector<16xi32>
      %and3A_713 = arith.constant 127 : i32
      %and3A_714 = vector.broadcast %and3A_713 : i32 to vector<16xi32>
      %and3A_715 = arith.andi %get3A_709, %and3A_714 : vector<16xi32>
      tpu.vector_store_idx %arg17[%shift_right_logical3A_712, %and3A_715], %broadcast_in_dim3A_76 masked %eq3A_30 {add = true} : memref<80x128xf32, #tpu.memory_space<vmem>>[vector<16xi32>, vector<16xi32>], vector<16xf32>, vector<16xi1>
      tpu.vector_store_idx %arg17[%shift_right_logical3A_712, %and3A_715], %broadcast_in_dim3A_76 masked %eq3A_33 {add = true} : memref<80x128xf32, #tpu.memory_space<vmem>>[vector<16xi32>, vector<16xi32>], vector<16xf32>, vector<16xi1>
      tpu.vector_store_idx %arg17[%shift_right_logical3A_712, %and3A_715], %broadcast_in_dim3A_76 masked %eq3A_36 {add = true} : memref<80x128xf32, #tpu.memory_space<vmem>>[vector<16xi32>, vector<16xi32>], vector<16xf32>, vector<16xi1>
      tpu.vector_store_idx %arg17[%shift_right_logical3A_712, %and3A_715], %broadcast_in_dim3A_76 masked %eq3A_39 {add = true} : memref<80x128xf32, #tpu.memory_space<vmem>>[vector<16xi32>, vector<16xi32>], vector<16xf32>, vector<16xi1>
      tpu.vector_store_idx %arg17[%shift_right_logical3A_712, %and3A_715], %broadcast_in_dim3A_76 masked %eq3A_42 {add = true} : memref<80x128xf32, #tpu.memory_space<vmem>>[vector<16xi32>, vector<16xi32>], vector<16xf32>, vector<16xi1>
      tpu.vector_store_idx %arg17[%shift_right_logical3A_712, %and3A_715], %broadcast_in_dim3A_76 masked %eq3A_45 {add = true} : memref<80x128xf32, #tpu.memory_space<vmem>>[vector<16xi32>, vector<16xi32>], vector<16xf32>, vector<16xi1>
      tpu.vector_store_idx %arg17[%shift_right_logical3A_712, %and3A_715], %broadcast_in_dim3A_76 masked %eq3A_48 {add = true} : memref<80x128xf32, #tpu.memory_space<vmem>>[vector<16xi32>, vector<16xi32>], vector<16xf32>, vector<16xi1>
      tpu.vector_store_idx %arg17[%shift_right_logical3A_712, %and3A_715], %broadcast_in_dim3A_76 masked %eq3A_51 {add = true} : memref<80x128xf32, #tpu.memory_space<vmem>>[vector<16xi32>, vector<16xi32>], vector<16xf32>, vector<16xi1>
      tpu.vector_store_idx %arg17[%shift_right_logical3A_712, %and3A_715], %broadcast_in_dim3A_76 masked %eq3A_54 {add = true} : memref<80x128xf32, #tpu.memory_space<vmem>>[vector<16xi32>, vector<16xi32>], vector<16xf32>, vector<16xi1>
      tpu.vector_store_idx %arg17[%shift_right_logical3A_712, %and3A_715], %broadcast_in_dim3A_76 masked %eq3A_57 {add = true} : memref<80x128xf32, #tpu.memory_space<vmem>>[vector<16xi32>, vector<16xi32>], vector<16xf32>, vector<16xi1>
      tpu.vector_store_idx %arg17[%shift_right_logical3A_712, %and3A_715], %broadcast_in_dim3A_76 masked %eq3A_60 {add = true} : memref<80x128xf32, #tpu.memory_space<vmem>>[vector<16xi32>, vector<16xi32>], vector<16xf32>, vector<16xi1>
      tpu.vector_store_idx %arg17[%shift_right_logical3A_712, %and3A_715], %broadcast_in_dim3A_76 masked %eq3A_63 {add = true} : memref<80x128xf32, #tpu.memory_space<vmem>>[vector<16xi32>, vector<16xi32>], vector<16xf32>, vector<16xi1>
      tpu.vector_store_idx %arg17[%shift_right_logical3A_712, %and3A_715], %broadcast_in_dim3A_76 masked %eq3A_66 {add = true} : memref<80x128xf32, #tpu.memory_space<vmem>>[vector<16xi32>, vector<16xi32>], vector<16xf32>, vector<16xi1>
      tpu.vector_store_idx %arg17[%shift_right_logical3A_712, %and3A_715], %broadcast_in_dim3A_76 masked %eq3A_69 {add = true} : memref<80x128xf32, #tpu.memory_space<vmem>>[vector<16xi32>, vector<16xi32>], vector<16xf32>, vector<16xi1>
      tpu.vector_store_idx %arg17[%shift_right_logical3A_712, %and3A_715], %broadcast_in_dim3A_76 masked %eq3A_72 {add = true} : memref<80x128xf32, #tpu.memory_space<vmem>>[vector<16xi32>, vector<16xi32>], vector<16xf32>, vector<16xi1>
      tpu.vector_store_idx %arg17[%shift_right_logical3A_712, %and3A_715], %broadcast_in_dim3A_76 masked %eq3A_75 {add = true} : memref<80x128xf32, #tpu.memory_space<vmem>>[vector<16xi32>, vector<16xi32>], vector<16xf32>, vector<16xi1>
      %get3A_716 = arith.constant 64 : index
      %get3A_717 = tpu.vector_load %arg7[%get3A_716] {strides = array<i32>} : memref<128xi32, #tpu.memory_space<vmem>>, vector<16xi32>,
      %shift_right_logical3A_718 = arith.constant 7 : i32
      %shift_right_logical3A_719 = vector.broadcast %shift_right_logical3A_718 : i32 to vector<16xi32>
      %shift_right_logical3A_720 = arith.shrui %get3A_717, %shift_right_logical3A_719 : vector<16xi32>
      %and3A_721 = arith.constant 127 : i32
      %and3A_722 = vector.broadcast %and3A_721 : i32 to vector<16xi32>
      %and3A_723 = arith.andi %get3A_717, %and3A_722 : vector<16xi32>
      tpu.vector_store_idx %arg17[%shift_right_logical3A_720, %and3A_723], %broadcast_in_dim3A_76 masked %eq3A_30 {add = true} : memref<80x128xf32, #tpu.memory_space<vmem>>[vector<16xi32>, vector<16xi32>], vector<16xf32>, vector<16xi1>
      tpu.vector_store_idx %arg17[%shift_right_logical3A_720, %and3A_723], %broadcast_in_dim3A_76 masked %eq3A_33 {add = true} : memref<80x128xf32, #tpu.memory_space<vmem>>[vector<16xi32>, vector<16xi32>], vector<16xf32>, vector<16xi1>
      tpu.vector_store_idx %arg17[%shift_right_logical3A_720, %and3A_723], %broadcast_in_dim3A_76 masked %eq3A_36 {add = true} : memref<80x128xf32, #tpu.memory_space<vmem>>[vector<16xi32>, vector<16xi32>], vector<16xf32>, vector<16xi1>
      tpu.vector_store_idx %arg17[%shift_right_logical3A_720, %and3A_723], %broadcast_in_dim3A_76 masked %eq3A_39 {add = true} : memref<80x128xf32, #tpu.memory_space<vmem>>[vector<16xi32>, vector<16xi32>], vector<16xf32>, vector<16xi1>
      tpu.vector_store_idx %arg17[%shift_right_logical3A_720, %and3A_723], %broadcast_in_dim3A_76 masked %eq3A_42 {add = true} : memref<80x128xf32, #tpu.memory_space<vmem>>[vector<16xi32>, vector<16xi32>], vector<16xf32>, vector<16xi1>
      tpu.vector_store_idx %arg17[%shift_right_logical3A_720, %and3A_723], %broadcast_in_dim3A_76 masked %eq3A_45 {add = true} : memref<80x128xf32, #tpu.memory_space<vmem>>[vector<16xi32>, vector<16xi32>], vector<16xf32>, vector<16xi1>
      tpu.vector_store_idx %arg17[%shift_right_logical3A_720, %and3A_723], %broadcast_in_dim3A_76 masked %eq3A_48 {add = true} : memref<80x128xf32, #tpu.memory_space<vmem>>[vector<16xi32>, vector<16xi32>], vector<16xf32>, vector<16xi1>
      tpu.vector_store_idx %arg17[%shift_right_logical3A_720, %and3A_723], %broadcast_in_dim3A_76 masked %eq3A_51 {add = true} : memref<80x128xf32, #tpu.memory_space<vmem>>[vector<16xi32>, vector<16xi32>], vector<16xf32>, vector<16xi1>
      tpu.vector_store_idx %arg17[%shift_right_logical3A_720, %and3A_723], %broadcast_in_dim3A_76 masked %eq3A_54 {add = true} : memref<80x128xf32, #tpu.memory_space<vmem>>[vector<16xi32>, vector<16xi32>], vector<16xf32>, vector<16xi1>
      tpu.vector_store_idx %arg17[%shift_right_logical3A_720, %and3A_723], %broadcast_in_dim3A_76 masked %eq3A_57 {add = true} : memref<80x128xf32, #tpu.memory_space<vmem>>[vector<16xi32>, vector<16xi32>], vector<16xf32>, vector<16xi1>
      tpu.vector_store_idx %arg17[%shift_right_logical3A_720, %and3A_723], %broadcast_in_dim3A_76 masked %eq3A_60 {add = true} : memref<80x128xf32, #tpu.memory_space<vmem>>[vector<16xi32>, vector<16xi32>], vector<16xf32>, vector<16xi1>
      tpu.vector_store_idx %arg17[%shift_right_logical3A_720, %and3A_723], %broadcast_in_dim3A_76 masked %eq3A_63 {add = true} : memref<80x128xf32, #tpu.memory_space<vmem>>[vector<16xi32>, vector<16xi32>], vector<16xf32>, vector<16xi1>
      tpu.vector_store_idx %arg17[%shift_right_logical3A_720, %and3A_723], %broadcast_in_dim3A_76 masked %eq3A_66 {add = true} : memref<80x128xf32, #tpu.memory_space<vmem>>[vector<16xi32>, vector<16xi32>], vector<16xf32>, vector<16xi1>
      tpu.vector_store_idx %arg17[%shift_right_logical3A_720, %and3A_723], %broadcast_in_dim3A_76 masked %eq3A_69 {add = true} : memref<80x128xf32, #tpu.memory_space<vmem>>[vector<16xi32>, vector<16xi32>], vector<16xf32>, vector<16xi1>
      tpu.vector_store_idx %arg17[%shift_right_logical3A_720, %and3A_723], %broadcast_in_dim3A_76 masked %eq3A_72 {add = true} : memref<80x128xf32, #tpu.memory_space<vmem>>[vector<16xi32>, vector<16xi32>], vector<16xf32>, vector<16xi1>
      tpu.vector_store_idx %arg17[%shift_right_logical3A_720, %and3A_723], %broadcast_in_dim3A_76 masked %eq3A_75 {add = true} : memref<80x128xf32, #tpu.memory_space<vmem>>[vector<16xi32>, vector<16xi32>], vector<16xf32>, vector<16xi1>
      %get3A_724 = arith.constant 80 : index
      %get3A_725 = tpu.vector_load %arg7[%get3A_724] {strides = array<i32>} : memref<128xi32, #tpu.memory_space<vmem>>, vector<16xi32>,
      %shift_right_logical3A_726 = arith.constant 7 : i32
      %shift_right_logical3A_727 = vector.broadcast %shift_right_logical3A_726 : i32 to vector<16xi32>
      %shift_right_logical3A_728 = arith.shrui %get3A_725, %shift_right_logical3A_727 : vector<16xi32>
      %and3A_729 = arith.constant 127 : i32
      %and3A_730 = vector.broadcast %and3A_729 : i32 to vector<16xi32>
      %and3A_731 = arith.andi %get3A_725, %and3A_730 : vector<16xi32>
      tpu.vector_store_idx %arg17[%shift_right_logical3A_728, %and3A_731], %broadcast_in_dim3A_76 masked %eq3A_30 {add = true} : memref<80x128xf32, #tpu.memory_space<vmem>>[vector<16xi32>, vector<16xi32>], vector<16xf32>, vector<16xi1>
      tpu.vector_store_idx %arg17[%shift_right_logical3A_728, %and3A_731], %broadcast_in_dim3A_76 masked %eq3A_33 {add = true} : memref<80x128xf32, #tpu.memory_space<vmem>>[vector<16xi32>, vector<16xi32>], vector<16xf32>, vector<16xi1>
      tpu.vector_store_idx %arg17[%shift_right_logical3A_728, %and3A_731], %broadcast_in_dim3A_76 masked %eq3A_36 {add = true} : memref<80x128xf32, #tpu.memory_space<vmem>>[vector<16xi32>, vector<16xi32>], vector<16xf32>, vector<16xi1>
      tpu.vector_store_idx %arg17[%shift_right_logical3A_728, %and3A_731], %broadcast_in_dim3A_76 masked %eq3A_39 {add = true} : memref<80x128xf32, #tpu.memory_space<vmem>>[vector<16xi32>, vector<16xi32>], vector<16xf32>, vector<16xi1>
      tpu.vector_store_idx %arg17[%shift_right_logical3A_728, %and3A_731], %broadcast_in_dim3A_76 masked %eq3A_42 {add = true} : memref<80x128xf32, #tpu.memory_space<vmem>>[vector<16xi32>, vector<16xi32>], vector<16xf32>, vector<16xi1>
      tpu.vector_store_idx %arg17[%shift_right_logical3A_728, %and3A_731], %broadcast_in_dim3A_76 masked %eq3A_45 {add = true} : memref<80x128xf32, #tpu.memory_space<vmem>>[vector<16xi32>, vector<16xi32>], vector<16xf32>, vector<16xi1>
      tpu.vector_store_idx %arg17[%shift_right_logical3A_728, %and3A_731], %broadcast_in_dim3A_76 masked %eq3A_48 {add = true} : memref<80x128xf32, #tpu.memory_space<vmem>>[vector<16xi32>, vector<16xi32>], vector<16xf32>, vector<16xi1>
      tpu.vector_store_idx %arg17[%shift_right_logical3A_728, %and3A_731], %broadcast_in_dim3A_76 masked %eq3A_51 {add = true} : memref<80x128xf32, #tpu.memory_space<vmem>>[vector<16xi32>, vector<16xi32>], vector<16xf32>, vector<16xi1>
      tpu.vector_store_idx %arg17[%shift_right_logical3A_728, %and3A_731], %broadcast_in_dim3A_76 masked %eq3A_54 {add = true} : memref<80x128xf32, #tpu.memory_space<vmem>>[vector<16xi32>, vector<16xi32>], vector<16xf32>, vector<16xi1>
      tpu.vector_store_idx %arg17[%shift_right_logical3A_728, %and3A_731], %broadcast_in_dim3A_76 masked %eq3A_57 {add = true} : memref<80x128xf32, #tpu.memory_space<vmem>>[vector<16xi32>, vector<16xi32>], vector<16xf32>, vector<16xi1>
      tpu.vector_store_idx %arg17[%shift_right_logical3A_728, %and3A_731], %broadcast_in_dim3A_76 masked %eq3A_60 {add = true} : memref<80x128xf32, #tpu.memory_space<vmem>>[vector<16xi32>, vector<16xi32>], vector<16xf32>, vector<16xi1>
      tpu.vector_store_idx %arg17[%shift_right_logical3A_728, %and3A_731], %broadcast_in_dim3A_76 masked %eq3A_63 {add = true} : memref<80x128xf32, #tpu.memory_space<vmem>>[vector<16xi32>, vector<16xi32>], vector<16xf32>, vector<16xi1>
      tpu.vector_store_idx %arg17[%shift_right_logical3A_728, %and3A_731], %broadcast_in_dim3A_76 masked %eq3A_66 {add = true} : memref<80x128xf32, #tpu.memory_space<vmem>>[vector<16xi32>, vector<16xi32>], vector<16xf32>, vector<16xi1>
      tpu.vector_store_idx %arg17[%shift_right_logical3A_728, %and3A_731], %broadcast_in_dim3A_76 masked %eq3A_69 {add = true} : memref<80x128xf32, #tpu.memory_space<vmem>>[vector<16xi32>, vector<16xi32>], vector<16xf32>, vector<16xi1>
      tpu.vector_store_idx %arg17[%shift_right_logical3A_728, %and3A_731], %broadcast_in_dim3A_76 masked %eq3A_72 {add = true} : memref<80x128xf32, #tpu.memory_space<vmem>>[vector<16xi32>, vector<16xi32>], vector<16xf32>, vector<16xi1>
      tpu.vector_store_idx %arg17[%shift_right_logical3A_728, %and3A_731], %broadcast_in_dim3A_76 masked %eq3A_75 {add = true} : memref<80x128xf32, #tpu.memory_space<vmem>>[vector<16xi32>, vector<16xi32>], vector<16xf32>, vector<16xi1>
      %get3A_732 = arith.constant 96 : index
      %get3A_733 = tpu.vector_load %arg7[%get3A_732] {strides = array<i32>} : memref<128xi32, #tpu.memory_space<vmem>>, vector<16xi32>,
      %shift_right_logical3A_734 = arith.constant 7 : i32
      %shift_right_logical3A_735 = vector.broadcast %shift_right_logical3A_734 : i32 to vector<16xi32>
      %shift_right_logical3A_736 = arith.shrui %get3A_733, %shift_right_logical3A_735 : vector<16xi32>
      %and3A_737 = arith.constant 127 : i32
      %and3A_738 = vector.broadcast %and3A_737 : i32 to vector<16xi32>
      %and3A_739 = arith.andi %get3A_733, %and3A_738 : vector<16xi32>
      tpu.vector_store_idx %arg17[%shift_right_logical3A_736, %and3A_739], %broadcast_in_dim3A_76 masked %eq3A_30 {add = true} : memref<80x128xf32, #tpu.memory_space<vmem>>[vector<16xi32>, vector<16xi32>], vector<16xf32>, vector<16xi1>
      tpu.vector_store_idx %arg17[%shift_right_logical3A_736, %and3A_739], %broadcast_in_dim3A_76 masked %eq3A_33 {add = true} : memref<80x128xf32, #tpu.memory_space<vmem>>[vector<16xi32>, vector<16xi32>], vector<16xf32>, vector<16xi1>
      tpu.vector_store_idx %arg17[%shift_right_logical3A_736, %and3A_739], %broadcast_in_dim3A_76 masked %eq3A_36 {add = true} : memref<80x128xf32, #tpu.memory_space<vmem>>[vector<16xi32>, vector<16xi32>], vector<16xf32>, vector<16xi1>
      tpu.vector_store_idx %arg17[%shift_right_logical3A_736, %and3A_739], %broadcast_in_dim3A_76 masked %eq3A_39 {add = true} : memref<80x128xf32, #tpu.memory_space<vmem>>[vector<16xi32>, vector<16xi32>], vector<16xf32>, vector<16xi1>
      tpu.vector_store_idx %arg17[%shift_right_logical3A_736, %and3A_739], %broadcast_in_dim3A_76 masked %eq3A_42 {add = true} : memref<80x128xf32, #tpu.memory_space<vmem>>[vector<16xi32>, vector<16xi32>], vector<16xf32>, vector<16xi1>
      tpu.vector_store_idx %arg17[%shift_right_logical3A_736, %and3A_739], %broadcast_in_dim3A_76 masked %eq3A_45 {add = true} : memref<80x128xf32, #tpu.memory_space<vmem>>[vector<16xi32>, vector<16xi32>], vector<16xf32>, vector<16xi1>
      tpu.vector_store_idx %arg17[%shift_right_logical3A_736, %and3A_739], %broadcast_in_dim3A_76 masked %eq3A_48 {add = true} : memref<80x128xf32, #tpu.memory_space<vmem>>[vector<16xi32>, vector<16xi32>], vector<16xf32>, vector<16xi1>
      tpu.vector_store_idx %arg17[%shift_right_logical3A_736, %and3A_739], %broadcast_in_dim3A_76 masked %eq3A_51 {add = true} : memref<80x128xf32, #tpu.memory_space<vmem>>[vector<16xi32>, vector<16xi32>], vector<16xf32>, vector<16xi1>
      tpu.vector_store_idx %arg17[%shift_right_logical3A_736, %and3A_739], %broadcast_in_dim3A_76 masked %eq3A_54 {add = true} : memref<80x128xf32, #tpu.memory_space<vmem>>[vector<16xi32>, vector<16xi32>], vector<16xf32>, vector<16xi1>
      tpu.vector_store_idx %arg17[%shift_right_logical3A_736, %and3A_739], %broadcast_in_dim3A_76 masked %eq3A_57 {add = true} : memref<80x128xf32, #tpu.memory_space<vmem>>[vector<16xi32>, vector<16xi32>], vector<16xf32>, vector<16xi1>
      tpu.vector_store_idx %arg17[%shift_right_logical3A_736, %and3A_739], %broadcast_in_dim3A_76 masked %eq3A_60 {add = true} : memref<80x128xf32, #tpu.memory_space<vmem>>[vector<16xi32>, vector<16xi32>], vector<16xf32>, vector<16xi1>
      tpu.vector_store_idx %arg17[%shift_right_logical3A_736, %and3A_739], %broadcast_in_dim3A_76 masked %eq3A_63 {add = true} : memref<80x128xf32, #tpu.memory_space<vmem>>[vector<16xi32>, vector<16xi32>], vector<16xf32>, vector<16xi1>
      tpu.vector_store_idx %arg17[%shift_right_logical3A_736, %and3A_739], %broadcast_in_dim3A_76 masked %eq3A_66 {add = true} : memref<80x128xf32, #tpu.memory_space<vmem>>[vector<16xi32>, vector<16xi32>], vector<16xf32>, vector<16xi1>
      tpu.vector_store_idx %arg17[%shift_right_logical3A_736, %and3A_739], %broadcast_in_dim3A_76 masked %eq3A_69 {add = true} : memref<80x128xf32, #tpu.memory_space<vmem>>[vector<16xi32>, vector<16xi32>], vector<16xf32>, vector<16xi1>
      tpu.vector_store_idx %arg17[%shift_right_logical3A_736, %and3A_739], %broadcast_in_dim3A_76 masked %eq3A_72 {add = true} : memref<80x128xf32, #tpu.memory_space<vmem>>[vector<16xi32>, vector<16xi32>], vector<16xf32>, vector<16xi1>
      tpu.vector_store_idx %arg17[%shift_right_logical3A_736, %and3A_739], %broadcast_in_dim3A_76 masked %eq3A_75 {add = true} : memref<80x128xf32, #tpu.memory_space<vmem>>[vector<16xi32>, vector<16xi32>], vector<16xf32>, vector<16xi1>
      %get3A_740 = arith.constant 112 : index
      %get3A_741 = tpu.vector_load %arg7[%get3A_740] {strides = array<i32>} : memref<128xi32, #tpu.memory_space<vmem>>, vector<16xi32>,
      %shift_right_logical3A_742 = arith.constant 7 : i32
      %shift_right_logical3A_743 = vector.broadcast %shift_right_logical3A_742 : i32 to vector<16xi32>
      %shift_right_logical3A_744 = arith.shrui %get3A_741, %shift_right_logical3A_743 : vector<16xi32>
      %and3A_745 = arith.constant 127 : i32
      %and3A_746 = vector.broadcast %and3A_745 : i32 to vector<16xi32>
      %and3A_747 = arith.andi %get3A_741, %and3A_746 : vector<16xi32>
      tpu.vector_store_idx %arg17[%shift_right_logical3A_744, %and3A_747], %broadcast_in_dim3A_76 masked %eq3A_30 {add = true} : memref<80x128xf32, #tpu.memory_space<vmem>>[vector<16xi32>, vector<16xi32>], vector<16xf32>, vector<16xi1>
      tpu.vector_store_idx %arg17[%shift_right_logical3A_744, %and3A_747], %broadcast_in_dim3A_76 masked %eq3A_33 {add = true} : memref<80x128xf32, #tpu.memory_space<vmem>>[vector<16xi32>, vector<16xi32>], vector<16xf32>, vector<16xi1>
      tpu.vector_store_idx %arg17[%shift_right_logical3A_744, %and3A_747], %broadcast_in_dim3A_76 masked %eq3A_36 {add = true} : memref<80x128xf32, #tpu.memory_space<vmem>>[vector<16xi32>, vector<16xi32>], vector<16xf32>, vector<16xi1>
      tpu.vector_store_idx %arg17[%shift_right_logical3A_744, %and3A_747], %broadcast_in_dim3A_76 masked %eq3A_39 {add = true} : memref<80x128xf32, #tpu.memory_space<vmem>>[vector<16xi32>, vector<16xi32>], vector<16xf32>, vector<16xi1>
      tpu.vector_store_idx %arg17[%shift_right_logical3A_744, %and3A_747], %broadcast_in_dim3A_76 masked %eq3A_42 {add = true} : memref<80x128xf32, #tpu.memory_space<vmem>>[vector<16xi32>, vector<16xi32>], vector<16xf32>, vector<16xi1>
      tpu.vector_store_idx %arg17[%shift_right_logical3A_744, %and3A_747], %broadcast_in_dim3A_76 masked %eq3A_45 {add = true} : memref<80x128xf32, #tpu.memory_space<vmem>>[vector<16xi32>, vector<16xi32>], vector<16xf32>, vector<16xi1>
      tpu.vector_store_idx %arg17[%shift_right_logical3A_744, %and3A_747], %broadcast_in_dim3A_76 masked %eq3A_48 {add = true} : memref<80x128xf32, #tpu.memory_space<vmem>>[vector<16xi32>, vector<16xi32>], vector<16xf32>, vector<16xi1>
      tpu.vector_store_idx %arg17[%shift_right_logical3A_744, %and3A_747], %broadcast_in_dim3A_76 masked %eq3A_51 {add = true} : memref<80x128xf32, #tpu.memory_space<vmem>>[vector<16xi32>, vector<16xi32>], vector<16xf32>, vector<16xi1>
      tpu.vector_store_idx %arg17[%shift_right_logical3A_744, %and3A_747], %broadcast_in_dim3A_76 masked %eq3A_54 {add = true} : memref<80x128xf32, #tpu.memory_space<vmem>>[vector<16xi32>, vector<16xi32>], vector<16xf32>, vector<16xi1>
      tpu.vector_store_idx %arg17[%shift_right_logical3A_744, %and3A_747], %broadcast_in_dim3A_76 masked %eq3A_57 {add = true} : memref<80x128xf32, #tpu.memory_space<vmem>>[vector<16xi32>, vector<16xi32>], vector<16xf32>, vector<16xi1>
      tpu.vector_store_idx %arg17[%shift_right_logical3A_744, %and3A_747], %broadcast_in_dim3A_76 masked %eq3A_60 {add = true} : memref<80x128xf32, #tpu.memory_space<vmem>>[vector<16xi32>, vector<16xi32>], vector<16xf32>, vector<16xi1>
      tpu.vector_store_idx %arg17[%shift_right_logical3A_744, %and3A_747], %broadcast_in_dim3A_76 masked %eq3A_63 {add = true} : memref<80x128xf32, #tpu.memory_space<vmem>>[vector<16xi32>, vector<16xi32>], vector<16xf32>, vector<16xi1>
      tpu.vector_store_idx %arg17[%shift_right_logical3A_744, %and3A_747], %broadcast_in_dim3A_76 masked %eq3A_66 {add = true} : memref<80x128xf32, #tpu.memory_space<vmem>>[vector<16xi32>, vector<16xi32>], vector<16xf32>, vector<16xi1>
      tpu.vector_store_idx %arg17[%shift_right_logical3A_744, %and3A_747], %broadcast_in_dim3A_76 masked %eq3A_69 {add = true} : memref<80x128xf32, #tpu.memory_space<vmem>>[vector<16xi32>, vector<16xi32>], vector<16xf32>, vector<16xi1>
      tpu.vector_store_idx %arg17[%shift_right_logical3A_744, %and3A_747], %broadcast_in_dim3A_76 masked %eq3A_72 {add = true} : memref<80x128xf32, #tpu.memory_space<vmem>>[vector<16xi32>, vector<16xi32>], vector<16xf32>, vector<16xi1>
      tpu.vector_store_idx %arg17[%shift_right_logical3A_744, %and3A_747], %broadcast_in_dim3A_76 masked %eq3A_75 {add = true} : memref<80x128xf32, #tpu.memory_space<vmem>>[vector<16xi32>, vector<16xi32>], vector<16xf32>, vector<16xi1>
      %add3A_748 = arith.constant 7 : i32
      %add3A_749 = arith.addi %mul3A_459, %add3A_748 : i32
      %add3A_750 = arith.constant 5 : i32
      %add3A_751 = arith.addi %mul3A_459, %add3A_750 : i32
      %dma_wait3A_752 = arith.constant 0 : i32
      %dma_wait3A_753 = arith.constant 0 : i32
      %dma_wait3A_754 = tpu.memref_slice %arg2[%dma_wait3A_752, %dma_wait3A_753] : memref<10000x128xf32, #tpu.memory_space<hbm>> -> memref<10000x128xf32, #tpu.memory_space<hbm>>
      tpu.wait_indirect_dma semaphore(%arg21 : memref<!tpu.dma_semaphore, #tpu.memory_space<semaphore_mem>>) src(%dma_wait3A_754 : memref<10000x128xf32, #tpu.memory_space<hbm>>) dst(%arg16 : memref<128x128xf32, #tpu.memory_space<vmem>>)
      %dma_start3A_755 = arith.constant 0 : i32
      %dma_start3A_756 = arith.constant 0 : i32
      %dma_start3A_757 = tpu.memref_slice %arg19[%dma_start3A_755, %dma_start3A_756] : memref<10240x128xf32, #tpu.memory_space<vmem_shared>> -> memref<10240x128xf32, #tpu.memory_space<vmem_shared>>
      tpu.enqueue_indirect_dma source(%arg16 : memref<128x128xf32, #tpu.memory_space<vmem>>) target(%dma_start3A_757 : memref<10240x128xf32, #tpu.memory_space<vmem_shared>>) offsets(%arg13 : memref<128xi32, #tpu.memory_space<vmem>>) semaphore(%arg23 : memref<!tpu.dma_semaphore, #tpu.memory_space<semaphore_mem>>) {add = true}
      %dma_wait3A_758 = arith.constant 0 : i32
      %dma_wait3A_759 = arith.constant 0 : i32
      %dma_wait3A_760 = tpu.memref_slice %arg19[%dma_wait3A_758, %dma_wait3A_759] : memref<10240x128xf32, #tpu.memory_space<vmem_shared>> -> memref<10240x128xf32, #tpu.memory_space<vmem_shared>>
      tpu.wait_indirect_dma semaphore(%arg23 : memref<!tpu.dma_semaphore, #tpu.memory_space<semaphore_mem>>) src(%arg16 : memref<128x128xf32, #tpu.memory_space<vmem>>) dst(%dma_wait3A_760 : memref<10240x128xf32, #tpu.memory_space<vmem_shared>>)
      %add3A_761 = arith.addi %mul3A_28, %add3A_749 : i32
      %mul3A_762 = arith.constant 128 : i32
      %mul3A_763 = arith.muli %add3A_761, %mul3A_762 : i32
      %multiple_of3A_764 = tpu.assume_multiple %mul3A_763, 8 : i32
      %dma_start3A_765 = tpu.memref_slice %arg3[%multiple_of3A_764] : memref<327680xi32, #tpu.memory_space<hbm>> -> memref<128xi32, #tpu.memory_space<hbm>>
      %dma_start3A_766 = tpu.memref_slice %arg3[%multiple_of3A_764] : memref<327680xi32, #tpu.memory_space<hbm>> -> memref<128xi32, #tpu.memory_space<hbm>>
      tpu.enqueue_dma source(%dma_start3A_766 : memref<128xi32, #tpu.memory_space<hbm>>) target(%arg13 : memref<128xi32, #tpu.memory_space<vmem>>) target_semaphore(%arg27 : memref<!tpu.dma_semaphore, #tpu.memory_space<semaphore_mem>>)
      %dma_start3A_767 = tpu.memref_slice %arg4[%multiple_of3A_764] : memref<327680xi32, #tpu.memory_space<hbm>> -> memref<128xi32, #tpu.memory_space<hbm>>
      %dma_start3A_768 = tpu.memref_slice %arg4[%multiple_of3A_764] : memref<327680xi32, #tpu.memory_space<hbm>> -> memref<128xi32, #tpu.memory_space<hbm>>
      tpu.enqueue_dma source(%dma_start3A_768 : memref<128xi32, #tpu.memory_space<hbm>>) target(%arg14 : memref<128xi32, #tpu.memory_space<vmem>>) target_semaphore(%arg27 : memref<!tpu.dma_semaphore, #tpu.memory_space<semaphore_mem>>)
      %add3A_769 = arith.addi %mul3A_28, %add3A_751 : i32
      %mul3A_770 = arith.constant 128 : i32
      %mul3A_771 = arith.muli %add3A_769, %mul3A_770 : i32
      %multiple_of3A_772 = tpu.assume_multiple %mul3A_771, 8 : i32
      %dma_wait3A_773 = tpu.memref_slice %arg3[%multiple_of3A_772] : memref<327680xi32, #tpu.memory_space<hbm>> -> memref<128xi32, #tpu.memory_space<hbm>>
      %dma_wait3A_774 = tpu.memref_slice %arg3[%multiple_of3A_772] : memref<327680xi32, #tpu.memory_space<hbm>> -> memref<128xi32, #tpu.memory_space<hbm>>
      tpu.wait_dma2 semaphore(%arg25 : memref<!tpu.dma_semaphore, #tpu.memory_space<semaphore_mem>>) src(%dma_wait3A_774 : memref<128xi32, #tpu.memory_space<hbm>>) dst(%arg9 : memref<128xi32, #tpu.memory_space<vmem>>)
      %dma_wait3A_775 = tpu.memref_slice %arg4[%multiple_of3A_772] : memref<327680xi32, #tpu.memory_space<hbm>> -> memref<128xi32, #tpu.memory_space<hbm>>
      %dma_wait3A_776 = tpu.memref_slice %arg4[%multiple_of3A_772] : memref<327680xi32, #tpu.memory_space<hbm>> -> memref<128xi32, #tpu.memory_space<hbm>>
      tpu.wait_dma2 semaphore(%arg25 : memref<!tpu.dma_semaphore, #tpu.memory_space<semaphore_mem>>) src(%dma_wait3A_776 : memref<128xi32, #tpu.memory_space<hbm>>) dst(%arg10 : memref<128xi32, #tpu.memory_space<vmem>>)
      %dma_start3A_777 = arith.constant 0 : i32
      %dma_start3A_778 = arith.constant 0 : i32
      %dma_start3A_779 = tpu.memref_slice %arg2[%dma_start3A_777, %dma_start3A_778] : memref<10000x128xf32, #tpu.memory_space<hbm>> -> memref<10000x128xf32, #tpu.memory_space<hbm>>
      tpu.enqueue_indirect_dma source(%dma_start3A_779 : memref<10000x128xf32, #tpu.memory_space<hbm>>) target(%arg16 : memref<128x128xf32, #tpu.memory_space<vmem>>) offsets(%arg10 : memref<128xi32, #tpu.memory_space<vmem>>) semaphore(%arg21 : memref<!tpu.dma_semaphore, #tpu.memory_space<semaphore_mem>>)
      %get3A_780 = arith.constant 0 : index
      %get3A_781 = tpu.vector_load %arg9[%get3A_780] {strides = array<i32>} : memref<128xi32, #tpu.memory_space<vmem>>, vector<16xi32>,
      %shift_right_logical3A_782 = arith.constant 7 : i32
      %shift_right_logical3A_783 = vector.broadcast %shift_right_logical3A_782 : i32 to vector<16xi32>
      %shift_right_logical3A_784 = arith.shrui %get3A_781, %shift_right_logical3A_783 : vector<16xi32>
      %and3A_785 = arith.constant 127 : i32
      %and3A_786 = vector.broadcast %and3A_785 : i32 to vector<16xi32>
      %and3A_787 = arith.andi %get3A_781, %and3A_786 : vector<16xi32>
      tpu.vector_store_idx %arg17[%shift_right_logical3A_784, %and3A_787], %broadcast_in_dim3A_76 masked %eq3A_30 {add = true} : memref<80x128xf32, #tpu.memory_space<vmem>>[vector<16xi32>, vector<16xi32>], vector<16xf32>, vector<16xi1>
      tpu.vector_store_idx %arg17[%shift_right_logical3A_784, %and3A_787], %broadcast_in_dim3A_76 masked %eq3A_33 {add = true} : memref<80x128xf32, #tpu.memory_space<vmem>>[vector<16xi32>, vector<16xi32>], vector<16xf32>, vector<16xi1>
      tpu.vector_store_idx %arg17[%shift_right_logical3A_784, %and3A_787], %broadcast_in_dim3A_76 masked %eq3A_36 {add = true} : memref<80x128xf32, #tpu.memory_space<vmem>>[vector<16xi32>, vector<16xi32>], vector<16xf32>, vector<16xi1>
      tpu.vector_store_idx %arg17[%shift_right_logical3A_784, %and3A_787], %broadcast_in_dim3A_76 masked %eq3A_39 {add = true} : memref<80x128xf32, #tpu.memory_space<vmem>>[vector<16xi32>, vector<16xi32>], vector<16xf32>, vector<16xi1>
      tpu.vector_store_idx %arg17[%shift_right_logical3A_784, %and3A_787], %broadcast_in_dim3A_76 masked %eq3A_42 {add = true} : memref<80x128xf32, #tpu.memory_space<vmem>>[vector<16xi32>, vector<16xi32>], vector<16xf32>, vector<16xi1>
      tpu.vector_store_idx %arg17[%shift_right_logical3A_784, %and3A_787], %broadcast_in_dim3A_76 masked %eq3A_45 {add = true} : memref<80x128xf32, #tpu.memory_space<vmem>>[vector<16xi32>, vector<16xi32>], vector<16xf32>, vector<16xi1>
      tpu.vector_store_idx %arg17[%shift_right_logical3A_784, %and3A_787], %broadcast_in_dim3A_76 masked %eq3A_48 {add = true} : memref<80x128xf32, #tpu.memory_space<vmem>>[vector<16xi32>, vector<16xi32>], vector<16xf32>, vector<16xi1>
      tpu.vector_store_idx %arg17[%shift_right_logical3A_784, %and3A_787], %broadcast_in_dim3A_76 masked %eq3A_51 {add = true} : memref<80x128xf32, #tpu.memory_space<vmem>>[vector<16xi32>, vector<16xi32>], vector<16xf32>, vector<16xi1>
      tpu.vector_store_idx %arg17[%shift_right_logical3A_784, %and3A_787], %broadcast_in_dim3A_76 masked %eq3A_54 {add = true} : memref<80x128xf32, #tpu.memory_space<vmem>>[vector<16xi32>, vector<16xi32>], vector<16xf32>, vector<16xi1>
      tpu.vector_store_idx %arg17[%shift_right_logical3A_784, %and3A_787], %broadcast_in_dim3A_76 masked %eq3A_57 {add = true} : memref<80x128xf32, #tpu.memory_space<vmem>>[vector<16xi32>, vector<16xi32>], vector<16xf32>, vector<16xi1>
      tpu.vector_store_idx %arg17[%shift_right_logical3A_784, %and3A_787], %broadcast_in_dim3A_76 masked %eq3A_60 {add = true} : memref<80x128xf32, #tpu.memory_space<vmem>>[vector<16xi32>, vector<16xi32>], vector<16xf32>, vector<16xi1>
      tpu.vector_store_idx %arg17[%shift_right_logical3A_784, %and3A_787], %broadcast_in_dim3A_76 masked %eq3A_63 {add = true} : memref<80x128xf32, #tpu.memory_space<vmem>>[vector<16xi32>, vector<16xi32>], vector<16xf32>, vector<16xi1>
      tpu.vector_store_idx %arg17[%shift_right_logical3A_784, %and3A_787], %broadcast_in_dim3A_76 masked %eq3A_66 {add = true} : memref<80x128xf32, #tpu.memory_space<vmem>>[vector<16xi32>, vector<16xi32>], vector<16xf32>, vector<16xi1>
      tpu.vector_store_idx %arg17[%shift_right_logical3A_784, %and3A_787], %broadcast_in_dim3A_76 masked %eq3A_69 {add = true} : memref<80x128xf32, #tpu.memory_space<vmem>>[vector<16xi32>, vector<16xi32>], vector<16xf32>, vector<16xi1>
      tpu.vector_store_idx %arg17[%shift_right_logical3A_784, %and3A_787], %broadcast_in_dim3A_76 masked %eq3A_72 {add = true} : memref<80x128xf32, #tpu.memory_space<vmem>>[vector<16xi32>, vector<16xi32>], vector<16xf32>, vector<16xi1>
      tpu.vector_store_idx %arg17[%shift_right_logical3A_784, %and3A_787], %broadcast_in_dim3A_76 masked %eq3A_75 {add = true} : memref<80x128xf32, #tpu.memory_space<vmem>>[vector<16xi32>, vector<16xi32>], vector<16xf32>, vector<16xi1>
      %get3A_788 = arith.constant 16 : index
      %get3A_789 = tpu.vector_load %arg9[%get3A_788] {strides = array<i32>} : memref<128xi32, #tpu.memory_space<vmem>>, vector<16xi32>,
      %shift_right_logical3A_790 = arith.constant 7 : i32
      %shift_right_logical3A_791 = vector.broadcast %shift_right_logical3A_790 : i32 to vector<16xi32>
      %shift_right_logical3A_792 = arith.shrui %get3A_789, %shift_right_logical3A_791 : vector<16xi32>
      %and3A_793 = arith.constant 127 : i32
      %and3A_794 = vector.broadcast %and3A_793 : i32 to vector<16xi32>
      %and3A_795 = arith.andi %get3A_789, %and3A_794 : vector<16xi32>
      tpu.vector_store_idx %arg17[%shift_right_logical3A_792, %and3A_795], %broadcast_in_dim3A_76 masked %eq3A_30 {add = true} : memref<80x128xf32, #tpu.memory_space<vmem>>[vector<16xi32>, vector<16xi32>], vector<16xf32>, vector<16xi1>
      tpu.vector_store_idx %arg17[%shift_right_logical3A_792, %and3A_795], %broadcast_in_dim3A_76 masked %eq3A_33 {add = true} : memref<80x128xf32, #tpu.memory_space<vmem>>[vector<16xi32>, vector<16xi32>], vector<16xf32>, vector<16xi1>
      tpu.vector_store_idx %arg17[%shift_right_logical3A_792, %and3A_795], %broadcast_in_dim3A_76 masked %eq3A_36 {add = true} : memref<80x128xf32, #tpu.memory_space<vmem>>[vector<16xi32>, vector<16xi32>], vector<16xf32>, vector<16xi1>
      tpu.vector_store_idx %arg17[%shift_right_logical3A_792, %and3A_795], %broadcast_in_dim3A_76 masked %eq3A_39 {add = true} : memref<80x128xf32, #tpu.memory_space<vmem>>[vector<16xi32>, vector<16xi32>], vector<16xf32>, vector<16xi1>
      tpu.vector_store_idx %arg17[%shift_right_logical3A_792, %and3A_795], %broadcast_in_dim3A_76 masked %eq3A_42 {add = true} : memref<80x128xf32, #tpu.memory_space<vmem>>[vector<16xi32>, vector<16xi32>], vector<16xf32>, vector<16xi1>
      tpu.vector_store_idx %arg17[%shift_right_logical3A_792, %and3A_795], %broadcast_in_dim3A_76 masked %eq3A_45 {add = true} : memref<80x128xf32, #tpu.memory_space<vmem>>[vector<16xi32>, vector<16xi32>], vector<16xf32>, vector<16xi1>
      tpu.vector_store_idx %arg17[%shift_right_logical3A_792, %and3A_795], %broadcast_in_dim3A_76 masked %eq3A_48 {add = true} : memref<80x128xf32, #tpu.memory_space<vmem>>[vector<16xi32>, vector<16xi32>], vector<16xf32>, vector<16xi1>
      tpu.vector_store_idx %arg17[%shift_right_logical3A_792, %and3A_795], %broadcast_in_dim3A_76 masked %eq3A_51 {add = true} : memref<80x128xf32, #tpu.memory_space<vmem>>[vector<16xi32>, vector<16xi32>], vector<16xf32>, vector<16xi1>
      tpu.vector_store_idx %arg17[%shift_right_logical3A_792, %and3A_795], %broadcast_in_dim3A_76 masked %eq3A_54 {add = true} : memref<80x128xf32, #tpu.memory_space<vmem>>[vector<16xi32>, vector<16xi32>], vector<16xf32>, vector<16xi1>
      tpu.vector_store_idx %arg17[%shift_right_logical3A_792, %and3A_795], %broadcast_in_dim3A_76 masked %eq3A_57 {add = true} : memref<80x128xf32, #tpu.memory_space<vmem>>[vector<16xi32>, vector<16xi32>], vector<16xf32>, vector<16xi1>
      tpu.vector_store_idx %arg17[%shift_right_logical3A_792, %and3A_795], %broadcast_in_dim3A_76 masked %eq3A_60 {add = true} : memref<80x128xf32, #tpu.memory_space<vmem>>[vector<16xi32>, vector<16xi32>], vector<16xf32>, vector<16xi1>
      tpu.vector_store_idx %arg17[%shift_right_logical3A_792, %and3A_795], %broadcast_in_dim3A_76 masked %eq3A_63 {add = true} : memref<80x128xf32, #tpu.memory_space<vmem>>[vector<16xi32>, vector<16xi32>], vector<16xf32>, vector<16xi1>
      tpu.vector_store_idx %arg17[%shift_right_logical3A_792, %and3A_795], %broadcast_in_dim3A_76 masked %eq3A_66 {add = true} : memref<80x128xf32, #tpu.memory_space<vmem>>[vector<16xi32>, vector<16xi32>], vector<16xf32>, vector<16xi1>
      tpu.vector_store_idx %arg17[%shift_right_logical3A_792, %and3A_795], %broadcast_in_dim3A_76 masked %eq3A_69 {add = true} : memref<80x128xf32, #tpu.memory_space<vmem>>[vector<16xi32>, vector<16xi32>], vector<16xf32>, vector<16xi1>
      tpu.vector_store_idx %arg17[%shift_right_logical3A_792, %and3A_795], %broadcast_in_dim3A_76 masked %eq3A_72 {add = true} : memref<80x128xf32, #tpu.memory_space<vmem>>[vector<16xi32>, vector<16xi32>], vector<16xf32>, vector<16xi1>
      tpu.vector_store_idx %arg17[%shift_right_logical3A_792, %and3A_795], %broadcast_in_dim3A_76 masked %eq3A_75 {add = true} : memref<80x128xf32, #tpu.memory_space<vmem>>[vector<16xi32>, vector<16xi32>], vector<16xf32>, vector<16xi1>
      %get3A_796 = arith.constant 32 : index
      %get3A_797 = tpu.vector_load %arg9[%get3A_796] {strides = array<i32>} : memref<128xi32, #tpu.memory_space<vmem>>, vector<16xi32>,
      %shift_right_logical3A_798 = arith.constant 7 : i32
      %shift_right_logical3A_799 = vector.broadcast %shift_right_logical3A_798 : i32 to vector<16xi32>
      %shift_right_logical3A_800 = arith.shrui %get3A_797, %shift_right_logical3A_799 : vector<16xi32>
      %and3A_801 = arith.constant 127 : i32
      %and3A_802 = vector.broadcast %and3A_801 : i32 to vector<16xi32>
      %and3A_803 = arith.andi %get3A_797, %and3A_802 : vector<16xi32>
      tpu.vector_store_idx %arg17[%shift_right_logical3A_800, %and3A_803], %broadcast_in_dim3A_76 masked %eq3A_30 {add = true} : memref<80x128xf32, #tpu.memory_space<vmem>>[vector<16xi32>, vector<16xi32>], vector<16xf32>, vector<16xi1>
      tpu.vector_store_idx %arg17[%shift_right_logical3A_800, %and3A_803], %broadcast_in_dim3A_76 masked %eq3A_33 {add = true} : memref<80x128xf32, #tpu.memory_space<vmem>>[vector<16xi32>, vector<16xi32>], vector<16xf32>, vector<16xi1>
      tpu.vector_store_idx %arg17[%shift_right_logical3A_800, %and3A_803], %broadcast_in_dim3A_76 masked %eq3A_36 {add = true} : memref<80x128xf32, #tpu.memory_space<vmem>>[vector<16xi32>, vector<16xi32>], vector<16xf32>, vector<16xi1>
      tpu.vector_store_idx %arg17[%shift_right_logical3A_800, %and3A_803], %broadcast_in_dim3A_76 masked %eq3A_39 {add = true} : memref<80x128xf32, #tpu.memory_space<vmem>>[vector<16xi32>, vector<16xi32>], vector<16xf32>, vector<16xi1>
      tpu.vector_store_idx %arg17[%shift_right_logical3A_800, %and3A_803], %broadcast_in_dim3A_76 masked %eq3A_42 {add = true} : memref<80x128xf32, #tpu.memory_space<vmem>>[vector<16xi32>, vector<16xi32>], vector<16xf32>, vector<16xi1>
      tpu.vector_store_idx %arg17[%shift_right_logical3A_800, %and3A_803], %broadcast_in_dim3A_76 masked %eq3A_45 {add = true} : memref<80x128xf32, #tpu.memory_space<vmem>>[vector<16xi32>, vector<16xi32>], vector<16xf32>, vector<16xi1>
      tpu.vector_store_idx %arg17[%shift_right_logical3A_800, %and3A_803], %broadcast_in_dim3A_76 masked %eq3A_48 {add = true} : memref<80x128xf32, #tpu.memory_space<vmem>>[vector<16xi32>, vector<16xi32>], vector<16xf32>, vector<16xi1>
      tpu.vector_store_idx %arg17[%shift_right_logical3A_800, %and3A_803], %broadcast_in_dim3A_76 masked %eq3A_51 {add = true} : memref<80x128xf32, #tpu.memory_space<vmem>>[vector<16xi32>, vector<16xi32>], vector<16xf32>, vector<16xi1>
      tpu.vector_store_idx %arg17[%shift_right_logical3A_800, %and3A_803], %broadcast_in_dim3A_76 masked %eq3A_54 {add = true} : memref<80x128xf32, #tpu.memory_space<vmem>>[vector<16xi32>, vector<16xi32>], vector<16xf32>, vector<16xi1>
      tpu.vector_store_idx %arg17[%shift_right_logical3A_800, %and3A_803], %broadcast_in_dim3A_76 masked %eq3A_57 {add = true} : memref<80x128xf32, #tpu.memory_space<vmem>>[vector<16xi32>, vector<16xi32>], vector<16xf32>, vector<16xi1>
      tpu.vector_store_idx %arg17[%shift_right_logical3A_800, %and3A_803], %broadcast_in_dim3A_76 masked %eq3A_60 {add = true} : memref<80x128xf32, #tpu.memory_space<vmem>>[vector<16xi32>, vector<16xi32>], vector<16xf32>, vector<16xi1>
      tpu.vector_store_idx %arg17[%shift_right_logical3A_800, %and3A_803], %broadcast_in_dim3A_76 masked %eq3A_63 {add = true} : memref<80x128xf32, #tpu.memory_space<vmem>>[vector<16xi32>, vector<16xi32>], vector<16xf32>, vector<16xi1>
      tpu.vector_store_idx %arg17[%shift_right_logical3A_800, %and3A_803], %broadcast_in_dim3A_76 masked %eq3A_66 {add = true} : memref<80x128xf32, #tpu.memory_space<vmem>>[vector<16xi32>, vector<16xi32>], vector<16xf32>, vector<16xi1>
      tpu.vector_store_idx %arg17[%shift_right_logical3A_800, %and3A_803], %broadcast_in_dim3A_76 masked %eq3A_69 {add = true} : memref<80x128xf32, #tpu.memory_space<vmem>>[vector<16xi32>, vector<16xi32>], vector<16xf32>, vector<16xi1>
      tpu.vector_store_idx %arg17[%shift_right_logical3A_800, %and3A_803], %broadcast_in_dim3A_76 masked %eq3A_72 {add = true} : memref<80x128xf32, #tpu.memory_space<vmem>>[vector<16xi32>, vector<16xi32>], vector<16xf32>, vector<16xi1>
      tpu.vector_store_idx %arg17[%shift_right_logical3A_800, %and3A_803], %broadcast_in_dim3A_76 masked %eq3A_75 {add = true} : memref<80x128xf32, #tpu.memory_space<vmem>>[vector<16xi32>, vector<16xi32>], vector<16xf32>, vector<16xi1>
      %get3A_804 = arith.constant 48 : index
      %get3A_805 = tpu.vector_load %arg9[%get3A_804] {strides = array<i32>} : memref<128xi32, #tpu.memory_space<vmem>>, vector<16xi32>,
      %shift_right_logical3A_806 = arith.constant 7 : i32
      %shift_right_logical3A_807 = vector.broadcast %shift_right_logical3A_806 : i32 to vector<16xi32>
      %shift_right_logical3A_808 = arith.shrui %get3A_805, %shift_right_logical3A_807 : vector<16xi32>
      %and3A_809 = arith.constant 127 : i32
      %and3A_810 = vector.broadcast %and3A_809 : i32 to vector<16xi32>
      %and3A_811 = arith.andi %get3A_805, %and3A_810 : vector<16xi32>
      tpu.vector_store_idx %arg17[%shift_right_logical3A_808, %and3A_811], %broadcast_in_dim3A_76 masked %eq3A_30 {add = true} : memref<80x128xf32, #tpu.memory_space<vmem>>[vector<16xi32>, vector<16xi32>], vector<16xf32>, vector<16xi1>
      tpu.vector_store_idx %arg17[%shift_right_logical3A_808, %and3A_811], %broadcast_in_dim3A_76 masked %eq3A_33 {add = true} : memref<80x128xf32, #tpu.memory_space<vmem>>[vector<16xi32>, vector<16xi32>], vector<16xf32>, vector<16xi1>
      tpu.vector_store_idx %arg17[%shift_right_logical3A_808, %and3A_811], %broadcast_in_dim3A_76 masked %eq3A_36 {add = true} : memref<80x128xf32, #tpu.memory_space<vmem>>[vector<16xi32>, vector<16xi32>], vector<16xf32>, vector<16xi1>
      tpu.vector_store_idx %arg17[%shift_right_logical3A_808, %and3A_811], %broadcast_in_dim3A_76 masked %eq3A_39 {add = true} : memref<80x128xf32, #tpu.memory_space<vmem>>[vector<16xi32>, vector<16xi32>], vector<16xf32>, vector<16xi1>
      tpu.vector_store_idx %arg17[%shift_right_logical3A_808, %and3A_811], %broadcast_in_dim3A_76 masked %eq3A_42 {add = true} : memref<80x128xf32, #tpu.memory_space<vmem>>[vector<16xi32>, vector<16xi32>], vector<16xf32>, vector<16xi1>
      tpu.vector_store_idx %arg17[%shift_right_logical3A_808, %and3A_811], %broadcast_in_dim3A_76 masked %eq3A_45 {add = true} : memref<80x128xf32, #tpu.memory_space<vmem>>[vector<16xi32>, vector<16xi32>], vector<16xf32>, vector<16xi1>
      tpu.vector_store_idx %arg17[%shift_right_logical3A_808, %and3A_811], %broadcast_in_dim3A_76 masked %eq3A_48 {add = true} : memref<80x128xf32, #tpu.memory_space<vmem>>[vector<16xi32>, vector<16xi32>], vector<16xf32>, vector<16xi1>
      tpu.vector_store_idx %arg17[%shift_right_logical3A_808, %and3A_811], %broadcast_in_dim3A_76 masked %eq3A_51 {add = true} : memref<80x128xf32, #tpu.memory_space<vmem>>[vector<16xi32>, vector<16xi32>], vector<16xf32>, vector<16xi1>
      tpu.vector_store_idx %arg17[%shift_right_logical3A_808, %and3A_811], %broadcast_in_dim3A_76 masked %eq3A_54 {add = true} : memref<80x128xf32, #tpu.memory_space<vmem>>[vector<16xi32>, vector<16xi32>], vector<16xf32>, vector<16xi1>
      tpu.vector_store_idx %arg17[%shift_right_logical3A_808, %and3A_811], %broadcast_in_dim3A_76 masked %eq3A_57 {add = true} : memref<80x128xf32, #tpu.memory_space<vmem>>[vector<16xi32>, vector<16xi32>], vector<16xf32>, vector<16xi1>
      tpu.vector_store_idx %arg17[%shift_right_logical3A_808, %and3A_811], %broadcast_in_dim3A_76 masked %eq3A_60 {add = true} : memref<80x128xf32, #tpu.memory_space<vmem>>[vector<16xi32>, vector<16xi32>], vector<16xf32>, vector<16xi1>
      tpu.vector_store_idx %arg17[%shift_right_logical3A_808, %and3A_811], %broadcast_in_dim3A_76 masked %eq3A_63 {add = true} : memref<80x128xf32, #tpu.memory_space<vmem>>[vector<16xi32>, vector<16xi32>], vector<16xf32>, vector<16xi1>
      tpu.vector_store_idx %arg17[%shift_right_logical3A_808, %and3A_811], %broadcast_in_dim3A_76 masked %eq3A_66 {add = true} : memref<80x128xf32, #tpu.memory_space<vmem>>[vector<16xi32>, vector<16xi32>], vector<16xf32>, vector<16xi1>
      tpu.vector_store_idx %arg17[%shift_right_logical3A_808, %and3A_811], %broadcast_in_dim3A_76 masked %eq3A_69 {add = true} : memref<80x128xf32, #tpu.memory_space<vmem>>[vector<16xi32>, vector<16xi32>], vector<16xf32>, vector<16xi1>
      tpu.vector_store_idx %arg17[%shift_right_logical3A_808, %and3A_811], %broadcast_in_dim3A_76 masked %eq3A_72 {add = true} : memref<80x128xf32, #tpu.memory_space<vmem>>[vector<16xi32>, vector<16xi32>], vector<16xf32>, vector<16xi1>
      tpu.vector_store_idx %arg17[%shift_right_logical3A_808, %and3A_811], %broadcast_in_dim3A_76 masked %eq3A_75 {add = true} : memref<80x128xf32, #tpu.memory_space<vmem>>[vector<16xi32>, vector<16xi32>], vector<16xf32>, vector<16xi1>
      %get3A_812 = arith.constant 64 : index
      %get3A_813 = tpu.vector_load %arg9[%get3A_812] {strides = array<i32>} : memref<128xi32, #tpu.memory_space<vmem>>, vector<16xi32>,
      %shift_right_logical3A_814 = arith.constant 7 : i32
      %shift_right_logical3A_815 = vector.broadcast %shift_right_logical3A_814 : i32 to vector<16xi32>
      %shift_right_logical3A_816 = arith.shrui %get3A_813, %shift_right_logical3A_815 : vector<16xi32>
      %and3A_817 = arith.constant 127 : i32
      %and3A_818 = vector.broadcast %and3A_817 : i32 to vector<16xi32>
      %and3A_819 = arith.andi %get3A_813, %and3A_818 : vector<16xi32>
      tpu.vector_store_idx %arg17[%shift_right_logical3A_816, %and3A_819], %broadcast_in_dim3A_76 masked %eq3A_30 {add = true} : memref<80x128xf32, #tpu.memory_space<vmem>>[vector<16xi32>, vector<16xi32>], vector<16xf32>, vector<16xi1>
      tpu.vector_store_idx %arg17[%shift_right_logical3A_816, %and3A_819], %broadcast_in_dim3A_76 masked %eq3A_33 {add = true} : memref<80x128xf32, #tpu.memory_space<vmem>>[vector<16xi32>, vector<16xi32>], vector<16xf32>, vector<16xi1>
      tpu.vector_store_idx %arg17[%shift_right_logical3A_816, %and3A_819], %broadcast_in_dim3A_76 masked %eq3A_36 {add = true} : memref<80x128xf32, #tpu.memory_space<vmem>>[vector<16xi32>, vector<16xi32>], vector<16xf32>, vector<16xi1>
      tpu.vector_store_idx %arg17[%shift_right_logical3A_816, %and3A_819], %broadcast_in_dim3A_76 masked %eq3A_39 {add = true} : memref<80x128xf32, #tpu.memory_space<vmem>>[vector<16xi32>, vector<16xi32>], vector<16xf32>, vector<16xi1>
      tpu.vector_store_idx %arg17[%shift_right_logical3A_816, %and3A_819], %broadcast_in_dim3A_76 masked %eq3A_42 {add = true} : memref<80x128xf32, #tpu.memory_space<vmem>>[vector<16xi32>, vector<16xi32>], vector<16xf32>, vector<16xi1>
      tpu.vector_store_idx %arg17[%shift_right_logical3A_816, %and3A_819], %broadcast_in_dim3A_76 masked %eq3A_45 {add = true} : memref<80x128xf32, #tpu.memory_space<vmem>>[vector<16xi32>, vector<16xi32>], vector<16xf32>, vector<16xi1>
      tpu.vector_store_idx %arg17[%shift_right_logical3A_816, %and3A_819], %broadcast_in_dim3A_76 masked %eq3A_48 {add = true} : memref<80x128xf32, #tpu.memory_space<vmem>>[vector<16xi32>, vector<16xi32>], vector<16xf32>, vector<16xi1>
      tpu.vector_store_idx %arg17[%shift_right_logical3A_816, %and3A_819], %broadcast_in_dim3A_76 masked %eq3A_51 {add = true} : memref<80x128xf32, #tpu.memory_space<vmem>>[vector<16xi32>, vector<16xi32>], vector<16xf32>, vector<16xi1>
      tpu.vector_store_idx %arg17[%shift_right_logical3A_816, %and3A_819], %broadcast_in_dim3A_76 masked %eq3A_54 {add = true} : memref<80x128xf32, #tpu.memory_space<vmem>>[vector<16xi32>, vector<16xi32>], vector<16xf32>, vector<16xi1>
      tpu.vector_store_idx %arg17[%shift_right_logical3A_816, %and3A_819], %broadcast_in_dim3A_76 masked %eq3A_57 {add = true} : memref<80x128xf32, #tpu.memory_space<vmem>>[vector<16xi32>, vector<16xi32>], vector<16xf32>, vector<16xi1>
      tpu.vector_store_idx %arg17[%shift_right_logical3A_816, %and3A_819], %broadcast_in_dim3A_76 masked %eq3A_60 {add = true} : memref<80x128xf32, #tpu.memory_space<vmem>>[vector<16xi32>, vector<16xi32>], vector<16xf32>, vector<16xi1>
      tpu.vector_store_idx %arg17[%shift_right_logical3A_816, %and3A_819], %broadcast_in_dim3A_76 masked %eq3A_63 {add = true} : memref<80x128xf32, #tpu.memory_space<vmem>>[vector<16xi32>, vector<16xi32>], vector<16xf32>, vector<16xi1>
      tpu.vector_store_idx %arg17[%shift_right_logical3A_816, %and3A_819], %broadcast_in_dim3A_76 masked %eq3A_66 {add = true} : memref<80x128xf32, #tpu.memory_space<vmem>>[vector<16xi32>, vector<16xi32>], vector<16xf32>, vector<16xi1>
      tpu.vector_store_idx %arg17[%shift_right_logical3A_816, %and3A_819], %broadcast_in_dim3A_76 masked %eq3A_69 {add = true} : memref<80x128xf32, #tpu.memory_space<vmem>>[vector<16xi32>, vector<16xi32>], vector<16xf32>, vector<16xi1>
      tpu.vector_store_idx %arg17[%shift_right_logical3A_816, %and3A_819], %broadcast_in_dim3A_76 masked %eq3A_72 {add = true} : memref<80x128xf32, #tpu.memory_space<vmem>>[vector<16xi32>, vector<16xi32>], vector<16xf32>, vector<16xi1>
      tpu.vector_store_idx %arg17[%shift_right_logical3A_816, %and3A_819], %broadcast_in_dim3A_76 masked %eq3A_75 {add = true} : memref<80x128xf32, #tpu.memory_space<vmem>>[vector<16xi32>, vector<16xi32>], vector<16xf32>, vector<16xi1>
      %get3A_820 = arith.constant 80 : index
      %get3A_821 = tpu.vector_load %arg9[%get3A_820] {strides = array<i32>} : memref<128xi32, #tpu.memory_space<vmem>>, vector<16xi32>,
      %shift_right_logical3A_822 = arith.constant 7 : i32
      %shift_right_logical3A_823 = vector.broadcast %shift_right_logical3A_822 : i32 to vector<16xi32>
      %shift_right_logical3A_824 = arith.shrui %get3A_821, %shift_right_logical3A_823 : vector<16xi32>
      %and3A_825 = arith.constant 127 : i32
      %and3A_826 = vector.broadcast %and3A_825 : i32 to vector<16xi32>
      %and3A_827 = arith.andi %get3A_821, %and3A_826 : vector<16xi32>
      tpu.vector_store_idx %arg17[%shift_right_logical3A_824, %and3A_827], %broadcast_in_dim3A_76 masked %eq3A_30 {add = true} : memref<80x128xf32, #tpu.memory_space<vmem>>[vector<16xi32>, vector<16xi32>], vector<16xf32>, vector<16xi1>
      tpu.vector_store_idx %arg17[%shift_right_logical3A_824, %and3A_827], %broadcast_in_dim3A_76 masked %eq3A_33 {add = true} : memref<80x128xf32, #tpu.memory_space<vmem>>[vector<16xi32>, vector<16xi32>], vector<16xf32>, vector<16xi1>
      tpu.vector_store_idx %arg17[%shift_right_logical3A_824, %and3A_827], %broadcast_in_dim3A_76 masked %eq3A_36 {add = true} : memref<80x128xf32, #tpu.memory_space<vmem>>[vector<16xi32>, vector<16xi32>], vector<16xf32>, vector<16xi1>
      tpu.vector_store_idx %arg17[%shift_right_logical3A_824, %and3A_827], %broadcast_in_dim3A_76 masked %eq3A_39 {add = true} : memref<80x128xf32, #tpu.memory_space<vmem>>[vector<16xi32>, vector<16xi32>], vector<16xf32>, vector<16xi1>
      tpu.vector_store_idx %arg17[%shift_right_logical3A_824, %and3A_827], %broadcast_in_dim3A_76 masked %eq3A_42 {add = true} : memref<80x128xf32, #tpu.memory_space<vmem>>[vector<16xi32>, vector<16xi32>], vector<16xf32>, vector<16xi1>
      tpu.vector_store_idx %arg17[%shift_right_logical3A_824, %and3A_827], %broadcast_in_dim3A_76 masked %eq3A_45 {add = true} : memref<80x128xf32, #tpu.memory_space<vmem>>[vector<16xi32>, vector<16xi32>], vector<16xf32>, vector<16xi1>
      tpu.vector_store_idx %arg17[%shift_right_logical3A_824, %and3A_827], %broadcast_in_dim3A_76 masked %eq3A_48 {add = true} : memref<80x128xf32, #tpu.memory_space<vmem>>[vector<16xi32>, vector<16xi32>], vector<16xf32>, vector<16xi1>
      tpu.vector_store_idx %arg17[%shift_right_logical3A_824, %and3A_827], %broadcast_in_dim3A_76 masked %eq3A_51 {add = true} : memref<80x128xf32, #tpu.memory_space<vmem>>[vector<16xi32>, vector<16xi32>], vector<16xf32>, vector<16xi1>
      tpu.vector_store_idx %arg17[%shift_right_logical3A_824, %and3A_827], %broadcast_in_dim3A_76 masked %eq3A_54 {add = true} : memref<80x128xf32, #tpu.memory_space<vmem>>[vector<16xi32>, vector<16xi32>], vector<16xf32>, vector<16xi1>
      tpu.vector_store_idx %arg17[%shift_right_logical3A_824, %and3A_827], %broadcast_in_dim3A_76 masked %eq3A_57 {add = true} : memref<80x128xf32, #tpu.memory_space<vmem>>[vector<16xi32>, vector<16xi32>], vector<16xf32>, vector<16xi1>
      tpu.vector_store_idx %arg17[%shift_right_logical3A_824, %and3A_827], %broadcast_in_dim3A_76 masked %eq3A_60 {add = true} : memref<80x128xf32, #tpu.memory_space<vmem>>[vector<16xi32>, vector<16xi32>], vector<16xf32>, vector<16xi1>
      tpu.vector_store_idx %arg17[%shift_right_logical3A_824, %and3A_827], %broadcast_in_dim3A_76 masked %eq3A_63 {add = true} : memref<80x128xf32, #tpu.memory_space<vmem>>[vector<16xi32>, vector<16xi32>], vector<16xf32>, vector<16xi1>
      tpu.vector_store_idx %arg17[%shift_right_logical3A_824, %and3A_827], %broadcast_in_dim3A_76 masked %eq3A_66 {add = true} : memref<80x128xf32, #tpu.memory_space<vmem>>[vector<16xi32>, vector<16xi32>], vector<16xf32>, vector<16xi1>
      tpu.vector_store_idx %arg17[%shift_right_logical3A_824, %and3A_827], %broadcast_in_dim3A_76 masked %eq3A_69 {add = true} : memref<80x128xf32, #tpu.memory_space<vmem>>[vector<16xi32>, vector<16xi32>], vector<16xf32>, vector<16xi1>
      tpu.vector_store_idx %arg17[%shift_right_logical3A_824, %and3A_827], %broadcast_in_dim3A_76 masked %eq3A_72 {add = true} : memref<80x128xf32, #tpu.memory_space<vmem>>[vector<16xi32>, vector<16xi32>], vector<16xf32>, vector<16xi1>
      tpu.vector_store_idx %arg17[%shift_right_logical3A_824, %and3A_827], %broadcast_in_dim3A_76 masked %eq3A_75 {add = true} : memref<80x128xf32, #tpu.memory_space<vmem>>[vector<16xi32>, vector<16xi32>], vector<16xf32>, vector<16xi1>
      %get3A_828 = arith.constant 96 : index
      %get3A_829 = tpu.vector_load %arg9[%get3A_828] {strides = array<i32>} : memref<128xi32, #tpu.memory_space<vmem>>, vector<16xi32>,
      %shift_right_logical3A_830 = arith.constant 7 : i32
      %shift_right_logical3A_831 = vector.broadcast %shift_right_logical3A_830 : i32 to vector<16xi32>
      %shift_right_logical3A_832 = arith.shrui %get3A_829, %shift_right_logical3A_831 : vector<16xi32>
      %and3A_833 = arith.constant 127 : i32
      %and3A_834 = vector.broadcast %and3A_833 : i32 to vector<16xi32>
      %and3A_835 = arith.andi %get3A_829, %and3A_834 : vector<16xi32>
      tpu.vector_store_idx %arg17[%shift_right_logical3A_832, %and3A_835], %broadcast_in_dim3A_76 masked %eq3A_30 {add = true} : memref<80x128xf32, #tpu.memory_space<vmem>>[vector<16xi32>, vector<16xi32>], vector<16xf32>, vector<16xi1>
      tpu.vector_store_idx %arg17[%shift_right_logical3A_832, %and3A_835], %broadcast_in_dim3A_76 masked %eq3A_33 {add = true} : memref<80x128xf32, #tpu.memory_space<vmem>>[vector<16xi32>, vector<16xi32>], vector<16xf32>, vector<16xi1>
      tpu.vector_store_idx %arg17[%shift_right_logical3A_832, %and3A_835], %broadcast_in_dim3A_76 masked %eq3A_36 {add = true} : memref<80x128xf32, #tpu.memory_space<vmem>>[vector<16xi32>, vector<16xi32>], vector<16xf32>, vector<16xi1>
      tpu.vector_store_idx %arg17[%shift_right_logical3A_832, %and3A_835], %broadcast_in_dim3A_76 masked %eq3A_39 {add = true} : memref<80x128xf32, #tpu.memory_space<vmem>>[vector<16xi32>, vector<16xi32>], vector<16xf32>, vector<16xi1>
      tpu.vector_store_idx %arg17[%shift_right_logical3A_832, %and3A_835], %broadcast_in_dim3A_76 masked %eq3A_42 {add = true} : memref<80x128xf32, #tpu.memory_space<vmem>>[vector<16xi32>, vector<16xi32>], vector<16xf32>, vector<16xi1>
      tpu.vector_store_idx %arg17[%shift_right_logical3A_832, %and3A_835], %broadcast_in_dim3A_76 masked %eq3A_45 {add = true} : memref<80x128xf32, #tpu.memory_space<vmem>>[vector<16xi32>, vector<16xi32>], vector<16xf32>, vector<16xi1>
      tpu.vector_store_idx %arg17[%shift_right_logical3A_832, %and3A_835], %broadcast_in_dim3A_76 masked %eq3A_48 {add = true} : memref<80x128xf32, #tpu.memory_space<vmem>>[vector<16xi32>, vector<16xi32>], vector<16xf32>, vector<16xi1>
      tpu.vector_store_idx %arg17[%shift_right_logical3A_832, %and3A_835], %broadcast_in_dim3A_76 masked %eq3A_51 {add = true} : memref<80x128xf32, #tpu.memory_space<vmem>>[vector<16xi32>, vector<16xi32>], vector<16xf32>, vector<16xi1>
      tpu.vector_store_idx %arg17[%shift_right_logical3A_832, %and3A_835], %broadcast_in_dim3A_76 masked %eq3A_54 {add = true} : memref<80x128xf32, #tpu.memory_space<vmem>>[vector<16xi32>, vector<16xi32>], vector<16xf32>, vector<16xi1>
      tpu.vector_store_idx %arg17[%shift_right_logical3A_832, %and3A_835], %broadcast_in_dim3A_76 masked %eq3A_57 {add = true} : memref<80x128xf32, #tpu.memory_space<vmem>>[vector<16xi32>, vector<16xi32>], vector<16xf32>, vector<16xi1>
      tpu.vector_store_idx %arg17[%shift_right_logical3A_832, %and3A_835], %broadcast_in_dim3A_76 masked %eq3A_60 {add = true} : memref<80x128xf32, #tpu.memory_space<vmem>>[vector<16xi32>, vector<16xi32>], vector<16xf32>, vector<16xi1>
      tpu.vector_store_idx %arg17[%shift_right_logical3A_832, %and3A_835], %broadcast_in_dim3A_76 masked %eq3A_63 {add = true} : memref<80x128xf32, #tpu.memory_space<vmem>>[vector<16xi32>, vector<16xi32>], vector<16xf32>, vector<16xi1>
      tpu.vector_store_idx %arg17[%shift_right_logical3A_832, %and3A_835], %broadcast_in_dim3A_76 masked %eq3A_66 {add = true} : memref<80x128xf32, #tpu.memory_space<vmem>>[vector<16xi32>, vector<16xi32>], vector<16xf32>, vector<16xi1>
      tpu.vector_store_idx %arg17[%shift_right_logical3A_832, %and3A_835], %broadcast_in_dim3A_76 masked %eq3A_69 {add = true} : memref<80x128xf32, #tpu.memory_space<vmem>>[vector<16xi32>, vector<16xi32>], vector<16xf32>, vector<16xi1>
      tpu.vector_store_idx %arg17[%shift_right_logical3A_832, %and3A_835], %broadcast_in_dim3A_76 masked %eq3A_72 {add = true} : memref<80x128xf32, #tpu.memory_space<vmem>>[vector<16xi32>, vector<16xi32>], vector<16xf32>, vector<16xi1>
      tpu.vector_store_idx %arg17[%shift_right_logical3A_832, %and3A_835], %broadcast_in_dim3A_76 masked %eq3A_75 {add = true} : memref<80x128xf32, #tpu.memory_space<vmem>>[vector<16xi32>, vector<16xi32>], vector<16xf32>, vector<16xi1>
      %get3A_836 = arith.constant 112 : index
      %get3A_837 = tpu.vector_load %arg9[%get3A_836] {strides = array<i32>} : memref<128xi32, #tpu.memory_space<vmem>>, vector<16xi32>,
      %shift_right_logical3A_838 = arith.constant 7 : i32
      %shift_right_logical3A_839 = vector.broadcast %shift_right_logical3A_838 : i32 to vector<16xi32>
      %shift_right_logical3A_840 = arith.shrui %get3A_837, %shift_right_logical3A_839 : vector<16xi32>
      %and3A_841 = arith.constant 127 : i32
      %and3A_842 = vector.broadcast %and3A_841 : i32 to vector<16xi32>
      %and3A_843 = arith.andi %get3A_837, %and3A_842 : vector<16xi32>
      tpu.vector_store_idx %arg17[%shift_right_logical3A_840, %and3A_843], %broadcast_in_dim3A_76 masked %eq3A_30 {add = true} : memref<80x128xf32, #tpu.memory_space<vmem>>[vector<16xi32>, vector<16xi32>], vector<16xf32>, vector<16xi1>
      tpu.vector_store_idx %arg17[%shift_right_logical3A_840, %and3A_843], %broadcast_in_dim3A_76 masked %eq3A_33 {add = true} : memref<80x128xf32, #tpu.memory_space<vmem>>[vector<16xi32>, vector<16xi32>], vector<16xf32>, vector<16xi1>
      tpu.vector_store_idx %arg17[%shift_right_logical3A_840, %and3A_843], %broadcast_in_dim3A_76 masked %eq3A_36 {add = true} : memref<80x128xf32, #tpu.memory_space<vmem>>[vector<16xi32>, vector<16xi32>], vector<16xf32>, vector<16xi1>
      tpu.vector_store_idx %arg17[%shift_right_logical3A_840, %and3A_843], %broadcast_in_dim3A_76 masked %eq3A_39 {add = true} : memref<80x128xf32, #tpu.memory_space<vmem>>[vector<16xi32>, vector<16xi32>], vector<16xf32>, vector<16xi1>
      tpu.vector_store_idx %arg17[%shift_right_logical3A_840, %and3A_843], %broadcast_in_dim3A_76 masked %eq3A_42 {add = true} : memref<80x128xf32, #tpu.memory_space<vmem>>[vector<16xi32>, vector<16xi32>], vector<16xf32>, vector<16xi1>
      tpu.vector_store_idx %arg17[%shift_right_logical3A_840, %and3A_843], %broadcast_in_dim3A_76 masked %eq3A_45 {add = true} : memref<80x128xf32, #tpu.memory_space<vmem>>[vector<16xi32>, vector<16xi32>], vector<16xf32>, vector<16xi1>
      tpu.vector_store_idx %arg17[%shift_right_logical3A_840, %and3A_843], %broadcast_in_dim3A_76 masked %eq3A_48 {add = true} : memref<80x128xf32, #tpu.memory_space<vmem>>[vector<16xi32>, vector<16xi32>], vector<16xf32>, vector<16xi1>
      tpu.vector_store_idx %arg17[%shift_right_logical3A_840, %and3A_843], %broadcast_in_dim3A_76 masked %eq3A_51 {add = true} : memref<80x128xf32, #tpu.memory_space<vmem>>[vector<16xi32>, vector<16xi32>], vector<16xf32>, vector<16xi1>
      tpu.vector_store_idx %arg17[%shift_right_logical3A_840, %and3A_843], %broadcast_in_dim3A_76 masked %eq3A_54 {add = true} : memref<80x128xf32, #tpu.memory_space<vmem>>[vector<16xi32>, vector<16xi32>], vector<16xf32>, vector<16xi1>
      tpu.vector_store_idx %arg17[%shift_right_logical3A_840, %and3A_843], %broadcast_in_dim3A_76 masked %eq3A_57 {add = true} : memref<80x128xf32, #tpu.memory_space<vmem>>[vector<16xi32>, vector<16xi32>], vector<16xf32>, vector<16xi1>
      tpu.vector_store_idx %arg17[%shift_right_logical3A_840, %and3A_843], %broadcast_in_dim3A_76 masked %eq3A_60 {add = true} : memref<80x128xf32, #tpu.memory_space<vmem>>[vector<16xi32>, vector<16xi32>], vector<16xf32>, vector<16xi1>
      tpu.vector_store_idx %arg17[%shift_right_logical3A_840, %and3A_843], %broadcast_in_dim3A_76 masked %eq3A_63 {add = true} : memref<80x128xf32, #tpu.memory_space<vmem>>[vector<16xi32>, vector<16xi32>], vector<16xf32>, vector<16xi1>
      tpu.vector_store_idx %arg17[%shift_right_logical3A_840, %and3A_843], %broadcast_in_dim3A_76 masked %eq3A_66 {add = true} : memref<80x128xf32, #tpu.memory_space<vmem>>[vector<16xi32>, vector<16xi32>], vector<16xf32>, vector<16xi1>
      tpu.vector_store_idx %arg17[%shift_right_logical3A_840, %and3A_843], %broadcast_in_dim3A_76 masked %eq3A_69 {add = true} : memref<80x128xf32, #tpu.memory_space<vmem>>[vector<16xi32>, vector<16xi32>], vector<16xf32>, vector<16xi1>
      tpu.vector_store_idx %arg17[%shift_right_logical3A_840, %and3A_843], %broadcast_in_dim3A_76 masked %eq3A_72 {add = true} : memref<80x128xf32, #tpu.memory_space<vmem>>[vector<16xi32>, vector<16xi32>], vector<16xf32>, vector<16xi1>
      tpu.vector_store_idx %arg17[%shift_right_logical3A_840, %and3A_843], %broadcast_in_dim3A_76 masked %eq3A_75 {add = true} : memref<80x128xf32, #tpu.memory_space<vmem>>[vector<16xi32>, vector<16xi32>], vector<16xf32>, vector<16xi1>
    }
    %scan3A_263 = arith.constant 19 : i32
    %dma_wait3A_264 = arith.constant 0 : i32
    %dma_wait3A_265 = arith.constant 0 : i32
    %dma_wait3A_266 = tpu.memref_slice %arg2[%dma_wait3A_264, %dma_wait3A_265] : memref<10000x128xf32, #tpu.memory_space<hbm>> -> memref<10000x128xf32, #tpu.memory_space<hbm>>
    tpu.wait_indirect_dma semaphore(%arg20 : memref<!tpu.dma_semaphore, #tpu.memory_space<semaphore_mem>>) src(%dma_wait3A_266 : memref<10000x128xf32, #tpu.memory_space<hbm>>) dst(%arg15 : memref<128x128xf32, #tpu.memory_space<vmem>>)
    %dma_start3A_267 = arith.constant 0 : i32
    %dma_start3A_268 = arith.constant 0 : i32
    %dma_start3A_269 = tpu.memref_slice %arg19[%dma_start3A_267, %dma_start3A_268] : memref<10240x128xf32, #tpu.memory_space<vmem_shared>> -> memref<10240x128xf32, #tpu.memory_space<vmem_shared>>
    tpu.enqueue_indirect_dma source(%arg15 : memref<128x128xf32, #tpu.memory_space<vmem>>) target(%dma_start3A_269 : memref<10240x128xf32, #tpu.memory_space<vmem_shared>>) offsets(%arg7 : memref<128xi32, #tpu.memory_space<vmem>>) semaphore(%arg22 : memref<!tpu.dma_semaphore, #tpu.memory_space<semaphore_mem>>) {add = true}
    %dma_wait3A_270 = arith.constant 0 : i32
    %dma_wait3A_271 = arith.constant 0 : i32
    %dma_wait3A_272 = tpu.memref_slice %arg19[%dma_wait3A_270, %dma_wait3A_271] : memref<10240x128xf32, #tpu.memory_space<vmem_shared>> -> memref<10240x128xf32, #tpu.memory_space<vmem_shared>>
    tpu.wait_indirect_dma semaphore(%arg22 : memref<!tpu.dma_semaphore, #tpu.memory_space<semaphore_mem>>) src(%arg15 : memref<128x128xf32, #tpu.memory_space<vmem>>) dst(%dma_wait3A_272 : memref<10240x128xf32, #tpu.memory_space<vmem_shared>>)
    %add3A_273 = arith.constant 78 : i32
    %add3A_274 = arith.addi %mul3A_28, %add3A_273 : i32
    %mul3A_275 = arith.constant 128 : i32
    %mul3A_276 = arith.muli %add3A_274, %mul3A_275 : i32
    %multiple_of3A_277 = tpu.assume_multiple %mul3A_276, 8 : i32
    %dma_wait3A_278 = tpu.memref_slice %arg3[%multiple_of3A_277] : memref<327680xi32, #tpu.memory_space<hbm>> -> memref<128xi32, #tpu.memory_space<hbm>>
    %dma_wait3A_279 = tpu.memref_slice %arg3[%multiple_of3A_277] : memref<327680xi32, #tpu.memory_space<hbm>> -> memref<128xi32, #tpu.memory_space<hbm>>
    tpu.wait_dma2 semaphore(%arg26 : memref<!tpu.dma_semaphore, #tpu.memory_space<semaphore_mem>>) src(%dma_wait3A_279 : memref<128xi32, #tpu.memory_space<hbm>>) dst(%arg11 : memref<128xi32, #tpu.memory_space<vmem>>)
    %dma_wait3A_280 = tpu.memref_slice %arg4[%multiple_of3A_277] : memref<327680xi32, #tpu.memory_space<hbm>> -> memref<128xi32, #tpu.memory_space<hbm>>
    %dma_wait3A_281 = tpu.memref_slice %arg4[%multiple_of3A_277] : memref<327680xi32, #tpu.memory_space<hbm>> -> memref<128xi32, #tpu.memory_space<hbm>>
    tpu.wait_dma2 semaphore(%arg26 : memref<!tpu.dma_semaphore, #tpu.memory_space<semaphore_mem>>) src(%dma_wait3A_281 : memref<128xi32, #tpu.memory_space<hbm>>) dst(%arg12 : memref<128xi32, #tpu.memory_space<vmem>>)
    %dma_start3A_282 = arith.constant 0 : i32
    %dma_start3A_283 = arith.constant 0 : i32
    %dma_start3A_284 = tpu.memref_slice %arg2[%dma_start3A_282, %dma_start3A_283] : memref<10000x128xf32, #tpu.memory_space<hbm>> -> memref<10000x128xf32, #tpu.memory_space<hbm>>
    tpu.enqueue_indirect_dma source(%dma_start3A_284 : memref<10000x128xf32, #tpu.memory_space<hbm>>) target(%arg15 : memref<128x128xf32, #tpu.memory_space<vmem>>) offsets(%arg12 : memref<128xi32, #tpu.memory_space<vmem>>) semaphore(%arg20 : memref<!tpu.dma_semaphore, #tpu.memory_space<semaphore_mem>>)
    %get3A_285 = arith.constant 0 : index
    %get3A_286 = tpu.vector_load %arg11[%get3A_285] {strides = array<i32>} : memref<128xi32, #tpu.memory_space<vmem>>, vector<16xi32>,
    %shift_right_logical3A_287 = arith.constant 7 : i32
    %shift_right_logical3A_288 = vector.broadcast %shift_right_logical3A_287 : i32 to vector<16xi32>
    %shift_right_logical3A_289 = arith.shrui %get3A_286, %shift_right_logical3A_288 : vector<16xi32>
    %and3A_290 = arith.constant 127 : i32
    %and3A_291 = vector.broadcast %and3A_290 : i32 to vector<16xi32>
    %and3A_292 = arith.andi %get3A_286, %and3A_291 : vector<16xi32>
    tpu.vector_store_idx %arg17[%shift_right_logical3A_289, %and3A_292], %broadcast_in_dim3A_76 masked %eq3A_30 {add = true} : memref<80x128xf32, #tpu.memory_space<vmem>>[vector<16xi32>, vector<16xi32>], vector<16xf32>, vector<16xi1>
    tpu.vector_store_idx %arg17[%shift_right_logical3A_289, %and3A_292], %broadcast_in_dim3A_76 masked %eq3A_33 {add = true} : memref<80x128xf32, #tpu.memory_space<vmem>>[vector<16xi32>, vector<16xi32>], vector<16xf32>, vector<16xi1>
    tpu.vector_store_idx %arg17[%shift_right_logical3A_289, %and3A_292], %broadcast_in_dim3A_76 masked %eq3A_36 {add = true} : memref<80x128xf32, #tpu.memory_space<vmem>>[vector<16xi32>, vector<16xi32>], vector<16xf32>, vector<16xi1>
    tpu.vector_store_idx %arg17[%shift_right_logical3A_289, %and3A_292], %broadcast_in_dim3A_76 masked %eq3A_39 {add = true} : memref<80x128xf32, #tpu.memory_space<vmem>>[vector<16xi32>, vector<16xi32>], vector<16xf32>, vector<16xi1>
    tpu.vector_store_idx %arg17[%shift_right_logical3A_289, %and3A_292], %broadcast_in_dim3A_76 masked %eq3A_42 {add = true} : memref<80x128xf32, #tpu.memory_space<vmem>>[vector<16xi32>, vector<16xi32>], vector<16xf32>, vector<16xi1>
    tpu.vector_store_idx %arg17[%shift_right_logical3A_289, %and3A_292], %broadcast_in_dim3A_76 masked %eq3A_45 {add = true} : memref<80x128xf32, #tpu.memory_space<vmem>>[vector<16xi32>, vector<16xi32>], vector<16xf32>, vector<16xi1>
    tpu.vector_store_idx %arg17[%shift_right_logical3A_289, %and3A_292], %broadcast_in_dim3A_76 masked %eq3A_48 {add = true} : memref<80x128xf32, #tpu.memory_space<vmem>>[vector<16xi32>, vector<16xi32>], vector<16xf32>, vector<16xi1>
    tpu.vector_store_idx %arg17[%shift_right_logical3A_289, %and3A_292], %broadcast_in_dim3A_76 masked %eq3A_51 {add = true} : memref<80x128xf32, #tpu.memory_space<vmem>>[vector<16xi32>, vector<16xi32>], vector<16xf32>, vector<16xi1>
    tpu.vector_store_idx %arg17[%shift_right_logical3A_289, %and3A_292], %broadcast_in_dim3A_76 masked %eq3A_54 {add = true} : memref<80x128xf32, #tpu.memory_space<vmem>>[vector<16xi32>, vector<16xi32>], vector<16xf32>, vector<16xi1>
    tpu.vector_store_idx %arg17[%shift_right_logical3A_289, %and3A_292], %broadcast_in_dim3A_76 masked %eq3A_57 {add = true} : memref<80x128xf32, #tpu.memory_space<vmem>>[vector<16xi32>, vector<16xi32>], vector<16xf32>, vector<16xi1>
    tpu.vector_store_idx %arg17[%shift_right_logical3A_289, %and3A_292], %broadcast_in_dim3A_76 masked %eq3A_60 {add = true} : memref<80x128xf32, #tpu.memory_space<vmem>>[vector<16xi32>, vector<16xi32>], vector<16xf32>, vector<16xi1>
    tpu.vector_store_idx %arg17[%shift_right_logical3A_289, %and3A_292], %broadcast_in_dim3A_76 masked %eq3A_63 {add = true} : memref<80x128xf32, #tpu.memory_space<vmem>>[vector<16xi32>, vector<16xi32>], vector<16xf32>, vector<16xi1>
    tpu.vector_store_idx %arg17[%shift_right_logical3A_289, %and3A_292], %broadcast_in_dim3A_76 masked %eq3A_66 {add = true} : memref<80x128xf32, #tpu.memory_space<vmem>>[vector<16xi32>, vector<16xi32>], vector<16xf32>, vector<16xi1>
    tpu.vector_store_idx %arg17[%shift_right_logical3A_289, %and3A_292], %broadcast_in_dim3A_76 masked %eq3A_69 {add = true} : memref<80x128xf32, #tpu.memory_space<vmem>>[vector<16xi32>, vector<16xi32>], vector<16xf32>, vector<16xi1>
    tpu.vector_store_idx %arg17[%shift_right_logical3A_289, %and3A_292], %broadcast_in_dim3A_76 masked %eq3A_72 {add = true} : memref<80x128xf32, #tpu.memory_space<vmem>>[vector<16xi32>, vector<16xi32>], vector<16xf32>, vector<16xi1>
    tpu.vector_store_idx %arg17[%shift_right_logical3A_289, %and3A_292], %broadcast_in_dim3A_76 masked %eq3A_75 {add = true} : memref<80x128xf32, #tpu.memory_space<vmem>>[vector<16xi32>, vector<16xi32>], vector<16xf32>, vector<16xi1>
    %get3A_293 = arith.constant 16 : index
    %get3A_294 = tpu.vector_load %arg11[%get3A_293] {strides = array<i32>} : memref<128xi32, #tpu.memory_space<vmem>>, vector<16xi32>,
    %shift_right_logical3A_295 = arith.constant 7 : i32
    %shift_right_logical3A_296 = vector.broadcast %shift_right_logical3A_295 : i32 to vector<16xi32>
    %shift_right_logical3A_297 = arith.shrui %get3A_294, %shift_right_logical3A_296 : vector<16xi32>
    %and3A_298 = arith.constant 127 : i32
    %and3A_299 = vector.broadcast %and3A_298 : i32 to vector<16xi32>
    %and3A_300 = arith.andi %get3A_294, %and3A_299 : vector<16xi32>
    tpu.vector_store_idx %arg17[%shift_right_logical3A_297, %and3A_300], %broadcast_in_dim3A_76 masked %eq3A_30 {add = true} : memref<80x128xf32, #tpu.memory_space<vmem>>[vector<16xi32>, vector<16xi32>], vector<16xf32>, vector<16xi1>
    tpu.vector_store_idx %arg17[%shift_right_logical3A_297, %and3A_300], %broadcast_in_dim3A_76 masked %eq3A_33 {add = true} : memref<80x128xf32, #tpu.memory_space<vmem>>[vector<16xi32>, vector<16xi32>], vector<16xf32>, vector<16xi1>
    tpu.vector_store_idx %arg17[%shift_right_logical3A_297, %and3A_300], %broadcast_in_dim3A_76 masked %eq3A_36 {add = true} : memref<80x128xf32, #tpu.memory_space<vmem>>[vector<16xi32>, vector<16xi32>], vector<16xf32>, vector<16xi1>
    tpu.vector_store_idx %arg17[%shift_right_logical3A_297, %and3A_300], %broadcast_in_dim3A_76 masked %eq3A_39 {add = true} : memref<80x128xf32, #tpu.memory_space<vmem>>[vector<16xi32>, vector<16xi32>], vector<16xf32>, vector<16xi1>
    tpu.vector_store_idx %arg17[%shift_right_logical3A_297, %and3A_300], %broadcast_in_dim3A_76 masked %eq3A_42 {add = true} : memref<80x128xf32, #tpu.memory_space<vmem>>[vector<16xi32>, vector<16xi32>], vector<16xf32>, vector<16xi1>
    tpu.vector_store_idx %arg17[%shift_right_logical3A_297, %and3A_300], %broadcast_in_dim3A_76 masked %eq3A_45 {add = true} : memref<80x128xf32, #tpu.memory_space<vmem>>[vector<16xi32>, vector<16xi32>], vector<16xf32>, vector<16xi1>
    tpu.vector_store_idx %arg17[%shift_right_logical3A_297, %and3A_300], %broadcast_in_dim3A_76 masked %eq3A_48 {add = true} : memref<80x128xf32, #tpu.memory_space<vmem>>[vector<16xi32>, vector<16xi32>], vector<16xf32>, vector<16xi1>
    tpu.vector_store_idx %arg17[%shift_right_logical3A_297, %and3A_300], %broadcast_in_dim3A_76 masked %eq3A_51 {add = true} : memref<80x128xf32, #tpu.memory_space<vmem>>[vector<16xi32>, vector<16xi32>], vector<16xf32>, vector<16xi1>
    tpu.vector_store_idx %arg17[%shift_right_logical3A_297, %and3A_300], %broadcast_in_dim3A_76 masked %eq3A_54 {add = true} : memref<80x128xf32, #tpu.memory_space<vmem>>[vector<16xi32>, vector<16xi32>], vector<16xf32>, vector<16xi1>
    tpu.vector_store_idx %arg17[%shift_right_logical3A_297, %and3A_300], %broadcast_in_dim3A_76 masked %eq3A_57 {add = true} : memref<80x128xf32, #tpu.memory_space<vmem>>[vector<16xi32>, vector<16xi32>], vector<16xf32>, vector<16xi1>
    tpu.vector_store_idx %arg17[%shift_right_logical3A_297, %and3A_300], %broadcast_in_dim3A_76 masked %eq3A_60 {add = true} : memref<80x128xf32, #tpu.memory_space<vmem>>[vector<16xi32>, vector<16xi32>], vector<16xf32>, vector<16xi1>
    tpu.vector_store_idx %arg17[%shift_right_logical3A_297, %and3A_300], %broadcast_in_dim3A_76 masked %eq3A_63 {add = true} : memref<80x128xf32, #tpu.memory_space<vmem>>[vector<16xi32>, vector<16xi32>], vector<16xf32>, vector<16xi1>
    tpu.vector_store_idx %arg17[%shift_right_logical3A_297, %and3A_300], %broadcast_in_dim3A_76 masked %eq3A_66 {add = true} : memref<80x128xf32, #tpu.memory_space<vmem>>[vector<16xi32>, vector<16xi32>], vector<16xf32>, vector<16xi1>
    tpu.vector_store_idx %arg17[%shift_right_logical3A_297, %and3A_300], %broadcast_in_dim3A_76 masked %eq3A_69 {add = true} : memref<80x128xf32, #tpu.memory_space<vmem>>[vector<16xi32>, vector<16xi32>], vector<16xf32>, vector<16xi1>
    tpu.vector_store_idx %arg17[%shift_right_logical3A_297, %and3A_300], %broadcast_in_dim3A_76 masked %eq3A_72 {add = true} : memref<80x128xf32, #tpu.memory_space<vmem>>[vector<16xi32>, vector<16xi32>], vector<16xf32>, vector<16xi1>
    tpu.vector_store_idx %arg17[%shift_right_logical3A_297, %and3A_300], %broadcast_in_dim3A_76 masked %eq3A_75 {add = true} : memref<80x128xf32, #tpu.memory_space<vmem>>[vector<16xi32>, vector<16xi32>], vector<16xf32>, vector<16xi1>
    %get3A_301 = arith.constant 32 : index
    %get3A_302 = tpu.vector_load %arg11[%get3A_301] {strides = array<i32>} : memref<128xi32, #tpu.memory_space<vmem>>, vector<16xi32>,
    %shift_right_logical3A_303 = arith.constant 7 : i32
    %shift_right_logical3A_304 = vector.broadcast %shift_right_logical3A_303 : i32 to vector<16xi32>
    %shift_right_logical3A_305 = arith.shrui %get3A_302, %shift_right_logical3A_304 : vector<16xi32>
    %and3A_306 = arith.constant 127 : i32
    %and3A_307 = vector.broadcast %and3A_306 : i32 to vector<16xi32>
    %and3A_308 = arith.andi %get3A_302, %and3A_307 : vector<16xi32>
    tpu.vector_store_idx %arg17[%shift_right_logical3A_305, %and3A_308], %broadcast_in_dim3A_76 masked %eq3A_30 {add = true} : memref<80x128xf32, #tpu.memory_space<vmem>>[vector<16xi32>, vector<16xi32>], vector<16xf32>, vector<16xi1>
    tpu.vector_store_idx %arg17[%shift_right_logical3A_305, %and3A_308], %broadcast_in_dim3A_76 masked %eq3A_33 {add = true} : memref<80x128xf32, #tpu.memory_space<vmem>>[vector<16xi32>, vector<16xi32>], vector<16xf32>, vector<16xi1>
    tpu.vector_store_idx %arg17[%shift_right_logical3A_305, %and3A_308], %broadcast_in_dim3A_76 masked %eq3A_36 {add = true} : memref<80x128xf32, #tpu.memory_space<vmem>>[vector<16xi32>, vector<16xi32>], vector<16xf32>, vector<16xi1>
    tpu.vector_store_idx %arg17[%shift_right_logical3A_305, %and3A_308], %broadcast_in_dim3A_76 masked %eq3A_39 {add = true} : memref<80x128xf32, #tpu.memory_space<vmem>>[vector<16xi32>, vector<16xi32>], vector<16xf32>, vector<16xi1>
    tpu.vector_store_idx %arg17[%shift_right_logical3A_305, %and3A_308], %broadcast_in_dim3A_76 masked %eq3A_42 {add = true} : memref<80x128xf32, #tpu.memory_space<vmem>>[vector<16xi32>, vector<16xi32>], vector<16xf32>, vector<16xi1>
    tpu.vector_store_idx %arg17[%shift_right_logical3A_305, %and3A_308], %broadcast_in_dim3A_76 masked %eq3A_45 {add = true} : memref<80x128xf32, #tpu.memory_space<vmem>>[vector<16xi32>, vector<16xi32>], vector<16xf32>, vector<16xi1>
    tpu.vector_store_idx %arg17[%shift_right_logical3A_305, %and3A_308], %broadcast_in_dim3A_76 masked %eq3A_48 {add = true} : memref<80x128xf32, #tpu.memory_space<vmem>>[vector<16xi32>, vector<16xi32>], vector<16xf32>, vector<16xi1>
    tpu.vector_store_idx %arg17[%shift_right_logical3A_305, %and3A_308], %broadcast_in_dim3A_76 masked %eq3A_51 {add = true} : memref<80x128xf32, #tpu.memory_space<vmem>>[vector<16xi32>, vector<16xi32>], vector<16xf32>, vector<16xi1>
    tpu.vector_store_idx %arg17[%shift_right_logical3A_305, %and3A_308], %broadcast_in_dim3A_76 masked %eq3A_54 {add = true} : memref<80x128xf32, #tpu.memory_space<vmem>>[vector<16xi32>, vector<16xi32>], vector<16xf32>, vector<16xi1>
    tpu.vector_store_idx %arg17[%shift_right_logical3A_305, %and3A_308], %broadcast_in_dim3A_76 masked %eq3A_57 {add = true} : memref<80x128xf32, #tpu.memory_space<vmem>>[vector<16xi32>, vector<16xi32>], vector<16xf32>, vector<16xi1>
    tpu.vector_store_idx %arg17[%shift_right_logical3A_305, %and3A_308], %broadcast_in_dim3A_76 masked %eq3A_60 {add = true} : memref<80x128xf32, #tpu.memory_space<vmem>>[vector<16xi32>, vector<16xi32>], vector<16xf32>, vector<16xi1>
    tpu.vector_store_idx %arg17[%shift_right_logical3A_305, %and3A_308], %broadcast_in_dim3A_76 masked %eq3A_63 {add = true} : memref<80x128xf32, #tpu.memory_space<vmem>>[vector<16xi32>, vector<16xi32>], vector<16xf32>, vector<16xi1>
    tpu.vector_store_idx %arg17[%shift_right_logical3A_305, %and3A_308], %broadcast_in_dim3A_76 masked %eq3A_66 {add = true} : memref<80x128xf32, #tpu.memory_space<vmem>>[vector<16xi32>, vector<16xi32>], vector<16xf32>, vector<16xi1>
    tpu.vector_store_idx %arg17[%shift_right_logical3A_305, %and3A_308], %broadcast_in_dim3A_76 masked %eq3A_69 {add = true} : memref<80x128xf32, #tpu.memory_space<vmem>>[vector<16xi32>, vector<16xi32>], vector<16xf32>, vector<16xi1>
    tpu.vector_store_idx %arg17[%shift_right_logical3A_305, %and3A_308], %broadcast_in_dim3A_76 masked %eq3A_72 {add = true} : memref<80x128xf32, #tpu.memory_space<vmem>>[vector<16xi32>, vector<16xi32>], vector<16xf32>, vector<16xi1>
    tpu.vector_store_idx %arg17[%shift_right_logical3A_305, %and3A_308], %broadcast_in_dim3A_76 masked %eq3A_75 {add = true} : memref<80x128xf32, #tpu.memory_space<vmem>>[vector<16xi32>, vector<16xi32>], vector<16xf32>, vector<16xi1>
    %get3A_309 = arith.constant 48 : index
    %get3A_310 = tpu.vector_load %arg11[%get3A_309] {strides = array<i32>} : memref<128xi32, #tpu.memory_space<vmem>>, vector<16xi32>,
    %shift_right_logical3A_311 = arith.constant 7 : i32
    %shift_right_logical3A_312 = vector.broadcast %shift_right_logical3A_311 : i32 to vector<16xi32>
    %shift_right_logical3A_313 = arith.shrui %get3A_310, %shift_right_logical3A_312 : vector<16xi32>
    %and3A_314 = arith.constant 127 : i32
    %and3A_315 = vector.broadcast %and3A_314 : i32 to vector<16xi32>
    %and3A_316 = arith.andi %get3A_310, %and3A_315 : vector<16xi32>
    tpu.vector_store_idx %arg17[%shift_right_logical3A_313, %and3A_316], %broadcast_in_dim3A_76 masked %eq3A_30 {add = true} : memref<80x128xf32, #tpu.memory_space<vmem>>[vector<16xi32>, vector<16xi32>], vector<16xf32>, vector<16xi1>
    tpu.vector_store_idx %arg17[%shift_right_logical3A_313, %and3A_316], %broadcast_in_dim3A_76 masked %eq3A_33 {add = true} : memref<80x128xf32, #tpu.memory_space<vmem>>[vector<16xi32>, vector<16xi32>], vector<16xf32>, vector<16xi1>
    tpu.vector_store_idx %arg17[%shift_right_logical3A_313, %and3A_316], %broadcast_in_dim3A_76 masked %eq3A_36 {add = true} : memref<80x128xf32, #tpu.memory_space<vmem>>[vector<16xi32>, vector<16xi32>], vector<16xf32>, vector<16xi1>
    tpu.vector_store_idx %arg17[%shift_right_logical3A_313, %and3A_316], %broadcast_in_dim3A_76 masked %eq3A_39 {add = true} : memref<80x128xf32, #tpu.memory_space<vmem>>[vector<16xi32>, vector<16xi32>], vector<16xf32>, vector<16xi1>
    tpu.vector_store_idx %arg17[%shift_right_logical3A_313, %and3A_316], %broadcast_in_dim3A_76 masked %eq3A_42 {add = true} : memref<80x128xf32, #tpu.memory_space<vmem>>[vector<16xi32>, vector<16xi32>], vector<16xf32>, vector<16xi1>
    tpu.vector_store_idx %arg17[%shift_right_logical3A_313, %and3A_316], %broadcast_in_dim3A_76 masked %eq3A_45 {add = true} : memref<80x128xf32, #tpu.memory_space<vmem>>[vector<16xi32>, vector<16xi32>], vector<16xf32>, vector<16xi1>
    tpu.vector_store_idx %arg17[%shift_right_logical3A_313, %and3A_316], %broadcast_in_dim3A_76 masked %eq3A_48 {add = true} : memref<80x128xf32, #tpu.memory_space<vmem>>[vector<16xi32>, vector<16xi32>], vector<16xf32>, vector<16xi1>
    tpu.vector_store_idx %arg17[%shift_right_logical3A_313, %and3A_316], %broadcast_in_dim3A_76 masked %eq3A_51 {add = true} : memref<80x128xf32, #tpu.memory_space<vmem>>[vector<16xi32>, vector<16xi32>], vector<16xf32>, vector<16xi1>
    tpu.vector_store_idx %arg17[%shift_right_logical3A_313, %and3A_316], %broadcast_in_dim3A_76 masked %eq3A_54 {add = true} : memref<80x128xf32, #tpu.memory_space<vmem>>[vector<16xi32>, vector<16xi32>], vector<16xf32>, vector<16xi1>
    tpu.vector_store_idx %arg17[%shift_right_logical3A_313, %and3A_316], %broadcast_in_dim3A_76 masked %eq3A_57 {add = true} : memref<80x128xf32, #tpu.memory_space<vmem>>[vector<16xi32>, vector<16xi32>], vector<16xf32>, vector<16xi1>
    tpu.vector_store_idx %arg17[%shift_right_logical3A_313, %and3A_316], %broadcast_in_dim3A_76 masked %eq3A_60 {add = true} : memref<80x128xf32, #tpu.memory_space<vmem>>[vector<16xi32>, vector<16xi32>], vector<16xf32>, vector<16xi1>
    tpu.vector_store_idx %arg17[%shift_right_logical3A_313, %and3A_316], %broadcast_in_dim3A_76 masked %eq3A_63 {add = true} : memref<80x128xf32, #tpu.memory_space<vmem>>[vector<16xi32>, vector<16xi32>], vector<16xf32>, vector<16xi1>
    tpu.vector_store_idx %arg17[%shift_right_logical3A_313, %and3A_316], %broadcast_in_dim3A_76 masked %eq3A_66 {add = true} : memref<80x128xf32, #tpu.memory_space<vmem>>[vector<16xi32>, vector<16xi32>], vector<16xf32>, vector<16xi1>
    tpu.vector_store_idx %arg17[%shift_right_logical3A_313, %and3A_316], %broadcast_in_dim3A_76 masked %eq3A_69 {add = true} : memref<80x128xf32, #tpu.memory_space<vmem>>[vector<16xi32>, vector<16xi32>], vector<16xf32>, vector<16xi1>
    tpu.vector_store_idx %arg17[%shift_right_logical3A_313, %and3A_316], %broadcast_in_dim3A_76 masked %eq3A_72 {add = true} : memref<80x128xf32, #tpu.memory_space<vmem>>[vector<16xi32>, vector<16xi32>], vector<16xf32>, vector<16xi1>
    tpu.vector_store_idx %arg17[%shift_right_logical3A_313, %and3A_316], %broadcast_in_dim3A_76 masked %eq3A_75 {add = true} : memref<80x128xf32, #tpu.memory_space<vmem>>[vector<16xi32>, vector<16xi32>], vector<16xf32>, vector<16xi1>
    %get3A_317 = arith.constant 64 : index
    %get3A_318 = tpu.vector_load %arg11[%get3A_317] {strides = array<i32>} : memref<128xi32, #tpu.memory_space<vmem>>, vector<16xi32>,
    %shift_right_logical3A_319 = arith.constant 7 : i32
    %shift_right_logical3A_320 = vector.broadcast %shift_right_logical3A_319 : i32 to vector<16xi32>
    %shift_right_logical3A_321 = arith.shrui %get3A_318, %shift_right_logical3A_320 : vector<16xi32>
    %and3A_322 = arith.constant 127 : i32
    %and3A_323 = vector.broadcast %and3A_322 : i32 to vector<16xi32>
    %and3A_324 = arith.andi %get3A_318, %and3A_323 : vector<16xi32>
    tpu.vector_store_idx %arg17[%shift_right_logical3A_321, %and3A_324], %broadcast_in_dim3A_76 masked %eq3A_30 {add = true} : memref<80x128xf32, #tpu.memory_space<vmem>>[vector<16xi32>, vector<16xi32>], vector<16xf32>, vector<16xi1>
    tpu.vector_store_idx %arg17[%shift_right_logical3A_321, %and3A_324], %broadcast_in_dim3A_76 masked %eq3A_33 {add = true} : memref<80x128xf32, #tpu.memory_space<vmem>>[vector<16xi32>, vector<16xi32>], vector<16xf32>, vector<16xi1>
    tpu.vector_store_idx %arg17[%shift_right_logical3A_321, %and3A_324], %broadcast_in_dim3A_76 masked %eq3A_36 {add = true} : memref<80x128xf32, #tpu.memory_space<vmem>>[vector<16xi32>, vector<16xi32>], vector<16xf32>, vector<16xi1>
    tpu.vector_store_idx %arg17[%shift_right_logical3A_321, %and3A_324], %broadcast_in_dim3A_76 masked %eq3A_39 {add = true} : memref<80x128xf32, #tpu.memory_space<vmem>>[vector<16xi32>, vector<16xi32>], vector<16xf32>, vector<16xi1>
    tpu.vector_store_idx %arg17[%shift_right_logical3A_321, %and3A_324], %broadcast_in_dim3A_76 masked %eq3A_42 {add = true} : memref<80x128xf32, #tpu.memory_space<vmem>>[vector<16xi32>, vector<16xi32>], vector<16xf32>, vector<16xi1>
    tpu.vector_store_idx %arg17[%shift_right_logical3A_321, %and3A_324], %broadcast_in_dim3A_76 masked %eq3A_45 {add = true} : memref<80x128xf32, #tpu.memory_space<vmem>>[vector<16xi32>, vector<16xi32>], vector<16xf32>, vector<16xi1>
    tpu.vector_store_idx %arg17[%shift_right_logical3A_321, %and3A_324], %broadcast_in_dim3A_76 masked %eq3A_48 {add = true} : memref<80x128xf32, #tpu.memory_space<vmem>>[vector<16xi32>, vector<16xi32>], vector<16xf32>, vector<16xi1>
    tpu.vector_store_idx %arg17[%shift_right_logical3A_321, %and3A_324], %broadcast_in_dim3A_76 masked %eq3A_51 {add = true} : memref<80x128xf32, #tpu.memory_space<vmem>>[vector<16xi32>, vector<16xi32>], vector<16xf32>, vector<16xi1>
    tpu.vector_store_idx %arg17[%shift_right_logical3A_321, %and3A_324], %broadcast_in_dim3A_76 masked %eq3A_54 {add = true} : memref<80x128xf32, #tpu.memory_space<vmem>>[vector<16xi32>, vector<16xi32>], vector<16xf32>, vector<16xi1>
    tpu.vector_store_idx %arg17[%shift_right_logical3A_321, %and3A_324], %broadcast_in_dim3A_76 masked %eq3A_57 {add = true} : memref<80x128xf32, #tpu.memory_space<vmem>>[vector<16xi32>, vector<16xi32>], vector<16xf32>, vector<16xi1>
    tpu.vector_store_idx %arg17[%shift_right_logical3A_321, %and3A_324], %broadcast_in_dim3A_76 masked %eq3A_60 {add = true} : memref<80x128xf32, #tpu.memory_space<vmem>>[vector<16xi32>, vector<16xi32>], vector<16xf32>, vector<16xi1>
    tpu.vector_store_idx %arg17[%shift_right_logical3A_321, %and3A_324], %broadcast_in_dim3A_76 masked %eq3A_63 {add = true} : memref<80x128xf32, #tpu.memory_space<vmem>>[vector<16xi32>, vector<16xi32>], vector<16xf32>, vector<16xi1>
    tpu.vector_store_idx %arg17[%shift_right_logical3A_321, %and3A_324], %broadcast_in_dim3A_76 masked %eq3A_66 {add = true} : memref<80x128xf32, #tpu.memory_space<vmem>>[vector<16xi32>, vector<16xi32>], vector<16xf32>, vector<16xi1>
    tpu.vector_store_idx %arg17[%shift_right_logical3A_321, %and3A_324], %broadcast_in_dim3A_76 masked %eq3A_69 {add = true} : memref<80x128xf32, #tpu.memory_space<vmem>>[vector<16xi32>, vector<16xi32>], vector<16xf32>, vector<16xi1>
    tpu.vector_store_idx %arg17[%shift_right_logical3A_321, %and3A_324], %broadcast_in_dim3A_76 masked %eq3A_72 {add = true} : memref<80x128xf32, #tpu.memory_space<vmem>>[vector<16xi32>, vector<16xi32>], vector<16xf32>, vector<16xi1>
    tpu.vector_store_idx %arg17[%shift_right_logical3A_321, %and3A_324], %broadcast_in_dim3A_76 masked %eq3A_75 {add = true} : memref<80x128xf32, #tpu.memory_space<vmem>>[vector<16xi32>, vector<16xi32>], vector<16xf32>, vector<16xi1>
    %get3A_325 = arith.constant 80 : index
    %get3A_326 = tpu.vector_load %arg11[%get3A_325] {strides = array<i32>} : memref<128xi32, #tpu.memory_space<vmem>>, vector<16xi32>,
    %shift_right_logical3A_327 = arith.constant 7 : i32
    %shift_right_logical3A_328 = vector.broadcast %shift_right_logical3A_327 : i32 to vector<16xi32>
    %shift_right_logical3A_329 = arith.shrui %get3A_326, %shift_right_logical3A_328 : vector<16xi32>
    %and3A_330 = arith.constant 127 : i32
    %and3A_331 = vector.broadcast %and3A_330 : i32 to vector<16xi32>
    %and3A_332 = arith.andi %get3A_326, %and3A_331 : vector<16xi32>
    tpu.vector_store_idx %arg17[%shift_right_logical3A_329, %and3A_332], %broadcast_in_dim3A_76 masked %eq3A_30 {add = true} : memref<80x128xf32, #tpu.memory_space<vmem>>[vector<16xi32>, vector<16xi32>], vector<16xf32>, vector<16xi1>
    tpu.vector_store_idx %arg17[%shift_right_logical3A_329, %and3A_332], %broadcast_in_dim3A_76 masked %eq3A_33 {add = true} : memref<80x128xf32, #tpu.memory_space<vmem>>[vector<16xi32>, vector<16xi32>], vector<16xf32>, vector<16xi1>
    tpu.vector_store_idx %arg17[%shift_right_logical3A_329, %and3A_332], %broadcast_in_dim3A_76 masked %eq3A_36 {add = true} : memref<80x128xf32, #tpu.memory_space<vmem>>[vector<16xi32>, vector<16xi32>], vector<16xf32>, vector<16xi1>
    tpu.vector_store_idx %arg17[%shift_right_logical3A_329, %and3A_332], %broadcast_in_dim3A_76 masked %eq3A_39 {add = true} : memref<80x128xf32, #tpu.memory_space<vmem>>[vector<16xi32>, vector<16xi32>], vector<16xf32>, vector<16xi1>
    tpu.vector_store_idx %arg17[%shift_right_logical3A_329, %and3A_332], %broadcast_in_dim3A_76 masked %eq3A_42 {add = true} : memref<80x128xf32, #tpu.memory_space<vmem>>[vector<16xi32>, vector<16xi32>], vector<16xf32>, vector<16xi1>
    tpu.vector_store_idx %arg17[%shift_right_logical3A_329, %and3A_332], %broadcast_in_dim3A_76 masked %eq3A_45 {add = true} : memref<80x128xf32, #tpu.memory_space<vmem>>[vector<16xi32>, vector<16xi32>], vector<16xf32>, vector<16xi1>
    tpu.vector_store_idx %arg17[%shift_right_logical3A_329, %and3A_332], %broadcast_in_dim3A_76 masked %eq3A_48 {add = true} : memref<80x128xf32, #tpu.memory_space<vmem>>[vector<16xi32>, vector<16xi32>], vector<16xf32>, vector<16xi1>
    tpu.vector_store_idx %arg17[%shift_right_logical3A_329, %and3A_332], %broadcast_in_dim3A_76 masked %eq3A_51 {add = true} : memref<80x128xf32, #tpu.memory_space<vmem>>[vector<16xi32>, vector<16xi32>], vector<16xf32>, vector<16xi1>
    tpu.vector_store_idx %arg17[%shift_right_logical3A_329, %and3A_332], %broadcast_in_dim3A_76 masked %eq3A_54 {add = true} : memref<80x128xf32, #tpu.memory_space<vmem>>[vector<16xi32>, vector<16xi32>], vector<16xf32>, vector<16xi1>
    tpu.vector_store_idx %arg17[%shift_right_logical3A_329, %and3A_332], %broadcast_in_dim3A_76 masked %eq3A_57 {add = true} : memref<80x128xf32, #tpu.memory_space<vmem>>[vector<16xi32>, vector<16xi32>], vector<16xf32>, vector<16xi1>
    tpu.vector_store_idx %arg17[%shift_right_logical3A_329, %and3A_332], %broadcast_in_dim3A_76 masked %eq3A_60 {add = true} : memref<80x128xf32, #tpu.memory_space<vmem>>[vector<16xi32>, vector<16xi32>], vector<16xf32>, vector<16xi1>
    tpu.vector_store_idx %arg17[%shift_right_logical3A_329, %and3A_332], %broadcast_in_dim3A_76 masked %eq3A_63 {add = true} : memref<80x128xf32, #tpu.memory_space<vmem>>[vector<16xi32>, vector<16xi32>], vector<16xf32>, vector<16xi1>
    tpu.vector_store_idx %arg17[%shift_right_logical3A_329, %and3A_332], %broadcast_in_dim3A_76 masked %eq3A_66 {add = true} : memref<80x128xf32, #tpu.memory_space<vmem>>[vector<16xi32>, vector<16xi32>], vector<16xf32>, vector<16xi1>
    tpu.vector_store_idx %arg17[%shift_right_logical3A_329, %and3A_332], %broadcast_in_dim3A_76 masked %eq3A_69 {add = true} : memref<80x128xf32, #tpu.memory_space<vmem>>[vector<16xi32>, vector<16xi32>], vector<16xf32>, vector<16xi1>
    tpu.vector_store_idx %arg17[%shift_right_logical3A_329, %and3A_332], %broadcast_in_dim3A_76 masked %eq3A_72 {add = true} : memref<80x128xf32, #tpu.memory_space<vmem>>[vector<16xi32>, vector<16xi32>], vector<16xf32>, vector<16xi1>
    tpu.vector_store_idx %arg17[%shift_right_logical3A_329, %and3A_332], %broadcast_in_dim3A_76 masked %eq3A_75 {add = true} : memref<80x128xf32, #tpu.memory_space<vmem>>[vector<16xi32>, vector<16xi32>], vector<16xf32>, vector<16xi1>
    %get3A_333 = arith.constant 96 : index
    %get3A_334 = tpu.vector_load %arg11[%get3A_333] {strides = array<i32>} : memref<128xi32, #tpu.memory_space<vmem>>, vector<16xi32>,
    %shift_right_logical3A_335 = arith.constant 7 : i32
    %shift_right_logical3A_336 = vector.broadcast %shift_right_logical3A_335 : i32 to vector<16xi32>
    %shift_right_logical3A_337 = arith.shrui %get3A_334, %shift_right_logical3A_336 : vector<16xi32>
    %and3A_338 = arith.constant 127 : i32
    %and3A_339 = vector.broadcast %and3A_338 : i32 to vector<16xi32>
    %and3A_340 = arith.andi %get3A_334, %and3A_339 : vector<16xi32>
    tpu.vector_store_idx %arg17[%shift_right_logical3A_337, %and3A_340], %broadcast_in_dim3A_76 masked %eq3A_30 {add = true} : memref<80x128xf32, #tpu.memory_space<vmem>>[vector<16xi32>, vector<16xi32>], vector<16xf32>, vector<16xi1>
    tpu.vector_store_idx %arg17[%shift_right_logical3A_337, %and3A_340], %broadcast_in_dim3A_76 masked %eq3A_33 {add = true} : memref<80x128xf32, #tpu.memory_space<vmem>>[vector<16xi32>, vector<16xi32>], vector<16xf32>, vector<16xi1>
    tpu.vector_store_idx %arg17[%shift_right_logical3A_337, %and3A_340], %broadcast_in_dim3A_76 masked %eq3A_36 {add = true} : memref<80x128xf32, #tpu.memory_space<vmem>>[vector<16xi32>, vector<16xi32>], vector<16xf32>, vector<16xi1>
    tpu.vector_store_idx %arg17[%shift_right_logical3A_337, %and3A_340], %broadcast_in_dim3A_76 masked %eq3A_39 {add = true} : memref<80x128xf32, #tpu.memory_space<vmem>>[vector<16xi32>, vector<16xi32>], vector<16xf32>, vector<16xi1>
    tpu.vector_store_idx %arg17[%shift_right_logical3A_337, %and3A_340], %broadcast_in_dim3A_76 masked %eq3A_42 {add = true} : memref<80x128xf32, #tpu.memory_space<vmem>>[vector<16xi32>, vector<16xi32>], vector<16xf32>, vector<16xi1>
    tpu.vector_store_idx %arg17[%shift_right_logical3A_337, %and3A_340], %broadcast_in_dim3A_76 masked %eq3A_45 {add = true} : memref<80x128xf32, #tpu.memory_space<vmem>>[vector<16xi32>, vector<16xi32>], vector<16xf32>, vector<16xi1>
    tpu.vector_store_idx %arg17[%shift_right_logical3A_337, %and3A_340], %broadcast_in_dim3A_76 masked %eq3A_48 {add = true} : memref<80x128xf32, #tpu.memory_space<vmem>>[vector<16xi32>, vector<16xi32>], vector<16xf32>, vector<16xi1>
    tpu.vector_store_idx %arg17[%shift_right_logical3A_337, %and3A_340], %broadcast_in_dim3A_76 masked %eq3A_51 {add = true} : memref<80x128xf32, #tpu.memory_space<vmem>>[vector<16xi32>, vector<16xi32>], vector<16xf32>, vector<16xi1>
    tpu.vector_store_idx %arg17[%shift_right_logical3A_337, %and3A_340], %broadcast_in_dim3A_76 masked %eq3A_54 {add = true} : memref<80x128xf32, #tpu.memory_space<vmem>>[vector<16xi32>, vector<16xi32>], vector<16xf32>, vector<16xi1>
    tpu.vector_store_idx %arg17[%shift_right_logical3A_337, %and3A_340], %broadcast_in_dim3A_76 masked %eq3A_57 {add = true} : memref<80x128xf32, #tpu.memory_space<vmem>>[vector<16xi32>, vector<16xi32>], vector<16xf32>, vector<16xi1>
    tpu.vector_store_idx %arg17[%shift_right_logical3A_337, %and3A_340], %broadcast_in_dim3A_76 masked %eq3A_60 {add = true} : memref<80x128xf32, #tpu.memory_space<vmem>>[vector<16xi32>, vector<16xi32>], vector<16xf32>, vector<16xi1>
    tpu.vector_store_idx %arg17[%shift_right_logical3A_337, %and3A_340], %broadcast_in_dim3A_76 masked %eq3A_63 {add = true} : memref<80x128xf32, #tpu.memory_space<vmem>>[vector<16xi32>, vector<16xi32>], vector<16xf32>, vector<16xi1>
    tpu.vector_store_idx %arg17[%shift_right_logical3A_337, %and3A_340], %broadcast_in_dim3A_76 masked %eq3A_66 {add = true} : memref<80x128xf32, #tpu.memory_space<vmem>>[vector<16xi32>, vector<16xi32>], vector<16xf32>, vector<16xi1>
    tpu.vector_store_idx %arg17[%shift_right_logical3A_337, %and3A_340], %broadcast_in_dim3A_76 masked %eq3A_69 {add = true} : memref<80x128xf32, #tpu.memory_space<vmem>>[vector<16xi32>, vector<16xi32>], vector<16xf32>, vector<16xi1>
    tpu.vector_store_idx %arg17[%shift_right_logical3A_337, %and3A_340], %broadcast_in_dim3A_76 masked %eq3A_72 {add = true} : memref<80x128xf32, #tpu.memory_space<vmem>>[vector<16xi32>, vector<16xi32>], vector<16xf32>, vector<16xi1>
    tpu.vector_store_idx %arg17[%shift_right_logical3A_337, %and3A_340], %broadcast_in_dim3A_76 masked %eq3A_75 {add = true} : memref<80x128xf32, #tpu.memory_space<vmem>>[vector<16xi32>, vector<16xi32>], vector<16xf32>, vector<16xi1>
    %get3A_341 = arith.constant 112 : index
    %get3A_342 = tpu.vector_load %arg11[%get3A_341] {strides = array<i32>} : memref<128xi32, #tpu.memory_space<vmem>>, vector<16xi32>,
    %shift_right_logical3A_343 = arith.constant 7 : i32
    %shift_right_logical3A_344 = vector.broadcast %shift_right_logical3A_343 : i32 to vector<16xi32>
    %shift_right_logical3A_345 = arith.shrui %get3A_342, %shift_right_logical3A_344 : vector<16xi32>
    %and3A_346 = arith.constant 127 : i32
    %and3A_347 = vector.broadcast %and3A_346 : i32 to vector<16xi32>
    %and3A_348 = arith.andi %get3A_342, %and3A_347 : vector<16xi32>
    tpu.vector_store_idx %arg17[%shift_right_logical3A_345, %and3A_348], %broadcast_in_dim3A_76 masked %eq3A_30 {add = true} : memref<80x128xf32, #tpu.memory_space<vmem>>[vector<16xi32>, vector<16xi32>], vector<16xf32>, vector<16xi1>
    tpu.vector_store_idx %arg17[%shift_right_logical3A_345, %and3A_348], %broadcast_in_dim3A_76 masked %eq3A_33 {add = true} : memref<80x128xf32, #tpu.memory_space<vmem>>[vector<16xi32>, vector<16xi32>], vector<16xf32>, vector<16xi1>
    tpu.vector_store_idx %arg17[%shift_right_logical3A_345, %and3A_348], %broadcast_in_dim3A_76 masked %eq3A_36 {add = true} : memref<80x128xf32, #tpu.memory_space<vmem>>[vector<16xi32>, vector<16xi32>], vector<16xf32>, vector<16xi1>
    tpu.vector_store_idx %arg17[%shift_right_logical3A_345, %and3A_348], %broadcast_in_dim3A_76 masked %eq3A_39 {add = true} : memref<80x128xf32, #tpu.memory_space<vmem>>[vector<16xi32>, vector<16xi32>], vector<16xf32>, vector<16xi1>
    tpu.vector_store_idx %arg17[%shift_right_logical3A_345, %and3A_348], %broadcast_in_dim3A_76 masked %eq3A_42 {add = true} : memref<80x128xf32, #tpu.memory_space<vmem>>[vector<16xi32>, vector<16xi32>], vector<16xf32>, vector<16xi1>
    tpu.vector_store_idx %arg17[%shift_right_logical3A_345, %and3A_348], %broadcast_in_dim3A_76 masked %eq3A_45 {add = true} : memref<80x128xf32, #tpu.memory_space<vmem>>[vector<16xi32>, vector<16xi32>], vector<16xf32>, vector<16xi1>
    tpu.vector_store_idx %arg17[%shift_right_logical3A_345, %and3A_348], %broadcast_in_dim3A_76 masked %eq3A_48 {add = true} : memref<80x128xf32, #tpu.memory_space<vmem>>[vector<16xi32>, vector<16xi32>], vector<16xf32>, vector<16xi1>
    tpu.vector_store_idx %arg17[%shift_right_logical3A_345, %and3A_348], %broadcast_in_dim3A_76 masked %eq3A_51 {add = true} : memref<80x128xf32, #tpu.memory_space<vmem>>[vector<16xi32>, vector<16xi32>], vector<16xf32>, vector<16xi1>
    tpu.vector_store_idx %arg17[%shift_right_logical3A_345, %and3A_348], %broadcast_in_dim3A_76 masked %eq3A_54 {add = true} : memref<80x128xf32, #tpu.memory_space<vmem>>[vector<16xi32>, vector<16xi32>], vector<16xf32>, vector<16xi1>
    tpu.vector_store_idx %arg17[%shift_right_logical3A_345, %and3A_348], %broadcast_in_dim3A_76 masked %eq3A_57 {add = true} : memref<80x128xf32, #tpu.memory_space<vmem>>[vector<16xi32>, vector<16xi32>], vector<16xf32>, vector<16xi1>
    tpu.vector_store_idx %arg17[%shift_right_logical3A_345, %and3A_348], %broadcast_in_dim3A_76 masked %eq3A_60 {add = true} : memref<80x128xf32, #tpu.memory_space<vmem>>[vector<16xi32>, vector<16xi32>], vector<16xf32>, vector<16xi1>
    tpu.vector_store_idx %arg17[%shift_right_logical3A_345, %and3A_348], %broadcast_in_dim3A_76 masked %eq3A_63 {add = true} : memref<80x128xf32, #tpu.memory_space<vmem>>[vector<16xi32>, vector<16xi32>], vector<16xf32>, vector<16xi1>
    tpu.vector_store_idx %arg17[%shift_right_logical3A_345, %and3A_348], %broadcast_in_dim3A_76 masked %eq3A_66 {add = true} : memref<80x128xf32, #tpu.memory_space<vmem>>[vector<16xi32>, vector<16xi32>], vector<16xf32>, vector<16xi1>
    tpu.vector_store_idx %arg17[%shift_right_logical3A_345, %and3A_348], %broadcast_in_dim3A_76 masked %eq3A_69 {add = true} : memref<80x128xf32, #tpu.memory_space<vmem>>[vector<16xi32>, vector<16xi32>], vector<16xf32>, vector<16xi1>
    tpu.vector_store_idx %arg17[%shift_right_logical3A_345, %and3A_348], %broadcast_in_dim3A_76 masked %eq3A_72 {add = true} : memref<80x128xf32, #tpu.memory_space<vmem>>[vector<16xi32>, vector<16xi32>], vector<16xf32>, vector<16xi1>
    tpu.vector_store_idx %arg17[%shift_right_logical3A_345, %and3A_348], %broadcast_in_dim3A_76 masked %eq3A_75 {add = true} : memref<80x128xf32, #tpu.memory_space<vmem>>[vector<16xi32>, vector<16xi32>], vector<16xf32>, vector<16xi1>
    %dma_wait3A_349 = arith.constant 0 : i32
    %dma_wait3A_350 = arith.constant 0 : i32
    %dma_wait3A_351 = tpu.memref_slice %arg2[%dma_wait3A_349, %dma_wait3A_350] : memref<10000x128xf32, #tpu.memory_space<hbm>> -> memref<10000x128xf32, #tpu.memory_space<hbm>>
    tpu.wait_indirect_dma semaphore(%arg21 : memref<!tpu.dma_semaphore, #tpu.memory_space<semaphore_mem>>) src(%dma_wait3A_351 : memref<10000x128xf32, #tpu.memory_space<hbm>>) dst(%arg16 : memref<128x128xf32, #tpu.memory_space<vmem>>)
    %dma_start3A_352 = arith.constant 0 : i32
    %dma_start3A_353 = arith.constant 0 : i32
    %dma_start3A_354 = tpu.memref_slice %arg19[%dma_start3A_352, %dma_start3A_353] : memref<10240x128xf32, #tpu.memory_space<vmem_shared>> -> memref<10240x128xf32, #tpu.memory_space<vmem_shared>>
    tpu.enqueue_indirect_dma source(%arg16 : memref<128x128xf32, #tpu.memory_space<vmem>>) target(%dma_start3A_354 : memref<10240x128xf32, #tpu.memory_space<vmem_shared>>) offsets(%arg9 : memref<128xi32, #tpu.memory_space<vmem>>) semaphore(%arg23 : memref<!tpu.dma_semaphore, #tpu.memory_space<semaphore_mem>>) {add = true}
    %dma_wait3A_355 = arith.constant 0 : i32
    %dma_wait3A_356 = arith.constant 0 : i32
    %dma_wait3A_357 = tpu.memref_slice %arg19[%dma_wait3A_355, %dma_wait3A_356] : memref<10240x128xf32, #tpu.memory_space<vmem_shared>> -> memref<10240x128xf32, #tpu.memory_space<vmem_shared>>
    tpu.wait_indirect_dma semaphore(%arg23 : memref<!tpu.dma_semaphore, #tpu.memory_space<semaphore_mem>>) src(%arg16 : memref<128x128xf32, #tpu.memory_space<vmem>>) dst(%dma_wait3A_357 : memref<10240x128xf32, #tpu.memory_space<vmem_shared>>)
    %add3A_358 = arith.constant 79 : i32
    %add3A_359 = arith.addi %mul3A_28, %add3A_358 : i32
    %mul3A_360 = arith.constant 128 : i32
    %mul3A_361 = arith.muli %add3A_359, %mul3A_360 : i32
    %multiple_of3A_362 = tpu.assume_multiple %mul3A_361, 8 : i32
    %dma_wait3A_363 = tpu.memref_slice %arg3[%multiple_of3A_362] : memref<327680xi32, #tpu.memory_space<hbm>> -> memref<128xi32, #tpu.memory_space<hbm>>
    %dma_wait3A_364 = tpu.memref_slice %arg3[%multiple_of3A_362] : memref<327680xi32, #tpu.memory_space<hbm>> -> memref<128xi32, #tpu.memory_space<hbm>>
    tpu.wait_dma2 semaphore(%arg27 : memref<!tpu.dma_semaphore, #tpu.memory_space<semaphore_mem>>) src(%dma_wait3A_364 : memref<128xi32, #tpu.memory_space<hbm>>) dst(%arg13 : memref<128xi32, #tpu.memory_space<vmem>>)
    %dma_wait3A_365 = tpu.memref_slice %arg4[%multiple_of3A_362] : memref<327680xi32, #tpu.memory_space<hbm>> -> memref<128xi32, #tpu.memory_space<hbm>>
    %dma_wait3A_366 = tpu.memref_slice %arg4[%multiple_of3A_362] : memref<327680xi32, #tpu.memory_space<hbm>> -> memref<128xi32, #tpu.memory_space<hbm>>
    tpu.wait_dma2 semaphore(%arg27 : memref<!tpu.dma_semaphore, #tpu.memory_space<semaphore_mem>>) src(%dma_wait3A_366 : memref<128xi32, #tpu.memory_space<hbm>>) dst(%arg14 : memref<128xi32, #tpu.memory_space<vmem>>)
    %dma_start3A_367 = arith.constant 0 : i32
    %dma_start3A_368 = arith.constant 0 : i32
    %dma_start3A_369 = tpu.memref_slice %arg2[%dma_start3A_367, %dma_start3A_368] : memref<10000x128xf32, #tpu.memory_space<hbm>> -> memref<10000x128xf32, #tpu.memory_space<hbm>>
    tpu.enqueue_indirect_dma source(%dma_start3A_369 : memref<10000x128xf32, #tpu.memory_space<hbm>>) target(%arg16 : memref<128x128xf32, #tpu.memory_space<vmem>>) offsets(%arg14 : memref<128xi32, #tpu.memory_space<vmem>>) semaphore(%arg21 : memref<!tpu.dma_semaphore, #tpu.memory_space<semaphore_mem>>)
    %get3A_370 = arith.constant 0 : index
    %get3A_371 = tpu.vector_load %arg13[%get3A_370] {strides = array<i32>} : memref<128xi32, #tpu.memory_space<vmem>>, vector<16xi32>,
    %shift_right_logical3A_372 = arith.constant 7 : i32
    %shift_right_logical3A_373 = vector.broadcast %shift_right_logical3A_372 : i32 to vector<16xi32>
    %shift_right_logical3A_374 = arith.shrui %get3A_371, %shift_right_logical3A_373 : vector<16xi32>
    %and3A_375 = arith.constant 127 : i32
    %and3A_376 = vector.broadcast %and3A_375 : i32 to vector<16xi32>
    %and3A_377 = arith.andi %get3A_371, %and3A_376 : vector<16xi32>
    tpu.vector_store_idx %arg17[%shift_right_logical3A_374, %and3A_377], %broadcast_in_dim3A_76 masked %eq3A_30 {add = true} : memref<80x128xf32, #tpu.memory_space<vmem>>[vector<16xi32>, vector<16xi32>], vector<16xf32>, vector<16xi1>
    tpu.vector_store_idx %arg17[%shift_right_logical3A_374, %and3A_377], %broadcast_in_dim3A_76 masked %eq3A_33 {add = true} : memref<80x128xf32, #tpu.memory_space<vmem>>[vector<16xi32>, vector<16xi32>], vector<16xf32>, vector<16xi1>
    tpu.vector_store_idx %arg17[%shift_right_logical3A_374, %and3A_377], %broadcast_in_dim3A_76 masked %eq3A_36 {add = true} : memref<80x128xf32, #tpu.memory_space<vmem>>[vector<16xi32>, vector<16xi32>], vector<16xf32>, vector<16xi1>
    tpu.vector_store_idx %arg17[%shift_right_logical3A_374, %and3A_377], %broadcast_in_dim3A_76 masked %eq3A_39 {add = true} : memref<80x128xf32, #tpu.memory_space<vmem>>[vector<16xi32>, vector<16xi32>], vector<16xf32>, vector<16xi1>
    tpu.vector_store_idx %arg17[%shift_right_logical3A_374, %and3A_377], %broadcast_in_dim3A_76 masked %eq3A_42 {add = true} : memref<80x128xf32, #tpu.memory_space<vmem>>[vector<16xi32>, vector<16xi32>], vector<16xf32>, vector<16xi1>
    tpu.vector_store_idx %arg17[%shift_right_logical3A_374, %and3A_377], %broadcast_in_dim3A_76 masked %eq3A_45 {add = true} : memref<80x128xf32, #tpu.memory_space<vmem>>[vector<16xi32>, vector<16xi32>], vector<16xf32>, vector<16xi1>
    tpu.vector_store_idx %arg17[%shift_right_logical3A_374, %and3A_377], %broadcast_in_dim3A_76 masked %eq3A_48 {add = true} : memref<80x128xf32, #tpu.memory_space<vmem>>[vector<16xi32>, vector<16xi32>], vector<16xf32>, vector<16xi1>
    tpu.vector_store_idx %arg17[%shift_right_logical3A_374, %and3A_377], %broadcast_in_dim3A_76 masked %eq3A_51 {add = true} : memref<80x128xf32, #tpu.memory_space<vmem>>[vector<16xi32>, vector<16xi32>], vector<16xf32>, vector<16xi1>
    tpu.vector_store_idx %arg17[%shift_right_logical3A_374, %and3A_377], %broadcast_in_dim3A_76 masked %eq3A_54 {add = true} : memref<80x128xf32, #tpu.memory_space<vmem>>[vector<16xi32>, vector<16xi32>], vector<16xf32>, vector<16xi1>
    tpu.vector_store_idx %arg17[%shift_right_logical3A_374, %and3A_377], %broadcast_in_dim3A_76 masked %eq3A_57 {add = true} : memref<80x128xf32, #tpu.memory_space<vmem>>[vector<16xi32>, vector<16xi32>], vector<16xf32>, vector<16xi1>
    tpu.vector_store_idx %arg17[%shift_right_logical3A_374, %and3A_377], %broadcast_in_dim3A_76 masked %eq3A_60 {add = true} : memref<80x128xf32, #tpu.memory_space<vmem>>[vector<16xi32>, vector<16xi32>], vector<16xf32>, vector<16xi1>
    tpu.vector_store_idx %arg17[%shift_right_logical3A_374, %and3A_377], %broadcast_in_dim3A_76 masked %eq3A_63 {add = true} : memref<80x128xf32, #tpu.memory_space<vmem>>[vector<16xi32>, vector<16xi32>], vector<16xf32>, vector<16xi1>
    tpu.vector_store_idx %arg17[%shift_right_logical3A_374, %and3A_377], %broadcast_in_dim3A_76 masked %eq3A_66 {add = true} : memref<80x128xf32, #tpu.memory_space<vmem>>[vector<16xi32>, vector<16xi32>], vector<16xf32>, vector<16xi1>
    tpu.vector_store_idx %arg17[%shift_right_logical3A_374, %and3A_377], %broadcast_in_dim3A_76 masked %eq3A_69 {add = true} : memref<80x128xf32, #tpu.memory_space<vmem>>[vector<16xi32>, vector<16xi32>], vector<16xf32>, vector<16xi1>
    tpu.vector_store_idx %arg17[%shift_right_logical3A_374, %and3A_377], %broadcast_in_dim3A_76 masked %eq3A_72 {add = true} : memref<80x128xf32, #tpu.memory_space<vmem>>[vector<16xi32>, vector<16xi32>], vector<16xf32>, vector<16xi1>
    tpu.vector_store_idx %arg17[%shift_right_logical3A_374, %and3A_377], %broadcast_in_dim3A_76 masked %eq3A_75 {add = true} : memref<80x128xf32, #tpu.memory_space<vmem>>[vector<16xi32>, vector<16xi32>], vector<16xf32>, vector<16xi1>
    %get3A_378 = arith.constant 16 : index
    %get3A_379 = tpu.vector_load %arg13[%get3A_378] {strides = array<i32>} : memref<128xi32, #tpu.memory_space<vmem>>, vector<16xi32>,
    %shift_right_logical3A_380 = arith.constant 7 : i32
    %shift_right_logical3A_381 = vector.broadcast %shift_right_logical3A_380 : i32 to vector<16xi32>
    %shift_right_logical3A_382 = arith.shrui %get3A_379, %shift_right_logical3A_381 : vector<16xi32>
    %and3A_383 = arith.constant 127 : i32
    %and3A_384 = vector.broadcast %and3A_383 : i32 to vector<16xi32>
    %and3A_385 = arith.andi %get3A_379, %and3A_384 : vector<16xi32>
    tpu.vector_store_idx %arg17[%shift_right_logical3A_382, %and3A_385], %broadcast_in_dim3A_76 masked %eq3A_30 {add = true} : memref<80x128xf32, #tpu.memory_space<vmem>>[vector<16xi32>, vector<16xi32>], vector<16xf32>, vector<16xi1>
    tpu.vector_store_idx %arg17[%shift_right_logical3A_382, %and3A_385], %broadcast_in_dim3A_76 masked %eq3A_33 {add = true} : memref<80x128xf32, #tpu.memory_space<vmem>>[vector<16xi32>, vector<16xi32>], vector<16xf32>, vector<16xi1>
    tpu.vector_store_idx %arg17[%shift_right_logical3A_382, %and3A_385], %broadcast_in_dim3A_76 masked %eq3A_36 {add = true} : memref<80x128xf32, #tpu.memory_space<vmem>>[vector<16xi32>, vector<16xi32>], vector<16xf32>, vector<16xi1>
    tpu.vector_store_idx %arg17[%shift_right_logical3A_382, %and3A_385], %broadcast_in_dim3A_76 masked %eq3A_39 {add = true} : memref<80x128xf32, #tpu.memory_space<vmem>>[vector<16xi32>, vector<16xi32>], vector<16xf32>, vector<16xi1>
    tpu.vector_store_idx %arg17[%shift_right_logical3A_382, %and3A_385], %broadcast_in_dim3A_76 masked %eq3A_42 {add = true} : memref<80x128xf32, #tpu.memory_space<vmem>>[vector<16xi32>, vector<16xi32>], vector<16xf32>, vector<16xi1>
    tpu.vector_store_idx %arg17[%shift_right_logical3A_382, %and3A_385], %broadcast_in_dim3A_76 masked %eq3A_45 {add = true} : memref<80x128xf32, #tpu.memory_space<vmem>>[vector<16xi32>, vector<16xi32>], vector<16xf32>, vector<16xi1>
    tpu.vector_store_idx %arg17[%shift_right_logical3A_382, %and3A_385], %broadcast_in_dim3A_76 masked %eq3A_48 {add = true} : memref<80x128xf32, #tpu.memory_space<vmem>>[vector<16xi32>, vector<16xi32>], vector<16xf32>, vector<16xi1>
    tpu.vector_store_idx %arg17[%shift_right_logical3A_382, %and3A_385], %broadcast_in_dim3A_76 masked %eq3A_51 {add = true} : memref<80x128xf32, #tpu.memory_space<vmem>>[vector<16xi32>, vector<16xi32>], vector<16xf32>, vector<16xi1>
    tpu.vector_store_idx %arg17[%shift_right_logical3A_382, %and3A_385], %broadcast_in_dim3A_76 masked %eq3A_54 {add = true} : memref<80x128xf32, #tpu.memory_space<vmem>>[vector<16xi32>, vector<16xi32>], vector<16xf32>, vector<16xi1>
    tpu.vector_store_idx %arg17[%shift_right_logical3A_382, %and3A_385], %broadcast_in_dim3A_76 masked %eq3A_57 {add = true} : memref<80x128xf32, #tpu.memory_space<vmem>>[vector<16xi32>, vector<16xi32>], vector<16xf32>, vector<16xi1>
    tpu.vector_store_idx %arg17[%shift_right_logical3A_382, %and3A_385], %broadcast_in_dim3A_76 masked %eq3A_60 {add = true} : memref<80x128xf32, #tpu.memory_space<vmem>>[vector<16xi32>, vector<16xi32>], vector<16xf32>, vector<16xi1>
    tpu.vector_store_idx %arg17[%shift_right_logical3A_382, %and3A_385], %broadcast_in_dim3A_76 masked %eq3A_63 {add = true} : memref<80x128xf32, #tpu.memory_space<vmem>>[vector<16xi32>, vector<16xi32>], vector<16xf32>, vector<16xi1>
    tpu.vector_store_idx %arg17[%shift_right_logical3A_382, %and3A_385], %broadcast_in_dim3A_76 masked %eq3A_66 {add = true} : memref<80x128xf32, #tpu.memory_space<vmem>>[vector<16xi32>, vector<16xi32>], vector<16xf32>, vector<16xi1>
    tpu.vector_store_idx %arg17[%shift_right_logical3A_382, %and3A_385], %broadcast_in_dim3A_76 masked %eq3A_69 {add = true} : memref<80x128xf32, #tpu.memory_space<vmem>>[vector<16xi32>, vector<16xi32>], vector<16xf32>, vector<16xi1>
    tpu.vector_store_idx %arg17[%shift_right_logical3A_382, %and3A_385], %broadcast_in_dim3A_76 masked %eq3A_72 {add = true} : memref<80x128xf32, #tpu.memory_space<vmem>>[vector<16xi32>, vector<16xi32>], vector<16xf32>, vector<16xi1>
    tpu.vector_store_idx %arg17[%shift_right_logical3A_382, %and3A_385], %broadcast_in_dim3A_76 masked %eq3A_75 {add = true} : memref<80x128xf32, #tpu.memory_space<vmem>>[vector<16xi32>, vector<16xi32>], vector<16xf32>, vector<16xi1>
    %get3A_386 = arith.constant 32 : index
    %get3A_387 = tpu.vector_load %arg13[%get3A_386] {strides = array<i32>} : memref<128xi32, #tpu.memory_space<vmem>>, vector<16xi32>,
    %shift_right_logical3A_388 = arith.constant 7 : i32
    %shift_right_logical3A_389 = vector.broadcast %shift_right_logical3A_388 : i32 to vector<16xi32>
    %shift_right_logical3A_390 = arith.shrui %get3A_387, %shift_right_logical3A_389 : vector<16xi32>
    %and3A_391 = arith.constant 127 : i32
    %and3A_392 = vector.broadcast %and3A_391 : i32 to vector<16xi32>
    %and3A_393 = arith.andi %get3A_387, %and3A_392 : vector<16xi32>
    tpu.vector_store_idx %arg17[%shift_right_logical3A_390, %and3A_393], %broadcast_in_dim3A_76 masked %eq3A_30 {add = true} : memref<80x128xf32, #tpu.memory_space<vmem>>[vector<16xi32>, vector<16xi32>], vector<16xf32>, vector<16xi1>
    tpu.vector_store_idx %arg17[%shift_right_logical3A_390, %and3A_393], %broadcast_in_dim3A_76 masked %eq3A_33 {add = true} : memref<80x128xf32, #tpu.memory_space<vmem>>[vector<16xi32>, vector<16xi32>], vector<16xf32>, vector<16xi1>
    tpu.vector_store_idx %arg17[%shift_right_logical3A_390, %and3A_393], %broadcast_in_dim3A_76 masked %eq3A_36 {add = true} : memref<80x128xf32, #tpu.memory_space<vmem>>[vector<16xi32>, vector<16xi32>], vector<16xf32>, vector<16xi1>
    tpu.vector_store_idx %arg17[%shift_right_logical3A_390, %and3A_393], %broadcast_in_dim3A_76 masked %eq3A_39 {add = true} : memref<80x128xf32, #tpu.memory_space<vmem>>[vector<16xi32>, vector<16xi32>], vector<16xf32>, vector<16xi1>
    tpu.vector_store_idx %arg17[%shift_right_logical3A_390, %and3A_393], %broadcast_in_dim3A_76 masked %eq3A_42 {add = true} : memref<80x128xf32, #tpu.memory_space<vmem>>[vector<16xi32>, vector<16xi32>], vector<16xf32>, vector<16xi1>
    tpu.vector_store_idx %arg17[%shift_right_logical3A_390, %and3A_393], %broadcast_in_dim3A_76 masked %eq3A_45 {add = true} : memref<80x128xf32, #tpu.memory_space<vmem>>[vector<16xi32>, vector<16xi32>], vector<16xf32>, vector<16xi1>
    tpu.vector_store_idx %arg17[%shift_right_logical3A_390, %and3A_393], %broadcast_in_dim3A_76 masked %eq3A_48 {add = true} : memref<80x128xf32, #tpu.memory_space<vmem>>[vector<16xi32>, vector<16xi32>], vector<16xf32>, vector<16xi1>
    tpu.vector_store_idx %arg17[%shift_right_logical3A_390, %and3A_393], %broadcast_in_dim3A_76 masked %eq3A_51 {add = true} : memref<80x128xf32, #tpu.memory_space<vmem>>[vector<16xi32>, vector<16xi32>], vector<16xf32>, vector<16xi1>
    tpu.vector_store_idx %arg17[%shift_right_logical3A_390, %and3A_393], %broadcast_in_dim3A_76 masked %eq3A_54 {add = true} : memref<80x128xf32, #tpu.memory_space<vmem>>[vector<16xi32>, vector<16xi32>], vector<16xf32>, vector<16xi1>
    tpu.vector_store_idx %arg17[%shift_right_logical3A_390, %and3A_393], %broadcast_in_dim3A_76 masked %eq3A_57 {add = true} : memref<80x128xf32, #tpu.memory_space<vmem>>[vector<16xi32>, vector<16xi32>], vector<16xf32>, vector<16xi1>
    tpu.vector_store_idx %arg17[%shift_right_logical3A_390, %and3A_393], %broadcast_in_dim3A_76 masked %eq3A_60 {add = true} : memref<80x128xf32, #tpu.memory_space<vmem>>[vector<16xi32>, vector<16xi32>], vector<16xf32>, vector<16xi1>
    tpu.vector_store_idx %arg17[%shift_right_logical3A_390, %and3A_393], %broadcast_in_dim3A_76 masked %eq3A_63 {add = true} : memref<80x128xf32, #tpu.memory_space<vmem>>[vector<16xi32>, vector<16xi32>], vector<16xf32>, vector<16xi1>
    tpu.vector_store_idx %arg17[%shift_right_logical3A_390, %and3A_393], %broadcast_in_dim3A_76 masked %eq3A_66 {add = true} : memref<80x128xf32, #tpu.memory_space<vmem>>[vector<16xi32>, vector<16xi32>], vector<16xf32>, vector<16xi1>
    tpu.vector_store_idx %arg17[%shift_right_logical3A_390, %and3A_393], %broadcast_in_dim3A_76 masked %eq3A_69 {add = true} : memref<80x128xf32, #tpu.memory_space<vmem>>[vector<16xi32>, vector<16xi32>], vector<16xf32>, vector<16xi1>
    tpu.vector_store_idx %arg17[%shift_right_logical3A_390, %and3A_393], %broadcast_in_dim3A_76 masked %eq3A_72 {add = true} : memref<80x128xf32, #tpu.memory_space<vmem>>[vector<16xi32>, vector<16xi32>], vector<16xf32>, vector<16xi1>
    tpu.vector_store_idx %arg17[%shift_right_logical3A_390, %and3A_393], %broadcast_in_dim3A_76 masked %eq3A_75 {add = true} : memref<80x128xf32, #tpu.memory_space<vmem>>[vector<16xi32>, vector<16xi32>], vector<16xf32>, vector<16xi1>
    %get3A_394 = arith.constant 48 : index
    %get3A_395 = tpu.vector_load %arg13[%get3A_394] {strides = array<i32>} : memref<128xi32, #tpu.memory_space<vmem>>, vector<16xi32>,
    %shift_right_logical3A_396 = arith.constant 7 : i32
    %shift_right_logical3A_397 = vector.broadcast %shift_right_logical3A_396 : i32 to vector<16xi32>
    %shift_right_logical3A_398 = arith.shrui %get3A_395, %shift_right_logical3A_397 : vector<16xi32>
    %and3A_399 = arith.constant 127 : i32
    %and3A_400 = vector.broadcast %and3A_399 : i32 to vector<16xi32>
    %and3A_401 = arith.andi %get3A_395, %and3A_400 : vector<16xi32>
    tpu.vector_store_idx %arg17[%shift_right_logical3A_398, %and3A_401], %broadcast_in_dim3A_76 masked %eq3A_30 {add = true} : memref<80x128xf32, #tpu.memory_space<vmem>>[vector<16xi32>, vector<16xi32>], vector<16xf32>, vector<16xi1>
    tpu.vector_store_idx %arg17[%shift_right_logical3A_398, %and3A_401], %broadcast_in_dim3A_76 masked %eq3A_33 {add = true} : memref<80x128xf32, #tpu.memory_space<vmem>>[vector<16xi32>, vector<16xi32>], vector<16xf32>, vector<16xi1>
    tpu.vector_store_idx %arg17[%shift_right_logical3A_398, %and3A_401], %broadcast_in_dim3A_76 masked %eq3A_36 {add = true} : memref<80x128xf32, #tpu.memory_space<vmem>>[vector<16xi32>, vector<16xi32>], vector<16xf32>, vector<16xi1>
    tpu.vector_store_idx %arg17[%shift_right_logical3A_398, %and3A_401], %broadcast_in_dim3A_76 masked %eq3A_39 {add = true} : memref<80x128xf32, #tpu.memory_space<vmem>>[vector<16xi32>, vector<16xi32>], vector<16xf32>, vector<16xi1>
    tpu.vector_store_idx %arg17[%shift_right_logical3A_398, %and3A_401], %broadcast_in_dim3A_76 masked %eq3A_42 {add = true} : memref<80x128xf32, #tpu.memory_space<vmem>>[vector<16xi32>, vector<16xi32>], vector<16xf32>, vector<16xi1>
    tpu.vector_store_idx %arg17[%shift_right_logical3A_398, %and3A_401], %broadcast_in_dim3A_76 masked %eq3A_45 {add = true} : memref<80x128xf32, #tpu.memory_space<vmem>>[vector<16xi32>, vector<16xi32>], vector<16xf32>, vector<16xi1>
    tpu.vector_store_idx %arg17[%shift_right_logical3A_398, %and3A_401], %broadcast_in_dim3A_76 masked %eq3A_48 {add = true} : memref<80x128xf32, #tpu.memory_space<vmem>>[vector<16xi32>, vector<16xi32>], vector<16xf32>, vector<16xi1>
    tpu.vector_store_idx %arg17[%shift_right_logical3A_398, %and3A_401], %broadcast_in_dim3A_76 masked %eq3A_51 {add = true} : memref<80x128xf32, #tpu.memory_space<vmem>>[vector<16xi32>, vector<16xi32>], vector<16xf32>, vector<16xi1>
    tpu.vector_store_idx %arg17[%shift_right_logical3A_398, %and3A_401], %broadcast_in_dim3A_76 masked %eq3A_54 {add = true} : memref<80x128xf32, #tpu.memory_space<vmem>>[vector<16xi32>, vector<16xi32>], vector<16xf32>, vector<16xi1>
    tpu.vector_store_idx %arg17[%shift_right_logical3A_398, %and3A_401], %broadcast_in_dim3A_76 masked %eq3A_57 {add = true} : memref<80x128xf32, #tpu.memory_space<vmem>>[vector<16xi32>, vector<16xi32>], vector<16xf32>, vector<16xi1>
    tpu.vector_store_idx %arg17[%shift_right_logical3A_398, %and3A_401], %broadcast_in_dim3A_76 masked %eq3A_60 {add = true} : memref<80x128xf32, #tpu.memory_space<vmem>>[vector<16xi32>, vector<16xi32>], vector<16xf32>, vector<16xi1>
    tpu.vector_store_idx %arg17[%shift_right_logical3A_398, %and3A_401], %broadcast_in_dim3A_76 masked %eq3A_63 {add = true} : memref<80x128xf32, #tpu.memory_space<vmem>>[vector<16xi32>, vector<16xi32>], vector<16xf32>, vector<16xi1>
    tpu.vector_store_idx %arg17[%shift_right_logical3A_398, %and3A_401], %broadcast_in_dim3A_76 masked %eq3A_66 {add = true} : memref<80x128xf32, #tpu.memory_space<vmem>>[vector<16xi32>, vector<16xi32>], vector<16xf32>, vector<16xi1>
    tpu.vector_store_idx %arg17[%shift_right_logical3A_398, %and3A_401], %broadcast_in_dim3A_76 masked %eq3A_69 {add = true} : memref<80x128xf32, #tpu.memory_space<vmem>>[vector<16xi32>, vector<16xi32>], vector<16xf32>, vector<16xi1>
    tpu.vector_store_idx %arg17[%shift_right_logical3A_398, %and3A_401], %broadcast_in_dim3A_76 masked %eq3A_72 {add = true} : memref<80x128xf32, #tpu.memory_space<vmem>>[vector<16xi32>, vector<16xi32>], vector<16xf32>, vector<16xi1>
    tpu.vector_store_idx %arg17[%shift_right_logical3A_398, %and3A_401], %broadcast_in_dim3A_76 masked %eq3A_75 {add = true} : memref<80x128xf32, #tpu.memory_space<vmem>>[vector<16xi32>, vector<16xi32>], vector<16xf32>, vector<16xi1>
    %get3A_402 = arith.constant 64 : index
    %get3A_403 = tpu.vector_load %arg13[%get3A_402] {strides = array<i32>} : memref<128xi32, #tpu.memory_space<vmem>>, vector<16xi32>,
    %shift_right_logical3A_404 = arith.constant 7 : i32
    %shift_right_logical3A_405 = vector.broadcast %shift_right_logical3A_404 : i32 to vector<16xi32>
    %shift_right_logical3A_406 = arith.shrui %get3A_403, %shift_right_logical3A_405 : vector<16xi32>
    %and3A_407 = arith.constant 127 : i32
    %and3A_408 = vector.broadcast %and3A_407 : i32 to vector<16xi32>
    %and3A_409 = arith.andi %get3A_403, %and3A_408 : vector<16xi32>
    tpu.vector_store_idx %arg17[%shift_right_logical3A_406, %and3A_409], %broadcast_in_dim3A_76 masked %eq3A_30 {add = true} : memref<80x128xf32, #tpu.memory_space<vmem>>[vector<16xi32>, vector<16xi32>], vector<16xf32>, vector<16xi1>
    tpu.vector_store_idx %arg17[%shift_right_logical3A_406, %and3A_409], %broadcast_in_dim3A_76 masked %eq3A_33 {add = true} : memref<80x128xf32, #tpu.memory_space<vmem>>[vector<16xi32>, vector<16xi32>], vector<16xf32>, vector<16xi1>
    tpu.vector_store_idx %arg17[%shift_right_logical3A_406, %and3A_409], %broadcast_in_dim3A_76 masked %eq3A_36 {add = true} : memref<80x128xf32, #tpu.memory_space<vmem>>[vector<16xi32>, vector<16xi32>], vector<16xf32>, vector<16xi1>
    tpu.vector_store_idx %arg17[%shift_right_logical3A_406, %and3A_409], %broadcast_in_dim3A_76 masked %eq3A_39 {add = true} : memref<80x128xf32, #tpu.memory_space<vmem>>[vector<16xi32>, vector<16xi32>], vector<16xf32>, vector<16xi1>
    tpu.vector_store_idx %arg17[%shift_right_logical3A_406, %and3A_409], %broadcast_in_dim3A_76 masked %eq3A_42 {add = true} : memref<80x128xf32, #tpu.memory_space<vmem>>[vector<16xi32>, vector<16xi32>], vector<16xf32>, vector<16xi1>
    tpu.vector_store_idx %arg17[%shift_right_logical3A_406, %and3A_409], %broadcast_in_dim3A_76 masked %eq3A_45 {add = true} : memref<80x128xf32, #tpu.memory_space<vmem>>[vector<16xi32>, vector<16xi32>], vector<16xf32>, vector<16xi1>
    tpu.vector_store_idx %arg17[%shift_right_logical3A_406, %and3A_409], %broadcast_in_dim3A_76 masked %eq3A_48 {add = true} : memref<80x128xf32, #tpu.memory_space<vmem>>[vector<16xi32>, vector<16xi32>], vector<16xf32>, vector<16xi1>
    tpu.vector_store_idx %arg17[%shift_right_logical3A_406, %and3A_409], %broadcast_in_dim3A_76 masked %eq3A_51 {add = true} : memref<80x128xf32, #tpu.memory_space<vmem>>[vector<16xi32>, vector<16xi32>], vector<16xf32>, vector<16xi1>
    tpu.vector_store_idx %arg17[%shift_right_logical3A_406, %and3A_409], %broadcast_in_dim3A_76 masked %eq3A_54 {add = true} : memref<80x128xf32, #tpu.memory_space<vmem>>[vector<16xi32>, vector<16xi32>], vector<16xf32>, vector<16xi1>
    tpu.vector_store_idx %arg17[%shift_right_logical3A_406, %and3A_409], %broadcast_in_dim3A_76 masked %eq3A_57 {add = true} : memref<80x128xf32, #tpu.memory_space<vmem>>[vector<16xi32>, vector<16xi32>], vector<16xf32>, vector<16xi1>
    tpu.vector_store_idx %arg17[%shift_right_logical3A_406, %and3A_409], %broadcast_in_dim3A_76 masked %eq3A_60 {add = true} : memref<80x128xf32, #tpu.memory_space<vmem>>[vector<16xi32>, vector<16xi32>], vector<16xf32>, vector<16xi1>
    tpu.vector_store_idx %arg17[%shift_right_logical3A_406, %and3A_409], %broadcast_in_dim3A_76 masked %eq3A_63 {add = true} : memref<80x128xf32, #tpu.memory_space<vmem>>[vector<16xi32>, vector<16xi32>], vector<16xf32>, vector<16xi1>
    tpu.vector_store_idx %arg17[%shift_right_logical3A_406, %and3A_409], %broadcast_in_dim3A_76 masked %eq3A_66 {add = true} : memref<80x128xf32, #tpu.memory_space<vmem>>[vector<16xi32>, vector<16xi32>], vector<16xf32>, vector<16xi1>
    tpu.vector_store_idx %arg17[%shift_right_logical3A_406, %and3A_409], %broadcast_in_dim3A_76 masked %eq3A_69 {add = true} : memref<80x128xf32, #tpu.memory_space<vmem>>[vector<16xi32>, vector<16xi32>], vector<16xf32>, vector<16xi1>
    tpu.vector_store_idx %arg17[%shift_right_logical3A_406, %and3A_409], %broadcast_in_dim3A_76 masked %eq3A_72 {add = true} : memref<80x128xf32, #tpu.memory_space<vmem>>[vector<16xi32>, vector<16xi32>], vector<16xf32>, vector<16xi1>
    tpu.vector_store_idx %arg17[%shift_right_logical3A_406, %and3A_409], %broadcast_in_dim3A_76 masked %eq3A_75 {add = true} : memref<80x128xf32, #tpu.memory_space<vmem>>[vector<16xi32>, vector<16xi32>], vector<16xf32>, vector<16xi1>
    %get3A_410 = arith.constant 80 : index
    %get3A_411 = tpu.vector_load %arg13[%get3A_410] {strides = array<i32>} : memref<128xi32, #tpu.memory_space<vmem>>, vector<16xi32>,
    %shift_right_logical3A_412 = arith.constant 7 : i32
    %shift_right_logical3A_413 = vector.broadcast %shift_right_logical3A_412 : i32 to vector<16xi32>
    %shift_right_logical3A_414 = arith.shrui %get3A_411, %shift_right_logical3A_413 : vector<16xi32>
    %and3A_415 = arith.constant 127 : i32
    %and3A_416 = vector.broadcast %and3A_415 : i32 to vector<16xi32>
    %and3A_417 = arith.andi %get3A_411, %and3A_416 : vector<16xi32>
    tpu.vector_store_idx %arg17[%shift_right_logical3A_414, %and3A_417], %broadcast_in_dim3A_76 masked %eq3A_30 {add = true} : memref<80x128xf32, #tpu.memory_space<vmem>>[vector<16xi32>, vector<16xi32>], vector<16xf32>, vector<16xi1>
    tpu.vector_store_idx %arg17[%shift_right_logical3A_414, %and3A_417], %broadcast_in_dim3A_76 masked %eq3A_33 {add = true} : memref<80x128xf32, #tpu.memory_space<vmem>>[vector<16xi32>, vector<16xi32>], vector<16xf32>, vector<16xi1>
    tpu.vector_store_idx %arg17[%shift_right_logical3A_414, %and3A_417], %broadcast_in_dim3A_76 masked %eq3A_36 {add = true} : memref<80x128xf32, #tpu.memory_space<vmem>>[vector<16xi32>, vector<16xi32>], vector<16xf32>, vector<16xi1>
    tpu.vector_store_idx %arg17[%shift_right_logical3A_414, %and3A_417], %broadcast_in_dim3A_76 masked %eq3A_39 {add = true} : memref<80x128xf32, #tpu.memory_space<vmem>>[vector<16xi32>, vector<16xi32>], vector<16xf32>, vector<16xi1>
    tpu.vector_store_idx %arg17[%shift_right_logical3A_414, %and3A_417], %broadcast_in_dim3A_76 masked %eq3A_42 {add = true} : memref<80x128xf32, #tpu.memory_space<vmem>>[vector<16xi32>, vector<16xi32>], vector<16xf32>, vector<16xi1>
    tpu.vector_store_idx %arg17[%shift_right_logical3A_414, %and3A_417], %broadcast_in_dim3A_76 masked %eq3A_45 {add = true} : memref<80x128xf32, #tpu.memory_space<vmem>>[vector<16xi32>, vector<16xi32>], vector<16xf32>, vector<16xi1>
    tpu.vector_store_idx %arg17[%shift_right_logical3A_414, %and3A_417], %broadcast_in_dim3A_76 masked %eq3A_48 {add = true} : memref<80x128xf32, #tpu.memory_space<vmem>>[vector<16xi32>, vector<16xi32>], vector<16xf32>, vector<16xi1>
    tpu.vector_store_idx %arg17[%shift_right_logical3A_414, %and3A_417], %broadcast_in_dim3A_76 masked %eq3A_51 {add = true} : memref<80x128xf32, #tpu.memory_space<vmem>>[vector<16xi32>, vector<16xi32>], vector<16xf32>, vector<16xi1>
    tpu.vector_store_idx %arg17[%shift_right_logical3A_414, %and3A_417], %broadcast_in_dim3A_76 masked %eq3A_54 {add = true} : memref<80x128xf32, #tpu.memory_space<vmem>>[vector<16xi32>, vector<16xi32>], vector<16xf32>, vector<16xi1>
    tpu.vector_store_idx %arg17[%shift_right_logical3A_414, %and3A_417], %broadcast_in_dim3A_76 masked %eq3A_57 {add = true} : memref<80x128xf32, #tpu.memory_space<vmem>>[vector<16xi32>, vector<16xi32>], vector<16xf32>, vector<16xi1>
    tpu.vector_store_idx %arg17[%shift_right_logical3A_414, %and3A_417], %broadcast_in_dim3A_76 masked %eq3A_60 {add = true} : memref<80x128xf32, #tpu.memory_space<vmem>>[vector<16xi32>, vector<16xi32>], vector<16xf32>, vector<16xi1>
    tpu.vector_store_idx %arg17[%shift_right_logical3A_414, %and3A_417], %broadcast_in_dim3A_76 masked %eq3A_63 {add = true} : memref<80x128xf32, #tpu.memory_space<vmem>>[vector<16xi32>, vector<16xi32>], vector<16xf32>, vector<16xi1>
    tpu.vector_store_idx %arg17[%shift_right_logical3A_414, %and3A_417], %broadcast_in_dim3A_76 masked %eq3A_66 {add = true} : memref<80x128xf32, #tpu.memory_space<vmem>>[vector<16xi32>, vector<16xi32>], vector<16xf32>, vector<16xi1>
    tpu.vector_store_idx %arg17[%shift_right_logical3A_414, %and3A_417], %broadcast_in_dim3A_76 masked %eq3A_69 {add = true} : memref<80x128xf32, #tpu.memory_space<vmem>>[vector<16xi32>, vector<16xi32>], vector<16xf32>, vector<16xi1>
    tpu.vector_store_idx %arg17[%shift_right_logical3A_414, %and3A_417], %broadcast_in_dim3A_76 masked %eq3A_72 {add = true} : memref<80x128xf32, #tpu.memory_space<vmem>>[vector<16xi32>, vector<16xi32>], vector<16xf32>, vector<16xi1>
    tpu.vector_store_idx %arg17[%shift_right_logical3A_414, %and3A_417], %broadcast_in_dim3A_76 masked %eq3A_75 {add = true} : memref<80x128xf32, #tpu.memory_space<vmem>>[vector<16xi32>, vector<16xi32>], vector<16xf32>, vector<16xi1>
    %get3A_418 = arith.constant 96 : index
    %get3A_419 = tpu.vector_load %arg13[%get3A_418] {strides = array<i32>} : memref<128xi32, #tpu.memory_space<vmem>>, vector<16xi32>,
    %shift_right_logical3A_420 = arith.constant 7 : i32
    %shift_right_logical3A_421 = vector.broadcast %shift_right_logical3A_420 : i32 to vector<16xi32>
    %shift_right_logical3A_422 = arith.shrui %get3A_419, %shift_right_logical3A_421 : vector<16xi32>
    %and3A_423 = arith.constant 127 : i32
    %and3A_424 = vector.broadcast %and3A_423 : i32 to vector<16xi32>
    %and3A_425 = arith.andi %get3A_419, %and3A_424 : vector<16xi32>
    tpu.vector_store_idx %arg17[%shift_right_logical3A_422, %and3A_425], %broadcast_in_dim3A_76 masked %eq3A_30 {add = true} : memref<80x128xf32, #tpu.memory_space<vmem>>[vector<16xi32>, vector<16xi32>], vector<16xf32>, vector<16xi1>
    tpu.vector_store_idx %arg17[%shift_right_logical3A_422, %and3A_425], %broadcast_in_dim3A_76 masked %eq3A_33 {add = true} : memref<80x128xf32, #tpu.memory_space<vmem>>[vector<16xi32>, vector<16xi32>], vector<16xf32>, vector<16xi1>
    tpu.vector_store_idx %arg17[%shift_right_logical3A_422, %and3A_425], %broadcast_in_dim3A_76 masked %eq3A_36 {add = true} : memref<80x128xf32, #tpu.memory_space<vmem>>[vector<16xi32>, vector<16xi32>], vector<16xf32>, vector<16xi1>
    tpu.vector_store_idx %arg17[%shift_right_logical3A_422, %and3A_425], %broadcast_in_dim3A_76 masked %eq3A_39 {add = true} : memref<80x128xf32, #tpu.memory_space<vmem>>[vector<16xi32>, vector<16xi32>], vector<16xf32>, vector<16xi1>
    tpu.vector_store_idx %arg17[%shift_right_logical3A_422, %and3A_425], %broadcast_in_dim3A_76 masked %eq3A_42 {add = true} : memref<80x128xf32, #tpu.memory_space<vmem>>[vector<16xi32>, vector<16xi32>], vector<16xf32>, vector<16xi1>
    tpu.vector_store_idx %arg17[%shift_right_logical3A_422, %and3A_425], %broadcast_in_dim3A_76 masked %eq3A_45 {add = true} : memref<80x128xf32, #tpu.memory_space<vmem>>[vector<16xi32>, vector<16xi32>], vector<16xf32>, vector<16xi1>
    tpu.vector_store_idx %arg17[%shift_right_logical3A_422, %and3A_425], %broadcast_in_dim3A_76 masked %eq3A_48 {add = true} : memref<80x128xf32, #tpu.memory_space<vmem>>[vector<16xi32>, vector<16xi32>], vector<16xf32>, vector<16xi1>
    tpu.vector_store_idx %arg17[%shift_right_logical3A_422, %and3A_425], %broadcast_in_dim3A_76 masked %eq3A_51 {add = true} : memref<80x128xf32, #tpu.memory_space<vmem>>[vector<16xi32>, vector<16xi32>], vector<16xf32>, vector<16xi1>
    tpu.vector_store_idx %arg17[%shift_right_logical3A_422, %and3A_425], %broadcast_in_dim3A_76 masked %eq3A_54 {add = true} : memref<80x128xf32, #tpu.memory_space<vmem>>[vector<16xi32>, vector<16xi32>], vector<16xf32>, vector<16xi1>
    tpu.vector_store_idx %arg17[%shift_right_logical3A_422, %and3A_425], %broadcast_in_dim3A_76 masked %eq3A_57 {add = true} : memref<80x128xf32, #tpu.memory_space<vmem>>[vector<16xi32>, vector<16xi32>], vector<16xf32>, vector<16xi1>
    tpu.vector_store_idx %arg17[%shift_right_logical3A_422, %and3A_425], %broadcast_in_dim3A_76 masked %eq3A_60 {add = true} : memref<80x128xf32, #tpu.memory_space<vmem>>[vector<16xi32>, vector<16xi32>], vector<16xf32>, vector<16xi1>
    tpu.vector_store_idx %arg17[%shift_right_logical3A_422, %and3A_425], %broadcast_in_dim3A_76 masked %eq3A_63 {add = true} : memref<80x128xf32, #tpu.memory_space<vmem>>[vector<16xi32>, vector<16xi32>], vector<16xf32>, vector<16xi1>
    tpu.vector_store_idx %arg17[%shift_right_logical3A_422, %and3A_425], %broadcast_in_dim3A_76 masked %eq3A_66 {add = true} : memref<80x128xf32, #tpu.memory_space<vmem>>[vector<16xi32>, vector<16xi32>], vector<16xf32>, vector<16xi1>
    tpu.vector_store_idx %arg17[%shift_right_logical3A_422, %and3A_425], %broadcast_in_dim3A_76 masked %eq3A_69 {add = true} : memref<80x128xf32, #tpu.memory_space<vmem>>[vector<16xi32>, vector<16xi32>], vector<16xf32>, vector<16xi1>
    tpu.vector_store_idx %arg17[%shift_right_logical3A_422, %and3A_425], %broadcast_in_dim3A_76 masked %eq3A_72 {add = true} : memref<80x128xf32, #tpu.memory_space<vmem>>[vector<16xi32>, vector<16xi32>], vector<16xf32>, vector<16xi1>
    tpu.vector_store_idx %arg17[%shift_right_logical3A_422, %and3A_425], %broadcast_in_dim3A_76 masked %eq3A_75 {add = true} : memref<80x128xf32, #tpu.memory_space<vmem>>[vector<16xi32>, vector<16xi32>], vector<16xf32>, vector<16xi1>
    %get3A_426 = arith.constant 112 : index
    %get3A_427 = tpu.vector_load %arg13[%get3A_426] {strides = array<i32>} : memref<128xi32, #tpu.memory_space<vmem>>, vector<16xi32>,
    %shift_right_logical3A_428 = arith.constant 7 : i32
    %shift_right_logical3A_429 = vector.broadcast %shift_right_logical3A_428 : i32 to vector<16xi32>
    %shift_right_logical3A_430 = arith.shrui %get3A_427, %shift_right_logical3A_429 : vector<16xi32>
    %and3A_431 = arith.constant 127 : i32
    %and3A_432 = vector.broadcast %and3A_431 : i32 to vector<16xi32>
    %and3A_433 = arith.andi %get3A_427, %and3A_432 : vector<16xi32>
    tpu.vector_store_idx %arg17[%shift_right_logical3A_430, %and3A_433], %broadcast_in_dim3A_76 masked %eq3A_30 {add = true} : memref<80x128xf32, #tpu.memory_space<vmem>>[vector<16xi32>, vector<16xi32>], vector<16xf32>, vector<16xi1>
    tpu.vector_store_idx %arg17[%shift_right_logical3A_430, %and3A_433], %broadcast_in_dim3A_76 masked %eq3A_33 {add = true} : memref<80x128xf32, #tpu.memory_space<vmem>>[vector<16xi32>, vector<16xi32>], vector<16xf32>, vector<16xi1>
    tpu.vector_store_idx %arg17[%shift_right_logical3A_430, %and3A_433], %broadcast_in_dim3A_76 masked %eq3A_36 {add = true} : memref<80x128xf32, #tpu.memory_space<vmem>>[vector<16xi32>, vector<16xi32>], vector<16xf32>, vector<16xi1>
    tpu.vector_store_idx %arg17[%shift_right_logical3A_430, %and3A_433], %broadcast_in_dim3A_76 masked %eq3A_39 {add = true} : memref<80x128xf32, #tpu.memory_space<vmem>>[vector<16xi32>, vector<16xi32>], vector<16xf32>, vector<16xi1>
    tpu.vector_store_idx %arg17[%shift_right_logical3A_430, %and3A_433], %broadcast_in_dim3A_76 masked %eq3A_42 {add = true} : memref<80x128xf32, #tpu.memory_space<vmem>>[vector<16xi32>, vector<16xi32>], vector<16xf32>, vector<16xi1>
    tpu.vector_store_idx %arg17[%shift_right_logical3A_430, %and3A_433], %broadcast_in_dim3A_76 masked %eq3A_45 {add = true} : memref<80x128xf32, #tpu.memory_space<vmem>>[vector<16xi32>, vector<16xi32>], vector<16xf32>, vector<16xi1>
    tpu.vector_store_idx %arg17[%shift_right_logical3A_430, %and3A_433], %broadcast_in_dim3A_76 masked %eq3A_48 {add = true} : memref<80x128xf32, #tpu.memory_space<vmem>>[vector<16xi32>, vector<16xi32>], vector<16xf32>, vector<16xi1>
    tpu.vector_store_idx %arg17[%shift_right_logical3A_430, %and3A_433], %broadcast_in_dim3A_76 masked %eq3A_51 {add = true} : memref<80x128xf32, #tpu.memory_space<vmem>>[vector<16xi32>, vector<16xi32>], vector<16xf32>, vector<16xi1>
    tpu.vector_store_idx %arg17[%shift_right_logical3A_430, %and3A_433], %broadcast_in_dim3A_76 masked %eq3A_54 {add = true} : memref<80x128xf32, #tpu.memory_space<vmem>>[vector<16xi32>, vector<16xi32>], vector<16xf32>, vector<16xi1>
    tpu.vector_store_idx %arg17[%shift_right_logical3A_430, %and3A_433], %broadcast_in_dim3A_76 masked %eq3A_57 {add = true} : memref<80x128xf32, #tpu.memory_space<vmem>>[vector<16xi32>, vector<16xi32>], vector<16xf32>, vector<16xi1>
    tpu.vector_store_idx %arg17[%shift_right_logical3A_430, %and3A_433], %broadcast_in_dim3A_76 masked %eq3A_60 {add = true} : memref<80x128xf32, #tpu.memory_space<vmem>>[vector<16xi32>, vector<16xi32>], vector<16xf32>, vector<16xi1>
    tpu.vector_store_idx %arg17[%shift_right_logical3A_430, %and3A_433], %broadcast_in_dim3A_76 masked %eq3A_63 {add = true} : memref<80x128xf32, #tpu.memory_space<vmem>>[vector<16xi32>, vector<16xi32>], vector<16xf32>, vector<16xi1>
    tpu.vector_store_idx %arg17[%shift_right_logical3A_430, %and3A_433], %broadcast_in_dim3A_76 masked %eq3A_66 {add = true} : memref<80x128xf32, #tpu.memory_space<vmem>>[vector<16xi32>, vector<16xi32>], vector<16xf32>, vector<16xi1>
    tpu.vector_store_idx %arg17[%shift_right_logical3A_430, %and3A_433], %broadcast_in_dim3A_76 masked %eq3A_69 {add = true} : memref<80x128xf32, #tpu.memory_space<vmem>>[vector<16xi32>, vector<16xi32>], vector<16xf32>, vector<16xi1>
    tpu.vector_store_idx %arg17[%shift_right_logical3A_430, %and3A_433], %broadcast_in_dim3A_76 masked %eq3A_72 {add = true} : memref<80x128xf32, #tpu.memory_space<vmem>>[vector<16xi32>, vector<16xi32>], vector<16xf32>, vector<16xi1>
    tpu.vector_store_idx %arg17[%shift_right_logical3A_430, %and3A_433], %broadcast_in_dim3A_76 masked %eq3A_75 {add = true} : memref<80x128xf32, #tpu.memory_space<vmem>>[vector<16xi32>, vector<16xi32>], vector<16xf32>, vector<16xi1>
    %dma_wait3A_434 = arith.constant 0 : i32
    %dma_wait3A_435 = arith.constant 0 : i32
    %dma_wait3A_436 = tpu.memref_slice %arg2[%dma_wait3A_434, %dma_wait3A_435] : memref<10000x128xf32, #tpu.memory_space<hbm>> -> memref<10000x128xf32, #tpu.memory_space<hbm>>
    tpu.wait_indirect_dma semaphore(%arg20 : memref<!tpu.dma_semaphore, #tpu.memory_space<semaphore_mem>>) src(%dma_wait3A_436 : memref<10000x128xf32, #tpu.memory_space<hbm>>) dst(%arg15 : memref<128x128xf32, #tpu.memory_space<vmem>>)
    %dma_start3A_437 = arith.constant 0 : i32
    %dma_start3A_438 = arith.constant 0 : i32
    %dma_start3A_439 = tpu.memref_slice %arg19[%dma_start3A_437, %dma_start3A_438] : memref<10240x128xf32, #tpu.memory_space<vmem_shared>> -> memref<10240x128xf32, #tpu.memory_space<vmem_shared>>
    tpu.enqueue_indirect_dma source(%arg15 : memref<128x128xf32, #tpu.memory_space<vmem>>) target(%dma_start3A_439 : memref<10240x128xf32, #tpu.memory_space<vmem_shared>>) offsets(%arg11 : memref<128xi32, #tpu.memory_space<vmem>>) semaphore(%arg22 : memref<!tpu.dma_semaphore, #tpu.memory_space<semaphore_mem>>) {add = true}
    %dma_wait3A_440 = arith.constant 0 : i32
    %dma_wait3A_441 = arith.constant 0 : i32
    %dma_wait3A_442 = tpu.memref_slice %arg19[%dma_wait3A_440, %dma_wait3A_441] : memref<10240x128xf32, #tpu.memory_space<vmem_shared>> -> memref<10240x128xf32, #tpu.memory_space<vmem_shared>>
    tpu.wait_indirect_dma semaphore(%arg22 : memref<!tpu.dma_semaphore, #tpu.memory_space<semaphore_mem>>) src(%arg15 : memref<128x128xf32, #tpu.memory_space<vmem>>) dst(%dma_wait3A_442 : memref<10240x128xf32, #tpu.memory_space<vmem_shared>>)
    %dma_wait3A_443 = arith.constant 0 : i32
    %dma_wait3A_444 = arith.constant 0 : i32
    %dma_wait3A_445 = tpu.memref_slice %arg2[%dma_wait3A_443, %dma_wait3A_444] : memref<10000x128xf32, #tpu.memory_space<hbm>> -> memref<10000x128xf32, #tpu.memory_space<hbm>>
    tpu.wait_indirect_dma semaphore(%arg21 : memref<!tpu.dma_semaphore, #tpu.memory_space<semaphore_mem>>) src(%dma_wait3A_445 : memref<10000x128xf32, #tpu.memory_space<hbm>>) dst(%arg16 : memref<128x128xf32, #tpu.memory_space<vmem>>)
    %dma_start3A_446 = arith.constant 0 : i32
    %dma_start3A_447 = arith.constant 0 : i32
    %dma_start3A_448 = tpu.memref_slice %arg19[%dma_start3A_446, %dma_start3A_447] : memref<10240x128xf32, #tpu.memory_space<vmem_shared>> -> memref<10240x128xf32, #tpu.memory_space<vmem_shared>>
    tpu.enqueue_indirect_dma source(%arg16 : memref<128x128xf32, #tpu.memory_space<vmem>>) target(%dma_start3A_448 : memref<10240x128xf32, #tpu.memory_space<vmem_shared>>) offsets(%arg13 : memref<128xi32, #tpu.memory_space<vmem>>) semaphore(%arg23 : memref<!tpu.dma_semaphore, #tpu.memory_space<semaphore_mem>>) {add = true}
    %dma_wait3A_449 = arith.constant 0 : i32
    %dma_wait3A_450 = arith.constant 0 : i32
    %dma_wait3A_451 = tpu.memref_slice %arg19[%dma_wait3A_449, %dma_wait3A_450] : memref<10240x128xf32, #tpu.memory_space<vmem_shared>> -> memref<10240x128xf32, #tpu.memory_space<vmem_shared>>
    tpu.wait_indirect_dma semaphore(%arg23 : memref<!tpu.dma_semaphore, #tpu.memory_space<semaphore_mem>>) src(%arg16 : memref<128x128xf32, #tpu.memory_space<vmem>>) dst(%dma_wait3A_451 : memref<10240x128xf32, #tpu.memory_space<vmem_shared>>)
    "tpu.region"() ({
      %run_scoped3A = tpu.sem_alloc : memref<!tpu.dma_semaphore, #tpu.memory_space<semaphore_mem>>
      %dma_start3A_457 = arith.constant 0 : i32
      %dma_start3A_458 = arith.constant 0 : i32
      %dma_start3A_459 = tpu.memref_slice %arg19[%dma_start3A_457, %dma_start3A_458] : memref<10240x128xf32, #tpu.memory_space<vmem_shared>> -> memref<10240x128xf32, #tpu.memory_space<vmem_shared>>
      tpu.enqueue_indirect_dma source(%arg17 : memref<80x128xf32, #tpu.memory_space<vmem>>) target(%dma_start3A_459 : memref<10240x128xf32, #tpu.memory_space<vmem_shared>>) offsets(%arg18 : memref<80xi32, #tpu.memory_space<vmem>>) semaphore(%run_scoped3A : memref<!tpu.dma_semaphore, #tpu.memory_space<semaphore_mem>>) {add = true}
      %dma_wait3A_460 = arith.constant 0 : i32
      %dma_wait3A_461 = arith.constant 0 : i32
      %dma_wait3A_462 = tpu.memref_slice %arg19[%dma_wait3A_460, %dma_wait3A_461] : memref<10240x128xf32, #tpu.memory_space<vmem_shared>> -> memref<10240x128xf32, #tpu.memory_space<vmem_shared>>
      tpu.wait_indirect_dma semaphore(%run_scoped3A : memref<!tpu.dma_semaphore, #tpu.memory_space<semaphore_mem>>) src(%arg17 : memref<80x128xf32, #tpu.memory_space<vmem>>) dst(%dma_wait3A_462 : memref<10240x128xf32, #tpu.memory_space<vmem_shared>>)
      tpu.yield
    }) : () -> ()
    %barrier3A_452 = arith.constant 0 : index
    tpu.barrier barrier_id(%barrier3A_452)
    %mul3A_453 = arith.constant 640 : i32
    %mul3A_454 = arith.muli %arg1, %mul3A_453 : i32
    %mul3A_455 = arith.constant 640 : i32
    %mul3A_456 = arith.muli %arg1, %mul3A_455 : i32
    "tpu.region"() ({
      %run_scoped3A = tpu.sem_alloc : memref<!tpu.dma_semaphore, #tpu.memory_space<semaphore_mem>>
      %dma_start3A_457 = arith.constant 0 : i32
      %dma_start3A_458 = tpu.memref_slice %arg6[%arg0, %mul3A_456, %dma_start3A_457] : memref<2x10240x128xf32, #tpu.memory_space<hbm>> -> memref<1x640x128xf32, #tpu.memory_space<hbm>>
      %dma_start3A_459 = tpu.memref_squeeze %dma_start3A_458 : memref<1x640x128xf32, #tpu.memory_space<hbm>> -> memref<640x128xf32, #tpu.memory_space<hbm>>
      %dma_start3A_460 = arith.constant 0 : i32
      %dma_start3A_461 = tpu.memref_slice %arg19[%mul3A_454, %dma_start3A_460] : memref<10240x128xf32, #tpu.memory_space<vmem_shared>> -> memref<640x128xf32, #tpu.memory_space<vmem_shared>>
      tpu.enqueue_dma source(%dma_start3A_461 : memref<640x128xf32, #tpu.memory_space<vmem_shared>>) target(%dma_start3A_459 : memref<640x128xf32, #tpu.memory_space<hbm>>) target_semaphore(%run_scoped3A : memref<!tpu.dma_semaphore, #tpu.memory_space<semaphore_mem>>)
      %dma_wait3A_462 = arith.constant 0 : i32
      %dma_wait3A_463 = tpu.memref_slice %arg6[%arg0, %mul3A_456, %dma_wait3A_462] : memref<2x10240x128xf32, #tpu.memory_space<hbm>> -> memref<1x640x128xf32, #tpu.memory_space<hbm>>
      %dma_wait3A_464 = tpu.memref_squeeze %dma_wait3A_463 : memref<1x640x128xf32, #tpu.memory_space<hbm>> -> memref<640x128xf32, #tpu.memory_space<hbm>>
      %dma_wait3A_465 = arith.constant 0 : i32
      %dma_wait3A_466 = tpu.memref_slice %arg19[%mul3A_454, %dma_wait3A_465] : memref<10240x128xf32, #tpu.memory_space<vmem_shared>> -> memref<640x128xf32, #tpu.memory_space<vmem_shared>>
      tpu.wait_dma2 semaphore(%run_scoped3A : memref<!tpu.dma_semaphore, #tpu.memory_space<semaphore_mem>>) src(%dma_wait3A_466 : memref<640x128xf32, #tpu.memory_space<vmem_shared>>) dst(%dma_wait3A_464 : memref<640x128xf32, #tpu.memory_space<hbm>>)
      tpu.yield
    }) : () -> ()
    return
  }
}

module attributes {stable_mosaic.version = 14 : i64} {
  func.func @body(%arg0: i32, %arg1: memref<2x1024x128xf32, #tpu.memory_space<vmem>>, %arg2: memref<1024x1xf32, #tpu.memory_space<vmem>>, %arg3: memref<1024x128xf32, #tpu.memory_space<vmem>>, %arg4: memref<256x128xf32, #tpu.memory_space<vmem>>, %arg5: memref<1x128xf32, #tpu.memory_space<vmem>>, %arg6: memref<1024x128xf32, #tpu.memory_space<vmem>>) attributes {dimension_semantics = [#tpu.dimension_semantics<arbitrary>], iteration_bounds = array<i64: 10>, scalar_prefetch = 0 : i64, scratch_operands = 0 : i64, tpu.core_type = #tpu.core_type<tc>, window_params = [{transform_indices = @transform_0, window_bounds = array<i64: 2, 1024, 128>}, {transform_indices = @transform_1, window_bounds = array<i64: 1024, 1>}, {transform_indices = @transform_2, window_bounds = array<i64: 1024, 128>}, {pipeline_mode = #tpu.pipeline_mode<synchronous>, transform_indices = @transform_3, window_bounds = array<i64: 256, 128>}, {pipeline_mode = #tpu.pipeline_mode<synchronous>, transform_indices = @transform_4, window_bounds = array<i64: 1, 128>}, {transform_indices = @transform_5, window_bounds = array<i64: 1024, 128>}]} {
    %get3A = arith.constant 0 : index
    %get3A_0 = arith.constant 0 : index
    %get3A_1 = vector.load %arg2[%get3A, %get3A_0] : memref<1024x1xf32, #tpu.memory_space<vmem>>, vector<1024x1xf32>
    %max3A = arith.constant 1.000000e+00 : f32
    %max3A_2 = vector.broadcast %max3A : f32 to vector<1024x1xf32>
    %max3A_3 = arith.maximumf %get3A_1, %max3A_2 : vector<1024x1xf32>
    %get3A_4 = arith.constant 0 : index
    %get3A_5 = arith.constant 0 : index
    %get3A_6 = arith.constant 0 : index
    %get3A_7 = vector.load %arg1[%get3A_4, %get3A_5, %get3A_6] : memref<2x1024x128xf32, #tpu.memory_space<vmem>>, vector<1x1024x128xf32>
    %get3A_8 = vector.shape_cast %get3A_7 : vector<1x1024x128xf32> to vector<1024x128xf32>
    %get3A_9 = arith.constant 1 : index
    %get3A_10 = arith.constant 0 : index
    %get3A_11 = arith.constant 0 : index
    %get3A_12 = vector.load %arg1[%get3A_9, %get3A_10, %get3A_11] : memref<2x1024x128xf32, #tpu.memory_space<vmem>>, vector<1x1024x128xf32>
    %get3A_13 = vector.shape_cast %get3A_12 : vector<1x1024x128xf32> to vector<1024x128xf32>
    %add3A = arith.addf %get3A_8, %get3A_13 : vector<1024x128xf32>
    %div3A = vector.broadcast %max3A_3 : vector<1024x1xf32> to vector<1024x128xf32>
    %div3A_14 = arith.divf %add3A, %div3A : vector<1024x128xf32>
    %get3A_15 = arith.constant 0 : index
    %get3A_16 = arith.constant 0 : index
    %get3A_17 = vector.load %arg3[%get3A_15, %get3A_16] : memref<1024x128xf32, #tpu.memory_space<vmem>>, vector<1024x128xf32>
    %get3A_18 = arith.constant 0 : index
    %get3A_19 = arith.constant 0 : index
    %get3A_20 = vector.load %arg4[%get3A_18, %get3A_19] : memref<256x128xf32, #tpu.memory_space<vmem>>, vector<128x128xf32>
    %dot_general3A = arith.constant dense<0.000000e+00> : vector<1024x128xf32>
    %dot_general3A_21 = tpu.matmul %get3A_17, %get3A_20, %dot_general3A {dimension_numbers = #tpu.dot_dimension_numbers<[1], [0], [0], [1], [0, 0, 1, 1], [], []>, precision = #tpu.contract_precision<fp32>, transpose_lhs_hint = false} : vector<1024x128xf32>, vector<128x128xf32>, vector<1024x128xf32> -> vector<1024x128xf32>
    %get3A_22 = arith.constant 128 : index
    %get3A_23 = arith.constant 0 : index
    %get3A_24 = vector.load %arg4[%get3A_22, %get3A_23] : memref<256x128xf32, #tpu.memory_space<vmem>>, vector<128x128xf32>
    %dot_general3A_25 = arith.constant dense<0.000000e+00> : vector<1024x128xf32>
    %dot_general3A_26 = tpu.matmul %div3A_14, %get3A_24, %dot_general3A_25 {dimension_numbers = #tpu.dot_dimension_numbers<[1], [0], [0], [1], [0, 0, 1, 1], [], []>, precision = #tpu.contract_precision<fp32>, transpose_lhs_hint = false} : vector<1024x128xf32>, vector<128x128xf32>, vector<1024x128xf32> -> vector<1024x128xf32>
    %add3A_27 = arith.addf %dot_general3A_21, %dot_general3A_26 : vector<1024x128xf32>
    %get3A_28 = arith.constant 0 : index
    %get3A_29 = arith.constant 0 : index
    %get3A_30 = vector.load %arg5[%get3A_28, %get3A_29] : memref<1x128xf32, #tpu.memory_space<vmem>>, vector<1x128xf32>
    %add3A_31 = vector.broadcast %get3A_30 : vector<1x128xf32> to vector<1024x128xf32>
    %add3A_32 = arith.addf %add3A_27, %add3A_31 : vector<1024x128xf32>
    %max3A_33 = arith.constant 0.000000e+00 : f32
    %max3A_34 = vector.broadcast %max3A_33 : f32 to vector<1024x128xf32>
    %max3A_35 = arith.maximumf %add3A_32, %max3A_34 : vector<1024x128xf32>
    %swap3A = arith.constant 0 : index
    %swap3A_36 = arith.constant 0 : index
    %swap3A_37 = vector.load %arg6[%swap3A, %swap3A_36] : memref<1024x128xf32, #tpu.memory_space<vmem>>, vector<1024x128xf32>
    tpu.vector_store %arg6[%swap3A, %swap3A_36], %max3A_35 {strides = array<i32>} : memref<1024x128xf32, #tpu.memory_space<vmem>>, vector<1024x128xf32>,
    return
  }
  func.func @transform_0(%arg0: i32) -> (i32, i32, i32) {
    %c0_i32 = arith.constant 0 : i32
    %c0_i32_0 = arith.constant 0 : i32
    %c0_i32_1 = arith.constant 0 : i32
    return %c0_i32, %arg0, %c0_i32_0 : i32, i32, i32
  }
  func.func @transform_1(%arg0: i32) -> (i32, i32) {
    %c0_i32 = arith.constant 0 : i32
    %c0_i32_0 = arith.constant 0 : i32
    return %arg0, %c0_i32 : i32, i32
  }
  func.func @transform_2(%arg0: i32) -> (i32, i32) {
    %c0_i32 = arith.constant 0 : i32
    %c0_i32_0 = arith.constant 0 : i32
    return %arg0, %c0_i32 : i32, i32
  }
  func.func @transform_3(%arg0: i32) -> (i32, i32) {
    %c0_i32 = arith.constant 0 : i32
    %c0_i32_0 = arith.constant 0 : i32
    %c0_i32_1 = arith.constant 0 : i32
    return %c0_i32, %c0_i32_0 : i32, i32
  }
  func.func @transform_4(%arg0: i32) -> (i32, i32) {
    %c0_i32 = arith.constant 0 : i32
    %c0_i32_0 = arith.constant 0 : i32
    %c0_i32_1 = arith.constant 0 : i32
    return %c0_i32, %c0_i32_0 : i32, i32
  }
  func.func @transform_5(%arg0: i32) -> (i32, i32) {
    %c0_i32 = arith.constant 0 : i32
    %c0_i32_0 = arith.constant 0 : i32
    return %arg0, %c0_i32 : i32, i32
  }
}

</mosaic_0001>

<sc_bundles>
// kernel: kernel.4.cloned.1.call-start
scs
__scs_entry_jumppad:
0x0: {  	(pc) =	sbr.rel $0x88, $3  }
0x1: {  	(tag) =	ssettag $0x0;
	lr =	simm.s32 $0x1  }
0x2: {  	[smem:$0x3F9C] =	sst lr;
	_ =	strace $0xD0000000  }
0x3: {  	_ = 	snop  }
0x4: {  	_ = 	snop  }
0x5: {  	_ = 	snop  }
0x6: {  	_ = 	snop  }
0x7: {  	_ = 	snop  }
__scs_overlays_trampoline_lowered:
0x8: {  	[smem:$0x3FAB] =	sst s0  }
0x9: {  	[smem:$0x3FAC] =	sst s1  }
0xa: {  	[smem:$0x3FAD] =	sst s2  }
0xb: {  	[smem:$0x3FAE] =	sst s3  }
0xc: {  	[smem:$0x3FAF] =	sst s4  }
0xd: {  	[smem:$0x3FB0] =	sst s5  }
0xe: {  	[smem:$0x3FB1] =	sst s6  }
0xf: {  	[smem:$0x3FB2] =	sst s7  }
0x10: {  	[smem:$0x3FB3] =	sst s8  }
0x11: {  	[smem:$0x3FB4] =	sst s9;
	s0 =	simm.s32 @!p0 $0x0  }
0x12: {  	s1 =	sld [smem:$0x3F9A];
	s0 =	simm.s32 @p0 $0x1  }
0x13: {  	[smem:$0x3FB5] =	sst s0;
	s0 =	simm.s32 @!p1 $0x0  }
0x14: {  	s2 =	sld [smem:$0x3F99];
	s0 =	simm.s32 @p1 $0x1  }
0x15: {  	[smem:$0x3FB6] =	sst s0;
	s0 =	simm.s32 @!p2 $0x0  }
0x16: {  	s3 =	sld [smem:$0x3FDB];
	s0 =	simm.s32 @p2 $0x1  }
0x17: {  	s4 =	simm.s32 $0x1BF5;
	[smem:$0x3FB8] =	sst s0  }
0x18: {  	s0 =	sld [smem:$0x3F9B];
	_ =	swait.ge [sflag:s4], $0x0  }
0x19: {  	s7 =	sld [smem:$0x3F9C]  }
0x1a: {  	s8 =	sadd.s32 $0xFFFFE003, lr  }
0x1b: {  	s9 =	sadd.s32 $0xFFFFFEF7, lr;
	s5 =	simm.s32 $0xFFFFFFFF;
	p2 =	slt.u32 s8, $0xFFFFF086  }
0x1c: {  	p1 =	slt.u32 s9, $0xF7A;
	s5 =	simm.s32 @!p2 $0x0  }
0x1d: {  	s5 =	simm.s32 @p1 $0x1;
	p0 =	seq.s32 s7, s2  }
0x1e: {  	s7 =	smul.u32 @!p0 $0xF7A, s2;
	p2 =	seq.s32 @!p0 s5, $0x0  }
0x1f: {  	s9 =	smul.u32 $0xF7A, s1;
	s8 =	simm.s32 @!p0 $0x1BF5;
	p2 =	por !p2, p0  }
0x20: {  	[sflag:s8] =	ssyncset.s32 @!p0 $0xFFFFF086;
	s6 =	sadd.s32 @!p0 s3, s7;
	s7 =	simm.s32 @!p0 $0x108  }
0x21: {  	s3 =	sadd.s32 s3, s9;
	s6 =	sadd.s32 @!p0 $0x88, s6;
	s7 =	simm.s32 @p2 $0x1082  }
0x22: {  	[simem:s7], [sflag:s8] =	dma.local @!p0 [hbm:s6], $0xF7A  }
0x23: {  	s9 =	sor.u32 $0xD0000000, s2;
	s6 =	simm.s32 $0x108;
	_ =	swait.ge @!p0 [sflag:s8], $0x0  }
0x24: {  	s3 =	sadd.s32 $0x88, s3;
	s6 =	simm.s32 @!p1 $0x1082;
	[sflag:s4] =	ssyncset.s32 $0xFFFFF086  }
0x25: {  	[simem:s6], [sflag:s4] =	dma.local [hbm:s3], $0xF7A  }
0x26: {  	[smem:$0x3F9C] =	sst s1;
	(tag) =	ssettag s2;
	_ =	strace s9  }
0x27: {  	s1 =	sld [smem:$0x3FAC]  }
0x28: {  	s2 =	sld [smem:$0x3FAD]  }
0x29: {  	s4 =	sld [smem:$0x3FAF]  }
0x2a: {  	p0 =	seq.s32 s5, $0x0;
	s5 =	sld [smem:$0x3FB0]  }
0x2b: {  	s6 =	sld [smem:$0x3FB1]  }
0x2c: {  	s7 =	sld [smem:$0x3FB2]  }
0x2d: {  	s3 =	simm.s32 $0x108;
	s8 =	sld [smem:$0x3FB3]  }
0x2e: {  	s3 =	simm.s32 @!p0 $0x1082;
	s9 =	sld [smem:$0x3FB4]  }
0x2f: {  	lr =	sadd.s32 s0, s3;
	s0 =	sld [smem:$0x3FAB]  }
0x30: {  	s3 =	sld [smem:$0x3FAE]  }
0x31: {  	[smem:$0x3FB7] =	sst s10  }
0x32: {  	s10 =	sld [smem:$0x3FB5];
	_ =	sdelay $0x3  }
0x33: {  	p0 =	seq.s32 s10, $0x1;
	s10 =	sld [smem:$0x3FB7];
	_ =	sdelay $0x3  }
0x34: {  	[smem:$0x3FB7] =	sst s10  }
0x35: {  	s10 =	sld [smem:$0x3FB6];
	_ =	sdelay $0x3  }
0x36: {  	p1 =	seq.s32 s10, $0x1;
	s10 =	sld [smem:$0x3FB7];
	_ =	sdelay $0x3  }
0x37: {  	[smem:$0x3FB7] =	sst s10  }
0x38: {  	s10 =	sld [smem:$0x3FB8]  }
0x39: {  	_ = 	snop;
	(pc) =	sbr.ind lr, $3  }
0x3a: {  	_ = 	snop  }
0x3b: {  	_ = 	snop  }
0x3c: {  	p2 =	seq.s32 s10, $0x1;
	s10 =	sld [smem:$0x3FB7]  }
0x3d: {  	_ =	shalt  }
0x3e: {  	_ =	shalt  }
0x3f: {  	_ =	shalt  }
0x40: {  	_ =	shalt  }
0x41: {  	_ =	shalt  }
0x42: {  	_ =	shalt  }
0x43: {  	_ =	shalt  }
0x44: {  	_ =	shalt  }
0x45: {  	_ =	shalt  }
0x46: {  	_ =	shalt  }
0x47: {  	_ =	shalt  }
0x48: {  	_ =	shalt  }
0x49: {  	_ =	shalt  }
0x4a: {  	_ =	shalt  }
0x4b: {  	_ =	shalt  }
0x4c: {  	_ =	shalt  }
0x4d: {  	_ =	shalt  }
0x4e: {  	_ =	shalt  }
0x4f: {  	_ =	shalt  }
0x50: {  	_ =	shalt  }
0x51: {  	_ =	shalt  }
0x52: {  	_ =	shalt  }
0x53: {  	_ =	shalt  }
0x54: {  	_ =	shalt  }
0x55: {  	_ =	shalt  }
0x56: {  	_ =	shalt  }
0x57: {  	_ =	shalt  }
0x58: {  	_ =	shalt  }
0x59: {  	_ =	shalt  }
0x5a: {  	_ =	shalt  }
0x5b: {  	_ =	shalt  }
0x5c: {  	_ =	shalt  }
0x5d: {  	_ =	shalt  }
0x5e: {  	_ =	shalt  }
0x5f: {  	_ =	shalt  }
0x60: {  	_ =	shalt  }
0x61: {  	_ =	shalt  }
0x62: {  	_ =	shalt  }
0x63: {  	_ =	shalt  }
0x64: {  	_ =	shalt  }
0x65: {  	_ =	shalt  }
0x66: {  	_ =	shalt  }
0x67: {  	_ =	shalt  }
0x68: {  	_ =	shalt  }
0x69: {  	_ =	shalt  }
0x6a: {  	_ =	shalt  }
0x6b: {  	_ =	shalt  }
0x6c: {  	_ =	shalt  }
0x6d: {  	_ =	shalt  }
0x6e: {  	_ =	shalt  }
0x6f: {  	_ =	shalt  }
0x70: {  	_ =	shalt  }
0x71: {  	_ =	shalt  }
0x72: {  	_ =	shalt  }
0x73: {  	_ =	shalt  }
0x74: {  	_ =	shalt  }
0x75: {  	_ =	shalt  }
0x76: {  	_ =	shalt  }
0x77: {  	_ =	shalt  }
0x78: {  	_ =	shalt  }
0x79: {  	_ =	shalt  }
0x7a: {  	_ =	shalt  }
0x7b: {  	_ =	shalt  }
0x7c: {  	_ =	shalt  }
0x7d: {  	_ =	shalt  }
0x7e: {  	_ =	shalt  }
0x7f: {  	_ =	shalt  }
0x80: {  	_ =	shalt  }
0x81: {  	_ =	shalt  }
0x82: {  	_ =	shalt  }
0x83: {  	_ =	shalt  }
0x84: {  	_ =	shalt  }
0x85: {  	_ =	shalt  }
0x86: {  	_ =	shalt  }
0x87: {  	_ =	shalt  }
.Lfunc_end0:
.L_simem_size_0:
called_computation_lowered:
.L_overlay_start_0:
0x88: {  	s2 =	sld [smem:$0x3FD9]  }
0x89: {  	s3 =	sld [smem:$0x3FFE];
	_ =	sdelay $0x1  }
0x8a: {  	s1 =	srdreg.scid  }
0x8b: {  	s0 =	sand.u32 $0x1, s1  }
0x8c: {  	s17 =	sshll.u32 s0, $0xA;
	s2 =	sadd.s32 s3, s2  }
0x8d: {  	s2 =	sadd.s32 s2, s17  }
0x8e: {  	[smem:$0x3FC3] =	sst s2  }
0x8f: {  	_ = 	snop  }
0x90: {  	s2 =	sld [smem:$0x3FC9]  }
0x91: {  	s18 =	sld [smem:$0x3FD0];
	(tm) =	ssettm $0x1  }
0x92: {  	s4 =	sld [smem:$0x3FFB];
	_ =	sdelay $0x3  }
0x93: {  	_ =	strace s4  }
0x94: {  	s4 =	sld [smem:$0x3FFC];
	_ =	sdelay $0x3  }
0x95: {  	_ =	strace s4  }
0x96: {  	s4 =	sld [smem:$0x3FFD];
	_ =	sdelay $0x3  }
0x97: {  	_ =	strace s4  }
0x98: {  	_ =	strace $0x8FFFFFFF  }
0x99: {  	s19 =	sld [smem:$0x3FDB];
	_ =	sdelay $0x1  }
0x9a: {  	s5 =	simm.s32 $_scs_section_size  }
0x9b: {  	s6 =	simm.s32 $_size__tile_overlayer_lowered;
	s7 =	simm.s32 $_tile_overlayer_lowered  }
0x9c: {  	s22 =	simm.s32 $0x1BFF;
	s21 =	sshll.u32 s7, $0x1;
	s4 =	sadd.s32 s5, s19  }
0x9d: {  	s8 =	simm.s32 $0x0;
	s20 =	sshll.u32 s6, $0x1;
	s6 =	sadd.s32 s21, s4  }
0x9e: {  	[timem:s8], [sflag:s22] =	dma.local [hbm:s6], s20  }
0x9f: {  	_ =	swait.ge [sflag:s22], s20  }
0xa0: {  	s5 =	ssub.s32 $0x0, s20;
	[sflag:s22] =	ssyncset.done $0x0  }
0xa1: {  	[sflag:s22] =	ssyncadd.s32 s5;
	_ =	sdelay $0x1  }
0xa2: {  	s23 =	simm.s32 $0x1B8B  }
0xa3: {  	_ =	swait.ge [sflag:s23], $0x1  }
0xa4: {  	[sflag:s23] =	ssyncset.done $0x0  }
0xa5: {  	s25 =	simm.s32 $0x1B8E;
	s24 =	sld [smem:$0x3FFE];
	[sflag:s23] =	ssyncadd.s32 $0xFFFFFFFF  }
0xa6: {  	s26 =	simm.s32 $execute0_lowered;
	[smem:$0x3FD2] =	sst s25  }
0xa7: {  	s6 =	sshll.u32 s26, $0x1;
	_ =	strace $0x80000046;
	[dreg:$0x1] =	wrdreg $0xFFFFFFFF  }
0xa8: {  	s28 =	simm.s32 $_size_execute0_lowered;
	s4 =	sadd.s32 s4, s6;
	[dreg:$0x0] =	wrdreg $0x0  }
0xa9: {  	s6 =	sshll.u32 s28, $0x1;
	[dreg:$0x2] =	wrdreg s4  }
0xaa: {  	[dreg:$0x3] =	wrdreg s6  }
0xab: {  	[dreg:$0x4] =	wrdreg $0xC0  }
0xac: {  	_ =	task [dreg:s8], $0x5FFFF  }
0xad: {  	[dreg:$0x1] =	wrdreg $0xFFFFFFFF  }
0xae: {  	[dreg:$0x0] =	wrdreg $0x60  }
0xaf: {  	[dreg:$0x2] =	wrdreg s2  }
0xb0: {  	[dreg:$0x3] =	wrdreg s18  }
0xb1: {  	[dreg:$0x4] =	wrdreg s24  }
0xb2: {  	[dreg:$0x5] =	wrdreg $0xAC800  }
0xb3: {  	[dreg:$0x6] =	wrdreg $0x9  }
0xb4: {  	_ =	task.clear_ibuf [dreg:s8], $0x7FFFF;
	_ =	strace $0x90000046  }
0xb5: {  	s29 =	simm.s32 $0x9;
	_ =	strace $0x80000048  }
0xb6: {  	_ =	swait.ge [sflag:s29], $0x1  }
0xb7: {  	[sflag:s29] =	ssyncadd.s32 $0xFFFFFFFF  }
0xb8: {  	_ =	strace $0x90000048  }
0xb9: {  	_ =	sfence  }
0xba: {  	s30 =	sld [smem:$0x0];
	_ =	sdelay $0x2  }
0xbb: {  	s31 =	sshll.u32 s1, $0xD;
	s1 =	sshrl.u32 s1, $0x2  }
0xbc: {  	s3 =	sand.u32 $0x4000, s31;
	s1 =	sadd.s32 s1, s30  }
0xbd: {  	s0 =	sor.u32 s3, s0;
	s1 =	sshll.u32 s1, $0x11  }
0xbe: {  	s0 =	sor.u32 s1, s0  }
0xbf: {  	s0 =	sadd.s32 $0x8F2B, s0  }
0xc0: {  	[sflag:s0] =	ssyncadd.remote.s32 $0x1  }
0xc1: {  	_ =	sfence.sel $0xFFFF  }
0xc2: {  	[dreg:$0x0] =	wrdreg $0xFFFFFFFF;
	(pc) =	sbr.abs _section_cstart, $3  }
0xc3: {  	[dreg:$0x1] =	wrdreg $0xFFFFFFFF  }
0xc4: {  	_ =	task.clear_ibuf [dreg:s8], $0x2FFFF;
	_ =	strace $0x9FFFFFFF  }
0xc5: {  	(tm) =	ssettm $0x7FFFFFFF  }
tec
execute0_lowered:
.L_overlay_start_1:
0x0: {  	(tag) =	ssettag $0x1  }
0x1: {  	s1 =	rddreg [dreg:$0x0]  }
0x2: {  	s0 =	rddreg [dreg:$0x1]  }
0x3: {  	s3 =	rddreg [dreg:$0x2]  }
0x4: {  	s2 =	rddreg [dreg:$0x3]  }
0x5: {  	s4 =	srdreg.scid;
	s13 =	stileid.u32  }
0x6: {  	s28 =	simm.s32 $0x5;
	s29 =	simm.s32 $0x400;
	s8 =	smul.u32 $0x14000, s13  }
0x7: {  	s30 =	simm.s32 $0x6;
	s6 =	sand.u32 $0x1, s4;
	s12 =	smul.u32 $0x50000, s13  }
0x8: {  	s4 =	simm.s32 $0x0;
	s9 =	sadd.s32 $0x1200, s3;
	s23 =	smul.u32 $0x50, s13  }
0x9: {  	s5 =	sadd.s32 $0xB200, s3;
	s7 =	smul.u32 $0x140000, s6;
	[smem:$0x7FF] =	sst s4  }
0xa: {  	s20 =	ssub.s32 $0x2, s6;
	s10 =	sshll.u32 s6, $0x4;
	s6 =	smul.u32 $0x500, s6  }
0xb: {  	_ =	strace $0x80000047;
	s10 =	sor.u32 s13, s10;
	s7 =	sadd.s32 s8, s7  }
0xc: {  	s21 =	sshrl.u32 s12, $0x2;
	s10 =	smul.u32 $0x500, s10;
	s7 =	sshrl.u32 s7, $0x3  }
0xd: {  	s11 =	sshrl.u32 s20, $0x1;
	s3 =	sadd.s32 s7, s3;
	s7 =	sadd.s32 s21, s2  }
0xe: {  	s6 =	sadd.s32 s23, s6;
	s24 =	sadd.s32 s0, s10;
	[dreg:$0xb] =	wrdreg s7  }
0xf: {  	s6 =	sshll.u32 s6, $0x4;
	s25 =	sadd.s32 s9, s10;
	[dreg:$0xc] =	wrdreg s24  }
0x10: {  	s8 =	ssub.s32 s20, s11;
	s19 =	sadd.s32 s6, s0;
	[dreg:$0xd] =	wrdreg s25  }
0x11: {  	s26 =	sor.u32 $0x10, s10;
	s20 =	sadd.s32 s6, s9;
	[dreg:$0x5] =	wrdreg s19  }
0x12: {  	s22 =	sshll.u32 s13, $0x6;
	s14 =	sadd.s32 s0, s26;
	[dreg:$0x6] =	wrdreg s20  }
0x13: {  	s15 =	sor.u32 $0x20, s10;
	s16 =	sadd.s32 s9, s26;
	[dreg:$0xe] =	wrdreg s14  }
0x14: {  	s10 =	sor.u32 $0x30, s10;
	s17 =	sadd.s32 s0, s15;
	[dreg:$0xf] =	wrdreg s16  }
0x15: {  	s21 =	sor.u32 $0x60, s6;
	s18 =	sadd.s32 s9, s15;
	[dreg:$0x10] =	wrdreg s17  }
0x16: {  	s7 =	sor.u32 $0x1C09, s22;
	s22 =	sadd.s32 s0, s10;
	[dreg:$0x11] =	wrdreg s18  }
0x17: {  	s31 =	simm.s32 $0x4400;
	s23 =	sadd.s32 s21, s0;
	[dreg:$0x12] =	wrdreg s22  }
0x18: {  	s11 =	simm.s32 $0x0;
	s10 =	sadd.s32 s9, s10;
	[dreg:$0x7] =	wrdreg s23  }
0x19: {  	s6 =	sor.u32 $0x40, s6;
	s24 =	sadd.s32 s21, s9;
	[dreg:$0x13] =	wrdreg s10  }
0x1a: {  	v4 =	vlaneseq.u32;
	s0 =	sadd.s32 s6, s0;
	s3 =	sadd.s32 $0xDA00, s3;
	[dreg:$0x8] =	wrdreg s24  }
0x1b: {  	v5 =	vimm.f32 $1.000000000e+00;
	vm0 =	vcmask $0x704;
	vm1 =	vcmask $0xB08;
	s25 =	sadd.s32 s6, s9;
	s26 =	smax.u32 s8, $0x1;
	[dreg:$0x14] =	wrdreg s3  }
0x1c: {  	vm2 =	vcmask $0xF0C;
	vm3 =	vcmask $0x1310;
	vm4 =	vcmask $0x1714;
	s19 =	simm.s32 $0x8400;
	s20 =	simm.s32 $0x80;
	[dreg:$0x9] =	wrdreg s0  }
0x1d: {  	vm5 =	vcmask $0x1B18;
	vm6 =	vcmask $0x1F1C;
	vm7 =	vcmask $0x2320;
	s21 =	simm.s32 $0x100;
	s6 =	simm.s32 $0x7;
	[dreg:$0x15] =	wrdreg s26  }
0x1e: {  	vm8 =	vcmask $0x2724;
	vm9 =	vcmask $0x2B28;
	vm10 =	vcmask $0x2F2C;
	s8 =	simm.s32 $0x2;
	s9 =	simm.s32 $0x4;
	[dreg:$0xa] =	wrdreg s25  }
0x1f: {  	vm11 =	vcmask $0x3330;
	vm12 =	vcmask $0x3734;
	vm13 =	vcmask $0x3B38;
	s18 =	simm.s32 $0x9;
	s22 =	simm.s32 $0x180;
	s23 =	simm.s32 $0x200  }
0x20: {  	vm14 =	vcmask $0x3F3C;
	v0 =	vor.u32 $0x2710, v4;
	v1 =	vor.u32 $0x2720, v4;
	s24 =	simm.s32 $0x280;
	s25 =	simm.s32 $0x300;
	s26 =	simm.s32 $0x380  }
0x21: {  	v2 =	vor.u32 $0x2730, v4;
	v3 =	vor.u32 $0x2740, v4;
	v4 =	vor.u32 $0x2750, v4;
	s0 =	simm.s32 $0x1;
	s3 =	simm.s32 $0x3;
	s10 =	simm.s32 $0x8  }
.LBB2_1:
0x22: {  	s12 =	rddreg [dreg:$0xb]  }
0x23: {  	s12 =	sshrl.u32 s12, $0x3  }
0x24: {  	[spmem:s12], [sflag:s7] =	dma.local [hbm:s5], $0x2800  }
0x25: {  	_ =	swait.ge [sflag:s18], $0x2800  }
0x26: {  	[sflag:s18] =	ssyncset.done $0x0  }
0x27: {  	[sflag:s18] =	ssyncadd.s32 $0xFFFFD800  }
0x28: {  	[tilespmem:s19], [sflag:$0x9] =	stream.linear.gather [hbm4b:s5+s4], $0x2800, $0x38;
	[tilespmem:$0x1EC80] =	vst v63  }
0x29: {  	_ =	swait.ge [sflag:s18], $0x2800  }
0x2a: {  	[sflag:s18] =	ssyncset.done $0x0  }
0x2b: {  	[sflag:s18] =	ssyncadd.s32 $0xFFFFD800  }
0x2c: {  	[tilespmem:$0xAC00] =	vst v0  }
0x2d: {  	[tilespmem:$0xAC10] =	vst v1  }
0x2e: {  	[tilespmem:$0xAC20] =	vst v2  }
0x2f: {  	[tilespmem:$0xAC30] =	vst v3  }
0x30: {  	[tilespmem:$0xAC40] =	vst v4  }
0x31: {  	[bflag:$0x0] =	sbarrier.arrive $0xFFFF  }
0x32: {  	s13 =	rddreg [dreg:$0xc]  }
0x33: {  	[tilespmem:s4], [sflag:$0x5] =	stream.linear.gather [hbm4b:s13+s4], $0x80, $0x38;
	[tilespmem:$0x1EC80] =	vst v63  }
0x34: {  	s15 =	rddreg [dreg:$0xd]  }
0x35: {  	[tilespmem:s20], [sflag:$0x5] =	stream.linear.gather [hbm4b:s15+s4], $0x80, $0x38;
	[tilespmem:$0x1EC80] =	vst v63  }
0x36: {  	s16 =	rddreg [dreg:$0xe]  }
0x37: {  	[tilespmem:s21], [sflag:$0x6] =	stream.linear.gather [hbm4b:s16+s4], $0x80, $0x38;
	[tilespmem:$0x1EC80] =	vst v63  }
0x38: {  	s17 =	rddreg [dreg:$0xf]  }
0x39: {  	[tilespmem:s22], [sflag:$0x6] =	stream.linear.gather [hbm4b:s17+s4], $0x80, $0x38;
	[tilespmem:$0x1EC80] =	vst v63  }
0x3a: {  	s14 =	rddreg [dreg:$0x10]  }
0x3b: {  	[tilespmem:s23], [sflag:$0x7] =	stream.linear.gather [hbm4b:s14+s4], $0x80, $0x38;
	[tilespmem:$0x1EC80] =	vst v63  }
0x3c: {  	s15 =	rddreg [dreg:$0x11]  }
0x3d: {  	[tilespmem:s24], [sflag:$0x7] =	stream.linear.gather [hbm4b:s15+s4], $0x80, $0x38;
	[tilespmem:$0x1EC80] =	vst v63  }
0x3e: {  	s16 =	rddreg [dreg:$0x12]  }
0x3f: {  	[tilespmem:s25], [sflag:$0x8] =	stream.linear.gather [hbm4b:s16+s4], $0x80, $0x38;
	[tilespmem:$0x1EC80] =	vst v63  }
0x40: {  	s17 =	rddreg [dreg:$0x13]  }
0x41: {  	[tilespmem:s26], [sflag:$0x8] =	stream.linear.gather [hbm4b:s17+s4], $0x80, $0x38;
	[tilespmem:$0x1EC80] =	vst v63  }
0x42: {  	_ =	swait.ge [sflag:s28], $0x80  }
0x43: {  	[sflag:s28] =	ssyncset.done $0x0  }
0x44: {  	[sflag:s28] =	ssyncadd.s32 $0xFFFFFF80  }
0x45: {  	_ =	swait.ge [sflag:s28], $0x80  }
0x46: {  	[sflag:s28] =	ssyncset.done $0x0  }
0x47: {  	[sflag:s28] =	ssyncadd.s32 $0xFFFFFF80  }
0x48: {  	[tilespmem:s29], [sflag:$0x1] =	stream.indirect.gather [hbm4b:s1+s20], $0x80, s20, s20, $0xb8;
	[tilespmem:$0x1EC80] =	vst v63  }
0x49: {  	v6 =	vld [tilespmem:$0x0];
	_ =	sdelay $0x7  }
0x4a: {  	[tilespmem:v6+s19+$0x0] =	vst.idx.add.f32.msk $0x1, v5  }
0x4b: {  	[tilespmem:v6+s19+$0x0] =	vst.idx.add.f32.msk vm0, v5  }
0x4c: {  	[tilespmem:v6+s19+$0x0] =	vst.idx.add.f32.msk vm1, v5  }
0x4d: {  	[tilespmem:v6+s19+$0x0] =	vst.idx.add.f32.msk vm2, v5  }
0x4e: {  	[tilespmem:v6+s19+$0x0] =	vst.idx.add.f32.msk vm3, v5  }
0x4f: {  	[tilespmem:v6+s19+$0x0] =	vst.idx.add.f32.msk vm4, v5  }
0x50: {  	[tilespmem:v6+s19+$0x0] =	vst.idx.add.f32.msk vm5, v5  }
0x51: {  	[tilespmem:v6+s19+$0x0] =	vst.idx.add.f32.msk vm6, v5  }
0x52: {  	[tilespmem:v6+s19+$0x0] =	vst.idx.add.f32.msk vm7, v5  }
0x53: {  	[tilespmem:v6+s19+$0x0] =	vst.idx.add.f32.msk vm8, v5  }
0x54: {  	[tilespmem:v6+s19+$0x0] =	vst.idx.add.f32.msk vm9, v5  }
0x55: {  	[tilespmem:v6+s19+$0x0] =	vst.idx.add.f32.msk vm10, v5  }
0x56: {  	[tilespmem:v6+s19+$0x0] =	vst.idx.add.f32.msk vm11, v5  }
0x57: {  	[tilespmem:v6+s19+$0x0] =	vst.idx.add.f32.msk vm12, v5  }
0x58: {  	[tilespmem:v6+s19+$0x0] =	vst.idx.add.f32.msk vm13, v5  }
0x59: {  	[tilespmem:v6+s19+$0x0] =	vst.idx.add.f32.msk vm14, v5  }
0x5a: {  	v6 =	vld [tilespmem:$0x10];
	_ =	sdelay $0x7  }
0x5b: {  	[tilespmem:v6+s19+$0x0] =	vst.idx.add.f32.msk $0x1, v5  }
0x5c: {  	[tilespmem:v6+s19+$0x0] =	vst.idx.add.f32.msk vm0, v5  }
0x5d: {  	[tilespmem:v6+s19+$0x0] =	vst.idx.add.f32.msk vm1, v5  }
0x5e: {  	[tilespmem:v6+s19+$0x0] =	vst.idx.add.f32.msk vm2, v5  }
0x5f: {  	[tilespmem:v6+s19+$0x0] =	vst.idx.add.f32.msk vm3, v5  }
0x60: {  	[tilespmem:v6+s19+$0x0] =	vst.idx.add.f32.msk vm4, v5  }
0x61: {  	[tilespmem:v6+s19+$0x0] =	vst.idx.add.f32.msk vm5, v5  }
0x62: {  	[tilespmem:v6+s19+$0x0] =	vst.idx.add.f32.msk vm6, v5  }
0x63: {  	[tilespmem:v6+s19+$0x0] =	vst.idx.add.f32.msk vm7, v5  }
0x64: {  	[tilespmem:v6+s19+$0x0] =	vst.idx.add.f32.msk vm8, v5  }
0x65: {  	[tilespmem:v6+s19+$0x0] =	vst.idx.add.f32.msk vm9, v5  }
0x66: {  	[tilespmem:v6+s19+$0x0] =	vst.idx.add.f32.msk vm10, v5  }
0x67: {  	[tilespmem:v6+s19+$0x0] =	vst.idx.add.f32.msk vm11, v5  }
0x68: {  	[tilespmem:v6+s19+$0x0] =	vst.idx.add.f32.msk vm12, v5  }
0x69: {  	[tilespmem:v6+s19+$0x0] =	vst.idx.add.f32.msk vm13, v5  }
0x6a: {  	[tilespmem:v6+s19+$0x0] =	vst.idx.add.f32.msk vm14, v5  }
0x6b: {  	v6 =	vld [tilespmem:$0x20];
	_ =	sdelay $0x7  }
0x6c: {  	[tilespmem:v6+s19+$0x0] =	vst.idx.add.f32.msk $0x1, v5  }
0x6d: {  	[tilespmem:v6+s19+$0x0] =	vst.idx.add.f32.msk vm0, v5  }
0x6e: {  	[tilespmem:v6+s19+$0x0] =	vst.idx.add.f32.msk vm1, v5  }
0x6f: {  	[tilespmem:v6+s19+$0x0] =	vst.idx.add.f32.msk vm2, v5  }
0x70: {  	[tilespmem:v6+s19+$0x0] =	vst.idx.add.f32.msk vm3, v5  }
0x71: {  	[tilespmem:v6+s19+$0x0] =	vst.idx.add.f32.msk vm4, v5  }
0x72: {  	[tilespmem:v6+s19+$0x0] =	vst.idx.add.f32.msk vm5, v5  }
0x73: {  	[tilespmem:v6+s19+$0x0] =	vst.idx.add.f32.msk vm6, v5  }
0x74: {  	[tilespmem:v6+s19+$0x0] =	vst.idx.add.f32.msk vm7, v5  }
0x75: {  	[tilespmem:v6+s19+$0x0] =	vst.idx.add.f32.msk vm8, v5  }
0x76: {  	[tilespmem:v6+s19+$0x0] =	vst.idx.add.f32.msk vm9, v5  }
0x77: {  	[tilespmem:v6+s19+$0x0] =	vst.idx.add.f32.msk vm10, v5  }
0x78: {  	[tilespmem:v6+s19+$0x0] =	vst.idx.add.f32.msk vm11, v5  }
0x79: {  	[tilespmem:v6+s19+$0x0] =	vst.idx.add.f32.msk vm12, v5  }
0x7a: {  	[tilespmem:v6+s19+$0x0] =	vst.idx.add.f32.msk vm13, v5  }
0x7b: {  	[tilespmem:v6+s19+$0x0] =	vst.idx.add.f32.msk vm14, v5  }
0x7c: {  	v6 =	vld [tilespmem:$0x30];
	_ =	sdelay $0x7  }
0x7d: {  	[tilespmem:v6+s19+$0x0] =	vst.idx.add.f32.msk $0x1, v5  }
0x7e: {  	[tilespmem:v6+s19+$0x0] =	vst.idx.add.f32.msk vm0, v5  }
0x7f: {  	[tilespmem:v6+s19+$0x0] =	vst.idx.add.f32.msk vm1, v5  }
0x80: {  	[tilespmem:v6+s19+$0x0] =	vst.idx.add.f32.msk vm2, v5  }
0x81: {  	[tilespmem:v6+s19+$0x0] =	vst.idx.add.f32.msk vm3, v5  }
0x82: {  	[tilespmem:v6+s19+$0x0] =	vst.idx.add.f32.msk vm4, v5  }
0x83: {  	[tilespmem:v6+s19+$0x0] =	vst.idx.add.f32.msk vm5, v5  }
0x84: {  	[tilespmem:v6+s19+$0x0] =	vst.idx.add.f32.msk vm6, v5  }
0x85: {  	[tilespmem:v6+s19+$0x0] =	vst.idx.add.f32.msk vm7, v5  }
0x86: {  	[tilespmem:v6+s19+$0x0] =	vst.idx.add.f32.msk vm8, v5  }
0x87: {  	[tilespmem:v6+s19+$0x0] =	vst.idx.add.f32.msk vm9, v5  }
0x88: {  	[tilespmem:v6+s19+$0x0] =	vst.idx.add.f32.msk vm10, v5  }
0x89: {  	[tilespmem:v6+s19+$0x0] =	vst.idx.add.f32.msk vm11, v5  }
0x8a: {  	[tilespmem:v6+s19+$0x0] =	vst.idx.add.f32.msk vm12, v5  }
0x8b: {  	[tilespmem:v6+s19+$0x0] =	vst.idx.add.f32.msk vm13, v5  }
0x8c: {  	[tilespmem:v6+s19+$0x0] =	vst.idx.add.f32.msk vm14, v5  }
0x8d: {  	v6 =	vld [tilespmem:$0x40];
	_ =	sdelay $0x7  }
0x8e: {  	[tilespmem:v6+s19+$0x0] =	vst.idx.add.f32.msk $0x1, v5  }
0x8f: {  	[tilespmem:v6+s19+$0x0] =	vst.idx.add.f32.msk vm0, v5  }
0x90: {  	[tilespmem:v6+s19+$0x0] =	vst.idx.add.f32.msk vm1, v5  }
0x91: {  	[tilespmem:v6+s19+$0x0] =	vst.idx.add.f32.msk vm2, v5  }
0x92: {  	[tilespmem:v6+s19+$0x0] =	vst.idx.add.f32.msk vm3, v5  }
0x93: {  	[tilespmem:v6+s19+$0x0] =	vst.idx.add.f32.msk vm4, v5  }
0x94: {  	[tilespmem:v6+s19+$0x0] =	vst.idx.add.f32.msk vm5, v5  }
0x95: {  	[tilespmem:v6+s19+$0x0] =	vst.idx.add.f32.msk vm6, v5  }
0x96: {  	[tilespmem:v6+s19+$0x0] =	vst.idx.add.f32.msk vm7, v5  }
0x97: {  	[tilespmem:v6+s19+$0x0] =	vst.idx.add.f32.msk vm8, v5  }
0x98: {  	[tilespmem:v6+s19+$0x0] =	vst.idx.add.f32.msk vm9, v5  }
0x99: {  	[tilespmem:v6+s19+$0x0] =	vst.idx.add.f32.msk vm10, v5  }
0x9a: {  	[tilespmem:v6+s19+$0x0] =	vst.idx.add.f32.msk vm11, v5  }
0x9b: {  	[tilespmem:v6+s19+$0x0] =	vst.idx.add.f32.msk vm12, v5  }
0x9c: {  	[tilespmem:v6+s19+$0x0] =	vst.idx.add.f32.msk vm13, v5  }
0x9d: {  	[tilespmem:v6+s19+$0x0] =	vst.idx.add.f32.msk vm14, v5  }
0x9e: {  	v6 =	vld [tilespmem:$0x50];
	_ =	sdelay $0x7  }
0x9f: {  	[tilespmem:v6+s19+$0x0] =	vst.idx.add.f32.msk $0x1, v5  }
0xa0: {  	[tilespmem:v6+s19+$0x0] =	vst.idx.add.f32.msk vm0, v5  }
0xa1: {  	[tilespmem:v6+s19+$0x0] =	vst.idx.add.f32.msk vm1, v5  }
0xa2: {  	[tilespmem:v6+s19+$0x0] =	vst.idx.add.f32.msk vm2, v5  }
0xa3: {  	[tilespmem:v6+s19+$0x0] =	vst.idx.add.f32.msk vm3, v5  }
0xa4: {  	[tilespmem:v6+s19+$0x0] =	vst.idx.add.f32.msk vm4, v5  }
0xa5: {  	[tilespmem:v6+s19+$0x0] =	vst.idx.add.f32.msk vm5, v5  }
0xa6: {  	[tilespmem:v6+s19+$0x0] =	vst.idx.add.f32.msk vm6, v5  }
0xa7: {  	[tilespmem:v6+s19+$0x0] =	vst.idx.add.f32.msk vm7, v5  }
0xa8: {  	[tilespmem:v6+s19+$0x0] =	vst.idx.add.f32.msk vm8, v5  }
0xa9: {  	[tilespmem:v6+s19+$0x0] =	vst.idx.add.f32.msk vm9, v5  }
0xaa: {  	[tilespmem:v6+s19+$0x0] =	vst.idx.add.f32.msk vm10, v5  }
0xab: {  	[tilespmem:v6+s19+$0x0] =	vst.idx.add.f32.msk vm11, v5  }
0xac: {  	[tilespmem:v6+s19+$0x0] =	vst.idx.add.f32.msk vm12, v5  }
0xad: {  	[tilespmem:v6+s19+$0x0] =	vst.idx.add.f32.msk vm13, v5  }
0xae: {  	[tilespmem:v6+s19+$0x0] =	vst.idx.add.f32.msk vm14, v5  }
0xaf: {  	v6 =	vld [tilespmem:$0x60];
	_ =	sdelay $0x7  }
0xb0: {  	[tilespmem:v6+s19+$0x0] =	vst.idx.add.f32.msk $0x1, v5  }
0xb1: {  	[tilespmem:v6+s19+$0x0] =	vst.idx.add.f32.msk vm0, v5  }
0xb2: {  	[tilespmem:v6+s19+$0x0] =	vst.idx.add.f32.msk vm1, v5  }
0xb3: {  	[tilespmem:v6+s19+$0x0] =	vst.idx.add.f32.msk vm2, v5  }
0xb4: {  	[tilespmem:v6+s19+$0x0] =	vst.idx.add.f32.msk vm3, v5  }
0xb5: {  	[tilespmem:v6+s19+$0x0] =	vst.idx.add.f32.msk vm4, v5  }
0xb6: {  	[tilespmem:v6+s19+$0x0] =	vst.idx.add.f32.msk vm5, v5  }
0xb7: {  	[tilespmem:v6+s19+$0x0] =	vst.idx.add.f32.msk vm6, v5  }
0xb8: {  	[tilespmem:v6+s19+$0x0] =	vst.idx.add.f32.msk vm7, v5  }
0xb9: {  	[tilespmem:v6+s19+$0x0] =	vst.idx.add.f32.msk vm8, v5  }
0xba: {  	[tilespmem:v6+s19+$0x0] =	vst.idx.add.f32.msk vm9, v5  }
0xbb: {  	[tilespmem:v6+s19+$0x0] =	vst.idx.add.f32.msk vm10, v5  }
0xbc: {  	[tilespmem:v6+s19+$0x0] =	vst.idx.add.f32.msk vm11, v5  }
0xbd: {  	[tilespmem:v6+s19+$0x0] =	vst.idx.add.f32.msk vm12, v5  }
0xbe: {  	[tilespmem:v6+s19+$0x0] =	vst.idx.add.f32.msk vm13, v5  }
0xbf: {  	[tilespmem:v6+s19+$0x0] =	vst.idx.add.f32.msk vm14, v5  }
0xc0: {  	v6 =	vld [tilespmem:$0x70];
	_ =	sdelay $0x7  }
0xc1: {  	[tilespmem:v6+s19+$0x0] =	vst.idx.add.f32.msk $0x1, v5  }
0xc2: {  	[tilespmem:v6+s19+$0x0] =	vst.idx.add.f32.msk vm0, v5  }
0xc3: {  	[tilespmem:v6+s19+$0x0] =	vst.idx.add.f32.msk vm1, v5  }
0xc4: {  	[tilespmem:v6+s19+$0x0] =	vst.idx.add.f32.msk vm2, v5  }
0xc5: {  	[tilespmem:v6+s19+$0x0] =	vst.idx.add.f32.msk vm3, v5  }
0xc6: {  	[tilespmem:v6+s19+$0x0] =	vst.idx.add.f32.msk vm4, v5  }
0xc7: {  	[tilespmem:v6+s19+$0x0] =	vst.idx.add.f32.msk vm5, v5  }
0xc8: {  	[tilespmem:v6+s19+$0x0] =	vst.idx.add.f32.msk vm6, v5  }
0xc9: {  	[tilespmem:v6+s19+$0x0] =	vst.idx.add.f32.msk vm7, v5  }
0xca: {  	[tilespmem:v6+s19+$0x0] =	vst.idx.add.f32.msk vm8, v5  }
0xcb: {  	[tilespmem:v6+s19+$0x0] =	vst.idx.add.f32.msk vm9, v5  }
0xcc: {  	[tilespmem:v6+s19+$0x0] =	vst.idx.add.f32.msk vm10, v5  }
0xcd: {  	[tilespmem:v6+s19+$0x0] =	vst.idx.add.f32.msk vm11, v5  }
0xce: {  	[tilespmem:v6+s19+$0x0] =	vst.idx.add.f32.msk vm12, v5  }
0xcf: {  	[tilespmem:v6+s19+$0x0] =	vst.idx.add.f32.msk vm13, v5  }
0xd0: {  	[tilespmem:v6+s19+$0x0] =	vst.idx.add.f32.msk vm14, v5  }
0xd1: {  	_ =	swait.ge [sflag:s30], $0x80  }
0xd2: {  	[sflag:s30] =	ssyncset.done $0x0  }
0xd3: {  	[sflag:s30] =	ssyncadd.s32 $0xFFFFFF80  }
0xd4: {  	_ =	swait.ge [sflag:s30], $0x80  }
0xd5: {  	[sflag:s30] =	ssyncset.done $0x0  }
0xd6: {  	[sflag:s30] =	ssyncadd.s32 $0xFFFFFF80  }
0xd7: {  	[tilespmem:s31], [sflag:$0x2] =	stream.indirect.gather [hbm4b:s1+s20], $0x80, s22, s20, $0xb8;
	[tilespmem:$0x1EC80] =	vst v63  }
0xd8: {  	v6 =	vld [tilespmem:$0x100];
	_ =	sdelay $0x7  }
0xd9: {  	[tilespmem:v6+s19+$0x0] =	vst.idx.add.f32.msk $0x1, v5  }
0xda: {  	[tilespmem:v6+s19+$0x0] =	vst.idx.add.f32.msk vm0, v5  }
0xdb: {  	[tilespmem:v6+s19+$0x0] =	vst.idx.add.f32.msk vm1, v5  }
0xdc: {  	[tilespmem:v6+s19+$0x0] =	vst.idx.add.f32.msk vm2, v5  }
0xdd: {  	[tilespmem:v6+s19+$0x0] =	vst.idx.add.f32.msk vm3, v5  }
0xde: {  	[tilespmem:v6+s19+$0x0] =	vst.idx.add.f32.msk vm4, v5  }
0xdf: {  	[tilespmem:v6+s19+$0x0] =	vst.idx.add.f32.msk vm5, v5  }
0xe0: {  	[tilespmem:v6+s19+$0x0] =	vst.idx.add.f32.msk vm6, v5  }
0xe1: {  	[tilespmem:v6+s19+$0x0] =	vst.idx.add.f32.msk vm7, v5  }
0xe2: {  	[tilespmem:v6+s19+$0x0] =	vst.idx.add.f32.msk vm8, v5  }
0xe3: {  	[tilespmem:v6+s19+$0x0] =	vst.idx.add.f32.msk vm9, v5  }
0xe4: {  	[tilespmem:v6+s19+$0x0] =	vst.idx.add.f32.msk vm10, v5  }
0xe5: {  	[tilespmem:v6+s19+$0x0] =	vst.idx.add.f32.msk vm11, v5  }
0xe6: {  	[tilespmem:v6+s19+$0x0] =	vst.idx.add.f32.msk vm12, v5  }
0xe7: {  	[tilespmem:v6+s19+$0x0] =	vst.idx.add.f32.msk vm13, v5  }
0xe8: {  	[tilespmem:v6+s19+$0x0] =	vst.idx.add.f32.msk vm14, v5  }
0xe9: {  	v6 =	vld [tilespmem:$0x110];
	_ =	sdelay $0x7  }
0xea: {  	[tilespmem:v6+s19+$0x0] =	vst.idx.add.f32.msk $0x1, v5  }
0xeb: {  	[tilespmem:v6+s19+$0x0] =	vst.idx.add.f32.msk vm0, v5  }
0xec: {  	[tilespmem:v6+s19+$0x0] =	vst.idx.add.f32.msk vm1, v5  }
0xed: {  	[tilespmem:v6+s19+$0x0] =	vst.idx.add.f32.msk vm2, v5  }
0xee: {  	[tilespmem:v6+s19+$0x0] =	vst.idx.add.f32.msk vm3, v5  }
0xef: {  	[tilespmem:v6+s19+$0x0] =	vst.idx.add.f32.msk vm4, v5  }
0xf0: {  	[tilespmem:v6+s19+$0x0] =	vst.idx.add.f32.msk vm5, v5  }
0xf1: {  	[tilespmem:v6+s19+$0x0] =	vst.idx.add.f32.msk vm6, v5  }
0xf2: {  	[tilespmem:v6+s19+$0x0] =	vst.idx.add.f32.msk vm7, v5  }
0xf3: {  	[tilespmem:v6+s19+$0x0] =	vst.idx.add.f32.msk vm8, v5  }
0xf4: {  	[tilespmem:v6+s19+$0x0] =	vst.idx.add.f32.msk vm9, v5  }
0xf5: {  	[tilespmem:v6+s19+$0x0] =	vst.idx.add.f32.msk vm10, v5  }
0xf6: {  	[tilespmem:v6+s19+$0x0] =	vst.idx.add.f32.msk vm11, v5  }
0xf7: {  	[tilespmem:v6+s19+$0x0] =	vst.idx.add.f32.msk vm12, v5  }
0xf8: {  	[tilespmem:v6+s19+$0x0] =	vst.idx.add.f32.msk vm13, v5  }
0xf9: {  	[tilespmem:v6+s19+$0x0] =	vst.idx.add.f32.msk vm14, v5  }
0xfa: {  	v6 =	vld [tilespmem:$0x120];
	_ =	sdelay $0x7  }
0xfb: {  	[tilespmem:v6+s19+$0x0] =	vst.idx.add.f32.msk $0x1, v5  }
0xfc: {  	[tilespmem:v6+s19+$0x0] =	vst.idx.add.f32.msk vm0, v5  }
0xfd: {  	[tilespmem:v6+s19+$0x0] =	vst.idx.add.f32.msk vm1, v5  }
0xfe: {  	[tilespmem:v6+s19+$0x0] =	vst.idx.add.f32.msk vm2, v5  }
0xff: {  	[tilespmem:v6+s19+$0x0] =	vst.idx.add.f32.msk vm3, v5  }
0x100: {  	[tilespmem:v6+s19+$0x0] =	vst.idx.add.f32.msk vm4, v5  }
0x101: {  	[tilespmem:v6+s19+$0x0] =	vst.idx.add.f32.msk vm5, v5  }
0x102: {  	[tilespmem:v6+s19+$0x0] =	vst.idx.add.f32.msk vm6, v5  }
0x103: {  	[tilespmem:v6+s19+$0x0] =	vst.idx.add.f32.msk vm7, v5  }
0x104: {  	[tilespmem:v6+s19+$0x0] =	vst.idx.add.f32.msk vm8, v5  }
0x105: {  	[tilespmem:v6+s19+$0x0] =	vst.idx.add.f32.msk vm9, v5  }
0x106: {  	[tilespmem:v6+s19+$0x0] =	vst.idx.add.f32.msk vm10, v5  }
0x107: {  	[tilespmem:v6+s19+$0x0] =	vst.idx.add.f32.msk vm11, v5  }
0x108: {  	[tilespmem:v6+s19+$0x0] =	vst.idx.add.f32.msk vm12, v5  }
0x109: {  	[tilespmem:v6+s19+$0x0] =	vst.idx.add.f32.msk vm13, v5  }
0x10a: {  	[tilespmem:v6+s19+$0x0] =	vst.idx.add.f32.msk vm14, v5  }
0x10b: {  	v6 =	vld [tilespmem:$0x130];
	_ =	sdelay $0x7  }
0x10c: {  	[tilespmem:v6+s19+$0x0] =	vst.idx.add.f32.msk $0x1, v5  }
0x10d: {  	[tilespmem:v6+s19+$0x0] =	vst.idx.add.f32.msk vm0, v5  }
0x10e: {  	[tilespmem:v6+s19+$0x0] =	vst.idx.add.f32.msk vm1, v5  }
0x10f: {  	[tilespmem:v6+s19+$0x0] =	vst.idx.add.f32.msk vm2, v5  }
0x110: {  	[tilespmem:v6+s19+$0x0] =	vst.idx.add.f32.msk vm3, v5  }
0x111: {  	[tilespmem:v6+s19+$0x0] =	vst.idx.add.f32.msk vm4, v5  }
0x112: {  	[tilespmem:v6+s19+$0x0] =	vst.idx.add.f32.msk vm5, v5  }
0x113: {  	[tilespmem:v6+s19+$0x0] =	vst.idx.add.f32.msk vm6, v5  }
0x114: {  	[tilespmem:v6+s19+$0x0] =	vst.idx.add.f32.msk vm7, v5  }
0x115: {  	[tilespmem:v6+s19+$0x0] =	vst.idx.add.f32.msk vm8, v5  }
0x116: {  	[tilespmem:v6+s19+$0x0] =	vst.idx.add.f32.msk vm9, v5  }
0x117: {  	[tilespmem:v6+s19+$0x0] =	vst.idx.add.f32.msk vm10, v5  }
0x118: {  	[tilespmem:v6+s19+$0x0] =	vst.idx.add.f32.msk vm11, v5  }
0x119: {  	[tilespmem:v6+s19+$0x0] =	vst.idx.add.f32.msk vm12, v5  }
0x11a: {  	[tilespmem:v6+s19+$0x0] =	vst.idx.add.f32.msk vm13, v5  }
0x11b: {  	[tilespmem:v6+s19+$0x0] =	vst.idx.add.f32.msk vm14, v5  }
0x11c: {  	v6 =	vld [tilespmem:$0x140];
	_ =	sdelay $0x7  }
0x11d: {  	[tilespmem:v6+s19+$0x0] =	vst.idx.add.f32.msk $0x1, v5  }
0x11e: {  	[tilespmem:v6+s19+$0x0] =	vst.idx.add.f32.msk vm0, v5  }
0x11f: {  	[tilespmem:v6+s19+$0x0] =	vst.idx.add.f32.msk vm1, v5  }
0x120: {  	[tilespmem:v6+s19+$0x0] =	vst.idx.add.f32.msk vm2, v5  }
0x121: {  	[tilespmem:v6+s19+$0x0] =	vst.idx.add.f32.msk vm3, v5  }
0x122: {  	[tilespmem:v6+s19+$0x0] =	vst.idx.add.f32.msk vm4, v5  }
0x123: {  	[tilespmem:v6+s19+$0x0] =	vst.idx.add.f32.msk vm5, v5  }
0x124: {  	[tilespmem:v6+s19+$0x0] =	vst.idx.add.f32.msk vm6, v5  }
0x125: {  	[tilespmem:v6+s19+$0x0] =	vst.idx.add.f32.msk vm7, v5  }
0x126: {  	[tilespmem:v6+s19+$0x0] =	vst.idx.add.f32.msk vm8, v5  }
0x127: {  	[tilespmem:v6+s19+$0x0] =	vst.idx.add.f32.msk vm9, v5  }
0x128: {  	[tilespmem:v6+s19+$0x0] =	vst.idx.add.f32.msk vm10, v5  }
0x129: {  	[tilespmem:v6+s19+$0x0] =	vst.idx.add.f32.msk vm11, v5  }
0x12a: {  	[tilespmem:v6+s19+$0x0] =	vst.idx.add.f32.msk vm12, v5  }
0x12b: {  	[tilespmem:v6+s19+$0x0] =	vst.idx.add.f32.msk vm13, v5  }
0x12c: {  	[tilespmem:v6+s19+$0x0] =	vst.idx.add.f32.msk vm14, v5  }
0x12d: {  	v6 =	vld [tilespmem:$0x150];
	_ =	sdelay $0x7  }
0x12e: {  	[tilespmem:v6+s19+$0x0] =	vst.idx.add.f32.msk $0x1, v5  }
0x12f: {  	[tilespmem:v6+s19+$0x0] =	vst.idx.add.f32.msk vm0, v5  }
0x130: {  	[tilespmem:v6+s19+$0x0] =	vst.idx.add.f32.msk vm1, v5  }
0x131: {  	[tilespmem:v6+s19+$0x0] =	vst.idx.add.f32.msk vm2, v5  }
0x132: {  	[tilespmem:v6+s19+$0x0] =	vst.idx.add.f32.msk vm3, v5  }
0x133: {  	[tilespmem:v6+s19+$0x0] =	vst.idx.add.f32.msk vm4, v5  }
0x134: {  	[tilespmem:v6+s19+$0x0] =	vst.idx.add.f32.msk vm5, v5  }
0x135: {  	[tilespmem:v6+s19+$0x0] =	vst.idx.add.f32.msk vm6, v5  }
0x136: {  	[tilespmem:v6+s19+$0x0] =	vst.idx.add.f32.msk vm7, v5  }
0x137: {  	[tilespmem:v6+s19+$0x0] =	vst.idx.add.f32.msk vm8, v5  }
0x138: {  	[tilespmem:v6+s19+$0x0] =	vst.idx.add.f32.msk vm9, v5  }
0x139: {  	[tilespmem:v6+s19+$0x0] =	vst.idx.add.f32.msk vm10, v5  }
0x13a: {  	[tilespmem:v6+s19+$0x0] =	vst.idx.add.f32.msk vm11, v5  }
0x13b: {  	[tilespmem:v6+s19+$0x0] =	vst.idx.add.f32.msk vm12, v5  }
0x13c: {  	[tilespmem:v6+s19+$0x0] =	vst.idx.add.f32.msk vm13, v5  }
0x13d: {  	[tilespmem:v6+s19+$0x0] =	vst.idx.add.f32.msk vm14, v5  }
0x13e: {  	v6 =	vld [tilespmem:$0x160];
	_ =	sdelay $0x7  }
0x13f: {  	[tilespmem:v6+s19+$0x0] =	vst.idx.add.f32.msk $0x1, v5  }
0x140: {  	[tilespmem:v6+s19+$0x0] =	vst.idx.add.f32.msk vm0, v5  }
0x141: {  	[tilespmem:v6+s19+$0x0] =	vst.idx.add.f32.msk vm1, v5  }
0x142: {  	[tilespmem:v6+s19+$0x0] =	vst.idx.add.f32.msk vm2, v5  }
0x143: {  	[tilespmem:v6+s19+$0x0] =	vst.idx.add.f32.msk vm3, v5  }
0x144: {  	[tilespmem:v6+s19+$0x0] =	vst.idx.add.f32.msk vm4, v5  }
0x145: {  	[tilespmem:v6+s19+$0x0] =	vst.idx.add.f32.msk vm5, v5  }
0x146: {  	[tilespmem:v6+s19+$0x0] =	vst.idx.add.f32.msk vm6, v5  }
0x147: {  	[tilespmem:v6+s19+$0x0] =	vst.idx.add.f32.msk vm7, v5  }
0x148: {  	[tilespmem:v6+s19+$0x0] =	vst.idx.add.f32.msk vm8, v5  }
0x149: {  	[tilespmem:v6+s19+$0x0] =	vst.idx.add.f32.msk vm9, v5  }
0x14a: {  	[tilespmem:v6+s19+$0x0] =	vst.idx.add.f32.msk vm10, v5  }
0x14b: {  	[tilespmem:v6+s19+$0x0] =	vst.idx.add.f32.msk vm11, v5  }
0x14c: {  	[tilespmem:v6+s19+$0x0] =	vst.idx.add.f32.msk vm12, v5  }
0x14d: {  	[tilespmem:v6+s19+$0x0] =	vst.idx.add.f32.msk vm13, v5  }
0x14e: {  	[tilespmem:v6+s19+$0x0] =	vst.idx.add.f32.msk vm14, v5  }
0x14f: {  	v6 =	vld [tilespmem:$0x170];
	_ =	sdelay $0x7  }
0x150: {  	[tilespmem:v6+s19+$0x0] =	vst.idx.add.f32.msk $0x1, v5  }
0x151: {  	[tilespmem:v6+s19+$0x0] =	vst.idx.add.f32.msk vm0, v5  }
0x152: {  	[tilespmem:v6+s19+$0x0] =	vst.idx.add.f32.msk vm1, v5  }
0x153: {  	[tilespmem:v6+s19+$0x0] =	vst.idx.add.f32.msk vm2, v5  }
0x154: {  	[tilespmem:v6+s19+$0x0] =	vst.idx.add.f32.msk vm3, v5  }
0x155: {  	[tilespmem:v6+s19+$0x0] =	vst.idx.add.f32.msk vm4, v5  }
0x156: {  	[tilespmem:v6+s19+$0x0] =	vst.idx.add.f32.msk vm5, v5  }
0x157: {  	[tilespmem:v6+s19+$0x0] =	vst.idx.add.f32.msk vm6, v5  }
0x158: {  	[tilespmem:v6+s19+$0x0] =	vst.idx.add.f32.msk vm7, v5  }
0x159: {  	[tilespmem:v6+s19+$0x0] =	vst.idx.add.f32.msk vm8, v5  }
0x15a: {  	[tilespmem:v6+s19+$0x0] =	vst.idx.add.f32.msk vm9, v5  }
0x15b: {  	[tilespmem:v6+s19+$0x0] =	vst.idx.add.f32.msk vm10, v5  }
0x15c: {  	[tilespmem:v6+s19+$0x0] =	vst.idx.add.f32.msk vm11, v5  }
0x15d: {  	[tilespmem:v6+s19+$0x0] =	vst.idx.add.f32.msk vm12, v5  }
0x15e: {  	[tilespmem:v6+s19+$0x0] =	vst.idx.add.f32.msk vm13, v5  }
0x15f: {  	s13 =	simm.s32 $0x0;
	[tilespmem:v6+s19+$0x0] =	vst.idx.add.f32.msk vm14, v5  }
.LBB2_2:
0x160: {  	_ =	swait.ge [sflag:s0], $0x4000  }
0x161: {  	[sflag:s0] =	ssyncset.done $0x0  }
0x162: {  	[sflag:s0] =	ssyncadd.s32 $0xFFFFC000  }
0x163: {  	[spmem:s2] =	stream.indirect.scatter.add.f32 [tilespmem:s29], [sflag:$0x3], $0x80, s4, s20, $0xb8;
	[tilespmem:$0x1EC80] =	vst v63  }
0x164: {  	_ =	swait.ge [sflag:s3], $0x4000  }
0x165: {  	s14 =	rddreg [dreg:$0x9];
	[sflag:s3] =	ssyncset.done $0x0  }
0x166: {  	s15 =	rddreg [dreg:$0xa];
	[sflag:s3] =	ssyncadd.s32 $0xFFFFC000;
	s14 =	sadd.s32 s13, s14  }
0x167: {  	[tilespmem:s4], [sflag:$0x5] =	stream.linear.gather [hbm4b:s14+s4], $0x80, $0x38;
	[tilespmem:$0x1EC80] =	vst v63  }
0x168: {  	s15 =	sadd.s32 s13, s15  }
0x169: {  	[tilespmem:s20], [sflag:$0x5] =	stream.linear.gather [hbm4b:s15+s4], $0x80, $0x38;
	[tilespmem:$0x1EC80] =	vst v63  }
0x16a: {  	_ =	swait.ge [sflag:s6], $0x80  }
0x16b: {  	[sflag:s6] =	ssyncset.done $0x0  }
0x16c: {  	[sflag:s6] =	ssyncadd.s32 $0xFFFFFF80  }
0x16d: {  	_ =	swait.ge [sflag:s6], $0x80  }
0x16e: {  	[sflag:s6] =	ssyncset.done $0x0  }
0x16f: {  	[sflag:s6] =	ssyncadd.s32 $0xFFFFFF80  }
0x170: {  	[tilespmem:s29], [sflag:$0x1] =	stream.indirect.gather [hbm4b:s1+s20], $0x80, s24, s20, $0xb8;
	[tilespmem:$0x1EC80] =	vst v63  }
0x171: {  	v6 =	vld [tilespmem:$0x200];
	_ =	sdelay $0x7  }
0x172: {  	[tilespmem:v6+s19+$0x0] =	vst.idx.add.f32.msk $0x1, v5  }
0x173: {  	[tilespmem:v6+s19+$0x0] =	vst.idx.add.f32.msk vm0, v5  }
0x174: {  	[tilespmem:v6+s19+$0x0] =	vst.idx.add.f32.msk vm1, v5  }
0x175: {  	[tilespmem:v6+s19+$0x0] =	vst.idx.add.f32.msk vm2, v5  }
0x176: {  	[tilespmem:v6+s19+$0x0] =	vst.idx.add.f32.msk vm3, v5  }
0x177: {  	[tilespmem:v6+s19+$0x0] =	vst.idx.add.f32.msk vm4, v5  }
0x178: {  	[tilespmem:v6+s19+$0x0] =	vst.idx.add.f32.msk vm5, v5  }
0x179: {  	[tilespmem:v6+s19+$0x0] =	vst.idx.add.f32.msk vm6, v5  }
0x17a: {  	[tilespmem:v6+s19+$0x0] =	vst.idx.add.f32.msk vm7, v5  }
0x17b: {  	[tilespmem:v6+s19+$0x0] =	vst.idx.add.f32.msk vm8, v5  }
0x17c: {  	[tilespmem:v6+s19+$0x0] =	vst.idx.add.f32.msk vm9, v5  }
0x17d: {  	[tilespmem:v6+s19+$0x0] =	vst.idx.add.f32.msk vm10, v5  }
0x17e: {  	[tilespmem:v6+s19+$0x0] =	vst.idx.add.f32.msk vm11, v5  }
0x17f: {  	[tilespmem:v6+s19+$0x0] =	vst.idx.add.f32.msk vm12, v5  }
0x180: {  	[tilespmem:v6+s19+$0x0] =	vst.idx.add.f32.msk vm13, v5  }
0x181: {  	[tilespmem:v6+s19+$0x0] =	vst.idx.add.f32.msk vm14, v5  }
0x182: {  	v6 =	vld [tilespmem:$0x210];
	_ =	sdelay $0x7  }
0x183: {  	[tilespmem:v6+s19+$0x0] =	vst.idx.add.f32.msk $0x1, v5  }
0x184: {  	[tilespmem:v6+s19+$0x0] =	vst.idx.add.f32.msk vm0, v5  }
0x185: {  	[tilespmem:v6+s19+$0x0] =	vst.idx.add.f32.msk vm1, v5  }
0x186: {  	[tilespmem:v6+s19+$0x0] =	vst.idx.add.f32.msk vm2, v5  }
0x187: {  	[tilespmem:v6+s19+$0x0] =	vst.idx.add.f32.msk vm3, v5  }
0x188: {  	[tilespmem:v6+s19+$0x0] =	vst.idx.add.f32.msk vm4, v5  }
0x189: {  	[tilespmem:v6+s19+$0x0] =	vst.idx.add.f32.msk vm5, v5  }
0x18a: {  	[tilespmem:v6+s19+$0x0] =	vst.idx.add.f32.msk vm6, v5  }
0x18b: {  	[tilespmem:v6+s19+$0x0] =	vst.idx.add.f32.msk vm7, v5  }
0x18c: {  	[tilespmem:v6+s19+$0x0] =	vst.idx.add.f32.msk vm8, v5  }
0x18d: {  	[tilespmem:v6+s19+$0x0] =	vst.idx.add.f32.msk vm9, v5  }
0x18e: {  	[tilespmem:v6+s19+$0x0] =	vst.idx.add.f32.msk vm10, v5  }
0x18f: {  	[tilespmem:v6+s19+$0x0] =	vst.idx.add.f32.msk vm11, v5  }
0x190: {  	[tilespmem:v6+s19+$0x0] =	vst.idx.add.f32.msk vm12, v5  }
0x191: {  	[tilespmem:v6+s19+$0x0] =	vst.idx.add.f32.msk vm13, v5  }
0x192: {  	[tilespmem:v6+s19+$0x0] =	vst.idx.add.f32.msk vm14, v5  }
0x193: {  	v6 =	vld [tilespmem:$0x220];
	_ =	sdelay $0x7  }
0x194: {  	[tilespmem:v6+s19+$0x0] =	vst.idx.add.f32.msk $0x1, v5  }
0x195: {  	[tilespmem:v6+s19+$0x0] =	vst.idx.add.f32.msk vm0, v5  }
0x196: {  	[tilespmem:v6+s19+$0x0] =	vst.idx.add.f32.msk vm1, v5  }
0x197: {  	[tilespmem:v6+s19+$0x0] =	vst.idx.add.f32.msk vm2, v5  }
0x198: {  	[tilespmem:v6+s19+$0x0] =	vst.idx.add.f32.msk vm3, v5  }
0x199: {  	[tilespmem:v6+s19+$0x0] =	vst.idx.add.f32.msk vm4, v5  }
0x19a: {  	[tilespmem:v6+s19+$0x0] =	vst.idx.add.f32.msk vm5, v5  }
0x19b: {  	[tilespmem:v6+s19+$0x0] =	vst.idx.add.f32.msk vm6, v5  }
0x19c: {  	[tilespmem:v6+s19+$0x0] =	vst.idx.add.f32.msk vm7, v5  }
0x19d: {  	[tilespmem:v6+s19+$0x0] =	vst.idx.add.f32.msk vm8, v5  }
0x19e: {  	[tilespmem:v6+s19+$0x0] =	vst.idx.add.f32.msk vm9, v5  }
0x19f: {  	[tilespmem:v6+s19+$0x0] =	vst.idx.add.f32.msk vm10, v5  }
0x1a0: {  	[tilespmem:v6+s19+$0x0] =	vst.idx.add.f32.msk vm11, v5  }
0x1a1: {  	[tilespmem:v6+s19+$0x0] =	vst.idx.add.f32.msk vm12, v5  }
0x1a2: {  	[tilespmem:v6+s19+$0x0] =	vst.idx.add.f32.msk vm13, v5  }
0x1a3: {  	[tilespmem:v6+s19+$0x0] =	vst.idx.add.f32.msk vm14, v5  }
0x1a4: {  	v6 =	vld [tilespmem:$0x230];
	_ =	sdelay $0x7  }
0x1a5: {  	[tilespmem:v6+s19+$0x0] =	vst.idx.add.f32.msk $0x1, v5  }
0x1a6: {  	[tilespmem:v6+s19+$0x0] =	vst.idx.add.f32.msk vm0, v5  }
0x1a7: {  	[tilespmem:v6+s19+$0x0] =	vst.idx.add.f32.msk vm1, v5  }
0x1a8: {  	[tilespmem:v6+s19+$0x0] =	vst.idx.add.f32.msk vm2, v5  }
0x1a9: {  	[tilespmem:v6+s19+$0x0] =	vst.idx.add.f32.msk vm3, v5  }
0x1aa: {  	[tilespmem:v6+s19+$0x0] =	vst.idx.add.f32.msk vm4, v5  }
0x1ab: {  	[tilespmem:v6+s19+$0x0] =	vst.idx.add.f32.msk vm5, v5  }
0x1ac: {  	[tilespmem:v6+s19+$0x0] =	vst.idx.add.f32.msk vm6, v5  }
0x1ad: {  	[tilespmem:v6+s19+$0x0] =	vst.idx.add.f32.msk vm7, v5  }
0x1ae: {  	[tilespmem:v6+s19+$0x0] =	vst.idx.add.f32.msk vm8, v5  }
0x1af: {  	[tilespmem:v6+s19+$0x0] =	vst.idx.add.f32.msk vm9, v5  }
0x1b0: {  	[tilespmem:v6+s19+$0x0] =	vst.idx.add.f32.msk vm10, v5  }
0x1b1: {  	[tilespmem:v6+s19+$0x0] =	vst.idx.add.f32.msk vm11, v5  }
0x1b2: {  	[tilespmem:v6+s19+$0x0] =	vst.idx.add.f32.msk vm12, v5  }
0x1b3: {  	[tilespmem:v6+s19+$0x0] =	vst.idx.add.f32.msk vm13, v5  }
0x1b4: {  	[tilespmem:v6+s19+$0x0] =	vst.idx.add.f32.msk vm14, v5  }
0x1b5: {  	v6 =	vld [tilespmem:$0x240];
	_ =	sdelay $0x7  }
0x1b6: {  	[tilespmem:v6+s19+$0x0] =	vst.idx.add.f32.msk $0x1, v5  }
0x1b7: {  	[tilespmem:v6+s19+$0x0] =	vst.idx.add.f32.msk vm0, v5  }
0x1b8: {  	[tilespmem:v6+s19+$0x0] =	vst.idx.add.f32.msk vm1, v5  }
0x1b9: {  	[tilespmem:v6+s19+$0x0] =	vst.idx.add.f32.msk vm2, v5  }
0x1ba: {  	[tilespmem:v6+s19+$0x0] =	vst.idx.add.f32.msk vm3, v5  }
0x1bb: {  	[tilespmem:v6+s19+$0x0] =	vst.idx.add.f32.msk vm4, v5  }
0x1bc: {  	[tilespmem:v6+s19+$0x0] =	vst.idx.add.f32.msk vm5, v5  }
0x1bd: {  	[tilespmem:v6+s19+$0x0] =	vst.idx.add.f32.msk vm6, v5  }
0x1be: {  	[tilespmem:v6+s19+$0x0] =	vst.idx.add.f32.msk vm7, v5  }
0x1bf: {  	[tilespmem:v6+s19+$0x0] =	vst.idx.add.f32.msk vm8, v5  }
0x1c0: {  	[tilespmem:v6+s19+$0x0] =	vst.idx.add.f32.msk vm9, v5  }
0x1c1: {  	[tilespmem:v6+s19+$0x0] =	vst.idx.add.f32.msk vm10, v5  }
0x1c2: {  	[tilespmem:v6+s19+$0x0] =	vst.idx.add.f32.msk vm11, v5  }
0x1c3: {  	[tilespmem:v6+s19+$0x0] =	vst.idx.add.f32.msk vm12, v5  }
0x1c4: {  	[tilespmem:v6+s19+$0x0] =	vst.idx.add.f32.msk vm13, v5  }
0x1c5: {  	[tilespmem:v6+s19+$0x0] =	vst.idx.add.f32.msk vm14, v5  }
0x1c6: {  	v6 =	vld [tilespmem:$0x250];
	_ =	sdelay $0x7  }
0x1c7: {  	[tilespmem:v6+s19+$0x0] =	vst.idx.add.f32.msk $0x1, v5  }
0x1c8: {  	[tilespmem:v6+s19+$0x0] =	vst.idx.add.f32.msk vm0, v5  }
0x1c9: {  	[tilespmem:v6+s19+$0x0] =	vst.idx.add.f32.msk vm1, v5  }
0x1ca: {  	[tilespmem:v6+s19+$0x0] =	vst.idx.add.f32.msk vm2, v5  }
0x1cb: {  	[tilespmem:v6+s19+$0x0] =	vst.idx.add.f32.msk vm3, v5  }
0x1cc: {  	[tilespmem:v6+s19+$0x0] =	vst.idx.add.f32.msk vm4, v5  }
0x1cd: {  	[tilespmem:v6+s19+$0x0] =	vst.idx.add.f32.msk vm5, v5  }
0x1ce: {  	[tilespmem:v6+s19+$0x0] =	vst.idx.add.f32.msk vm6, v5  }
0x1cf: {  	[tilespmem:v6+s19+$0x0] =	vst.idx.add.f32.msk vm7, v5  }
0x1d0: {  	[tilespmem:v6+s19+$0x0] =	vst.idx.add.f32.msk vm8, v5  }
0x1d1: {  	[tilespmem:v6+s19+$0x0] =	vst.idx.add.f32.msk vm9, v5  }
0x1d2: {  	[tilespmem:v6+s19+$0x0] =	vst.idx.add.f32.msk vm10, v5  }
0x1d3: {  	[tilespmem:v6+s19+$0x0] =	vst.idx.add.f32.msk vm11, v5  }
0x1d4: {  	[tilespmem:v6+s19+$0x0] =	vst.idx.add.f32.msk vm12, v5  }
0x1d5: {  	[tilespmem:v6+s19+$0x0] =	vst.idx.add.f32.msk vm13, v5  }
0x1d6: {  	[tilespmem:v6+s19+$0x0] =	vst.idx.add.f32.msk vm14, v5  }
0x1d7: {  	v6 =	vld [tilespmem:$0x260];
	_ =	sdelay $0x7  }
0x1d8: {  	[tilespmem:v6+s19+$0x0] =	vst.idx.add.f32.msk $0x1, v5  }
0x1d9: {  	[tilespmem:v6+s19+$0x0] =	vst.idx.add.f32.msk vm0, v5  }
0x1da: {  	[tilespmem:v6+s19+$0x0] =	vst.idx.add.f32.msk vm1, v5  }
0x1db: {  	[tilespmem:v6+s19+$0x0] =	vst.idx.add.f32.msk vm2, v5  }
0x1dc: {  	[tilespmem:v6+s19+$0x0] =	vst.idx.add.f32.msk vm3, v5  }
0x1dd: {  	[tilespmem:v6+s19+$0x0] =	vst.idx.add.f32.msk vm4, v5  }
0x1de: {  	[tilespmem:v6+s19+$0x0] =	vst.idx.add.f32.msk vm5, v5  }
0x1df: {  	[tilespmem:v6+s19+$0x0] =	vst.idx.add.f32.msk vm6, v5  }
0x1e0: {  	[tilespmem:v6+s19+$0x0] =	vst.idx.add.f32.msk vm7, v5  }
0x1e1: {  	[tilespmem:v6+s19+$0x0] =	vst.idx.add.f32.msk vm8, v5  }
0x1e2: {  	[tilespmem:v6+s19+$0x0] =	vst.idx.add.f32.msk vm9, v5  }
0x1e3: {  	[tilespmem:v6+s19+$0x0] =	vst.idx.add.f32.msk vm10, v5  }
0x1e4: {  	[tilespmem:v6+s19+$0x0] =	vst.idx.add.f32.msk vm11, v5  }
0x1e5: {  	[tilespmem:v6+s19+$0x0] =	vst.idx.add.f32.msk vm12, v5  }
0x1e6: {  	[tilespmem:v6+s19+$0x0] =	vst.idx.add.f32.msk vm13, v5  }
0x1e7: {  	[tilespmem:v6+s19+$0x0] =	vst.idx.add.f32.msk vm14, v5  }
0x1e8: {  	v6 =	vld [tilespmem:$0x270];
	_ =	sdelay $0x7  }
0x1e9: {  	[tilespmem:v6+s19+$0x0] =	vst.idx.add.f32.msk $0x1, v5  }
0x1ea: {  	[tilespmem:v6+s19+$0x0] =	vst.idx.add.f32.msk vm0, v5  }
0x1eb: {  	[tilespmem:v6+s19+$0x0] =	vst.idx.add.f32.msk vm1, v5  }
0x1ec: {  	[tilespmem:v6+s19+$0x0] =	vst.idx.add.f32.msk vm2, v5  }
0x1ed: {  	[tilespmem:v6+s19+$0x0] =	vst.idx.add.f32.msk vm3, v5  }
0x1ee: {  	[tilespmem:v6+s19+$0x0] =	vst.idx.add.f32.msk vm4, v5  }
0x1ef: {  	[tilespmem:v6+s19+$0x0] =	vst.idx.add.f32.msk vm5, v5  }
0x1f0: {  	[tilespmem:v6+s19+$0x0] =	vst.idx.add.f32.msk vm6, v5  }
0x1f1: {  	[tilespmem:v6+s19+$0x0] =	vst.idx.add.f32.msk vm7, v5  }
0x1f2: {  	[tilespmem:v6+s19+$0x0] =	vst.idx.add.f32.msk vm8, v5  }
0x1f3: {  	[tilespmem:v6+s19+$0x0] =	vst.idx.add.f32.msk vm9, v5  }
0x1f4: {  	[tilespmem:v6+s19+$0x0] =	vst.idx.add.f32.msk vm10, v5  }
0x1f5: {  	[tilespmem:v6+s19+$0x0] =	vst.idx.add.f32.msk vm11, v5  }
0x1f6: {  	[tilespmem:v6+s19+$0x0] =	vst.idx.add.f32.msk vm12, v5  }
0x1f7: {  	[tilespmem:v6+s19+$0x0] =	vst.idx.add.f32.msk vm13, v5  }
0x1f8: {  	[tilespmem:v6+s19+$0x0] =	vst.idx.add.f32.msk vm14, v5  }
0x1f9: {  	_ =	swait.ge [sflag:s8], $0x4000  }
0x1fa: {  	[sflag:s8] =	ssyncset.done $0x0  }
0x1fb: {  	[sflag:s8] =	ssyncadd.s32 $0xFFFFC000  }
0x1fc: {  	[spmem:s2] =	stream.indirect.scatter.add.f32 [tilespmem:s31], [sflag:$0x4], $0x80, s21, s20, $0xb8;
	[tilespmem:$0x1EC80] =	vst v63  }
0x1fd: {  	_ =	swait.ge [sflag:s9], $0x4000  }
0x1fe: {  	s16 =	rddreg [dreg:$0x5]  }
0x1ff: {  	[sflag:s9] =	ssyncset.done $0x0;
	s17 =	rddreg [dreg:$0x6];
	s14 =	sadd.s32 s13, s16  }
0x200: {  	[sflag:s9] =	ssyncadd.s32 $0xFFFFC000;
	s15 =	sadd.s32 s13, s17;
	s16 =	sadd.s32 $0x50, s14  }
0x201: {  	[tilespmem:s21], [sflag:$0x6] =	stream.linear.gather [hbm4b:s16+s4], $0x80, $0x38;
	[tilespmem:$0x1EC80] =	vst v63  }
0x202: {  	s17 =	sadd.s32 $0x50, s15  }
0x203: {  	[tilespmem:s22], [sflag:$0x6] =	stream.linear.gather [hbm4b:s17+s4], $0x80, $0x38;
	[tilespmem:$0x1EC80] =	vst v63  }
0x204: {  	_ =	swait.ge [sflag:s10], $0x80  }
0x205: {  	[sflag:s10] =	ssyncset.done $0x0  }
0x206: {  	[sflag:s10] =	ssyncadd.s32 $0xFFFFFF80  }
0x207: {  	_ =	swait.ge [sflag:s10], $0x80  }
0x208: {  	[sflag:s10] =	ssyncset.done $0x0  }
0x209: {  	[sflag:s10] =	ssyncadd.s32 $0xFFFFFF80  }
0x20a: {  	[tilespmem:s31], [sflag:$0x2] =	stream.indirect.gather [hbm4b:s1+s20], $0x80, s26, s20, $0xb8;
	[tilespmem:$0x1EC80] =	vst v63  }
0x20b: {  	v6 =	vld [tilespmem:$0x300];
	_ =	sdelay $0x7  }
0x20c: {  	[tilespmem:v6+s19+$0x0] =	vst.idx.add.f32.msk $0x1, v5  }
0x20d: {  	[tilespmem:v6+s19+$0x0] =	vst.idx.add.f32.msk vm0, v5  }
0x20e: {  	[tilespmem:v6+s19+$0x0] =	vst.idx.add.f32.msk vm1, v5  }
0x20f: {  	[tilespmem:v6+s19+$0x0] =	vst.idx.add.f32.msk vm2, v5  }
0x210: {  	[tilespmem:v6+s19+$0x0] =	vst.idx.add.f32.msk vm3, v5  }
0x211: {  	[tilespmem:v6+s19+$0x0] =	vst.idx.add.f32.msk vm4, v5  }
0x212: {  	[tilespmem:v6+s19+$0x0] =	vst.idx.add.f32.msk vm5, v5  }
0x213: {  	[tilespmem:v6+s19+$0x0] =	vst.idx.add.f32.msk vm6, v5  }
0x214: {  	[tilespmem:v6+s19+$0x0] =	vst.idx.add.f32.msk vm7, v5  }
0x215: {  	[tilespmem:v6+s19+$0x0] =	vst.idx.add.f32.msk vm8, v5  }
0x216: {  	[tilespmem:v6+s19+$0x0] =	vst.idx.add.f32.msk vm9, v5  }
0x217: {  	[tilespmem:v6+s19+$0x0] =	vst.idx.add.f32.msk vm10, v5  }
0x218: {  	[tilespmem:v6+s19+$0x0] =	vst.idx.add.f32.msk vm11, v5  }
0x219: {  	[tilespmem:v6+s19+$0x0] =	vst.idx.add.f32.msk vm12, v5  }
0x21a: {  	[tilespmem:v6+s19+$0x0] =	vst.idx.add.f32.msk vm13, v5  }
0x21b: {  	[tilespmem:v6+s19+$0x0] =	vst.idx.add.f32.msk vm14, v5  }
0x21c: {  	v6 =	vld [tilespmem:$0x310];
	_ =	sdelay $0x7  }
0x21d: {  	[tilespmem:v6+s19+$0x0] =	vst.idx.add.f32.msk $0x1, v5  }
0x21e: {  	[tilespmem:v6+s19+$0x0] =	vst.idx.add.f32.msk vm0, v5  }
0x21f: {  	[tilespmem:v6+s19+$0x0] =	vst.idx.add.f32.msk vm1, v5  }
0x220: {  	[tilespmem:v6+s19+$0x0] =	vst.idx.add.f32.msk vm2, v5  }
0x221: {  	[tilespmem:v6+s19+$0x0] =	vst.idx.add.f32.msk vm3, v5  }
0x222: {  	[tilespmem:v6+s19+$0x0] =	vst.idx.add.f32.msk vm4, v5  }
0x223: {  	[tilespmem:v6+s19+$0x0] =	vst.idx.add.f32.msk vm5, v5  }
0x224: {  	[tilespmem:v6+s19+$0x0] =	vst.idx.add.f32.msk vm6, v5  }
0x225: {  	[tilespmem:v6+s19+$0x0] =	vst.idx.add.f32.msk vm7, v5  }
0x226: {  	[tilespmem:v6+s19+$0x0] =	vst.idx.add.f32.msk vm8, v5  }
0x227: {  	[tilespmem:v6+s19+$0x0] =	vst.idx.add.f32.msk vm9, v5  }
0x228: {  	[tilespmem:v6+s19+$0x0] =	vst.idx.add.f32.msk vm10, v5  }
0x229: {  	[tilespmem:v6+s19+$0x0] =	vst.idx.add.f32.msk vm11, v5  }
0x22a: {  	[tilespmem:v6+s19+$0x0] =	vst.idx.add.f32.msk vm12, v5  }
0x22b: {  	[tilespmem:v6+s19+$0x0] =	vst.idx.add.f32.msk vm13, v5  }
0x22c: {  	[tilespmem:v6+s19+$0x0] =	vst.idx.add.f32.msk vm14, v5  }
0x22d: {  	v6 =	vld [tilespmem:$0x320];
	_ =	sdelay $0x7  }
0x22e: {  	[tilespmem:v6+s19+$0x0] =	vst.idx.add.f32.msk $0x1, v5  }
0x22f: {  	[tilespmem:v6+s19+$0x0] =	vst.idx.add.f32.msk vm0, v5  }
0x230: {  	[tilespmem:v6+s19+$0x0] =	vst.idx.add.f32.msk vm1, v5  }
0x231: {  	[tilespmem:v6+s19+$0x0] =	vst.idx.add.f32.msk vm2, v5  }
0x232: {  	[tilespmem:v6+s19+$0x0] =	vst.idx.add.f32.msk vm3, v5  }
0x233: {  	[tilespmem:v6+s19+$0x0] =	vst.idx.add.f32.msk vm4, v5  }
0x234: {  	[tilespmem:v6+s19+$0x0] =	vst.idx.add.f32.msk vm5, v5  }
0x235: {  	[tilespmem:v6+s19+$0x0] =	vst.idx.add.f32.msk vm6, v5  }
0x236: {  	[tilespmem:v6+s19+$0x0] =	vst.idx.add.f32.msk vm7, v5  }
0x237: {  	[tilespmem:v6+s19+$0x0] =	vst.idx.add.f32.msk vm8, v5  }
0x238: {  	[tilespmem:v6+s19+$0x0] =	vst.idx.add.f32.msk vm9, v5  }
0x239: {  	[tilespmem:v6+s19+$0x0] =	vst.idx.add.f32.msk vm10, v5  }
0x23a: {  	[tilespmem:v6+s19+$0x0] =	vst.idx.add.f32.msk vm11, v5  }
0x23b: {  	[tilespmem:v6+s19+$0x0] =	vst.idx.add.f32.msk vm12, v5  }
0x23c: {  	[tilespmem:v6+s19+$0x0] =	vst.idx.add.f32.msk vm13, v5  }
0x23d: {  	[tilespmem:v6+s19+$0x0] =	vst.idx.add.f32.msk vm14, v5  }
0x23e: {  	v6 =	vld [tilespmem:$0x330];
	_ =	sdelay $0x7  }
0x23f: {  	[tilespmem:v6+s19+$0x0] =	vst.idx.add.f32.msk $0x1, v5  }
0x240: {  	[tilespmem:v6+s19+$0x0] =	vst.idx.add.f32.msk vm0, v5  }
0x241: {  	[tilespmem:v6+s19+$0x0] =	vst.idx.add.f32.msk vm1, v5  }
0x242: {  	[tilespmem:v6+s19+$0x0] =	vst.idx.add.f32.msk vm2, v5  }
0x243: {  	[tilespmem:v6+s19+$0x0] =	vst.idx.add.f32.msk vm3, v5  }
0x244: {  	[tilespmem:v6+s19+$0x0] =	vst.idx.add.f32.msk vm4, v5  }
0x245: {  	[tilespmem:v6+s19+$0x0] =	vst.idx.add.f32.msk vm5, v5  }
0x246: {  	[tilespmem:v6+s19+$0x0] =	vst.idx.add.f32.msk vm6, v5  }
0x247: {  	[tilespmem:v6+s19+$0x0] =	vst.idx.add.f32.msk vm7, v5  }
0x248: {  	[tilespmem:v6+s19+$0x0] =	vst.idx.add.f32.msk vm8, v5  }
0x249: {  	[tilespmem:v6+s19+$0x0] =	vst.idx.add.f32.msk vm9, v5  }
0x24a: {  	[tilespmem:v6+s19+$0x0] =	vst.idx.add.f32.msk vm10, v5  }
0x24b: {  	[tilespmem:v6+s19+$0x0] =	vst.idx.add.f32.msk vm11, v5  }
0x24c: {  	[tilespmem:v6+s19+$0x0] =	vst.idx.add.f32.msk vm12, v5  }
0x24d: {  	[tilespmem:v6+s19+$0x0] =	vst.idx.add.f32.msk vm13, v5  }
0x24e: {  	[tilespmem:v6+s19+$0x0] =	vst.idx.add.f32.msk vm14, v5  }
0x24f: {  	v6 =	vld [tilespmem:$0x340];
	_ =	sdelay $0x7  }
0x250: {  	[tilespmem:v6+s19+$0x0] =	vst.idx.add.f32.msk $0x1, v5  }
0x251: {  	[tilespmem:v6+s19+$0x0] =	vst.idx.add.f32.msk vm0, v5  }
0x252: {  	[tilespmem:v6+s19+$0x0] =	vst.idx.add.f32.msk vm1, v5  }
0x253: {  	[tilespmem:v6+s19+$0x0] =	vst.idx.add.f32.msk vm2, v5  }
0x254: {  	[tilespmem:v6+s19+$0x0] =	vst.idx.add.f32.msk vm3, v5  }
0x255: {  	[tilespmem:v6+s19+$0x0] =	vst.idx.add.f32.msk vm4, v5  }
0x256: {  	[tilespmem:v6+s19+$0x0] =	vst.idx.add.f32.msk vm5, v5  }
0x257: {  	[tilespmem:v6+s19+$0x0] =	vst.idx.add.f32.msk vm6, v5  }
0x258: {  	[tilespmem:v6+s19+$0x0] =	vst.idx.add.f32.msk vm7, v5  }
0x259: {  	[tilespmem:v6+s19+$0x0] =	vst.idx.add.f32.msk vm8, v5  }
0x25a: {  	[tilespmem:v6+s19+$0x0] =	vst.idx.add.f32.msk vm9, v5  }
0x25b: {  	[tilespmem:v6+s19+$0x0] =	vst.idx.add.f32.msk vm10, v5  }
0x25c: {  	[tilespmem:v6+s19+$0x0] =	vst.idx.add.f32.msk vm11, v5  }
0x25d: {  	[tilespmem:v6+s19+$0x0] =	vst.idx.add.f32.msk vm12, v5  }
0x25e: {  	[tilespmem:v6+s19+$0x0] =	vst.idx.add.f32.msk vm13, v5  }
0x25f: {  	[tilespmem:v6+s19+$0x0] =	vst.idx.add.f32.msk vm14, v5  }
0x260: {  	v6 =	vld [tilespmem:$0x350];
	_ =	sdelay $0x7  }
0x261: {  	[tilespmem:v6+s19+$0x0] =	vst.idx.add.f32.msk $0x1, v5  }
0x262: {  	[tilespmem:v6+s19+$0x0] =	vst.idx.add.f32.msk vm0, v5  }
0x263: {  	[tilespmem:v6+s19+$0x0] =	vst.idx.add.f32.msk vm1, v5  }
0x264: {  	[tilespmem:v6+s19+$0x0] =	vst.idx.add.f32.msk vm2, v5  }
0x265: {  	[tilespmem:v6+s19+$0x0] =	vst.idx.add.f32.msk vm3, v5  }
0x266: {  	[tilespmem:v6+s19+$0x0] =	vst.idx.add.f32.msk vm4, v5  }
0x267: {  	[tilespmem:v6+s19+$0x0] =	vst.idx.add.f32.msk vm5, v5  }
0x268: {  	[tilespmem:v6+s19+$0x0] =	vst.idx.add.f32.msk vm6, v5  }
0x269: {  	[tilespmem:v6+s19+$0x0] =	vst.idx.add.f32.msk vm7, v5  }
0x26a: {  	[tilespmem:v6+s19+$0x0] =	vst.idx.add.f32.msk vm8, v5  }
0x26b: {  	[tilespmem:v6+s19+$0x0] =	vst.idx.add.f32.msk vm9, v5  }
0x26c: {  	[tilespmem:v6+s19+$0x0] =	vst.idx.add.f32.msk vm10, v5  }
0x26d: {  	[tilespmem:v6+s19+$0x0] =	vst.idx.add.f32.msk vm11, v5  }
0x26e: {  	[tilespmem:v6+s19+$0x0] =	vst.idx.add.f32.msk vm12, v5  }
0x26f: {  	[tilespmem:v6+s19+$0x0] =	vst.idx.add.f32.msk vm13, v5  }
0x270: {  	[tilespmem:v6+s19+$0x0] =	vst.idx.add.f32.msk vm14, v5  }
0x271: {  	v6 =	vld [tilespmem:$0x360];
	_ =	sdelay $0x7  }
0x272: {  	[tilespmem:v6+s19+$0x0] =	vst.idx.add.f32.msk $0x1, v5  }
0x273: {  	[tilespmem:v6+s19+$0x0] =	vst.idx.add.f32.msk vm0, v5  }
0x274: {  	[tilespmem:v6+s19+$0x0] =	vst.idx.add.f32.msk vm1, v5  }
0x275: {  	[tilespmem:v6+s19+$0x0] =	vst.idx.add.f32.msk vm2, v5  }
0x276: {  	[tilespmem:v6+s19+$0x0] =	vst.idx.add.f32.msk vm3, v5  }
0x277: {  	[tilespmem:v6+s19+$0x0] =	vst.idx.add.f32.msk vm4, v5  }
0x278: {  	[tilespmem:v6+s19+$0x0] =	vst.idx.add.f32.msk vm5, v5  }
0x279: {  	[tilespmem:v6+s19+$0x0] =	vst.idx.add.f32.msk vm6, v5  }
0x27a: {  	[tilespmem:v6+s19+$0x0] =	vst.idx.add.f32.msk vm7, v5  }
0x27b: {  	[tilespmem:v6+s19+$0x0] =	vst.idx.add.f32.msk vm8, v5  }
0x27c: {  	[tilespmem:v6+s19+$0x0] =	vst.idx.add.f32.msk vm9, v5  }
0x27d: {  	[tilespmem:v6+s19+$0x0] =	vst.idx.add.f32.msk vm10, v5  }
0x27e: {  	[tilespmem:v6+s19+$0x0] =	vst.idx.add.f32.msk vm11, v5  }
0x27f: {  	[tilespmem:v6+s19+$0x0] =	vst.idx.add.f32.msk vm12, v5  }
0x280: {  	[tilespmem:v6+s19+$0x0] =	vst.idx.add.f32.msk vm13, v5  }
0x281: {  	[tilespmem:v6+s19+$0x0] =	vst.idx.add.f32.msk vm14, v5  }
0x282: {  	v6 =	vld [tilespmem:$0x370];
	_ =	sdelay $0x7  }
0x283: {  	[tilespmem:v6+s19+$0x0] =	vst.idx.add.f32.msk $0x1, v5  }
0x284: {  	[tilespmem:v6+s19+$0x0] =	vst.idx.add.f32.msk vm0, v5  }
0x285: {  	[tilespmem:v6+s19+$0x0] =	vst.idx.add.f32.msk vm1, v5  }
0x286: {  	[tilespmem:v6+s19+$0x0] =	vst.idx.add.f32.msk vm2, v5  }
0x287: {  	[tilespmem:v6+s19+$0x0] =	vst.idx.add.f32.msk vm3, v5  }
0x288: {  	[tilespmem:v6+s19+$0x0] =	vst.idx.add.f32.msk vm4, v5  }
0x289: {  	[tilespmem:v6+s19+$0x0] =	vst.idx.add.f32.msk vm5, v5  }
0x28a: {  	[tilespmem:v6+s19+$0x0] =	vst.idx.add.f32.msk vm6, v5  }
0x28b: {  	[tilespmem:v6+s19+$0x0] =	vst.idx.add.f32.msk vm7, v5  }
0x28c: {  	[tilespmem:v6+s19+$0x0] =	vst.idx.add.f32.msk vm8, v5  }
0x28d: {  	[tilespmem:v6+s19+$0x0] =	vst.idx.add.f32.msk vm9, v5  }
0x28e: {  	[tilespmem:v6+s19+$0x0] =	vst.idx.add.f32.msk vm10, v5  }
0x28f: {  	[tilespmem:v6+s19+$0x0] =	vst.idx.add.f32.msk vm11, v5  }
0x290: {  	[tilespmem:v6+s19+$0x0] =	vst.idx.add.f32.msk vm12, v5  }
0x291: {  	[tilespmem:v6+s19+$0x0] =	vst.idx.add.f32.msk vm13, v5  }
0x292: {  	[tilespmem:v6+s19+$0x0] =	vst.idx.add.f32.msk vm14, v5  }
0x293: {  	_ =	swait.ge [sflag:s0], $0x4000  }
0x294: {  	[sflag:s0] =	ssyncset.done $0x0  }
0x295: {  	[sflag:s0] =	ssyncadd.s32 $0xFFFFC000  }
0x296: {  	[spmem:s2] =	stream.indirect.scatter.add.f32 [tilespmem:s29], [sflag:$0x3], $0x80, s23, s20, $0xb8;
	[tilespmem:$0x1EC80] =	vst v63  }
0x297: {  	_ =	swait.ge [sflag:s3], $0x4000  }
0x298: {  	s16 =	rddreg [dreg:$0x7];
	[sflag:s3] =	ssyncset.done $0x0  }
0x299: {  	s17 =	rddreg [dreg:$0x8];
	[sflag:s3] =	ssyncadd.s32 $0xFFFFC000;
	s16 =	sadd.s32 s13, s16  }
0x29a: {  	[tilespmem:s23], [sflag:$0x7] =	stream.linear.gather [hbm4b:s16+s4], $0x80, $0x38;
	[tilespmem:$0x1EC80] =	vst v63  }
0x29b: {  	s17 =	sadd.s32 s13, s17  }
0x29c: {  	[tilespmem:s24], [sflag:$0x7] =	stream.linear.gather [hbm4b:s17+s4], $0x80, $0x38;
	[tilespmem:$0x1EC80] =	vst v63  }
0x29d: {  	_ =	swait.ge [sflag:s28], $0x80  }
0x29e: {  	[sflag:s28] =	ssyncset.done $0x0  }
0x29f: {  	[sflag:s28] =	ssyncadd.s32 $0xFFFFFF80  }
0x2a0: {  	_ =	swait.ge [sflag:s28], $0x80  }
0x2a1: {  	[sflag:s28] =	ssyncset.done $0x0  }
0x2a2: {  	[sflag:s28] =	ssyncadd.s32 $0xFFFFFF80  }
0x2a3: {  	[tilespmem:s29], [sflag:$0x1] =	stream.indirect.gather [hbm4b:s1+s20], $0x80, s20, s20, $0xb8;
	[tilespmem:$0x1EC80] =	vst v63  }
0x2a4: {  	v6 =	vld [tilespmem:$0x0];
	_ =	sdelay $0x7  }
0x2a5: {  	[tilespmem:v6+s19+$0x0] =	vst.idx.add.f32.msk $0x1, v5  }
0x2a6: {  	[tilespmem:v6+s19+$0x0] =	vst.idx.add.f32.msk vm0, v5  }
0x2a7: {  	[tilespmem:v6+s19+$0x0] =	vst.idx.add.f32.msk vm1, v5  }
0x2a8: {  	[tilespmem:v6+s19+$0x0] =	vst.idx.add.f32.msk vm2, v5  }
0x2a9: {  	[tilespmem:v6+s19+$0x0] =	vst.idx.add.f32.msk vm3, v5  }
0x2aa: {  	[tilespmem:v6+s19+$0x0] =	vst.idx.add.f32.msk vm4, v5  }
0x2ab: {  	[tilespmem:v6+s19+$0x0] =	vst.idx.add.f32.msk vm5, v5  }
0x2ac: {  	[tilespmem:v6+s19+$0x0] =	vst.idx.add.f32.msk vm6, v5  }
0x2ad: {  	[tilespmem:v6+s19+$0x0] =	vst.idx.add.f32.msk vm7, v5  }
0x2ae: {  	[tilespmem:v6+s19+$0x0] =	vst.idx.add.f32.msk vm8, v5  }
0x2af: {  	[tilespmem:v6+s19+$0x0] =	vst.idx.add.f32.msk vm9, v5  }
0x2b0: {  	[tilespmem:v6+s19+$0x0] =	vst.idx.add.f32.msk vm10, v5  }
0x2b1: {  	[tilespmem:v6+s19+$0x0] =	vst.idx.add.f32.msk vm11, v5  }
0x2b2: {  	[tilespmem:v6+s19+$0x0] =	vst.idx.add.f32.msk vm12, v5  }
0x2b3: {  	[tilespmem:v6+s19+$0x0] =	vst.idx.add.f32.msk vm13, v5  }
0x2b4: {  	[tilespmem:v6+s19+$0x0] =	vst.idx.add.f32.msk vm14, v5  }
0x2b5: {  	v6 =	vld [tilespmem:$0x10];
	_ =	sdelay $0x7  }
0x2b6: {  	[tilespmem:v6+s19+$0x0] =	vst.idx.add.f32.msk $0x1, v5  }
0x2b7: {  	[tilespmem:v6+s19+$0x0] =	vst.idx.add.f32.msk vm0, v5  }
0x2b8: {  	[tilespmem:v6+s19+$0x0] =	vst.idx.add.f32.msk vm1, v5  }
0x2b9: {  	[tilespmem:v6+s19+$0x0] =	vst.idx.add.f32.msk vm2, v5  }
0x2ba: {  	[tilespmem:v6+s19+$0x0] =	vst.idx.add.f32.msk vm3, v5  }
0x2bb: {  	[tilespmem:v6+s19+$0x0] =	vst.idx.add.f32.msk vm4, v5  }
0x2bc: {  	[tilespmem:v6+s19+$0x0] =	vst.idx.add.f32.msk vm5, v5  }
0x2bd: {  	[tilespmem:v6+s19+$0x0] =	vst.idx.add.f32.msk vm6, v5  }
0x2be: {  	[tilespmem:v6+s19+$0x0] =	vst.idx.add.f32.msk vm7, v5  }
0x2bf: {  	[tilespmem:v6+s19+$0x0] =	vst.idx.add.f32.msk vm8, v5  }
0x2c0: {  	[tilespmem:v6+s19+$0x0] =	vst.idx.add.f32.msk vm9, v5  }
0x2c1: {  	[tilespmem:v6+s19+$0x0] =	vst.idx.add.f32.msk vm10, v5  }
0x2c2: {  	[tilespmem:v6+s19+$0x0] =	vst.idx.add.f32.msk vm11, v5  }
0x2c3: {  	[tilespmem:v6+s19+$0x0] =	vst.idx.add.f32.msk vm12, v5  }
0x2c4: {  	[tilespmem:v6+s19+$0x0] =	vst.idx.add.f32.msk vm13, v5  }
0x2c5: {  	[tilespmem:v6+s19+$0x0] =	vst.idx.add.f32.msk vm14, v5  }
0x2c6: {  	v6 =	vld [tilespmem:$0x20];
	_ =	sdelay $0x7  }
0x2c7: {  	[tilespmem:v6+s19+$0x0] =	vst.idx.add.f32.msk $0x1, v5  }
0x2c8: {  	[tilespmem:v6+s19+$0x0] =	vst.idx.add.f32.msk vm0, v5  }
0x2c9: {  	[tilespmem:v6+s19+$0x0] =	vst.idx.add.f32.msk vm1, v5  }
0x2ca: {  	[tilespmem:v6+s19+$0x0] =	vst.idx.add.f32.msk vm2, v5  }
0x2cb: {  	[tilespmem:v6+s19+$0x0] =	vst.idx.add.f32.msk vm3, v5  }
0x2cc: {  	[tilespmem:v6+s19+$0x0] =	vst.idx.add.f32.msk vm4, v5  }
0x2cd: {  	[tilespmem:v6+s19+$0x0] =	vst.idx.add.f32.msk vm5, v5  }
0x2ce: {  	[tilespmem:v6+s19+$0x0] =	vst.idx.add.f32.msk vm6, v5  }
0x2cf: {  	[tilespmem:v6+s19+$0x0] =	vst.idx.add.f32.msk vm7, v5  }
0x2d0: {  	[tilespmem:v6+s19+$0x0] =	vst.idx.add.f32.msk vm8, v5  }
0x2d1: {  	[tilespmem:v6+s19+$0x0] =	vst.idx.add.f32.msk vm9, v5  }
0x2d2: {  	[tilespmem:v6+s19+$0x0] =	vst.idx.add.f32.msk vm10, v5  }
0x2d3: {  	[tilespmem:v6+s19+$0x0] =	vst.idx.add.f32.msk vm11, v5  }
0x2d4: {  	[tilespmem:v6+s19+$0x0] =	vst.idx.add.f32.msk vm12, v5  }
0x2d5: {  	[tilespmem:v6+s19+$0x0] =	vst.idx.add.f32.msk vm13, v5  }
0x2d6: {  	[tilespmem:v6+s19+$0x0] =	vst.idx.add.f32.msk vm14, v5  }
0x2d7: {  	v6 =	vld [tilespmem:$0x30];
	_ =	sdelay $0x7  }
0x2d8: {  	[tilespmem:v6+s19+$0x0] =	vst.idx.add.f32.msk $0x1, v5  }
0x2d9: {  	[tilespmem:v6+s19+$0x0] =	vst.idx.add.f32.msk vm0, v5  }
0x2da: {  	[tilespmem:v6+s19+$0x0] =	vst.idx.add.f32.msk vm1, v5  }
0x2db: {  	[tilespmem:v6+s19+$0x0] =	vst.idx.add.f32.msk vm2, v5  }
0x2dc: {  	[tilespmem:v6+s19+$0x0] =	vst.idx.add.f32.msk vm3, v5  }
0x2dd: {  	[tilespmem:v6+s19+$0x0] =	vst.idx.add.f32.msk vm4, v5  }
0x2de: {  	[tilespmem:v6+s19+$0x0] =	vst.idx.add.f32.msk vm5, v5  }
0x2df: {  	[tilespmem:v6+s19+$0x0] =	vst.idx.add.f32.msk vm6, v5  }
0x2e0: {  	[tilespmem:v6+s19+$0x0] =	vst.idx.add.f32.msk vm7, v5  }
0x2e1: {  	[tilespmem:v6+s19+$0x0] =	vst.idx.add.f32.msk vm8, v5  }
0x2e2: {  	[tilespmem:v6+s19+$0x0] =	vst.idx.add.f32.msk vm9, v5  }
0x2e3: {  	[tilespmem:v6+s19+$0x0] =	vst.idx.add.f32.msk vm10, v5  }
0x2e4: {  	[tilespmem:v6+s19+$0x0] =	vst.idx.add.f32.msk vm11, v5  }
0x2e5: {  	[tilespmem:v6+s19+$0x0] =	vst.idx.add.f32.msk vm12, v5  }
0x2e6: {  	[tilespmem:v6+s19+$0x0] =	vst.idx.add.f32.msk vm13, v5  }
0x2e7: {  	[tilespmem:v6+s19+$0x0] =	vst.idx.add.f32.msk vm14, v5  }
0x2e8: {  	v6 =	vld [tilespmem:$0x40];
	_ =	sdelay $0x7  }
0x2e9: {  	[tilespmem:v6+s19+$0x0] =	vst.idx.add.f32.msk $0x1, v5  }
0x2ea: {  	[tilespmem:v6+s19+$0x0] =	vst.idx.add.f32.msk vm0, v5  }
0x2eb: {  	[tilespmem:v6+s19+$0x0] =	vst.idx.add.f32.msk vm1, v5  }
0x2ec: {  	[tilespmem:v6+s19+$0x0] =	vst.idx.add.f32.msk vm2, v5  }
0x2ed: {  	[tilespmem:v6+s19+$0x0] =	vst.idx.add.f32.msk vm3, v5  }
0x2ee: {  	[tilespmem:v6+s19+$0x0] =	vst.idx.add.f32.msk vm4, v5  }
0x2ef: {  	[tilespmem:v6+s19+$0x0] =	vst.idx.add.f32.msk vm5, v5  }
0x2f0: {  	[tilespmem:v6+s19+$0x0] =	vst.idx.add.f32.msk vm6, v5  }
0x2f1: {  	[tilespmem:v6+s19+$0x0] =	vst.idx.add.f32.msk vm7, v5  }
0x2f2: {  	[tilespmem:v6+s19+$0x0] =	vst.idx.add.f32.msk vm8, v5  }
0x2f3: {  	[tilespmem:v6+s19+$0x0] =	vst.idx.add.f32.msk vm9, v5  }
0x2f4: {  	[tilespmem:v6+s19+$0x0] =	vst.idx.add.f32.msk vm10, v5  }
0x2f5: {  	[tilespmem:v6+s19+$0x0] =	vst.idx.add.f32.msk vm11, v5  }
0x2f6: {  	[tilespmem:v6+s19+$0x0] =	vst.idx.add.f32.msk vm12, v5  }
0x2f7: {  	[tilespmem:v6+s19+$0x0] =	vst.idx.add.f32.msk vm13, v5  }
0x2f8: {  	[tilespmem:v6+s19+$0x0] =	vst.idx.add.f32.msk vm14, v5  }
0x2f9: {  	v6 =	vld [tilespmem:$0x50];
	_ =	sdelay $0x7  }
0x2fa: {  	[tilespmem:v6+s19+$0x0] =	vst.idx.add.f32.msk $0x1, v5  }
0x2fb: {  	[tilespmem:v6+s19+$0x0] =	vst.idx.add.f32.msk vm0, v5  }
0x2fc: {  	[tilespmem:v6+s19+$0x0] =	vst.idx.add.f32.msk vm1, v5  }
0x2fd: {  	[tilespmem:v6+s19+$0x0] =	vst.idx.add.f32.msk vm2, v5  }
0x2fe: {  	[tilespmem:v6+s19+$0x0] =	vst.idx.add.f32.msk vm3, v5  }
0x2ff: {  	[tilespmem:v6+s19+$0x0] =	vst.idx.add.f32.msk vm4, v5  }
0x300: {  	[tilespmem:v6+s19+$0x0] =	vst.idx.add.f32.msk vm5, v5  }
0x301: {  	[tilespmem:v6+s19+$0x0] =	vst.idx.add.f32.msk vm6, v5  }
0x302: {  	[tilespmem:v6+s19+$0x0] =	vst.idx.add.f32.msk vm7, v5  }
0x303: {  	[tilespmem:v6+s19+$0x0] =	vst.idx.add.f32.msk vm8, v5  }
0x304: {  	[tilespmem:v6+s19+$0x0] =	vst.idx.add.f32.msk vm9, v5  }
0x305: {  	[tilespmem:v6+s19+$0x0] =	vst.idx.add.f32.msk vm10, v5  }
0x306: {  	[tilespmem:v6+s19+$0x0] =	vst.idx.add.f32.msk vm11, v5  }
0x307: {  	[tilespmem:v6+s19+$0x0] =	vst.idx.add.f32.msk vm12, v5  }
0x308: {  	[tilespmem:v6+s19+$0x0] =	vst.idx.add.f32.msk vm13, v5  }
0x309: {  	[tilespmem:v6+s19+$0x0] =	vst.idx.add.f32.msk vm14, v5  }
0x30a: {  	v6 =	vld [tilespmem:$0x60];
	_ =	sdelay $0x7  }
0x30b: {  	[tilespmem:v6+s19+$0x0] =	vst.idx.add.f32.msk $0x1, v5  }
0x30c: {  	[tilespmem:v6+s19+$0x0] =	vst.idx.add.f32.msk vm0, v5  }
0x30d: {  	[tilespmem:v6+s19+$0x0] =	vst.idx.add.f32.msk vm1, v5  }
0x30e: {  	[tilespmem:v6+s19+$0x0] =	vst.idx.add.f32.msk vm2, v5  }
0x30f: {  	[tilespmem:v6+s19+$0x0] =	vst.idx.add.f32.msk vm3, v5  }
0x310: {  	[tilespmem:v6+s19+$0x0] =	vst.idx.add.f32.msk vm4, v5  }
0x311: {  	[tilespmem:v6+s19+$0x0] =	vst.idx.add.f32.msk vm5, v5  }
0x312: {  	[tilespmem:v6+s19+$0x0] =	vst.idx.add.f32.msk vm6, v5  }
0x313: {  	[tilespmem:v6+s19+$0x0] =	vst.idx.add.f32.msk vm7, v5  }
0x314: {  	[tilespmem:v6+s19+$0x0] =	vst.idx.add.f32.msk vm8, v5  }
0x315: {  	[tilespmem:v6+s19+$0x0] =	vst.idx.add.f32.msk vm9, v5  }
0x316: {  	[tilespmem:v6+s19+$0x0] =	vst.idx.add.f32.msk vm10, v5  }
0x317: {  	[tilespmem:v6+s19+$0x0] =	vst.idx.add.f32.msk vm11, v5  }
0x318: {  	[tilespmem:v6+s19+$0x0] =	vst.idx.add.f32.msk vm12, v5  }
0x319: {  	[tilespmem:v6+s19+$0x0] =	vst.idx.add.f32.msk vm13, v5  }
0x31a: {  	[tilespmem:v6+s19+$0x0] =	vst.idx.add.f32.msk vm14, v5  }
0x31b: {  	v6 =	vld [tilespmem:$0x70];
	_ =	sdelay $0x7  }
0x31c: {  	[tilespmem:v6+s19+$0x0] =	vst.idx.add.f32.msk $0x1, v5  }
0x31d: {  	[tilespmem:v6+s19+$0x0] =	vst.idx.add.f32.msk vm0, v5  }
0x31e: {  	[tilespmem:v6+s19+$0x0] =	vst.idx.add.f32.msk vm1, v5  }
0x31f: {  	[tilespmem:v6+s19+$0x0] =	vst.idx.add.f32.msk vm2, v5  }
0x320: {  	[tilespmem:v6+s19+$0x0] =	vst.idx.add.f32.msk vm3, v5  }
0x321: {  	[tilespmem:v6+s19+$0x0] =	vst.idx.add.f32.msk vm4, v5  }
0x322: {  	[tilespmem:v6+s19+$0x0] =	vst.idx.add.f32.msk vm5, v5  }
0x323: {  	[tilespmem:v6+s19+$0x0] =	vst.idx.add.f32.msk vm6, v5  }
0x324: {  	[tilespmem:v6+s19+$0x0] =	vst.idx.add.f32.msk vm7, v5  }
0x325: {  	[tilespmem:v6+s19+$0x0] =	vst.idx.add.f32.msk vm8, v5  }
0x326: {  	[tilespmem:v6+s19+$0x0] =	vst.idx.add.f32.msk vm9, v5  }
0x327: {  	[tilespmem:v6+s19+$0x0] =	vst.idx.add.f32.msk vm10, v5  }
0x328: {  	[tilespmem:v6+s19+$0x0] =	vst.idx.add.f32.msk vm11, v5  }
0x329: {  	[tilespmem:v6+s19+$0x0] =	vst.idx.add.f32.msk vm12, v5  }
0x32a: {  	[tilespmem:v6+s19+$0x0] =	vst.idx.add.f32.msk vm13, v5  }
0x32b: {  	[tilespmem:v6+s19+$0x0] =	vst.idx.add.f32.msk vm14, v5  }
0x32c: {  	_ =	swait.ge [sflag:s8], $0x4000  }
0x32d: {  	[sflag:s8] =	ssyncset.done $0x0  }
0x32e: {  	[sflag:s8] =	ssyncadd.s32 $0xFFFFC000  }
0x32f: {  	[spmem:s2] =	stream.indirect.scatter.add.f32 [tilespmem:s31], [sflag:$0x4], $0x80, s25, s20, $0xb8;
	[tilespmem:$0x1EC80] =	vst v63  }
0x330: {  	_ =	swait.ge [sflag:s9], $0x4000  }
0x331: {  	[sflag:s9] =	ssyncset.done $0x0  }
0x332: {  	s14 =	sadd.s32 $0x70, s14;
	[sflag:s9] =	ssyncadd.s32 $0xFFFFC000  }
0x333: {  	[tilespmem:s25], [sflag:$0x8] =	stream.linear.gather [hbm4b:s14+s4], $0x80, $0x38;
	[tilespmem:$0x1EC80] =	vst v63  }
0x334: {  	s17 =	sadd.s32 $0x70, s15  }
0x335: {  	[tilespmem:s26], [sflag:$0x8] =	stream.linear.gather [hbm4b:s17+s4], $0x80, $0x38;
	[tilespmem:$0x1EC80] =	vst v63  }
0x336: {  	_ =	swait.ge [sflag:s30], $0x80  }
0x337: {  	[sflag:s30] =	ssyncset.done $0x0  }
0x338: {  	[sflag:s30] =	ssyncadd.s32 $0xFFFFFF80  }
0x339: {  	_ =	swait.ge [sflag:s30], $0x80  }
0x33a: {  	[sflag:s30] =	ssyncset.done $0x0  }
0x33b: {  	[sflag:s30] =	ssyncadd.s32 $0xFFFFFF80  }
0x33c: {  	[tilespmem:s31], [sflag:$0x2] =	stream.indirect.gather [hbm4b:s1+s20], $0x80, s22, s20, $0xb8;
	[tilespmem:$0x1EC80] =	vst v63  }
0x33d: {  	v6 =	vld [tilespmem:$0x100];
	_ =	sdelay $0x7  }
0x33e: {  	[tilespmem:v6+s19+$0x0] =	vst.idx.add.f32.msk $0x1, v5  }
0x33f: {  	[tilespmem:v6+s19+$0x0] =	vst.idx.add.f32.msk vm0, v5  }
0x340: {  	[tilespmem:v6+s19+$0x0] =	vst.idx.add.f32.msk vm1, v5  }
0x341: {  	[tilespmem:v6+s19+$0x0] =	vst.idx.add.f32.msk vm2, v5  }
0x342: {  	[tilespmem:v6+s19+$0x0] =	vst.idx.add.f32.msk vm3, v5  }
0x343: {  	[tilespmem:v6+s19+$0x0] =	vst.idx.add.f32.msk vm4, v5  }
0x344: {  	[tilespmem:v6+s19+$0x0] =	vst.idx.add.f32.msk vm5, v5  }
0x345: {  	[tilespmem:v6+s19+$0x0] =	vst.idx.add.f32.msk vm6, v5  }
0x346: {  	[tilespmem:v6+s19+$0x0] =	vst.idx.add.f32.msk vm7, v5  }
0x347: {  	[tilespmem:v6+s19+$0x0] =	vst.idx.add.f32.msk vm8, v5  }
0x348: {  	[tilespmem:v6+s19+$0x0] =	vst.idx.add.f32.msk vm9, v5  }
0x349: {  	[tilespmem:v6+s19+$0x0] =	vst.idx.add.f32.msk vm10, v5  }
0x34a: {  	[tilespmem:v6+s19+$0x0] =	vst.idx.add.f32.msk vm11, v5  }
0x34b: {  	[tilespmem:v6+s19+$0x0] =	vst.idx.add.f32.msk vm12, v5  }
0x34c: {  	[tilespmem:v6+s19+$0x0] =	vst.idx.add.f32.msk vm13, v5  }
0x34d: {  	[tilespmem:v6+s19+$0x0] =	vst.idx.add.f32.msk vm14, v5  }
0x34e: {  	v6 =	vld [tilespmem:$0x110];
	_ =	sdelay $0x7  }
0x34f: {  	[tilespmem:v6+s19+$0x0] =	vst.idx.add.f32.msk $0x1, v5  }
0x350: {  	[tilespmem:v6+s19+$0x0] =	vst.idx.add.f32.msk vm0, v5  }
0x351: {  	[tilespmem:v6+s19+$0x0] =	vst.idx.add.f32.msk vm1, v5  }
0x352: {  	[tilespmem:v6+s19+$0x0] =	vst.idx.add.f32.msk vm2, v5  }
0x353: {  	[tilespmem:v6+s19+$0x0] =	vst.idx.add.f32.msk vm3, v5  }
0x354: {  	[tilespmem:v6+s19+$0x0] =	vst.idx.add.f32.msk vm4, v5  }
0x355: {  	[tilespmem:v6+s19+$0x0] =	vst.idx.add.f32.msk vm5, v5  }
0x356: {  	[tilespmem:v6+s19+$0x0] =	vst.idx.add.f32.msk vm6, v5  }
0x357: {  	[tilespmem:v6+s19+$0x0] =	vst.idx.add.f32.msk vm7, v5  }
0x358: {  	[tilespmem:v6+s19+$0x0] =	vst.idx.add.f32.msk vm8, v5  }
0x359: {  	[tilespmem:v6+s19+$0x0] =	vst.idx.add.f32.msk vm9, v5  }
0x35a: {  	[tilespmem:v6+s19+$0x0] =	vst.idx.add.f32.msk vm10, v5  }
0x35b: {  	[tilespmem:v6+s19+$0x0] =	vst.idx.add.f32.msk vm11, v5  }
0x35c: {  	[tilespmem:v6+s19+$0x0] =	vst.idx.add.f32.msk vm12, v5  }
0x35d: {  	[tilespmem:v6+s19+$0x0] =	vst.idx.add.f32.msk vm13, v5  }
0x35e: {  	[tilespmem:v6+s19+$0x0] =	vst.idx.add.f32.msk vm14, v5  }
0x35f: {  	v6 =	vld [tilespmem:$0x120];
	_ =	sdelay $0x7  }
0x360: {  	[tilespmem:v6+s19+$0x0] =	vst.idx.add.f32.msk $0x1, v5  }
0x361: {  	[tilespmem:v6+s19+$0x0] =	vst.idx.add.f32.msk vm0, v5  }
0x362: {  	[tilespmem:v6+s19+$0x0] =	vst.idx.add.f32.msk vm1, v5  }
0x363: {  	[tilespmem:v6+s19+$0x0] =	vst.idx.add.f32.msk vm2, v5  }
0x364: {  	[tilespmem:v6+s19+$0x0] =	vst.idx.add.f32.msk vm3, v5  }
0x365: {  	[tilespmem:v6+s19+$0x0] =	vst.idx.add.f32.msk vm4, v5  }
0x366: {  	[tilespmem:v6+s19+$0x0] =	vst.idx.add.f32.msk vm5, v5  }
0x367: {  	[tilespmem:v6+s19+$0x0] =	vst.idx.add.f32.msk vm6, v5  }
0x368: {  	[tilespmem:v6+s19+$0x0] =	vst.idx.add.f32.msk vm7, v5  }
0x369: {  	[tilespmem:v6+s19+$0x0] =	vst.idx.add.f32.msk vm8, v5  }
0x36a: {  	[tilespmem:v6+s19+$0x0] =	vst.idx.add.f32.msk vm9, v5  }
0x36b: {  	[tilespmem:v6+s19+$0x0] =	vst.idx.add.f32.msk vm10, v5  }
0x36c: {  	[tilespmem:v6+s19+$0x0] =	vst.idx.add.f32.msk vm11, v5  }
0x36d: {  	[tilespmem:v6+s19+$0x0] =	vst.idx.add.f32.msk vm12, v5  }
0x36e: {  	[tilespmem:v6+s19+$0x0] =	vst.idx.add.f32.msk vm13, v5  }
0x36f: {  	[tilespmem:v6+s19+$0x0] =	vst.idx.add.f32.msk vm14, v5  }
0x370: {  	v6 =	vld [tilespmem:$0x130];
	_ =	sdelay $0x7  }
0x371: {  	[tilespmem:v6+s19+$0x0] =	vst.idx.add.f32.msk $0x1, v5  }
0x372: {  	[tilespmem:v6+s19+$0x0] =	vst.idx.add.f32.msk vm0, v5  }
0x373: {  	[tilespmem:v6+s19+$0x0] =	vst.idx.add.f32.msk vm1, v5  }
0x374: {  	[tilespmem:v6+s19+$0x0] =	vst.idx.add.f32.msk vm2, v5  }
0x375: {  	[tilespmem:v6+s19+$0x0] =	vst.idx.add.f32.msk vm3, v5  }
0x376: {  	[tilespmem:v6+s19+$0x0] =	vst.idx.add.f32.msk vm4, v5  }
0x377: {  	[tilespmem:v6+s19+$0x0] =	vst.idx.add.f32.msk vm5, v5  }
0x378: {  	[tilespmem:v6+s19+$0x0] =	vst.idx.add.f32.msk vm6, v5  }
0x379: {  	[tilespmem:v6+s19+$0x0] =	vst.idx.add.f32.msk vm7, v5  }
0x37a: {  	[tilespmem:v6+s19+$0x0] =	vst.idx.add.f32.msk vm8, v5  }
0x37b: {  	[tilespmem:v6+s19+$0x0] =	vst.idx.add.f32.msk vm9, v5  }
0x37c: {  	[tilespmem:v6+s19+$0x0] =	vst.idx.add.f32.msk vm10, v5  }
0x37d: {  	[tilespmem:v6+s19+$0x0] =	vst.idx.add.f32.msk vm11, v5  }
0x37e: {  	[tilespmem:v6+s19+$0x0] =	vst.idx.add.f32.msk vm12, v5  }
0x37f: {  	[tilespmem:v6+s19+$0x0] =	vst.idx.add.f32.msk vm13, v5  }
0x380: {  	[tilespmem:v6+s19+$0x0] =	vst.idx.add.f32.msk vm14, v5  }
0x381: {  	v6 =	vld [tilespmem:$0x140];
	_ =	sdelay $0x7  }
0x382: {  	[tilespmem:v6+s19+$0x0] =	vst.idx.add.f32.msk $0x1, v5  }
0x383: {  	[tilespmem:v6+s19+$0x0] =	vst.idx.add.f32.msk vm0, v5  }
0x384: {  	[tilespmem:v6+s19+$0x0] =	vst.idx.add.f32.msk vm1, v5  }
0x385: {  	[tilespmem:v6+s19+$0x0] =	vst.idx.add.f32.msk vm2, v5  }
0x386: {  	[tilespmem:v6+s19+$0x0] =	vst.idx.add.f32.msk vm3, v5  }
0x387: {  	[tilespmem:v6+s19+$0x0] =	vst.idx.add.f32.msk vm4, v5  }
0x388: {  	[tilespmem:v6+s19+$0x0] =	vst.idx.add.f32.msk vm5, v5  }
0x389: {  	[tilespmem:v6+s19+$0x0] =	vst.idx.add.f32.msk vm6, v5  }
0x38a: {  	[tilespmem:v6+s19+$0x0] =	vst.idx.add.f32.msk vm7, v5  }
0x38b: {  	[tilespmem:v6+s19+$0x0] =	vst.idx.add.f32.msk vm8, v5  }
0x38c: {  	[tilespmem:v6+s19+$0x0] =	vst.idx.add.f32.msk vm9, v5  }
0x38d: {  	[tilespmem:v6+s19+$0x0] =	vst.idx.add.f32.msk vm10, v5  }
0x38e: {  	[tilespmem:v6+s19+$0x0] =	vst.idx.add.f32.msk vm11, v5  }
0x38f: {  	[tilespmem:v6+s19+$0x0] =	vst.idx.add.f32.msk vm12, v5  }
0x390: {  	[tilespmem:v6+s19+$0x0] =	vst.idx.add.f32.msk vm13, v5  }
0x391: {  	[tilespmem:v6+s19+$0x0] =	vst.idx.add.f32.msk vm14, v5  }
0x392: {  	v6 =	vld [tilespmem:$0x150];
	_ =	sdelay $0x7  }
0x393: {  	[tilespmem:v6+s19+$0x0] =	vst.idx.add.f32.msk $0x1, v5  }
0x394: {  	[tilespmem:v6+s19+$0x0] =	vst.idx.add.f32.msk vm0, v5  }
0x395: {  	[tilespmem:v6+s19+$0x0] =	vst.idx.add.f32.msk vm1, v5  }
0x396: {  	[tilespmem:v6+s19+$0x0] =	vst.idx.add.f32.msk vm2, v5  }
0x397: {  	[tilespmem:v6+s19+$0x0] =	vst.idx.add.f32.msk vm3, v5  }
0x398: {  	[tilespmem:v6+s19+$0x0] =	vst.idx.add.f32.msk vm4, v5  }
0x399: {  	[tilespmem:v6+s19+$0x0] =	vst.idx.add.f32.msk vm5, v5  }
0x39a: {  	[tilespmem:v6+s19+$0x0] =	vst.idx.add.f32.msk vm6, v5  }
0x39b: {  	[tilespmem:v6+s19+$0x0] =	vst.idx.add.f32.msk vm7, v5  }
0x39c: {  	[tilespmem:v6+s19+$0x0] =	vst.idx.add.f32.msk vm8, v5  }
0x39d: {  	[tilespmem:v6+s19+$0x0] =	vst.idx.add.f32.msk vm9, v5  }
0x39e: {  	[tilespmem:v6+s19+$0x0] =	vst.idx.add.f32.msk vm10, v5  }
0x39f: {  	[tilespmem:v6+s19+$0x0] =	vst.idx.add.f32.msk vm11, v5  }
0x3a0: {  	[tilespmem:v6+s19+$0x0] =	vst.idx.add.f32.msk vm12, v5  }
0x3a1: {  	[tilespmem:v6+s19+$0x0] =	vst.idx.add.f32.msk vm13, v5  }
0x3a2: {  	[tilespmem:v6+s19+$0x0] =	vst.idx.add.f32.msk vm14, v5  }
0x3a3: {  	v6 =	vld [tilespmem:$0x160];
	_ =	sdelay $0x7  }
0x3a4: {  	[tilespmem:v6+s19+$0x0] =	vst.idx.add.f32.msk $0x1, v5  }
0x3a5: {  	[tilespmem:v6+s19+$0x0] =	vst.idx.add.f32.msk vm0, v5  }
0x3a6: {  	[tilespmem:v6+s19+$0x0] =	vst.idx.add.f32.msk vm1, v5  }
0x3a7: {  	[tilespmem:v6+s19+$0x0] =	vst.idx.add.f32.msk vm2, v5  }
0x3a8: {  	[tilespmem:v6+s19+$0x0] =	vst.idx.add.f32.msk vm3, v5  }
0x3a9: {  	[tilespmem:v6+s19+$0x0] =	vst.idx.add.f32.msk vm4, v5  }
0x3aa: {  	[tilespmem:v6+s19+$0x0] =	vst.idx.add.f32.msk vm5, v5  }
0x3ab: {  	[tilespmem:v6+s19+$0x0] =	vst.idx.add.f32.msk vm6, v5  }
0x3ac: {  	[tilespmem:v6+s19+$0x0] =	vst.idx.add.f32.msk vm7, v5  }
0x3ad: {  	[tilespmem:v6+s19+$0x0] =	vst.idx.add.f32.msk vm8, v5  }
0x3ae: {  	[tilespmem:v6+s19+$0x0] =	vst.idx.add.f32.msk vm9, v5  }
0x3af: {  	[tilespmem:v6+s19+$0x0] =	vst.idx.add.f32.msk vm10, v5  }
0x3b0: {  	[tilespmem:v6+s19+$0x0] =	vst.idx.add.f32.msk vm11, v5  }
0x3b1: {  	[tilespmem:v6+s19+$0x0] =	vst.idx.add.f32.msk vm12, v5  }
0x3b2: {  	[tilespmem:v6+s19+$0x0] =	vst.idx.add.f32.msk vm13, v5  }
0x3b3: {  	[tilespmem:v6+s19+$0x0] =	vst.idx.add.f32.msk vm14, v5  }
0x3b4: {  	v6 =	vld [tilespmem:$0x170];
	_ =	sdelay $0x7  }
0x3b5: {  	[tilespmem:v6+s19+$0x0] =	vst.idx.add.f32.msk $0x1, v5  }
0x3b6: {  	[tilespmem:v6+s19+$0x0] =	vst.idx.add.f32.msk vm0, v5  }
0x3b7: {  	[tilespmem:v6+s19+$0x0] =	vst.idx.add.f32.msk vm1, v5  }
0x3b8: {  	[tilespmem:v6+s19+$0x0] =	vst.idx.add.f32.msk vm2, v5  }
0x3b9: {  	[tilespmem:v6+s19+$0x0] =	vst.idx.add.f32.msk vm3, v5  }
0x3ba: {  	[tilespmem:v6+s19+$0x0] =	vst.idx.add.f32.msk vm4, v5  }
0x3bb: {  	[tilespmem:v6+s19+$0x0] =	vst.idx.add.f32.msk vm5, v5  }
0x3bc: {  	[tilespmem:v6+s19+$0x0] =	vst.idx.add.f32.msk vm6, v5  }
0x3bd: {  	[tilespmem:v6+s19+$0x0] =	vst.idx.add.f32.msk vm7, v5  }
0x3be: {  	[tilespmem:v6+s19+$0x0] =	vst.idx.add.f32.msk vm8, v5  }
0x3bf: {  	p0 =	sne.s32 s13, $0x480;
	[tilespmem:v6+s19+$0x0] =	vst.idx.add.f32.msk vm9, v5  }
.Ltmp0:
0x3c0: {  	[tilespmem:v6+s19+$0x0] =	vst.idx.add.f32.msk vm10, v5;
	(pc) =	sbr.rel @p0 .LBB2_2-.Ltmp0, $4  }
0x3c1: {  	[tilespmem:v6+s19+$0x0] =	vst.idx.add.f32.msk vm11, v5  }
0x3c2: {  	[tilespmem:v6+s19+$0x0] =	vst.idx.add.f32.msk vm12, v5  }
0x3c3: {  	[tilespmem:v6+s19+$0x0] =	vst.idx.add.f32.msk vm13, v5  }
0x3c4: {  	s13 =	sadd.s32 $0x40, s13;
	[tilespmem:v6+s19+$0x0] =	vst.idx.add.f32.msk vm14, v5  }
0x3c5: {  	_ =	swait.ge [sflag:s0], $0x4000  }
0x3c6: {  	[sflag:s0] =	ssyncset.done $0x0  }
0x3c7: {  	[sflag:s0] =	ssyncadd.s32 $0xFFFFC000  }
0x3c8: {  	[spmem:s2] =	stream.indirect.scatter.add.f32 [tilespmem:s29], [sflag:$0x3], $0x80, s4, s20, $0xb8;
	[tilespmem:$0x1EC80] =	vst v63  }
0x3c9: {  	_ =	swait.ge [sflag:s3], $0x4000  }
0x3ca: {  	[sflag:s3] =	ssyncset.done $0x0  }
0x3cb: {  	[sflag:s3] =	ssyncadd.s32 $0xFFFFC000  }
0x3cc: {  	_ =	swait.ge [sflag:s6], $0x80  }
0x3cd: {  	[sflag:s6] =	ssyncset.done $0x0  }
0x3ce: {  	[sflag:s6] =	ssyncadd.s32 $0xFFFFFF80  }
0x3cf: {  	_ =	swait.ge [sflag:s6], $0x80  }
0x3d0: {  	[sflag:s6] =	ssyncset.done $0x0  }
0x3d1: {  	[sflag:s6] =	ssyncadd.s32 $0xFFFFFF80  }
0x3d2: {  	[tilespmem:s29], [sflag:$0x1] =	stream.indirect.gather [hbm4b:s1+s20], $0x80, s24, s20, $0xb8;
	[tilespmem:$0x1EC80] =	vst v63  }
0x3d3: {  	v6 =	vld [tilespmem:$0x200];
	_ =	sdelay $0x7  }
0x3d4: {  	[tilespmem:v6+s19+$0x0] =	vst.idx.add.f32.msk $0x1, v5  }
0x3d5: {  	[tilespmem:v6+s19+$0x0] =	vst.idx.add.f32.msk vm0, v5  }
0x3d6: {  	[tilespmem:v6+s19+$0x0] =	vst.idx.add.f32.msk vm1, v5  }
0x3d7: {  	[tilespmem:v6+s19+$0x0] =	vst.idx.add.f32.msk vm2, v5  }
0x3d8: {  	[tilespmem:v6+s19+$0x0] =	vst.idx.add.f32.msk vm3, v5  }
0x3d9: {  	[tilespmem:v6+s19+$0x0] =	vst.idx.add.f32.msk vm4, v5  }
0x3da: {  	[tilespmem:v6+s19+$0x0] =	vst.idx.add.f32.msk vm5, v5  }
0x3db: {  	[tilespmem:v6+s19+$0x0] =	vst.idx.add.f32.msk vm6, v5  }
0x3dc: {  	[tilespmem:v6+s19+$0x0] =	vst.idx.add.f32.msk vm7, v5  }
0x3dd: {  	[tilespmem:v6+s19+$0x0] =	vst.idx.add.f32.msk vm8, v5  }
0x3de: {  	[tilespmem:v6+s19+$0x0] =	vst.idx.add.f32.msk vm9, v5  }
0x3df: {  	[tilespmem:v6+s19+$0x0] =	vst.idx.add.f32.msk vm10, v5  }
0x3e0: {  	[tilespmem:v6+s19+$0x0] =	vst.idx.add.f32.msk vm11, v5  }
0x3e1: {  	[tilespmem:v6+s19+$0x0] =	vst.idx.add.f32.msk vm12, v5  }
0x3e2: {  	[tilespmem:v6+s19+$0x0] =	vst.idx.add.f32.msk vm13, v5  }
0x3e3: {  	[tilespmem:v6+s19+$0x0] =	vst.idx.add.f32.msk vm14, v5  }
0x3e4: {  	v6 =	vld [tilespmem:$0x210];
	_ =	sdelay $0x7  }
0x3e5: {  	[tilespmem:v6+s19+$0x0] =	vst.idx.add.f32.msk $0x1, v5  }
0x3e6: {  	[tilespmem:v6+s19+$0x0] =	vst.idx.add.f32.msk vm0, v5  }
0x3e7: {  	[tilespmem:v6+s19+$0x0] =	vst.idx.add.f32.msk vm1, v5  }
0x3e8: {  	[tilespmem:v6+s19+$0x0] =	vst.idx.add.f32.msk vm2, v5  }
0x3e9: {  	[tilespmem:v6+s19+$0x0] =	vst.idx.add.f32.msk vm3, v5  }
0x3ea: {  	[tilespmem:v6+s19+$0x0] =	vst.idx.add.f32.msk vm4, v5  }
0x3eb: {  	[tilespmem:v6+s19+$0x0] =	vst.idx.add.f32.msk vm5, v5  }
0x3ec: {  	[tilespmem:v6+s19+$0x0] =	vst.idx.add.f32.msk vm6, v5  }
0x3ed: {  	[tilespmem:v6+s19+$0x0] =	vst.idx.add.f32.msk vm7, v5  }
0x3ee: {  	[tilespmem:v6+s19+$0x0] =	vst.idx.add.f32.msk vm8, v5  }
0x3ef: {  	[tilespmem:v6+s19+$0x0] =	vst.idx.add.f32.msk vm9, v5  }
0x3f0: {  	[tilespmem:v6+s19+$0x0] =	vst.idx.add.f32.msk vm10, v5  }
0x3f1: {  	[tilespmem:v6+s19+$0x0] =	vst.idx.add.f32.msk vm11, v5  }
0x3f2: {  	[tilespmem:v6+s19+$0x0] =	vst.idx.add.f32.msk vm12, v5  }
0x3f3: {  	[tilespmem:v6+s19+$0x0] =	vst.idx.add.f32.msk vm13, v5  }
0x3f4: {  	[tilespmem:v6+s19+$0x0] =	vst.idx.add.f32.msk vm14, v5  }
0x3f5: {  	v6 =	vld [tilespmem:$0x220];
	_ =	sdelay $0x7  }
0x3f6: {  	[tilespmem:v6+s19+$0x0] =	vst.idx.add.f32.msk $0x1, v5  }
0x3f7: {  	[tilespmem:v6+s19+$0x0] =	vst.idx.add.f32.msk vm0, v5  }
0x3f8: {  	[tilespmem:v6+s19+$0x0] =	vst.idx.add.f32.msk vm1, v5  }
0x3f9: {  	[tilespmem:v6+s19+$0x0] =	vst.idx.add.f32.msk vm2, v5  }
0x3fa: {  	[tilespmem:v6+s19+$0x0] =	vst.idx.add.f32.msk vm3, v5  }
0x3fb: {  	[tilespmem:v6+s19+$0x0] =	vst.idx.add.f32.msk vm4, v5  }
0x3fc: {  	[tilespmem:v6+s19+$0x0] =	vst.idx.add.f32.msk vm5, v5  }
0x3fd: {  	[tilespmem:v6+s19+$0x0] =	vst.idx.add.f32.msk vm6, v5  }
0x3fe: {  	[tilespmem:v6+s19+$0x0] =	vst.idx.add.f32.msk vm7, v5  }
0x3ff: {  	[tilespmem:v6+s19+$0x0] =	vst.idx.add.f32.msk vm8, v5  }
0x400: {  	[tilespmem:v6+s19+$0x0] =	vst.idx.add.f32.msk vm9, v5  }
0x401: {  	[tilespmem:v6+s19+$0x0] =	vst.idx.add.f32.msk vm10, v5  }
0x402: {  	[tilespmem:v6+s19+$0x0] =	vst.idx.add.f32.msk vm11, v5  }
0x403: {  	[tilespmem:v6+s19+$0x0] =	vst.idx.add.f32.msk vm12, v5  }
0x404: {  	[tilespmem:v6+s19+$0x0] =	vst.idx.add.f32.msk vm13, v5  }
0x405: {  	[tilespmem:v6+s19+$0x0] =	vst.idx.add.f32.msk vm14, v5  }
0x406: {  	v6 =	vld [tilespmem:$0x230];
	_ =	sdelay $0x7  }
0x407: {  	[tilespmem:v6+s19+$0x0] =	vst.idx.add.f32.msk $0x1, v5  }
0x408: {  	[tilespmem:v6+s19+$0x0] =	vst.idx.add.f32.msk vm0, v5  }
0x409: {  	[tilespmem:v6+s19+$0x0] =	vst.idx.add.f32.msk vm1, v5  }
0x40a: {  	[tilespmem:v6+s19+$0x0] =	vst.idx.add.f32.msk vm2, v5  }
0x40b: {  	[tilespmem:v6+s19+$0x0] =	vst.idx.add.f32.msk vm3, v5  }
0x40c: {  	[tilespmem:v6+s19+$0x0] =	vst.idx.add.f32.msk vm4, v5  }
0x40d: {  	[tilespmem:v6+s19+$0x0] =	vst.idx.add.f32.msk vm5, v5  }
0x40e: {  	[tilespmem:v6+s19+$0x0] =	vst.idx.add.f32.msk vm6, v5  }
0x40f: {  	[tilespmem:v6+s19+$0x0] =	vst.idx.add.f32.msk vm7, v5  }
0x410: {  	[tilespmem:v6+s19+$0x0] =	vst.idx.add.f32.msk vm8, v5  }
0x411: {  	[tilespmem:v6+s19+$0x0] =	vst.idx.add.f32.msk vm9, v5  }
0x412: {  	[tilespmem:v6+s19+$0x0] =	vst.idx.add.f32.msk vm10, v5  }
0x413: {  	[tilespmem:v6+s19+$0x0] =	vst.idx.add.f32.msk vm11, v5  }
0x414: {  	[tilespmem:v6+s19+$0x0] =	vst.idx.add.f32.msk vm12, v5  }
0x415: {  	[tilespmem:v6+s19+$0x0] =	vst.idx.add.f32.msk vm13, v5  }
0x416: {  	[tilespmem:v6+s19+$0x0] =	vst.idx.add.f32.msk vm14, v5  }
0x417: {  	v6 =	vld [tilespmem:$0x240];
	_ =	sdelay $0x7  }
0x418: {  	[tilespmem:v6+s19+$0x0] =	vst.idx.add.f32.msk $0x1, v5  }
0x419: {  	[tilespmem:v6+s19+$0x0] =	vst.idx.add.f32.msk vm0, v5  }
0x41a: {  	[tilespmem:v6+s19+$0x0] =	vst.idx.add.f32.msk vm1, v5  }
0x41b: {  	[tilespmem:v6+s19+$0x0] =	vst.idx.add.f32.msk vm2, v5  }
0x41c: {  	[tilespmem:v6+s19+$0x0] =	vst.idx.add.f32.msk vm3, v5  }
0x41d: {  	[tilespmem:v6+s19+$0x0] =	vst.idx.add.f32.msk vm4, v5  }
0x41e: {  	[tilespmem:v6+s19+$0x0] =	vst.idx.add.f32.msk vm5, v5  }
0x41f: {  	[tilespmem:v6+s19+$0x0] =	vst.idx.add.f32.msk vm6, v5  }
0x420: {  	[tilespmem:v6+s19+$0x0] =	vst.idx.add.f32.msk vm7, v5  }
0x421: {  	[tilespmem:v6+s19+$0x0] =	vst.idx.add.f32.msk vm8, v5  }
0x422: {  	[tilespmem:v6+s19+$0x0] =	vst.idx.add.f32.msk vm9, v5  }
0x423: {  	[tilespmem:v6+s19+$0x0] =	vst.idx.add.f32.msk vm10, v5  }
0x424: {  	[tilespmem:v6+s19+$0x0] =	vst.idx.add.f32.msk vm11, v5  }
0x425: {  	[tilespmem:v6+s19+$0x0] =	vst.idx.add.f32.msk vm12, v5  }
0x426: {  	[tilespmem:v6+s19+$0x0] =	vst.idx.add.f32.msk vm13, v5  }
0x427: {  	[tilespmem:v6+s19+$0x0] =	vst.idx.add.f32.msk vm14, v5  }
0x428: {  	v6 =	vld [tilespmem:$0x250];
	_ =	sdelay $0x7  }
0x429: {  	[tilespmem:v6+s19+$0x0] =	vst.idx.add.f32.msk $0x1, v5  }
0x42a: {  	[tilespmem:v6+s19+$0x0] =	vst.idx.add.f32.msk vm0, v5  }
0x42b: {  	[tilespmem:v6+s19+$0x0] =	vst.idx.add.f32.msk vm1, v5  }
0x42c: {  	[tilespmem:v6+s19+$0x0] =	vst.idx.add.f32.msk vm2, v5  }
0x42d: {  	[tilespmem:v6+s19+$0x0] =	vst.idx.add.f32.msk vm3, v5  }
0x42e: {  	[tilespmem:v6+s19+$0x0] =	vst.idx.add.f32.msk vm4, v5  }
0x42f: {  	[tilespmem:v6+s19+$0x0] =	vst.idx.add.f32.msk vm5, v5  }
0x430: {  	[tilespmem:v6+s19+$0x0] =	vst.idx.add.f32.msk vm6, v5  }
0x431: {  	[tilespmem:v6+s19+$0x0] =	vst.idx.add.f32.msk vm7, v5  }
0x432: {  	[tilespmem:v6+s19+$0x0] =	vst.idx.add.f32.msk vm8, v5  }
0x433: {  	[tilespmem:v6+s19+$0x0] =	vst.idx.add.f32.msk vm9, v5  }
0x434: {  	[tilespmem:v6+s19+$0x0] =	vst.idx.add.f32.msk vm10, v5  }
0x435: {  	[tilespmem:v6+s19+$0x0] =	vst.idx.add.f32.msk vm11, v5  }
0x436: {  	[tilespmem:v6+s19+$0x0] =	vst.idx.add.f32.msk vm12, v5  }
0x437: {  	[tilespmem:v6+s19+$0x0] =	vst.idx.add.f32.msk vm13, v5  }
0x438: {  	[tilespmem:v6+s19+$0x0] =	vst.idx.add.f32.msk vm14, v5  }
0x439: {  	v6 =	vld [tilespmem:$0x260];
	_ =	sdelay $0x7  }
0x43a: {  	[tilespmem:v6+s19+$0x0] =	vst.idx.add.f32.msk $0x1, v5  }
0x43b: {  	[tilespmem:v6+s19+$0x0] =	vst.idx.add.f32.msk vm0, v5  }
0x43c: {  	[tilespmem:v6+s19+$0x0] =	vst.idx.add.f32.msk vm1, v5  }
0x43d: {  	[tilespmem:v6+s19+$0x0] =	vst.idx.add.f32.msk vm2, v5  }
0x43e: {  	[tilespmem:v6+s19+$0x0] =	vst.idx.add.f32.msk vm3, v5  }
0x43f: {  	[tilespmem:v6+s19+$0x0] =	vst.idx.add.f32.msk vm4, v5  }
0x440: {  	[tilespmem:v6+s19+$0x0] =	vst.idx.add.f32.msk vm5, v5  }
0x441: {  	[tilespmem:v6+s19+$0x0] =	vst.idx.add.f32.msk vm6, v5  }
0x442: {  	[tilespmem:v6+s19+$0x0] =	vst.idx.add.f32.msk vm7, v5  }
0x443: {  	[tilespmem:v6+s19+$0x0] =	vst.idx.add.f32.msk vm8, v5  }
0x444: {  	[tilespmem:v6+s19+$0x0] =	vst.idx.add.f32.msk vm9, v5  }
0x445: {  	[tilespmem:v6+s19+$0x0] =	vst.idx.add.f32.msk vm10, v5  }
0x446: {  	[tilespmem:v6+s19+$0x0] =	vst.idx.add.f32.msk vm11, v5  }
0x447: {  	[tilespmem:v6+s19+$0x0] =	vst.idx.add.f32.msk vm12, v5  }
0x448: {  	[tilespmem:v6+s19+$0x0] =	vst.idx.add.f32.msk vm13, v5  }
0x449: {  	[tilespmem:v6+s19+$0x0] =	vst.idx.add.f32.msk vm14, v5  }
0x44a: {  	v6 =	vld [tilespmem:$0x270];
	_ =	sdelay $0x7  }
0x44b: {  	[tilespmem:v6+s19+$0x0] =	vst.idx.add.f32.msk $0x1, v5  }
0x44c: {  	[tilespmem:v6+s19+$0x0] =	vst.idx.add.f32.msk vm0, v5  }
0x44d: {  	[tilespmem:v6+s19+$0x0] =	vst.idx.add.f32.msk vm1, v5  }
0x44e: {  	[tilespmem:v6+s19+$0x0] =	vst.idx.add.f32.msk vm2, v5  }
0x44f: {  	[tilespmem:v6+s19+$0x0] =	vst.idx.add.f32.msk vm3, v5  }
0x450: {  	[tilespmem:v6+s19+$0x0] =	vst.idx.add.f32.msk vm4, v5  }
0x451: {  	[tilespmem:v6+s19+$0x0] =	vst.idx.add.f32.msk vm5, v5  }
0x452: {  	[tilespmem:v6+s19+$0x0] =	vst.idx.add.f32.msk vm6, v5  }
0x453: {  	[tilespmem:v6+s19+$0x0] =	vst.idx.add.f32.msk vm7, v5  }
0x454: {  	[tilespmem:v6+s19+$0x0] =	vst.idx.add.f32.msk vm8, v5  }
0x455: {  	[tilespmem:v6+s19+$0x0] =	vst.idx.add.f32.msk vm9, v5  }
0x456: {  	[tilespmem:v6+s19+$0x0] =	vst.idx.add.f32.msk vm10, v5  }
0x457: {  	[tilespmem:v6+s19+$0x0] =	vst.idx.add.f32.msk vm11, v5  }
0x458: {  	[tilespmem:v6+s19+$0x0] =	vst.idx.add.f32.msk vm12, v5  }
0x459: {  	[tilespmem:v6+s19+$0x0] =	vst.idx.add.f32.msk vm13, v5  }
0x45a: {  	[tilespmem:v6+s19+$0x0] =	vst.idx.add.f32.msk vm14, v5  }
0x45b: {  	_ =	swait.ge [sflag:s8], $0x4000  }
0x45c: {  	[sflag:s8] =	ssyncset.done $0x0  }
0x45d: {  	[sflag:s8] =	ssyncadd.s32 $0xFFFFC000  }
0x45e: {  	[spmem:s2] =	stream.indirect.scatter.add.f32 [tilespmem:s31], [sflag:$0x4], $0x80, s21, s20, $0xb8;
	[tilespmem:$0x1EC80] =	vst v63  }
0x45f: {  	_ =	swait.ge [sflag:s9], $0x4000  }
0x460: {  	[sflag:s9] =	ssyncset.done $0x0  }
0x461: {  	[sflag:s9] =	ssyncadd.s32 $0xFFFFC000  }
0x462: {  	_ =	swait.ge [sflag:s10], $0x80  }
0x463: {  	[sflag:s10] =	ssyncset.done $0x0  }
0x464: {  	[sflag:s10] =	ssyncadd.s32 $0xFFFFFF80  }
0x465: {  	_ =	swait.ge [sflag:s10], $0x80  }
0x466: {  	[sflag:s10] =	ssyncset.done $0x0  }
0x467: {  	[sflag:s10] =	ssyncadd.s32 $0xFFFFFF80  }
0x468: {  	[tilespmem:s31], [sflag:$0x2] =	stream.indirect.gather [hbm4b:s1+s20], $0x80, s26, s20, $0xb8;
	[tilespmem:$0x1EC80] =	vst v63  }
0x469: {  	v6 =	vld [tilespmem:$0x300];
	_ =	sdelay $0x7  }
0x46a: {  	[tilespmem:v6+s19+$0x0] =	vst.idx.add.f32.msk $0x1, v5  }
0x46b: {  	[tilespmem:v6+s19+$0x0] =	vst.idx.add.f32.msk vm0, v5  }
0x46c: {  	[tilespmem:v6+s19+$0x0] =	vst.idx.add.f32.msk vm1, v5  }
0x46d: {  	[tilespmem:v6+s19+$0x0] =	vst.idx.add.f32.msk vm2, v5  }
0x46e: {  	[tilespmem:v6+s19+$0x0] =	vst.idx.add.f32.msk vm3, v5  }
0x46f: {  	[tilespmem:v6+s19+$0x0] =	vst.idx.add.f32.msk vm4, v5  }
0x470: {  	[tilespmem:v6+s19+$0x0] =	vst.idx.add.f32.msk vm5, v5  }
0x471: {  	[tilespmem:v6+s19+$0x0] =	vst.idx.add.f32.msk vm6, v5  }
0x472: {  	[tilespmem:v6+s19+$0x0] =	vst.idx.add.f32.msk vm7, v5  }
0x473: {  	[tilespmem:v6+s19+$0x0] =	vst.idx.add.f32.msk vm8, v5  }
0x474: {  	[tilespmem:v6+s19+$0x0] =	vst.idx.add.f32.msk vm9, v5  }
0x475: {  	[tilespmem:v6+s19+$0x0] =	vst.idx.add.f32.msk vm10, v5  }
0x476: {  	[tilespmem:v6+s19+$0x0] =	vst.idx.add.f32.msk vm11, v5  }
0x477: {  	[tilespmem:v6+s19+$0x0] =	vst.idx.add.f32.msk vm12, v5  }
0x478: {  	[tilespmem:v6+s19+$0x0] =	vst.idx.add.f32.msk vm13, v5  }
0x479: {  	[tilespmem:v6+s19+$0x0] =	vst.idx.add.f32.msk vm14, v5  }
0x47a: {  	v6 =	vld [tilespmem:$0x310];
	_ =	sdelay $0x7  }
0x47b: {  	[tilespmem:v6+s19+$0x0] =	vst.idx.add.f32.msk $0x1, v5  }
0x47c: {  	[tilespmem:v6+s19+$0x0] =	vst.idx.add.f32.msk vm0, v5  }
0x47d: {  	[tilespmem:v6+s19+$0x0] =	vst.idx.add.f32.msk vm1, v5  }
0x47e: {  	[tilespmem:v6+s19+$0x0] =	vst.idx.add.f32.msk vm2, v5  }
0x47f: {  	[tilespmem:v6+s19+$0x0] =	vst.idx.add.f32.msk vm3, v5  }
0x480: {  	[tilespmem:v6+s19+$0x0] =	vst.idx.add.f32.msk vm4, v5  }
0x481: {  	[tilespmem:v6+s19+$0x0] =	vst.idx.add.f32.msk vm5, v5  }
0x482: {  	[tilespmem:v6+s19+$0x0] =	vst.idx.add.f32.msk vm6, v5  }
0x483: {  	[tilespmem:v6+s19+$0x0] =	vst.idx.add.f32.msk vm7, v5  }
0x484: {  	[tilespmem:v6+s19+$0x0] =	vst.idx.add.f32.msk vm8, v5  }
0x485: {  	[tilespmem:v6+s19+$0x0] =	vst.idx.add.f32.msk vm9, v5  }
0x486: {  	[tilespmem:v6+s19+$0x0] =	vst.idx.add.f32.msk vm10, v5  }
0x487: {  	[tilespmem:v6+s19+$0x0] =	vst.idx.add.f32.msk vm11, v5  }
0x488: {  	[tilespmem:v6+s19+$0x0] =	vst.idx.add.f32.msk vm12, v5  }
0x489: {  	[tilespmem:v6+s19+$0x0] =	vst.idx.add.f32.msk vm13, v5  }
0x48a: {  	[tilespmem:v6+s19+$0x0] =	vst.idx.add.f32.msk vm14, v5  }
0x48b: {  	v6 =	vld [tilespmem:$0x320];
	_ =	sdelay $0x7  }
0x48c: {  	[tilespmem:v6+s19+$0x0] =	vst.idx.add.f32.msk $0x1, v5  }
0x48d: {  	[tilespmem:v6+s19+$0x0] =	vst.idx.add.f32.msk vm0, v5  }
0x48e: {  	[tilespmem:v6+s19+$0x0] =	vst.idx.add.f32.msk vm1, v5  }
0x48f: {  	[tilespmem:v6+s19+$0x0] =	vst.idx.add.f32.msk vm2, v5  }
0x490: {  	[tilespmem:v6+s19+$0x0] =	vst.idx.add.f32.msk vm3, v5  }
0x491: {  	[tilespmem:v6+s19+$0x0] =	vst.idx.add.f32.msk vm4, v5  }
0x492: {  	[tilespmem:v6+s19+$0x0] =	vst.idx.add.f32.msk vm5, v5  }
0x493: {  	[tilespmem:v6+s19+$0x0] =	vst.idx.add.f32.msk vm6, v5  }
0x494: {  	[tilespmem:v6+s19+$0x0] =	vst.idx.add.f32.msk vm7, v5  }
0x495: {  	[tilespmem:v6+s19+$0x0] =	vst.idx.add.f32.msk vm8, v5  }
0x496: {  	[tilespmem:v6+s19+$0x0] =	vst.idx.add.f32.msk vm9, v5  }
0x497: {  	[tilespmem:v6+s19+$0x0] =	vst.idx.add.f32.msk vm10, v5  }
0x498: {  	[tilespmem:v6+s19+$0x0] =	vst.idx.add.f32.msk vm11, v5  }
0x499: {  	[tilespmem:v6+s19+$0x0] =	vst.idx.add.f32.msk vm12, v5  }
0x49a: {  	[tilespmem:v6+s19+$0x0] =	vst.idx.add.f32.msk vm13, v5  }
0x49b: {  	[tilespmem:v6+s19+$0x0] =	vst.idx.add.f32.msk vm14, v5  }
0x49c: {  	v6 =	vld [tilespmem:$0x330];
	_ =	sdelay $0x7  }
0x49d: {  	[tilespmem:v6+s19+$0x0] =	vst.idx.add.f32.msk $0x1, v5  }
0x49e: {  	[tilespmem:v6+s19+$0x0] =	vst.idx.add.f32.msk vm0, v5  }
0x49f: {  	[tilespmem:v6+s19+$0x0] =	vst.idx.add.f32.msk vm1, v5  }
0x4a0: {  	[tilespmem:v6+s19+$0x0] =	vst.idx.add.f32.msk vm2, v5  }
0x4a1: {  	[tilespmem:v6+s19+$0x0] =	vst.idx.add.f32.msk vm3, v5  }
0x4a2: {  	[tilespmem:v6+s19+$0x0] =	vst.idx.add.f32.msk vm4, v5  }
0x4a3: {  	[tilespmem:v6+s19+$0x0] =	vst.idx.add.f32.msk vm5, v5  }
0x4a4: {  	[tilespmem:v6+s19+$0x0] =	vst.idx.add.f32.msk vm6, v5  }
0x4a5: {  	[tilespmem:v6+s19+$0x0] =	vst.idx.add.f32.msk vm7, v5  }
0x4a6: {  	[tilespmem:v6+s19+$0x0] =	vst.idx.add.f32.msk vm8, v5  }
0x4a7: {  	[tilespmem:v6+s19+$0x0] =	vst.idx.add.f32.msk vm9, v5  }
0x4a8: {  	[tilespmem:v6+s19+$0x0] =	vst.idx.add.f32.msk vm10, v5  }
0x4a9: {  	[tilespmem:v6+s19+$0x0] =	vst.idx.add.f32.msk vm11, v5  }
0x4aa: {  	[tilespmem:v6+s19+$0x0] =	vst.idx.add.f32.msk vm12, v5  }
0x4ab: {  	[tilespmem:v6+s19+$0x0] =	vst.idx.add.f32.msk vm13, v5  }
0x4ac: {  	[tilespmem:v6+s19+$0x0] =	vst.idx.add.f32.msk vm14, v5  }
0x4ad: {  	v6 =	vld [tilespmem:$0x340];
	_ =	sdelay $0x7  }
0x4ae: {  	[tilespmem:v6+s19+$0x0] =	vst.idx.add.f32.msk $0x1, v5  }
0x4af: {  	[tilespmem:v6+s19+$0x0] =	vst.idx.add.f32.msk vm0, v5  }
0x4b0: {  	[tilespmem:v6+s19+$0x0] =	vst.idx.add.f32.msk vm1, v5  }
0x4b1: {  	[tilespmem:v6+s19+$0x0] =	vst.idx.add.f32.msk vm2, v5  }
0x4b2: {  	[tilespmem:v6+s19+$0x0] =	vst.idx.add.f32.msk vm3, v5  }
0x4b3: {  	[tilespmem:v6+s19+$0x0] =	vst.idx.add.f32.msk vm4, v5  }
0x4b4: {  	[tilespmem:v6+s19+$0x0] =	vst.idx.add.f32.msk vm5, v5  }
0x4b5: {  	[tilespmem:v6+s19+$0x0] =	vst.idx.add.f32.msk vm6, v5  }
0x4b6: {  	[tilespmem:v6+s19+$0x0] =	vst.idx.add.f32.msk vm7, v5  }
0x4b7: {  	[tilespmem:v6+s19+$0x0] =	vst.idx.add.f32.msk vm8, v5  }
0x4b8: {  	[tilespmem:v6+s19+$0x0] =	vst.idx.add.f32.msk vm9, v5  }
0x4b9: {  	[tilespmem:v6+s19+$0x0] =	vst.idx.add.f32.msk vm10, v5  }
0x4ba: {  	[tilespmem:v6+s19+$0x0] =	vst.idx.add.f32.msk vm11, v5  }
0x4bb: {  	[tilespmem:v6+s19+$0x0] =	vst.idx.add.f32.msk vm12, v5  }
0x4bc: {  	[tilespmem:v6+s19+$0x0] =	vst.idx.add.f32.msk vm13, v5  }
0x4bd: {  	[tilespmem:v6+s19+$0x0] =	vst.idx.add.f32.msk vm14, v5  }
0x4be: {  	v6 =	vld [tilespmem:$0x350];
	_ =	sdelay $0x7  }
0x4bf: {  	[tilespmem:v6+s19+$0x0] =	vst.idx.add.f32.msk $0x1, v5  }
0x4c0: {  	[tilespmem:v6+s19+$0x0] =	vst.idx.add.f32.msk vm0, v5  }
0x4c1: {  	[tilespmem:v6+s19+$0x0] =	vst.idx.add.f32.msk vm1, v5  }
0x4c2: {  	[tilespmem:v6+s19+$0x0] =	vst.idx.add.f32.msk vm2, v5  }
0x4c3: {  	[tilespmem:v6+s19+$0x0] =	vst.idx.add.f32.msk vm3, v5  }
0x4c4: {  	[tilespmem:v6+s19+$0x0] =	vst.idx.add.f32.msk vm4, v5  }
0x4c5: {  	[tilespmem:v6+s19+$0x0] =	vst.idx.add.f32.msk vm5, v5  }
0x4c6: {  	[tilespmem:v6+s19+$0x0] =	vst.idx.add.f32.msk vm6, v5  }
0x4c7: {  	[tilespmem:v6+s19+$0x0] =	vst.idx.add.f32.msk vm7, v5  }
0x4c8: {  	[tilespmem:v6+s19+$0x0] =	vst.idx.add.f32.msk vm8, v5  }
0x4c9: {  	[tilespmem:v6+s19+$0x0] =	vst.idx.add.f32.msk vm9, v5  }
0x4ca: {  	[tilespmem:v6+s19+$0x0] =	vst.idx.add.f32.msk vm10, v5  }
0x4cb: {  	[tilespmem:v6+s19+$0x0] =	vst.idx.add.f32.msk vm11, v5  }
0x4cc: {  	[tilespmem:v6+s19+$0x0] =	vst.idx.add.f32.msk vm12, v5  }
0x4cd: {  	[tilespmem:v6+s19+$0x0] =	vst.idx.add.f32.msk vm13, v5  }
0x4ce: {  	[tilespmem:v6+s19+$0x0] =	vst.idx.add.f32.msk vm14, v5  }
0x4cf: {  	v6 =	vld [tilespmem:$0x360];
	_ =	sdelay $0x7  }
0x4d0: {  	[tilespmem:v6+s19+$0x0] =	vst.idx.add.f32.msk $0x1, v5  }
0x4d1: {  	[tilespmem:v6+s19+$0x0] =	vst.idx.add.f32.msk vm0, v5  }
0x4d2: {  	[tilespmem:v6+s19+$0x0] =	vst.idx.add.f32.msk vm1, v5  }
0x4d3: {  	[tilespmem:v6+s19+$0x0] =	vst.idx.add.f32.msk vm2, v5  }
0x4d4: {  	[tilespmem:v6+s19+$0x0] =	vst.idx.add.f32.msk vm3, v5  }
0x4d5: {  	[tilespmem:v6+s19+$0x0] =	vst.idx.add.f32.msk vm4, v5  }
0x4d6: {  	[tilespmem:v6+s19+$0x0] =	vst.idx.add.f32.msk vm5, v5  }
0x4d7: {  	[tilespmem:v6+s19+$0x0] =	vst.idx.add.f32.msk vm6, v5  }
0x4d8: {  	[tilespmem:v6+s19+$0x0] =	vst.idx.add.f32.msk vm7, v5  }
0x4d9: {  	[tilespmem:v6+s19+$0x0] =	vst.idx.add.f32.msk vm8, v5  }
0x4da: {  	[tilespmem:v6+s19+$0x0] =	vst.idx.add.f32.msk vm9, v5  }
0x4db: {  	[tilespmem:v6+s19+$0x0] =	vst.idx.add.f32.msk vm10, v5  }
0x4dc: {  	[tilespmem:v6+s19+$0x0] =	vst.idx.add.f32.msk vm11, v5  }
0x4dd: {  	[tilespmem:v6+s19+$0x0] =	vst.idx.add.f32.msk vm12, v5  }
0x4de: {  	[tilespmem:v6+s19+$0x0] =	vst.idx.add.f32.msk vm13, v5  }
0x4df: {  	[tilespmem:v6+s19+$0x0] =	vst.idx.add.f32.msk vm14, v5  }
0x4e0: {  	v6 =	vld [tilespmem:$0x370];
	_ =	sdelay $0x7  }
0x4e1: {  	[tilespmem:v6+s19+$0x0] =	vst.idx.add.f32.msk $0x1, v5  }
0x4e2: {  	[tilespmem:v6+s19+$0x0] =	vst.idx.add.f32.msk vm0, v5  }
0x4e3: {  	[tilespmem:v6+s19+$0x0] =	vst.idx.add.f32.msk vm1, v5  }
0x4e4: {  	[tilespmem:v6+s19+$0x0] =	vst.idx.add.f32.msk vm2, v5  }
0x4e5: {  	[tilespmem:v6+s19+$0x0] =	vst.idx.add.f32.msk vm3, v5  }
0x4e6: {  	[tilespmem:v6+s19+$0x0] =	vst.idx.add.f32.msk vm4, v5  }
0x4e7: {  	[tilespmem:v6+s19+$0x0] =	vst.idx.add.f32.msk vm5, v5  }
0x4e8: {  	[tilespmem:v6+s19+$0x0] =	vst.idx.add.f32.msk vm6, v5  }
0x4e9: {  	[tilespmem:v6+s19+$0x0] =	vst.idx.add.f32.msk vm7, v5  }
0x4ea: {  	[tilespmem:v6+s19+$0x0] =	vst.idx.add.f32.msk vm8, v5  }
0x4eb: {  	[tilespmem:v6+s19+$0x0] =	vst.idx.add.f32.msk vm9, v5  }
0x4ec: {  	[tilespmem:v6+s19+$0x0] =	vst.idx.add.f32.msk vm10, v5  }
0x4ed: {  	[tilespmem:v6+s19+$0x0] =	vst.idx.add.f32.msk vm11, v5  }
0x4ee: {  	[tilespmem:v6+s19+$0x0] =	vst.idx.add.f32.msk vm12, v5  }
0x4ef: {  	[tilespmem:v6+s19+$0x0] =	vst.idx.add.f32.msk vm13, v5  }
0x4f0: {  	[tilespmem:v6+s19+$0x0] =	vst.idx.add.f32.msk vm14, v5  }
0x4f1: {  	_ =	swait.ge [sflag:s0], $0x4000  }
0x4f2: {  	[sflag:s0] =	ssyncset.done $0x0  }
0x4f3: {  	[sflag:s0] =	ssyncadd.s32 $0xFFFFC000  }
0x4f4: {  	[spmem:s2] =	stream.indirect.scatter.add.f32 [tilespmem:s29], [sflag:$0x3], $0x80, s23, s20, $0xb8;
	[tilespmem:$0x1EC80] =	vst v63  }
0x4f5: {  	_ =	swait.ge [sflag:s3], $0x4000  }
0x4f6: {  	[sflag:s3] =	ssyncset.done $0x0  }
0x4f7: {  	[sflag:s3] =	ssyncadd.s32 $0xFFFFC000  }
0x4f8: {  	_ =	swait.ge [sflag:s8], $0x4000  }
0x4f9: {  	[sflag:s8] =	ssyncset.done $0x0  }
0x4fa: {  	[sflag:s8] =	ssyncadd.s32 $0xFFFFC000  }
0x4fb: {  	[spmem:s2] =	stream.indirect.scatter.add.f32 [tilespmem:s31], [sflag:$0x4], $0x80, s25, s20, $0xb8;
	[tilespmem:$0x1EC80] =	vst v63  }
0x4fc: {  	_ =	swait.ge [sflag:s9], $0x4000  }
0x4fd: {  	[sflag:s9] =	ssyncset.done $0x0  }
0x4fe: {  	s13 =	simm.s32 $0x50;
	s14 =	simm.s32 $0xAC00;
	[sflag:s9] =	ssyncadd.s32 $0xFFFFC000  }
0x4ff: {  	[spmem:s2] =	stream.indirect.scatter.add.f32 [tilespmem:s19], [sflag:$0x9], $0x80, s14, s13, $0xb8;
	[tilespmem:$0x1EC80] =	vst v63  }
0x500: {  	_ =	swait.ge [sflag:s18], $0x2800  }
0x501: {  	[sflag:s18] =	ssyncset.done $0x0  }
0x502: {  	[sflag:s18] =	ssyncadd.s32 $0xFFFFD800  }
0x503: {  	[bflag:$0x0] =	sbarrier.arrive $0xFFFF  }
0x504: {  	s16 =	rddreg [dreg:$0x14]  }
0x505: {  	[hbm:s16], [sflag:s7] =	dma.local [spmem:s12], $0x2800  }
0x506: {  	_ =	swait.ge [sflag:s18], $0x2800  }
0x507: {  	s11 =	sadd.s32 $0x1, s11;
	s17 =	rddreg [dreg:$0x15]  }
0x508: {  	p0 =	sne.s32 s11, s17  }
.Ltmp1:
0x509: {  	_ = 	snop;
	(pc) =	sbr.rel @p0 .LBB2_1-.Ltmp1, $3  }
0x50a: {  	_ =	sdelay $0x1  }
0x50b: {  	[sflag:s18] =	ssyncset.done $0x0  }
0x50c: {  	[sflag:s18] =	ssyncadd.s32 $0xFFFFD800  }
0x50d: {  	_ =	sfence.sel $0x180000  }
0x50e: {  	[bflag:$0x0] =	sbarrier.arrive $0xFFFF  }
0x50f: {  	_ =	strace $0x90000047  }
0x510: {  	s0 =	stileid.u32;
	[bflag:$0x2] =	sbarrier.arrive $0xFFFF  }
0x511: {  	p0 =	sne.s32 s0, $0x0;
	s0 =	rddreg [dreg:$0x4]  }
0x512: {  	s0 =	sadd.s32 @!p0 $0x100000, s0  }
0x513: {  	[sflag:s0] =	ssyncadd.tile.s32 @!p0 $0x1;
	_ =	shalt  }
.Lfunc_end2:
_tile_overlayer_lowered:
.L_overlay_start_2:
0x514: {  	(tag) =	ssettag $0x2  }
0x515: {  	s0 =	rddreg [dreg:$0x0];
	s2 =	stileid.u32  }
0x516: {  	s1 =	rddreg [dreg:$0x1];
	p0 =	sne.s32 s2, $0x0  }
0x517: {  	s3 =	rddreg [dreg:$0x2];
	[bflag:$0x3] =	sbarrier.arrive $0xFFFF;
	s2 =	simm.s32 @!p0 $0x1C09  }
0x518: {  	[timem:s3], [sflag:s2] =	dma.local @!p0 [hbm:s0], s1  }
0x519: {  	s0 =	simm.s32 @!p0 $0x9  }
0x51a: {  	_ =	swait.ge @!p0 [sflag:s0], s1  }
0x51b: {  	s1 =	ssub.s32 @!p0 $0x0, s1;
	[sflag:s0] =	ssyncset.done @!p0 $0x0  }
0x51c: {  	[sflag:s0] =	ssyncadd.s32 @!p0 s1  }
0x51d: {  	[bflag:$0x3] =	sbarrier.arrive $0xFFFF  }
0x51e: {  	_ =	shalt  }

</sc_bundles>
